<compile_context>
chip_gen: v7x
topology: tpu7x:2x2x1
jax: 0.10.2.dev20260603
libtpu: 0.0.44.dev20260713+nightly
codegen_flags: <defaults>
</compile_context>

<pallas_src>
import functools

import jax
import jax.numpy as jnp
from jax import lax
from jax.experimental import pallas as pl
from jax.experimental.pallas import tpu as pltpu
from jax.experimental.pallas import tpu_sc as plsc

E = 160000
T = 160000
H = 128
NB = 8

NC = 2
NS = 16
NW = NC * NS

GB = 128
GNB = T // GB

_sc_mesh = dict(
    mesh=plsc.VectorSubcoreMesh(core_axis_name="c", subcore_axis_name="s"),
    compiler_params=pltpu.CompilerParams(needs_layout_passes=False),
)


@functools.partial(
    pl.kernel,
    out_type=jax.ShapeDtypeStruct((T, H), jnp.float32),
    scratch_types=[
        pltpu.VMEM((2, GB), jnp.int32),
        pltpu.VMEM((2, GB, H), jnp.float32),
        pltpu.SemaphoreType.DMA,
        pltpu.SemaphoreType.DMA,
    ],
    **_sc_mesh,
)
def _sc_gather(p_hbm, kj_hbm, pk_out, idxb, rows, gsem, wsem):
    wid = lax.axis_index("s") * NC + lax.axis_index("c")
    nb = jnp.where(wid < GNB % NW, GNB // NW + 1, GNB // NW)

    def outer(k2, _):
        hs = []
        for b in range(2):
            k = k2 * 2 + b
            o = pl.multiple_of((wid + k * NW) * GB, 8)
            pltpu.sync_copy(kj_hbm.at[pl.ds(o, GB)], idxb.at[b])
            hs.append(pltpu.async_copy(p_hbm.at[idxb.at[b]], rows.at[b], gsem))
        ws = []
        for b in range(2):
            k = k2 * 2 + b
            o = pl.multiple_of((wid + k * NW) * GB, 8)
            hs[b].wait()
            ws.append(pltpu.async_copy(rows.at[b], pk_out.at[pl.ds(o, GB)], wsem))
        for w in ws:
            w.wait()
        return 0

    lax.fori_loop(0, nb // 2, outer, 0)

    def tail(k, _):
        o = pl.multiple_of((wid + k * NW) * GB, 8)
        pltpu.sync_copy(kj_hbm.at[pl.ds(o, GB)], idxb.at[0])
        pltpu.async_copy(p_hbm.at[idxb.at[0]], rows.at[0], gsem).wait()
        pltpu.sync_copy(rows.at[0], pk_out.at[pl.ds(o, GB)])
        return 0

    lax.fori_loop(nb // 2 * 2, nb, tail, 0)


CHUNK = 6400
NCHUNK = E // CHUNK
NCITER = (NCHUNK + 1) // NC
TPW = T // NS
SLICE = CHUNK // NS
SB = 128
DUMMY = CHUNK


@functools.partial(
    pl.kernel,
    out_type=jax.ShapeDtypeStruct((E, H), jnp.float32),
    scratch_types=[
        pltpu.VMEM((TPW,), jnp.int32),
        pltpu.VMEM((TPW + SB,), jnp.int32),
        pltpu.VMEM((2, SB), jnp.int32),
        pltpu.VMEM((2, SB), jnp.int32),
        pltpu.VMEM((2, SB, H), jnp.float32),
        pltpu.VMEM((64, H), jnp.float32),
        pltpu.VMEM_SHARED((CHUNK + 8, H), jnp.float32),
        pltpu.SemaphoreType.DMA,
        pltpu.SemaphoreType.DMA,
        pltpu.SemaphoreType.DMA,
    ],
    **_sc_mesh,
)
def _sc_scatter(tmsg_hbm, ji2_hbm, out_hbm, jibuf, pbuf, tidx, didx,
                rows, zbuf, spc, sem0, sem1, wsem):
    cid = lax.axis_index("c")
    sid = lax.axis_index("s")
    t0 = sid * TPW
    pltpu.sync_copy(ji2_hbm.at[sid], jibuf)

    zv = jnp.zeros((16,), jnp.float32)

    def zrow(r, _):
        for c in range(8):
            zbuf[r, pl.ds(c * 16, 16)] = zv
        return 0

    lax.fori_loop(0, 64, zrow, 0)
    lanes = lax.iota(jnp.int32, 16)

    def chunk_body(ci, _):
        chunk = ci * NC + cid
        start = chunk * CHUNK
        valid = chunk < NCHUNK

        def fbody(i, cnt_vec):
            for u in range(5):
                ii = i * 5 + u
                v = jibuf[pl.ds(ii * 16, 16)]
                msk = (v >= start) & (v < start + CHUNK)
                inc = plsc.cumsum(msk.astype(jnp.int32))
                pos = (cnt_vec - 1) + inc
                packed = ((t0 + ii * 16) + lanes) * 8192 + (v - start)
                plsc.store_scatter(pbuf, [pos], packed, mask=msk)
                cnt_vec = cnt_vec + plsc.all_reduce_population_count(msk)
            return cnt_vec

        cnt_vec = lax.fori_loop(0, TPW // 16 // 5, fbody,
                                jnp.zeros((16,), jnp.int32))
        cnt = jnp.max(cnt_vec)
        pad_base = lax.rem(t0 + TPW, jnp.int32(T))
        ones = lanes >= 0
        for k in range(SB // 16):
            pos = cnt_vec + (k * 16) + lanes
            plsc.store_scatter(
                pbuf, [pos],
                (pad_base + (k * 16) + lanes) * 8192 + DUMMY, mask=ones)

        @pl.when(valid)
        def _zero():
            @pl.when(ci > 0)
            def _drain_writeout():
                pltpu.make_async_copy(
                    spc.at[pl.ds(sid * SLICE, SLICE)],
                    out_hbm.at[pl.ds(pl.multiple_of(sid * SLICE, 8), SLICE)],
                    wsem).wait()

            hs = [pltpu.async_copy(
                zbuf, spc.at[pl.ds(sid * SLICE + z * 64, 64)], sem0)
                for z in range(6)]
            hs.append(pltpu.async_copy(
                zbuf.at[pl.ds(0, SLICE - 6 * 64)],
                spc.at[pl.ds(sid * SLICE + 6 * 64, SLICE - 6 * 64)], sem0))
            for h in hs:
                h.wait()

        plsc.subcore_barrier()

        nbp = jnp.maximum((cnt + SB - 1) // SB, 1)
        sems = (sem0, sem1)

        def prep(b, j):
            o = pl.multiple_of(j * SB, 8)
            for k in range(SB // 16):
                w = pbuf[pl.ds(o + k * 16, 16)]
                tidx[b, pl.ds(k * 16, 16)] = jnp.right_shift(w, 13)
                didx[b, pl.ds(k * 16, 16)] = jnp.bitwise_and(w, 8191)

        def fire(b, j):
            prep(b, j)
            pltpu.async_copy(tmsg_hbm.at[tidx.at[b]], rows.at[b], sems[b])

        def drain_accum(b):
            pltpu.make_async_copy(tmsg_hbm.at[pl.ds(0, SB)], rows.at[b],
                                  sems[b]).wait()
            pltpu.sync_copy(rows.at[b], spc.at[didx.at[b]], add=True)

        fire(0, jnp.int32(0))

        def bpair(q, _):
            j1 = q * 2 + 1

            @pl.when(j1 < nbp)
            def _fire1():
                fire(1, j1)

            drain_accum(0)

            @pl.when(j1 + 1 < nbp)
            def _fire0():
                fire(0, j1 + 1)

            @pl.when(j1 < nbp)
            def _drain1():
                drain_accum(1)

            return 0

        lax.fori_loop(0, (nbp + 1) // 2, bpair, 0)
        plsc.subcore_barrier()

        @pl.when(valid)
        def _writeout():
            pltpu.async_copy(
                spc.at[pl.ds(sid * SLICE, SLICE)],
                out_hbm.at[pl.ds(pl.multiple_of(start + sid * SLICE, 8),
                                 SLICE)], wsem)

        return 0

    lax.fori_loop(0, NCITER, chunk_body, 0)
    pltpu.make_async_copy(
        spc.at[pl.ds(sid * SLICE, SLICE)],
        out_hbm.at[pl.ds(pl.multiple_of(sid * SLICE, 8), SLICE)],
        wsem).wait()


TM = 6400


def _silu(x):
    return x * (1.0 / (1.0 + jnp.exp(-x)))


def _dotT(at, w):
    return lax.dot_general(at, w, (((0,), (0,)), ((), ())),
                           preferred_element_type=jnp.float32)


def _tc_pre_body(m, rbf_t, w_kj, b_kj, w_rbf, p):
    x = _silu(jnp.dot(m[:].astype(jnp.bfloat16), w_kj[:],
                      preferred_element_type=jnp.float32) + b_kj[:])
    gate = _dotT(rbf_t[:], w_rbf[:])
    p[:] = x * gate


def _tc_pre(m, rbf_t, w_kj, b_kj, w_rbf):
    full = lambda *shape: pl.BlockSpec(shape, lambda i: tuple(0 for _ in shape))
    return pl.pallas_call(
        _tc_pre_body,
        grid=(E // TM,),
        in_specs=[
            pl.BlockSpec((TM, H), lambda i: (i, 0)),
            pl.BlockSpec((6, TM), lambda i: (0, i)),
            full(H, H), full(1, H), full(6, H),
        ],
        out_specs=pl.BlockSpec((TM, H), lambda i: (i, 0)),
        out_shape=jax.ShapeDtypeStruct((E, H), jnp.float32),
    )(m, rbf_t, w_kj, b_kj, w_rbf)


def _tc_triplet_body(pk, sbf_t, w_sbf, wb, tmsg):
    sp = _dotT(sbf_t[:], w_sbf[:])
    xk = pk[:].astype(jnp.bfloat16)
    acc = jnp.zeros((TM, H), jnp.float32)
    for b in range(NB):
        acc = acc + jnp.dot(xk, wb[b], preferred_element_type=jnp.float32) \
            * sp[:, b:b + 1]
    tmsg[:] = acc


def _tc_triplet(pk, sbf_t, w_sbf, wb):
    full = lambda *shape: pl.BlockSpec(shape, lambda i: tuple(0 for _ in shape))
    return pl.pallas_call(
        _tc_triplet_body,
        grid=(T // TM,),
        in_specs=[
            pl.BlockSpec((TM, H), lambda i: (i, 0)),
            pl.BlockSpec((42, TM), lambda i: (0, i)),
            full(42, NB), full(NB, H, H),
        ],
        out_specs=pl.BlockSpec((TM, H), lambda i: (i, 0)),
        out_shape=jax.ShapeDtypeStruct((T, H), jnp.float32),
    )(pk, sbf_t, w_sbf, wb)


def _bdot(a, w):
    return jnp.dot(a.astype(jnp.bfloat16), w,
                   preferred_element_type=jnp.float32)


def _tc_post_body(m, aggr, w_ji, b_ji, r1w1, r1b1, r1w2, r1b2,
                  r2w1, r2b1, r2w2, r2b2, w_out, b_out, out):
    mv = m[:]
    x = _silu(_bdot(mv, w_ji[:]) + b_ji[:]) + aggr[:]
    h = _silu(x)
    h = _silu(_bdot(h, r1w1[:]) + r1b1[:])
    h = _bdot(h, r1w2[:]) + r1b2[:]
    x = x + h
    h = _silu(x)
    h = _silu(_bdot(h, r2w1[:]) + r2b1[:])
    h = _bdot(h, r2w2[:]) + r2b2[:]
    x = x + h
    out[:] = mv + _silu(_bdot(x, w_out[:]) + b_out[:])


def _tc_post(m, aggr, w_ji, b_ji, r1w1, r1b1, r1w2, r1b2,
             r2w1, r2b1, r2w2, r2b2, w_out, b_out):
    mat = pl.BlockSpec((H, H), lambda i: (0, 0))
    vec = pl.BlockSpec((1, H), lambda i: (0, 0))
    return pl.pallas_call(
        _tc_post_body,
        grid=(E // TM,),
        in_specs=[
            pl.BlockSpec((TM, H), lambda i: (i, 0)),
            pl.BlockSpec((TM, H), lambda i: (i, 0)),
            mat, vec, mat, vec, mat, vec, mat, vec, mat, vec, mat, vec,
        ],
        out_specs=pl.BlockSpec((TM, H), lambda i: (i, 0)),
        out_shape=jax.ShapeDtypeStruct((E, H), jnp.float32),
    )(m, aggr, w_ji, b_ji, r1w1, r1b1, r1w2, r1b2,
      r2w1, r2b1, r2w2, r2b2, w_out, b_out)


def kernel(m, rbf, sbf, edge_index, triplet_index, W_rbf, W_sbf, W_kj, b_kj,
           W_ji, b_ji, W_bil, r1_w1, r1_b1, r1_w2, r1_b2, r2_w1, r2_b1,
           r2_w2, r2_b2, W_out, b_out):
    bf16 = jnp.bfloat16
    kj = triplet_index[0].astype(jnp.int32)
    ji = triplet_index[1].astype(jnp.int32)
    ji2 = ji.reshape(NS, TPW)
    wb = jnp.transpose(W_bil, (1, 0, 2)).astype(bf16)

    p = _tc_pre(m, rbf.T, W_kj.astype(bf16), b_kj.reshape(1, H), W_rbf)
    pk = _sc_gather(p, kj)
    tmsg = _tc_triplet(pk, sbf.T, W_sbf, wb)
    aggr = _sc_scatter(tmsg, ji2)
    return _tc_post(m, aggr, W_ji.astype(bf16), b_ji.reshape(1, H),
                    r1_w1.astype(bf16), r1_b1.reshape(1, H),
                    r1_w2.astype(bf16), r1_b2.reshape(1, H),
                    r2_w1.astype(bf16), r2_b1.reshape(1, H),
                    r2_w2.astype(bf16), r2_b2.reshape(1, H),
                    W_out.astype(bf16), b_out.reshape(1, H))

# --- scband reference (transcript-rebuilt; emitter-appended) ---
"""Pipeline reference for scband-interaction-block-48455821033948 (READ-ONLY COPY).

The authoritative reference and input builder live on the scoring server;
editing this copy changes nothing except your own understanding.
"""

import jax, jax.numpy as jnp
import numpy as np

E = 160000
T = 160000
N = 10000
H = 128
NRBF = 6
NSBF = 42
NB = 8


def setup_inputs(seed: int = 0) -> dict:
    key = jax.random.key(seed)
    ks = jax.random.split(key, 24)
    inp = {}
    inp['m'] = jax.random.normal(ks[0], (E, H), dtype=jnp.float32)
    inp['rbf'] = jax.random.normal(ks[1], (E, NRBF), dtype=jnp.float32)
    inp['sbf'] = jax.random.normal(ks[2], (T, NSBF), dtype=jnp.float32)
    inp['edge_index'] = jax.random.randint(ks[3], (2, E), 0, N)
    inp['triplet_index'] = jax.random.randint(ks[4], (2, T), 0, E)
    # learned params (stored [in, out]; y = x @ W + b, same math as torch Linear)
    inp['W_rbf'] = jax.random.normal(ks[5], (NRBF, H), dtype=jnp.float32) * 0.05
    inp['W_sbf'] = jax.random.normal(ks[6], (NSBF, NB), dtype=jnp.float32) * 0.05
    inp['W_kj'] = jax.random.normal(ks[7], (H, H), dtype=jnp.float32) * 0.05
    inp['b_kj'] = jax.random.normal(ks[8], (H,), dtype=jnp.float32) * 0.05
    inp['W_ji'] = jax.random.normal(ks[9], (H, H), dtype=jnp.float32) * 0.05
    inp['b_ji'] = jax.random.normal(ks[10], (H,), dtype=jnp.float32) * 0.05
    inp['W_bil'] = jax.random.normal(ks[11], (H, NB, H), dtype=jnp.float32) * 0.01
    inp['r1_w1'] = jax.random.normal(ks[12], (H, H), dtype=jnp.float32) * 0.05
    inp['r1_b1'] = jax.random.normal(ks[13], (H,), dtype=jnp.float32) * 0.05
    inp['r1_w2'] = jax.random.normal(ks[14], (H, H), dtype=jnp.float32) * 0.05
    inp['r1_b2'] = jax.random.normal(ks[15], (H,), dtype=jnp.float32) * 0.05
    inp['r2_w1'] = jax.random.normal(ks[16], (H, H), dtype=jnp.float32) * 0.05
    inp['r2_b1'] = jax.random.normal(ks[17], (H,), dtype=jnp.float32) * 0.05
    inp['r2_w2'] = jax.random.normal(ks[18], (H, H), dtype=jnp.float32) * 0.05
    inp['r2_b2'] = jax.random.normal(ks[19], (H,), dtype=jnp.float32) * 0.05
    inp['W_out'] = jax.random.normal(ks[20], (H, H), dtype=jnp.float32) * 0.05
    inp['b_out'] = jax.random.normal(ks[21], (H,), dtype=jnp.float32) * 0.05
    return inp


def reference(m, rbf, sbf, edge_index, triplet_index, W_rbf, W_sbf, W_kj, b_kj, W_ji, b_ji, W_bil, r1_w1, r1_b1, r1_w2, r1_b2, r2_w1, r2_b1, r2_w2, r2_b2, W_out, b_out):
    act = jax.nn.silu
    x_ji = act(m @ W_ji + b_ji)
    kj_idx = triplet_index[0]
    ji_idx = triplet_index[1]
    x_kj = act(jnp.take(m, kj_idx, axis=0) @ W_kj + b_kj)
    rbf_gate = jnp.take(rbf, kj_idx, axis=0) @ W_rbf
    x_kj = x_kj * rbf_gate
    sbf_proj = sbf @ W_sbf
    # same math as: w_contracted = einsum('hbk,tb->thk'); triplet_msg = einsum('thk,th->tk')
    triplet_msg = jnp.einsum('hbk,tb,th->tk', W_bil, sbf_proj, x_kj, optimize=True)
    aggr = jnp.zeros_like(m).at[ji_idx].add(triplet_msg)
    m_new = x_ji + aggr
    # res1: x + lin2(act(lin1(act(x))))
    h = act(m_new)
    h = act(h @ r1_w1 + r1_b1)
    h = h @ r1_w2 + r1_b2
    m_new = m_new + h
    # res2
    h = act(m_new)
    h = act(h @ r2_w1 + r2_b1)
    h = h @ r2_w2 + r2_b2
    m_new = m_new + h
    m_new = act(m_new @ W_out + b_out)
    return m + m_new

if __name__ == "__main__":
    import jax
    _d = setup_inputs()
    print(jax.jit(kernel)(*tuple(_d.values())))

</pallas_src>

<mosaic_0001>
#map = affine_map<(d0, d1) -> (0, 0)>
#map1 = affine_map<(d0, d1) -> (0)>
module attributes {stable_mosaic.version = 14 : i64} {
  func.func @_sc_gather(%arg0: i32, %arg1: i32, %arg2: memref<160000x128xf32, #tpu.memory_space<hbm>>, %arg3: memref<160000xi32, #tpu.memory_space<hbm>>, %arg4: memref<160000x128xf32, #tpu.memory_space<hbm>>, %arg5: memref<2x128xi32, #tpu.memory_space<vmem>>, %arg6: memref<2x128x128xf32, #tpu.memory_space<vmem>>, %arg7: memref<!tpu.dma_semaphore, #tpu.memory_space<semaphore_mem>>, %arg8: memref<!tpu.dma_semaphore, #tpu.memory_space<semaphore_mem>>) attributes {dimension_semantics = [#tpu.dimension_semantics<core_parallel>, #tpu.dimension_semantics<subcore_parallel>], iteration_bounds = array<i64: 2, 16>, scalar_prefetch = 0 : i64, scratch_operands = 4 : i64, tpu.core_type = #tpu.core_type<sc_vector_subcore>, window_params = [{transform_indices = #map}, {transform_indices = #map1}, {transform_indices = #map}]} {
    %mul3A = arith.constant 2 : i32
    %mul3A_0 = arith.muli %arg1, %mul3A : i32
    %add3A = arith.addi %mul3A_0, %arg0 : i32
    %lt3A = arith.constant 2 : i32
    %lt3A_1 = arith.cmpi slt, %add3A, %lt3A : i32
    %jit3A = arith.constant 40 : i32
    %jit3A_2 = arith.constant 39 : i32
    %select_n3A = arith.select %lt3A_1, %jit3A, %jit3A_2 : i32
    %jit3A_3 = arith.constant 2 : i32
    %div3A = arith.divsi %select_n3A, %jit3A_3 : i32
    %sign3A = arith.constant 0 : i32
    %sign3A_4 = arith.cmpi sgt, %select_n3A, %sign3A : i32
    %sign3A_5 = arith.extui %sign3A_4 : i1 to i32
    %sign3A_6 = arith.constant 0 : i32
    %sign3A_7 = arith.cmpi slt, %select_n3A, %sign3A_6 : i32
    %sign3A_8 = arith.extui %sign3A_7 : i1 to i32
    %sign3A_9 = arith.subi %sign3A_5, %sign3A_8 : i32
    %sign3A_10 = arith.constant 0 : i32
    %sign3A_11 = arith.cmpi sgt, %jit3A_3, %sign3A_10 : i32
    %sign3A_12 = arith.extui %sign3A_11 : i1 to i32
    %sign3A_13 = arith.constant 0 : i32
    %sign3A_14 = arith.cmpi slt, %jit3A_3, %sign3A_13 : i32
    %sign3A_15 = arith.extui %sign3A_14 : i1 to i32
    %sign3A_16 = arith.subi %sign3A_12, %sign3A_15 : i32
    %ne3A = arith.cmpi ne, %sign3A_9, %sign3A_16 : i32
    %rem3A = arith.remsi %select_n3A, %jit3A_3 : i32
    %ne3A_17 = arith.constant 0 : i32
    %ne3A_18 = arith.cmpi ne, %rem3A, %ne3A_17 : i32
    %and3A = arith.andi %ne3A, %ne3A_18 : i1
    %sub3A = arith.constant 1 : i32
    %sub3A_19 = arith.subi %div3A, %sub3A : i32
    %select_n3A_20 = arith.select %and3A, %sub3A_19, %div3A : i32
    %while3A = arith.constant 0 : i32
    %while3A_21 = arith.constant 0 : i32
    %while3A_22 = arith.subi %select_n3A_20, %while3A : i32
    %while3A_23 = arith.addi %while3A, %while3A_22 : i32
    %while3A_24 = arith.constant 1 : i32
    %while3A_25 = arith.divsi %while3A_22, %while3A_24 : i32
    %while3A_26 = arith.muli %while3A_25, %while3A_24 : i32
    %while3A_27 = arith.addi %while3A, %while3A_26 : i32
    %while3A_28 = arith.constant 1 : i32
    %while3A_29 = scf.for %while3A_69 = %while3A to %while3A_27 step %while3A_28 iter_args(%while3A_70 = %while3A_21) -> (i32)  : i32 {
      %mul3A_71 = arith.constant 2 : i32
      %mul3A_72 = arith.muli %while3A_69, %mul3A_71 : i32
      %add3A_73 = arith.constant 0 : i32
      %add3A_74 = arith.addi %mul3A_72, %add3A_73 : i32
      %mul3A_75 = arith.constant 32 : i32
      %mul3A_76 = arith.muli %add3A_74, %mul3A_75 : i32
      %add3A_77 = arith.addi %add3A, %mul3A_76 : i32
      %mul3A_78 = arith.constant 128 : i32
      %mul3A_79 = arith.muli %add3A_77, %mul3A_78 : i32
      %multiple_of3A = tpu.assume_multiple %mul3A_79, 8 : i32
      %run_scoped3A = arith.constant 0 : i32
      "tpu.region"() ({
        %run_scoped3A_210 = tpu.sem_alloc : memref<!tpu.dma_semaphore, #tpu.memory_space<semaphore_mem>>
        %dma_start3A_211 = arith.constant 0 : i32
        %dma_start3A_212 = tpu.memref_slice %arg5[%run_scoped3A, %dma_start3A_211] : memref<2x128xi32, #tpu.memory_space<vmem>> -> memref<1x128xi32, #tpu.memory_space<vmem>>
        %dma_start3A_213 = tpu.memref_squeeze %dma_start3A_212 : memref<1x128xi32, #tpu.memory_space<vmem>> -> memref<128xi32, #tpu.memory_space<vmem>>
        %dma_start3A_214 = tpu.memref_slice %arg3[%multiple_of3A] : memref<160000xi32, #tpu.memory_space<hbm>> -> memref<128xi32, #tpu.memory_space<hbm>>
        %dma_start3A_215 = arith.constant 0 : i32
        %dma_start3A_216 = tpu.memref_slice %arg5[%run_scoped3A, %dma_start3A_215] : memref<2x128xi32, #tpu.memory_space<vmem>> -> memref<1x128xi32, #tpu.memory_space<vmem>>
        %dma_start3A_217 = tpu.memref_squeeze %dma_start3A_216 : memref<1x128xi32, #tpu.memory_space<vmem>> -> memref<128xi32, #tpu.memory_space<vmem>>
        %dma_start3A_218 = tpu.memref_slice %arg3[%multiple_of3A] : memref<160000xi32, #tpu.memory_space<hbm>> -> memref<128xi32, #tpu.memory_space<hbm>>
        tpu.enqueue_dma source(%dma_start3A_218 : memref<128xi32, #tpu.memory_space<hbm>>) target(%dma_start3A_217 : memref<128xi32, #tpu.memory_space<vmem>>) target_semaphore(%run_scoped3A_210 : memref<!tpu.dma_semaphore, #tpu.memory_space<semaphore_mem>>)
        %dma_wait3A_219 = arith.constant 0 : i32
        %dma_wait3A_220 = tpu.memref_slice %arg5[%run_scoped3A, %dma_wait3A_219] : memref<2x128xi32, #tpu.memory_space<vmem>> -> memref<1x128xi32, #tpu.memory_space<vmem>>
        %dma_wait3A_221 = tpu.memref_squeeze %dma_wait3A_220 : memref<1x128xi32, #tpu.memory_space<vmem>> -> memref<128xi32, #tpu.memory_space<vmem>>
        %dma_wait3A_222 = tpu.memref_slice %arg3[%multiple_of3A] : memref<160000xi32, #tpu.memory_space<hbm>> -> memref<128xi32, #tpu.memory_space<hbm>>
        %dma_wait3A_223 = arith.constant 0 : i32
        %dma_wait3A_224 = tpu.memref_slice %arg5[%run_scoped3A, %dma_wait3A_223] : memref<2x128xi32, #tpu.memory_space<vmem>> -> memref<1x128xi32, #tpu.memory_space<vmem>>
        %dma_wait3A_225 = tpu.memref_squeeze %dma_wait3A_224 : memref<1x128xi32, #tpu.memory_space<vmem>> -> memref<128xi32, #tpu.memory_space<vmem>>
        %dma_wait3A_226 = tpu.memref_slice %arg3[%multiple_of3A] : memref<160000xi32, #tpu.memory_space<hbm>> -> memref<128xi32, #tpu.memory_space<hbm>>
        tpu.wait_dma2 semaphore(%run_scoped3A_210 : memref<!tpu.dma_semaphore, #tpu.memory_space<semaphore_mem>>) src(%dma_wait3A_226 : memref<128xi32, #tpu.memory_space<hbm>>) dst(%dma_wait3A_225 : memref<128xi32, #tpu.memory_space<vmem>>)
        tpu.yield
      }) : () -> ()
      %dma_start3A = arith.constant 0 : i32
      %dma_start3A_80 = arith.constant 0 : i32
      %dma_start3A_81 = arith.constant 0 : i32
      %dma_start3A_82 = arith.constant 0 : i32
      %dma_start3A_83 = tpu.memref_slice %arg6[%dma_start3A_80, %dma_start3A_81, %dma_start3A_82] : memref<2x128x128xf32, #tpu.memory_space<vmem>> -> memref<1x128x128xf32, #tpu.memory_space<vmem>>
      %dma_start3A_84 = tpu.memref_squeeze %dma_start3A_83 : memref<1x128x128xf32, #tpu.memory_space<vmem>> -> memref<128x128xf32, #tpu.memory_space<vmem>>
      %dma_start3A_85 = arith.constant 0 : i32
      %dma_start3A_86 = tpu.memref_slice %arg5[%dma_start3A, %dma_start3A_85] : memref<2x128xi32, #tpu.memory_space<vmem>> -> memref<1x128xi32, #tpu.memory_space<vmem>>
      %dma_start3A_87 = tpu.memref_squeeze %dma_start3A_86 : memref<1x128xi32, #tpu.memory_space<vmem>> -> memref<128xi32, #tpu.memory_space<vmem>>
      %dma_start3A_88 = arith.constant 0 : i32
      %dma_start3A_89 = arith.constant 0 : i32
      %dma_start3A_90 = tpu.memref_slice %arg2[%dma_start3A_88, %dma_start3A_89] : memref<160000x128xf32, #tpu.memory_space<hbm>> -> memref<160000x128xf32, #tpu.memory_space<hbm>>
      tpu.enqueue_indirect_dma source(%dma_start3A_90 : memref<160000x128xf32, #tpu.memory_space<hbm>>) target(%dma_start3A_84 : memref<128x128xf32, #tpu.memory_space<vmem>>) offsets(%dma_start3A_87 : memref<128xi32, #tpu.memory_space<vmem>>) semaphore(%arg7 : memref<!tpu.dma_semaphore, #tpu.memory_space<semaphore_mem>>)
      %mul3A_91 = arith.constant 2 : i32
      %mul3A_92 = arith.muli %while3A_69, %mul3A_91 : i32
      %add3A_93 = arith.constant 1 : i32
      %add3A_94 = arith.addi %mul3A_92, %add3A_93 : i32
      %mul3A_95 = arith.constant 32 : i32
      %mul3A_96 = arith.muli %add3A_94, %mul3A_95 : i32
      %add3A_97 = arith.addi %add3A, %mul3A_96 : i32
      %mul3A_98 = arith.constant 128 : i32
      %mul3A_99 = arith.muli %add3A_97, %mul3A_98 : i32
      %multiple_of3A_100 = tpu.assume_multiple %mul3A_99, 8 : i32
      %run_scoped3A_101 = arith.constant 1 : i32
      "tpu.region"() ({
        %run_scoped3A_210 = tpu.sem_alloc : memref<!tpu.dma_semaphore, #tpu.memory_space<semaphore_mem>>
        %dma_start3A_211 = arith.constant 0 : i32
        %dma_start3A_212 = tpu.memref_slice %arg5[%run_scoped3A_101, %dma_start3A_211] : memref<2x128xi32, #tpu.memory_space<vmem>> -> memref<1x128xi32, #tpu.memory_space<vmem>>
        %dma_start3A_213 = tpu.memref_squeeze %dma_start3A_212 : memref<1x128xi32, #tpu.memory_space<vmem>> -> memref<128xi32, #tpu.memory_space<vmem>>
        %dma_start3A_214 = tpu.memref_slice %arg3[%multiple_of3A_100] : memref<160000xi32, #tpu.memory_space<hbm>> -> memref<128xi32, #tpu.memory_space<hbm>>
        %dma_start3A_215 = arith.constant 0 : i32
        %dma_start3A_216 = tpu.memref_slice %arg5[%run_scoped3A_101, %dma_start3A_215] : memref<2x128xi32, #tpu.memory_space<vmem>> -> memref<1x128xi32, #tpu.memory_space<vmem>>
        %dma_start3A_217 = tpu.memref_squeeze %dma_start3A_216 : memref<1x128xi32, #tpu.memory_space<vmem>> -> memref<128xi32, #tpu.memory_space<vmem>>
        %dma_start3A_218 = tpu.memref_slice %arg3[%multiple_of3A_100] : memref<160000xi32, #tpu.memory_space<hbm>> -> memref<128xi32, #tpu.memory_space<hbm>>
        tpu.enqueue_dma source(%dma_start3A_218 : memref<128xi32, #tpu.memory_space<hbm>>) target(%dma_start3A_217 : memref<128xi32, #tpu.memory_space<vmem>>) target_semaphore(%run_scoped3A_210 : memref<!tpu.dma_semaphore, #tpu.memory_space<semaphore_mem>>)
        %dma_wait3A_219 = arith.constant 0 : i32
        %dma_wait3A_220 = tpu.memref_slice %arg5[%run_scoped3A_101, %dma_wait3A_219] : memref<2x128xi32, #tpu.memory_space<vmem>> -> memref<1x128xi32, #tpu.memory_space<vmem>>
        %dma_wait3A_221 = tpu.memref_squeeze %dma_wait3A_220 : memref<1x128xi32, #tpu.memory_space<vmem>> -> memref<128xi32, #tpu.memory_space<vmem>>
        %dma_wait3A_222 = tpu.memref_slice %arg3[%multiple_of3A_100] : memref<160000xi32, #tpu.memory_space<hbm>> -> memref<128xi32, #tpu.memory_space<hbm>>
        %dma_wait3A_223 = arith.constant 0 : i32
        %dma_wait3A_224 = tpu.memref_slice %arg5[%run_scoped3A_101, %dma_wait3A_223] : memref<2x128xi32, #tpu.memory_space<vmem>> -> memref<1x128xi32, #tpu.memory_space<vmem>>
        %dma_wait3A_225 = tpu.memref_squeeze %dma_wait3A_224 : memref<1x128xi32, #tpu.memory_space<vmem>> -> memref<128xi32, #tpu.memory_space<vmem>>
        %dma_wait3A_226 = tpu.memref_slice %arg3[%multiple_of3A_100] : memref<160000xi32, #tpu.memory_space<hbm>> -> memref<128xi32, #tpu.memory_space<hbm>>
        tpu.wait_dma2 semaphore(%run_scoped3A_210 : memref<!tpu.dma_semaphore, #tpu.memory_space<semaphore_mem>>) src(%dma_wait3A_226 : memref<128xi32, #tpu.memory_space<hbm>>) dst(%dma_wait3A_225 : memref<128xi32, #tpu.memory_space<vmem>>)
        tpu.yield
      }) : () -> ()
      %dma_start3A_102 = arith.constant 1 : i32
      %dma_start3A_103 = arith.constant 1 : i32
      %dma_start3A_104 = arith.constant 0 : i32
      %dma_start3A_105 = arith.constant 0 : i32
      %dma_start3A_106 = tpu.memref_slice %arg6[%dma_start3A_103, %dma_start3A_104, %dma_start3A_105] : memref<2x128x128xf32, #tpu.memory_space<vmem>> -> memref<1x128x128xf32, #tpu.memory_space<vmem>>
      %dma_start3A_107 = tpu.memref_squeeze %dma_start3A_106 : memref<1x128x128xf32, #tpu.memory_space<vmem>> -> memref<128x128xf32, #tpu.memory_space<vmem>>
      %dma_start3A_108 = arith.constant 0 : i32
      %dma_start3A_109 = tpu.memref_slice %arg5[%dma_start3A_102, %dma_start3A_108] : memref<2x128xi32, #tpu.memory_space<vmem>> -> memref<1x128xi32, #tpu.memory_space<vmem>>
      %dma_start3A_110 = tpu.memref_squeeze %dma_start3A_109 : memref<1x128xi32, #tpu.memory_space<vmem>> -> memref<128xi32, #tpu.memory_space<vmem>>
      %dma_start3A_111 = arith.constant 0 : i32
      %dma_start3A_112 = arith.constant 0 : i32
      %dma_start3A_113 = tpu.memref_slice %arg2[%dma_start3A_111, %dma_start3A_112] : memref<160000x128xf32, #tpu.memory_space<hbm>> -> memref<160000x128xf32, #tpu.memory_space<hbm>>
      tpu.enqueue_indirect_dma source(%dma_start3A_113 : memref<160000x128xf32, #tpu.memory_space<hbm>>) target(%dma_start3A_107 : memref<128x128xf32, #tpu.memory_space<vmem>>) offsets(%dma_start3A_110 : memref<128xi32, #tpu.memory_space<vmem>>) semaphore(%arg7 : memref<!tpu.dma_semaphore, #tpu.memory_space<semaphore_mem>>)
      %mul3A_114 = arith.constant 2 : i32
      %mul3A_115 = arith.muli %while3A_69, %mul3A_114 : i32
      %add3A_116 = arith.constant 0 : i32
      %add3A_117 = arith.addi %mul3A_115, %add3A_116 : i32
      %mul3A_118 = arith.constant 32 : i32
      %mul3A_119 = arith.muli %add3A_117, %mul3A_118 : i32
      %add3A_120 = arith.addi %add3A, %mul3A_119 : i32
      %mul3A_121 = arith.constant 128 : i32
      %mul3A_122 = arith.muli %add3A_120, %mul3A_121 : i32
      %multiple_of3A_123 = tpu.assume_multiple %mul3A_122, 8 : i32
      %dma_wait3A = arith.constant 0 : i32
      %dma_wait3A_124 = arith.constant 0 : i32
      %dma_wait3A_125 = arith.constant 0 : i32
      %dma_wait3A_126 = arith.constant 0 : i32
      %dma_wait3A_127 = tpu.memref_slice %arg6[%dma_wait3A_124, %dma_wait3A_125, %dma_wait3A_126] : memref<2x128x128xf32, #tpu.memory_space<vmem>> -> memref<1x128x128xf32, #tpu.memory_space<vmem>>
      %dma_wait3A_128 = tpu.memref_squeeze %dma_wait3A_127 : memref<1x128x128xf32, #tpu.memory_space<vmem>> -> memref<128x128xf32, #tpu.memory_space<vmem>>
      %dma_wait3A_129 = arith.constant 0 : i32
      %dma_wait3A_130 = tpu.memref_slice %arg5[%dma_wait3A, %dma_wait3A_129] : memref<2x128xi32, #tpu.memory_space<vmem>> -> memref<1x128xi32, #tpu.memory_space<vmem>>
      %dma_wait3A_131 = tpu.memref_squeeze %dma_wait3A_130 : memref<1x128xi32, #tpu.memory_space<vmem>> -> memref<128xi32, #tpu.memory_space<vmem>>
      %dma_wait3A_132 = arith.constant 0 : i32
      %dma_wait3A_133 = arith.constant 0 : i32
      %dma_wait3A_134 = tpu.memref_slice %arg2[%dma_wait3A_132, %dma_wait3A_133] : memref<160000x128xf32, #tpu.memory_space<hbm>> -> memref<160000x128xf32, #tpu.memory_space<hbm>>
      tpu.wait_indirect_dma semaphore(%arg7 : memref<!tpu.dma_semaphore, #tpu.memory_space<semaphore_mem>>) src(%dma_wait3A_134 : memref<160000x128xf32, #tpu.memory_space<hbm>>) dst(%dma_wait3A_128 : memref<128x128xf32, #tpu.memory_space<vmem>>)
      %dma_start3A_135 = arith.constant 0 : i32
      %dma_start3A_136 = arith.constant 0 : i32
      %dma_start3A_137 = arith.constant 0 : i32
      %dma_start3A_138 = tpu.memref_slice %arg6[%dma_start3A_135, %dma_start3A_136, %dma_start3A_137] : memref<2x128x128xf32, #tpu.memory_space<vmem>> -> memref<1x128x128xf32, #tpu.memory_space<vmem>>
      %dma_start3A_139 = tpu.memref_squeeze %dma_start3A_138 : memref<1x128x128xf32, #tpu.memory_space<vmem>> -> memref<128x128xf32, #tpu.memory_space<vmem>>
      %dma_start3A_140 = arith.constant 0 : i32
      %dma_start3A_141 = tpu.memref_slice %arg4[%multiple_of3A_123, %dma_start3A_140] : memref<160000x128xf32, #tpu.memory_space<hbm>> -> memref<128x128xf32, #tpu.memory_space<hbm>>
      %dma_start3A_142 = arith.constant 0 : i32
      %dma_start3A_143 = tpu.memref_slice %arg4[%multiple_of3A_123, %dma_start3A_142] : memref<160000x128xf32, #tpu.memory_space<hbm>> -> memref<128x128xf32, #tpu.memory_space<hbm>>
      %dma_start3A_144 = arith.constant 0 : i32
      %dma_start3A_145 = arith.constant 0 : i32
      %dma_start3A_146 = tpu.memref_slice %arg6[%dma_start3A_135, %dma_start3A_144, %dma_start3A_145] : memref<2x128x128xf32, #tpu.memory_space<vmem>> -> memref<1x128x128xf32, #tpu.memory_space<vmem>>
      %dma_start3A_147 = tpu.memref_squeeze %dma_start3A_146 : memref<1x128x128xf32, #tpu.memory_space<vmem>> -> memref<128x128xf32, #tpu.memory_space<vmem>>
      tpu.enqueue_dma source(%dma_start3A_147 : memref<128x128xf32, #tpu.memory_space<vmem>>) target(%dma_start3A_143 : memref<128x128xf32, #tpu.memory_space<hbm>>) target_semaphore(%arg8 : memref<!tpu.dma_semaphore, #tpu.memory_space<semaphore_mem>>)
      %mul3A_148 = arith.constant 2 : i32
      %mul3A_149 = arith.muli %while3A_69, %mul3A_148 : i32
      %add3A_150 = arith.constant 1 : i32
      %add3A_151 = arith.addi %mul3A_149, %add3A_150 : i32
      %mul3A_152 = arith.constant 32 : i32
      %mul3A_153 = arith.muli %add3A_151, %mul3A_152 : i32
      %add3A_154 = arith.addi %add3A, %mul3A_153 : i32
      %mul3A_155 = arith.constant 128 : i32
      %mul3A_156 = arith.muli %add3A_154, %mul3A_155 : i32
      %multiple_of3A_157 = tpu.assume_multiple %mul3A_156, 8 : i32
      %dma_wait3A_158 = arith.constant 1 : i32
      %dma_wait3A_159 = arith.constant 1 : i32
      %dma_wait3A_160 = arith.constant 0 : i32
      %dma_wait3A_161 = arith.constant 0 : i32
      %dma_wait3A_162 = tpu.memref_slice %arg6[%dma_wait3A_159, %dma_wait3A_160, %dma_wait3A_161] : memref<2x128x128xf32, #tpu.memory_space<vmem>> -> memref<1x128x128xf32, #tpu.memory_space<vmem>>
      %dma_wait3A_163 = tpu.memref_squeeze %dma_wait3A_162 : memref<1x128x128xf32, #tpu.memory_space<vmem>> -> memref<128x128xf32, #tpu.memory_space<vmem>>
      %dma_wait3A_164 = arith.constant 0 : i32
      %dma_wait3A_165 = tpu.memref_slice %arg5[%dma_wait3A_158, %dma_wait3A_164] : memref<2x128xi32, #tpu.memory_space<vmem>> -> memref<1x128xi32, #tpu.memory_space<vmem>>
      %dma_wait3A_166 = tpu.memref_squeeze %dma_wait3A_165 : memref<1x128xi32, #tpu.memory_space<vmem>> -> memref<128xi32, #tpu.memory_space<vmem>>
      %dma_wait3A_167 = arith.constant 0 : i32
      %dma_wait3A_168 = arith.constant 0 : i32
      %dma_wait3A_169 = tpu.memref_slice %arg2[%dma_wait3A_167, %dma_wait3A_168] : memref<160000x128xf32, #tpu.memory_space<hbm>> -> memref<160000x128xf32, #tpu.memory_space<hbm>>
      tpu.wait_indirect_dma semaphore(%arg7 : memref<!tpu.dma_semaphore, #tpu.memory_space<semaphore_mem>>) src(%dma_wait3A_169 : memref<160000x128xf32, #tpu.memory_space<hbm>>) dst(%dma_wait3A_163 : memref<128x128xf32, #tpu.memory_space<vmem>>)
      %dma_start3A_170 = arith.constant 1 : i32
      %dma_start3A_171 = arith.constant 0 : i32
      %dma_start3A_172 = arith.constant 0 : i32
      %dma_start3A_173 = tpu.memref_slice %arg6[%dma_start3A_170, %dma_start3A_171, %dma_start3A_172] : memref<2x128x128xf32, #tpu.memory_space<vmem>> -> memref<1x128x128xf32, #tpu.memory_space<vmem>>
      %dma_start3A_174 = tpu.memref_squeeze %dma_start3A_173 : memref<1x128x128xf32, #tpu.memory_space<vmem>> -> memref<128x128xf32, #tpu.memory_space<vmem>>
      %dma_start3A_175 = arith.constant 0 : i32
      %dma_start3A_176 = tpu.memref_slice %arg4[%multiple_of3A_157, %dma_start3A_175] : memref<160000x128xf32, #tpu.memory_space<hbm>> -> memref<128x128xf32, #tpu.memory_space<hbm>>
      %dma_start3A_177 = arith.constant 0 : i32
      %dma_start3A_178 = tpu.memref_slice %arg4[%multiple_of3A_157, %dma_start3A_177] : memref<160000x128xf32, #tpu.memory_space<hbm>> -> memref<128x128xf32, #tpu.memory_space<hbm>>
      %dma_start3A_179 = arith.constant 0 : i32
      %dma_start3A_180 = arith.constant 0 : i32
      %dma_start3A_181 = tpu.memref_slice %arg6[%dma_start3A_170, %dma_start3A_179, %dma_start3A_180] : memref<2x128x128xf32, #tpu.memory_space<vmem>> -> memref<1x128x128xf32, #tpu.memory_space<vmem>>
      %dma_start3A_182 = tpu.memref_squeeze %dma_start3A_181 : memref<1x128x128xf32, #tpu.memory_space<vmem>> -> memref<128x128xf32, #tpu.memory_space<vmem>>
      tpu.enqueue_dma source(%dma_start3A_182 : memref<128x128xf32, #tpu.memory_space<vmem>>) target(%dma_start3A_178 : memref<128x128xf32, #tpu.memory_space<hbm>>) target_semaphore(%arg8 : memref<!tpu.dma_semaphore, #tpu.memory_space<semaphore_mem>>)
      %dma_wait3A_183 = arith.constant 0 : i32
      %dma_wait3A_184 = arith.constant 0 : i32
      %dma_wait3A_185 = arith.constant 0 : i32
      %dma_wait3A_186 = tpu.memref_slice %arg6[%dma_wait3A_183, %dma_wait3A_184, %dma_wait3A_185] : memref<2x128x128xf32, #tpu.memory_space<vmem>> -> memref<1x128x128xf32, #tpu.memory_space<vmem>>
      %dma_wait3A_187 = tpu.memref_squeeze %dma_wait3A_186 : memref<1x128x128xf32, #tpu.memory_space<vmem>> -> memref<128x128xf32, #tpu.memory_space<vmem>>
      %dma_wait3A_188 = arith.constant 0 : i32
      %dma_wait3A_189 = tpu.memref_slice %arg4[%multiple_of3A_123, %dma_wait3A_188] : memref<160000x128xf32, #tpu.memory_space<hbm>> -> memref<128x128xf32, #tpu.memory_space<hbm>>
      %dma_wait3A_190 = arith.constant 0 : i32
      %dma_wait3A_191 = tpu.memref_slice %arg4[%multiple_of3A_123, %dma_wait3A_190] : memref<160000x128xf32, #tpu.memory_space<hbm>> -> memref<128x128xf32, #tpu.memory_space<hbm>>
      %dma_wait3A_192 = arith.constant 0 : i32
      %dma_wait3A_193 = arith.constant 0 : i32
      %dma_wait3A_194 = tpu.memref_slice %arg6[%dma_wait3A_183, %dma_wait3A_192, %dma_wait3A_193] : memref<2x128x128xf32, #tpu.memory_space<vmem>> -> memref<1x128x128xf32, #tpu.memory_space<vmem>>
      %dma_wait3A_195 = tpu.memref_squeeze %dma_wait3A_194 : memref<1x128x128xf32, #tpu.memory_space<vmem>> -> memref<128x128xf32, #tpu.memory_space<vmem>>
      tpu.wait_dma2 semaphore(%arg8 : memref<!tpu.dma_semaphore, #tpu.memory_space<semaphore_mem>>) src(%dma_wait3A_195 : memref<128x128xf32, #tpu.memory_space<vmem>>) dst(%dma_wait3A_191 : memref<128x128xf32, #tpu.memory_space<hbm>>)
      %dma_wait3A_196 = arith.constant 1 : i32
      %dma_wait3A_197 = arith.constant 0 : i32
      %dma_wait3A_198 = arith.constant 0 : i32
      %dma_wait3A_199 = tpu.memref_slice %arg6[%dma_wait3A_196, %dma_wait3A_197, %dma_wait3A_198] : memref<2x128x128xf32, #tpu.memory_space<vmem>> -> memref<1x128x128xf32, #tpu.memory_space<vmem>>
      %dma_wait3A_200 = tpu.memref_squeeze %dma_wait3A_199 : memref<1x128x128xf32, #tpu.memory_space<vmem>> -> memref<128x128xf32, #tpu.memory_space<vmem>>
      %dma_wait3A_201 = arith.constant 0 : i32
      %dma_wait3A_202 = tpu.memref_slice %arg4[%multiple_of3A_157, %dma_wait3A_201] : memref<160000x128xf32, #tpu.memory_space<hbm>> -> memref<128x128xf32, #tpu.memory_space<hbm>>
      %dma_wait3A_203 = arith.constant 0 : i32
      %dma_wait3A_204 = tpu.memref_slice %arg4[%multiple_of3A_157, %dma_wait3A_203] : memref<160000x128xf32, #tpu.memory_space<hbm>> -> memref<128x128xf32, #tpu.memory_space<hbm>>
      %dma_wait3A_205 = arith.constant 0 : i32
      %dma_wait3A_206 = arith.constant 0 : i32
      %dma_wait3A_207 = tpu.memref_slice %arg6[%dma_wait3A_196, %dma_wait3A_205, %dma_wait3A_206] : memref<2x128x128xf32, #tpu.memory_space<vmem>> -> memref<1x128x128xf32, #tpu.memory_space<vmem>>
      %dma_wait3A_208 = tpu.memref_squeeze %dma_wait3A_207 : memref<1x128x128xf32, #tpu.memory_space<vmem>> -> memref<128x128xf32, #tpu.memory_space<vmem>>
      tpu.wait_dma2 semaphore(%arg8 : memref<!tpu.dma_semaphore, #tpu.memory_space<semaphore_mem>>) src(%dma_wait3A_208 : memref<128x128xf32, #tpu.memory_space<vmem>>) dst(%dma_wait3A_204 : memref<128x128xf32, #tpu.memory_space<hbm>>)
      %while3A_209 = arith.constant 0 : i32
      scf.yield %while3A_209 : i32
    }
    %while3A_30 = arith.constant 1 : i32
    %while3A_31 = scf.for %while3A_69 = %while3A_27 to %while3A_23 step %while3A_30 iter_args(%while3A_70 = %while3A_29) -> (i32)  : i32 {
      %mul3A_71 = arith.constant 2 : i32
      %mul3A_72 = arith.muli %while3A_69, %mul3A_71 : i32
      %add3A_73 = arith.constant 0 : i32
      %add3A_74 = arith.addi %mul3A_72, %add3A_73 : i32
      %mul3A_75 = arith.constant 32 : i32
      %mul3A_76 = arith.muli %add3A_74, %mul3A_75 : i32
      %add3A_77 = arith.addi %add3A, %mul3A_76 : i32
      %mul3A_78 = arith.constant 128 : i32
      %mul3A_79 = arith.muli %add3A_77, %mul3A_78 : i32
      %multiple_of3A = tpu.assume_multiple %mul3A_79, 8 : i32
      %run_scoped3A = arith.constant 0 : i32
      "tpu.region"() ({
        %run_scoped3A_210 = tpu.sem_alloc : memref<!tpu.dma_semaphore, #tpu.memory_space<semaphore_mem>>
        %dma_start3A_211 = arith.constant 0 : i32
        %dma_start3A_212 = tpu.memref_slice %arg5[%run_scoped3A, %dma_start3A_211] : memref<2x128xi32, #tpu.memory_space<vmem>> -> memref<1x128xi32, #tpu.memory_space<vmem>>
        %dma_start3A_213 = tpu.memref_squeeze %dma_start3A_212 : memref<1x128xi32, #tpu.memory_space<vmem>> -> memref<128xi32, #tpu.memory_space<vmem>>
        %dma_start3A_214 = tpu.memref_slice %arg3[%multiple_of3A] : memref<160000xi32, #tpu.memory_space<hbm>> -> memref<128xi32, #tpu.memory_space<hbm>>
        %dma_start3A_215 = arith.constant 0 : i32
        %dma_start3A_216 = tpu.memref_slice %arg5[%run_scoped3A, %dma_start3A_215] : memref<2x128xi32, #tpu.memory_space<vmem>> -> memref<1x128xi32, #tpu.memory_space<vmem>>
        %dma_start3A_217 = tpu.memref_squeeze %dma_start3A_216 : memref<1x128xi32, #tpu.memory_space<vmem>> -> memref<128xi32, #tpu.memory_space<vmem>>
        %dma_start3A_218 = tpu.memref_slice %arg3[%multiple_of3A] : memref<160000xi32, #tpu.memory_space<hbm>> -> memref<128xi32, #tpu.memory_space<hbm>>
        tpu.enqueue_dma source(%dma_start3A_218 : memref<128xi32, #tpu.memory_space<hbm>>) target(%dma_start3A_217 : memref<128xi32, #tpu.memory_space<vmem>>) target_semaphore(%run_scoped3A_210 : memref<!tpu.dma_semaphore, #tpu.memory_space<semaphore_mem>>)
        %dma_wait3A_219 = arith.constant 0 : i32
        %dma_wait3A_220 = tpu.memref_slice %arg5[%run_scoped3A, %dma_wait3A_219] : memref<2x128xi32, #tpu.memory_space<vmem>> -> memref<1x128xi32, #tpu.memory_space<vmem>>
        %dma_wait3A_221 = tpu.memref_squeeze %dma_wait3A_220 : memref<1x128xi32, #tpu.memory_space<vmem>> -> memref<128xi32, #tpu.memory_space<vmem>>
        %dma_wait3A_222 = tpu.memref_slice %arg3[%multiple_of3A] : memref<160000xi32, #tpu.memory_space<hbm>> -> memref<128xi32, #tpu.memory_space<hbm>>
        %dma_wait3A_223 = arith.constant 0 : i32
        %dma_wait3A_224 = tpu.memref_slice %arg5[%run_scoped3A, %dma_wait3A_223] : memref<2x128xi32, #tpu.memory_space<vmem>> -> memref<1x128xi32, #tpu.memory_space<vmem>>
        %dma_wait3A_225 = tpu.memref_squeeze %dma_wait3A_224 : memref<1x128xi32, #tpu.memory_space<vmem>> -> memref<128xi32, #tpu.memory_space<vmem>>
        %dma_wait3A_226 = tpu.memref_slice %arg3[%multiple_of3A] : memref<160000xi32, #tpu.memory_space<hbm>> -> memref<128xi32, #tpu.memory_space<hbm>>
        tpu.wait_dma2 semaphore(%run_scoped3A_210 : memref<!tpu.dma_semaphore, #tpu.memory_space<semaphore_mem>>) src(%dma_wait3A_226 : memref<128xi32, #tpu.memory_space<hbm>>) dst(%dma_wait3A_225 : memref<128xi32, #tpu.memory_space<vmem>>)
        tpu.yield
      }) : () -> ()
      %dma_start3A = arith.constant 0 : i32
      %dma_start3A_80 = arith.constant 0 : i32
      %dma_start3A_81 = arith.constant 0 : i32
      %dma_start3A_82 = arith.constant 0 : i32
      %dma_start3A_83 = tpu.memref_slice %arg6[%dma_start3A_80, %dma_start3A_81, %dma_start3A_82] : memref<2x128x128xf32, #tpu.memory_space<vmem>> -> memref<1x128x128xf32, #tpu.memory_space<vmem>>
      %dma_start3A_84 = tpu.memref_squeeze %dma_start3A_83 : memref<1x128x128xf32, #tpu.memory_space<vmem>> -> memref<128x128xf32, #tpu.memory_space<vmem>>
      %dma_start3A_85 = arith.constant 0 : i32
      %dma_start3A_86 = tpu.memref_slice %arg5[%dma_start3A, %dma_start3A_85] : memref<2x128xi32, #tpu.memory_space<vmem>> -> memref<1x128xi32, #tpu.memory_space<vmem>>
      %dma_start3A_87 = tpu.memref_squeeze %dma_start3A_86 : memref<1x128xi32, #tpu.memory_space<vmem>> -> memref<128xi32, #tpu.memory_space<vmem>>
      %dma_start3A_88 = arith.constant 0 : i32
      %dma_start3A_89 = arith.constant 0 : i32
      %dma_start3A_90 = tpu.memref_slice %arg2[%dma_start3A_88, %dma_start3A_89] : memref<160000x128xf32, #tpu.memory_space<hbm>> -> memref<160000x128xf32, #tpu.memory_space<hbm>>
      tpu.enqueue_indirect_dma source(%dma_start3A_90 : memref<160000x128xf32, #tpu.memory_space<hbm>>) target(%dma_start3A_84 : memref<128x128xf32, #tpu.memory_space<vmem>>) offsets(%dma_start3A_87 : memref<128xi32, #tpu.memory_space<vmem>>) semaphore(%arg7 : memref<!tpu.dma_semaphore, #tpu.memory_space<semaphore_mem>>)
      %mul3A_91 = arith.constant 2 : i32
      %mul3A_92 = arith.muli %while3A_69, %mul3A_91 : i32
      %add3A_93 = arith.constant 1 : i32
      %add3A_94 = arith.addi %mul3A_92, %add3A_93 : i32
      %mul3A_95 = arith.constant 32 : i32
      %mul3A_96 = arith.muli %add3A_94, %mul3A_95 : i32
      %add3A_97 = arith.addi %add3A, %mul3A_96 : i32
      %mul3A_98 = arith.constant 128 : i32
      %mul3A_99 = arith.muli %add3A_97, %mul3A_98 : i32
      %multiple_of3A_100 = tpu.assume_multiple %mul3A_99, 8 : i32
      %run_scoped3A_101 = arith.constant 1 : i32
      "tpu.region"() ({
        %run_scoped3A_210 = tpu.sem_alloc : memref<!tpu.dma_semaphore, #tpu.memory_space<semaphore_mem>>
        %dma_start3A_211 = arith.constant 0 : i32
        %dma_start3A_212 = tpu.memref_slice %arg5[%run_scoped3A_101, %dma_start3A_211] : memref<2x128xi32, #tpu.memory_space<vmem>> -> memref<1x128xi32, #tpu.memory_space<vmem>>
        %dma_start3A_213 = tpu.memref_squeeze %dma_start3A_212 : memref<1x128xi32, #tpu.memory_space<vmem>> -> memref<128xi32, #tpu.memory_space<vmem>>
        %dma_start3A_214 = tpu.memref_slice %arg3[%multiple_of3A_100] : memref<160000xi32, #tpu.memory_space<hbm>> -> memref<128xi32, #tpu.memory_space<hbm>>
        %dma_start3A_215 = arith.constant 0 : i32
        %dma_start3A_216 = tpu.memref_slice %arg5[%run_scoped3A_101, %dma_start3A_215] : memref<2x128xi32, #tpu.memory_space<vmem>> -> memref<1x128xi32, #tpu.memory_space<vmem>>
        %dma_start3A_217 = tpu.memref_squeeze %dma_start3A_216 : memref<1x128xi32, #tpu.memory_space<vmem>> -> memref<128xi32, #tpu.memory_space<vmem>>
        %dma_start3A_218 = tpu.memref_slice %arg3[%multiple_of3A_100] : memref<160000xi32, #tpu.memory_space<hbm>> -> memref<128xi32, #tpu.memory_space<hbm>>
        tpu.enqueue_dma source(%dma_start3A_218 : memref<128xi32, #tpu.memory_space<hbm>>) target(%dma_start3A_217 : memref<128xi32, #tpu.memory_space<vmem>>) target_semaphore(%run_scoped3A_210 : memref<!tpu.dma_semaphore, #tpu.memory_space<semaphore_mem>>)
        %dma_wait3A_219 = arith.constant 0 : i32
        %dma_wait3A_220 = tpu.memref_slice %arg5[%run_scoped3A_101, %dma_wait3A_219] : memref<2x128xi32, #tpu.memory_space<vmem>> -> memref<1x128xi32, #tpu.memory_space<vmem>>
        %dma_wait3A_221 = tpu.memref_squeeze %dma_wait3A_220 : memref<1x128xi32, #tpu.memory_space<vmem>> -> memref<128xi32, #tpu.memory_space<vmem>>
        %dma_wait3A_222 = tpu.memref_slice %arg3[%multiple_of3A_100] : memref<160000xi32, #tpu.memory_space<hbm>> -> memref<128xi32, #tpu.memory_space<hbm>>
        %dma_wait3A_223 = arith.constant 0 : i32
        %dma_wait3A_224 = tpu.memref_slice %arg5[%run_scoped3A_101, %dma_wait3A_223] : memref<2x128xi32, #tpu.memory_space<vmem>> -> memref<1x128xi32, #tpu.memory_space<vmem>>
        %dma_wait3A_225 = tpu.memref_squeeze %dma_wait3A_224 : memref<1x128xi32, #tpu.memory_space<vmem>> -> memref<128xi32, #tpu.memory_space<vmem>>
        %dma_wait3A_226 = tpu.memref_slice %arg3[%multiple_of3A_100] : memref<160000xi32, #tpu.memory_space<hbm>> -> memref<128xi32, #tpu.memory_space<hbm>>
        tpu.wait_dma2 semaphore(%run_scoped3A_210 : memref<!tpu.dma_semaphore, #tpu.memory_space<semaphore_mem>>) src(%dma_wait3A_226 : memref<128xi32, #tpu.memory_space<hbm>>) dst(%dma_wait3A_225 : memref<128xi32, #tpu.memory_space<vmem>>)
        tpu.yield
      }) : () -> ()
      %dma_start3A_102 = arith.constant 1 : i32
      %dma_start3A_103 = arith.constant 1 : i32
      %dma_start3A_104 = arith.constant 0 : i32
      %dma_start3A_105 = arith.constant 0 : i32
      %dma_start3A_106 = tpu.memref_slice %arg6[%dma_start3A_103, %dma_start3A_104, %dma_start3A_105] : memref<2x128x128xf32, #tpu.memory_space<vmem>> -> memref<1x128x128xf32, #tpu.memory_space<vmem>>
      %dma_start3A_107 = tpu.memref_squeeze %dma_start3A_106 : memref<1x128x128xf32, #tpu.memory_space<vmem>> -> memref<128x128xf32, #tpu.memory_space<vmem>>
      %dma_start3A_108 = arith.constant 0 : i32
      %dma_start3A_109 = tpu.memref_slice %arg5[%dma_start3A_102, %dma_start3A_108] : memref<2x128xi32, #tpu.memory_space<vmem>> -> memref<1x128xi32, #tpu.memory_space<vmem>>
      %dma_start3A_110 = tpu.memref_squeeze %dma_start3A_109 : memref<1x128xi32, #tpu.memory_space<vmem>> -> memref<128xi32, #tpu.memory_space<vmem>>
      %dma_start3A_111 = arith.constant 0 : i32
      %dma_start3A_112 = arith.constant 0 : i32
      %dma_start3A_113 = tpu.memref_slice %arg2[%dma_start3A_111, %dma_start3A_112] : memref<160000x128xf32, #tpu.memory_space<hbm>> -> memref<160000x128xf32, #tpu.memory_space<hbm>>
      tpu.enqueue_indirect_dma source(%dma_start3A_113 : memref<160000x128xf32, #tpu.memory_space<hbm>>) target(%dma_start3A_107 : memref<128x128xf32, #tpu.memory_space<vmem>>) offsets(%dma_start3A_110 : memref<128xi32, #tpu.memory_space<vmem>>) semaphore(%arg7 : memref<!tpu.dma_semaphore, #tpu.memory_space<semaphore_mem>>)
      %mul3A_114 = arith.constant 2 : i32
      %mul3A_115 = arith.muli %while3A_69, %mul3A_114 : i32
      %add3A_116 = arith.constant 0 : i32
      %add3A_117 = arith.addi %mul3A_115, %add3A_116 : i32
      %mul3A_118 = arith.constant 32 : i32
      %mul3A_119 = arith.muli %add3A_117, %mul3A_118 : i32
      %add3A_120 = arith.addi %add3A, %mul3A_119 : i32
      %mul3A_121 = arith.constant 128 : i32
      %mul3A_122 = arith.muli %add3A_120, %mul3A_121 : i32
      %multiple_of3A_123 = tpu.assume_multiple %mul3A_122, 8 : i32
      %dma_wait3A = arith.constant 0 : i32
      %dma_wait3A_124 = arith.constant 0 : i32
      %dma_wait3A_125 = arith.constant 0 : i32
      %dma_wait3A_126 = arith.constant 0 : i32
      %dma_wait3A_127 = tpu.memref_slice %arg6[%dma_wait3A_124, %dma_wait3A_125, %dma_wait3A_126] : memref<2x128x128xf32, #tpu.memory_space<vmem>> -> memref<1x128x128xf32, #tpu.memory_space<vmem>>
      %dma_wait3A_128 = tpu.memref_squeeze %dma_wait3A_127 : memref<1x128x128xf32, #tpu.memory_space<vmem>> -> memref<128x128xf32, #tpu.memory_space<vmem>>
      %dma_wait3A_129 = arith.constant 0 : i32
      %dma_wait3A_130 = tpu.memref_slice %arg5[%dma_wait3A, %dma_wait3A_129] : memref<2x128xi32, #tpu.memory_space<vmem>> -> memref<1x128xi32, #tpu.memory_space<vmem>>
      %dma_wait3A_131 = tpu.memref_squeeze %dma_wait3A_130 : memref<1x128xi32, #tpu.memory_space<vmem>> -> memref<128xi32, #tpu.memory_space<vmem>>
      %dma_wait3A_132 = arith.constant 0 : i32
      %dma_wait3A_133 = arith.constant 0 : i32
      %dma_wait3A_134 = tpu.memref_slice %arg2[%dma_wait3A_132, %dma_wait3A_133] : memref<160000x128xf32, #tpu.memory_space<hbm>> -> memref<160000x128xf32, #tpu.memory_space<hbm>>
      tpu.wait_indirect_dma semaphore(%arg7 : memref<!tpu.dma_semaphore, #tpu.memory_space<semaphore_mem>>) src(%dma_wait3A_134 : memref<160000x128xf32, #tpu.memory_space<hbm>>) dst(%dma_wait3A_128 : memref<128x128xf32, #tpu.memory_space<vmem>>)
      %dma_start3A_135 = arith.constant 0 : i32
      %dma_start3A_136 = arith.constant 0 : i32
      %dma_start3A_137 = arith.constant 0 : i32
      %dma_start3A_138 = tpu.memref_slice %arg6[%dma_start3A_135, %dma_start3A_136, %dma_start3A_137] : memref<2x128x128xf32, #tpu.memory_space<vmem>> -> memref<1x128x128xf32, #tpu.memory_space<vmem>>
      %dma_start3A_139 = tpu.memref_squeeze %dma_start3A_138 : memref<1x128x128xf32, #tpu.memory_space<vmem>> -> memref<128x128xf32, #tpu.memory_space<vmem>>
      %dma_start3A_140 = arith.constant 0 : i32
      %dma_start3A_141 = tpu.memref_slice %arg4[%multiple_of3A_123, %dma_start3A_140] : memref<160000x128xf32, #tpu.memory_space<hbm>> -> memref<128x128xf32, #tpu.memory_space<hbm>>
      %dma_start3A_142 = arith.constant 0 : i32
      %dma_start3A_143 = tpu.memref_slice %arg4[%multiple_of3A_123, %dma_start3A_142] : memref<160000x128xf32, #tpu.memory_space<hbm>> -> memref<128x128xf32, #tpu.memory_space<hbm>>
      %dma_start3A_144 = arith.constant 0 : i32
      %dma_start3A_145 = arith.constant 0 : i32
      %dma_start3A_146 = tpu.memref_slice %arg6[%dma_start3A_135, %dma_start3A_144, %dma_start3A_145] : memref<2x128x128xf32, #tpu.memory_space<vmem>> -> memref<1x128x128xf32, #tpu.memory_space<vmem>>
      %dma_start3A_147 = tpu.memref_squeeze %dma_start3A_146 : memref<1x128x128xf32, #tpu.memory_space<vmem>> -> memref<128x128xf32, #tpu.memory_space<vmem>>
      tpu.enqueue_dma source(%dma_start3A_147 : memref<128x128xf32, #tpu.memory_space<vmem>>) target(%dma_start3A_143 : memref<128x128xf32, #tpu.memory_space<hbm>>) target_semaphore(%arg8 : memref<!tpu.dma_semaphore, #tpu.memory_space<semaphore_mem>>)
      %mul3A_148 = arith.constant 2 : i32
      %mul3A_149 = arith.muli %while3A_69, %mul3A_148 : i32
      %add3A_150 = arith.constant 1 : i32
      %add3A_151 = arith.addi %mul3A_149, %add3A_150 : i32
      %mul3A_152 = arith.constant 32 : i32
      %mul3A_153 = arith.muli %add3A_151, %mul3A_152 : i32
      %add3A_154 = arith.addi %add3A, %mul3A_153 : i32
      %mul3A_155 = arith.constant 128 : i32
      %mul3A_156 = arith.muli %add3A_154, %mul3A_155 : i32
      %multiple_of3A_157 = tpu.assume_multiple %mul3A_156, 8 : i32
      %dma_wait3A_158 = arith.constant 1 : i32
      %dma_wait3A_159 = arith.constant 1 : i32
      %dma_wait3A_160 = arith.constant 0 : i32
      %dma_wait3A_161 = arith.constant 0 : i32
      %dma_wait3A_162 = tpu.memref_slice %arg6[%dma_wait3A_159, %dma_wait3A_160, %dma_wait3A_161] : memref<2x128x128xf32, #tpu.memory_space<vmem>> -> memref<1x128x128xf32, #tpu.memory_space<vmem>>
      %dma_wait3A_163 = tpu.memref_squeeze %dma_wait3A_162 : memref<1x128x128xf32, #tpu.memory_space<vmem>> -> memref<128x128xf32, #tpu.memory_space<vmem>>
      %dma_wait3A_164 = arith.constant 0 : i32
      %dma_wait3A_165 = tpu.memref_slice %arg5[%dma_wait3A_158, %dma_wait3A_164] : memref<2x128xi32, #tpu.memory_space<vmem>> -> memref<1x128xi32, #tpu.memory_space<vmem>>
      %dma_wait3A_166 = tpu.memref_squeeze %dma_wait3A_165 : memref<1x128xi32, #tpu.memory_space<vmem>> -> memref<128xi32, #tpu.memory_space<vmem>>
      %dma_wait3A_167 = arith.constant 0 : i32
      %dma_wait3A_168 = arith.constant 0 : i32
      %dma_wait3A_169 = tpu.memref_slice %arg2[%dma_wait3A_167, %dma_wait3A_168] : memref<160000x128xf32, #tpu.memory_space<hbm>> -> memref<160000x128xf32, #tpu.memory_space<hbm>>
      tpu.wait_indirect_dma semaphore(%arg7 : memref<!tpu.dma_semaphore, #tpu.memory_space<semaphore_mem>>) src(%dma_wait3A_169 : memref<160000x128xf32, #tpu.memory_space<hbm>>) dst(%dma_wait3A_163 : memref<128x128xf32, #tpu.memory_space<vmem>>)
      %dma_start3A_170 = arith.constant 1 : i32
      %dma_start3A_171 = arith.constant 0 : i32
      %dma_start3A_172 = arith.constant 0 : i32
      %dma_start3A_173 = tpu.memref_slice %arg6[%dma_start3A_170, %dma_start3A_171, %dma_start3A_172] : memref<2x128x128xf32, #tpu.memory_space<vmem>> -> memref<1x128x128xf32, #tpu.memory_space<vmem>>
      %dma_start3A_174 = tpu.memref_squeeze %dma_start3A_173 : memref<1x128x128xf32, #tpu.memory_space<vmem>> -> memref<128x128xf32, #tpu.memory_space<vmem>>
      %dma_start3A_175 = arith.constant 0 : i32
      %dma_start3A_176 = tpu.memref_slice %arg4[%multiple_of3A_157, %dma_start3A_175] : memref<160000x128xf32, #tpu.memory_space<hbm>> -> memref<128x128xf32, #tpu.memory_space<hbm>>
      %dma_start3A_177 = arith.constant 0 : i32
      %dma_start3A_178 = tpu.memref_slice %arg4[%multiple_of3A_157, %dma_start3A_177] : memref<160000x128xf32, #tpu.memory_space<hbm>> -> memref<128x128xf32, #tpu.memory_space<hbm>>
      %dma_start3A_179 = arith.constant 0 : i32
      %dma_start3A_180 = arith.constant 0 : i32
      %dma_start3A_181 = tpu.memref_slice %arg6[%dma_start3A_170, %dma_start3A_179, %dma_start3A_180] : memref<2x128x128xf32, #tpu.memory_space<vmem>> -> memref<1x128x128xf32, #tpu.memory_space<vmem>>
      %dma_start3A_182 = tpu.memref_squeeze %dma_start3A_181 : memref<1x128x128xf32, #tpu.memory_space<vmem>> -> memref<128x128xf32, #tpu.memory_space<vmem>>
      tpu.enqueue_dma source(%dma_start3A_182 : memref<128x128xf32, #tpu.memory_space<vmem>>) target(%dma_start3A_178 : memref<128x128xf32, #tpu.memory_space<hbm>>) target_semaphore(%arg8 : memref<!tpu.dma_semaphore, #tpu.memory_space<semaphore_mem>>)
      %dma_wait3A_183 = arith.constant 0 : i32
      %dma_wait3A_184 = arith.constant 0 : i32
      %dma_wait3A_185 = arith.constant 0 : i32
      %dma_wait3A_186 = tpu.memref_slice %arg6[%dma_wait3A_183, %dma_wait3A_184, %dma_wait3A_185] : memref<2x128x128xf32, #tpu.memory_space<vmem>> -> memref<1x128x128xf32, #tpu.memory_space<vmem>>
      %dma_wait3A_187 = tpu.memref_squeeze %dma_wait3A_186 : memref<1x128x128xf32, #tpu.memory_space<vmem>> -> memref<128x128xf32, #tpu.memory_space<vmem>>
      %dma_wait3A_188 = arith.constant 0 : i32
      %dma_wait3A_189 = tpu.memref_slice %arg4[%multiple_of3A_123, %dma_wait3A_188] : memref<160000x128xf32, #tpu.memory_space<hbm>> -> memref<128x128xf32, #tpu.memory_space<hbm>>
      %dma_wait3A_190 = arith.constant 0 : i32
      %dma_wait3A_191 = tpu.memref_slice %arg4[%multiple_of3A_123, %dma_wait3A_190] : memref<160000x128xf32, #tpu.memory_space<hbm>> -> memref<128x128xf32, #tpu.memory_space<hbm>>
      %dma_wait3A_192 = arith.constant 0 : i32
      %dma_wait3A_193 = arith.constant 0 : i32
      %dma_wait3A_194 = tpu.memref_slice %arg6[%dma_wait3A_183, %dma_wait3A_192, %dma_wait3A_193] : memref<2x128x128xf32, #tpu.memory_space<vmem>> -> memref<1x128x128xf32, #tpu.memory_space<vmem>>
      %dma_wait3A_195 = tpu.memref_squeeze %dma_wait3A_194 : memref<1x128x128xf32, #tpu.memory_space<vmem>> -> memref<128x128xf32, #tpu.memory_space<vmem>>
      tpu.wait_dma2 semaphore(%arg8 : memref<!tpu.dma_semaphore, #tpu.memory_space<semaphore_mem>>) src(%dma_wait3A_195 : memref<128x128xf32, #tpu.memory_space<vmem>>) dst(%dma_wait3A_191 : memref<128x128xf32, #tpu.memory_space<hbm>>)
      %dma_wait3A_196 = arith.constant 1 : i32
      %dma_wait3A_197 = arith.constant 0 : i32
      %dma_wait3A_198 = arith.constant 0 : i32
      %dma_wait3A_199 = tpu.memref_slice %arg6[%dma_wait3A_196, %dma_wait3A_197, %dma_wait3A_198] : memref<2x128x128xf32, #tpu.memory_space<vmem>> -> memref<1x128x128xf32, #tpu.memory_space<vmem>>
      %dma_wait3A_200 = tpu.memref_squeeze %dma_wait3A_199 : memref<1x128x128xf32, #tpu.memory_space<vmem>> -> memref<128x128xf32, #tpu.memory_space<vmem>>
      %dma_wait3A_201 = arith.constant 0 : i32
      %dma_wait3A_202 = tpu.memref_slice %arg4[%multiple_of3A_157, %dma_wait3A_201] : memref<160000x128xf32, #tpu.memory_space<hbm>> -> memref<128x128xf32, #tpu.memory_space<hbm>>
      %dma_wait3A_203 = arith.constant 0 : i32
      %dma_wait3A_204 = tpu.memref_slice %arg4[%multiple_of3A_157, %dma_wait3A_203] : memref<160000x128xf32, #tpu.memory_space<hbm>> -> memref<128x128xf32, #tpu.memory_space<hbm>>
      %dma_wait3A_205 = arith.constant 0 : i32
      %dma_wait3A_206 = arith.constant 0 : i32
      %dma_wait3A_207 = tpu.memref_slice %arg6[%dma_wait3A_196, %dma_wait3A_205, %dma_wait3A_206] : memref<2x128x128xf32, #tpu.memory_space<vmem>> -> memref<1x128x128xf32, #tpu.memory_space<vmem>>
      %dma_wait3A_208 = tpu.memref_squeeze %dma_wait3A_207 : memref<1x128x128xf32, #tpu.memory_space<vmem>> -> memref<128x128xf32, #tpu.memory_space<vmem>>
      tpu.wait_dma2 semaphore(%arg8 : memref<!tpu.dma_semaphore, #tpu.memory_space<semaphore_mem>>) src(%dma_wait3A_208 : memref<128x128xf32, #tpu.memory_space<vmem>>) dst(%dma_wait3A_204 : memref<128x128xf32, #tpu.memory_space<hbm>>)
      %while3A_209 = arith.constant 0 : i32
      scf.yield %while3A_209 : i32
    }
    %jit3A_32 = arith.constant 2 : i32
    %div3A_33 = arith.divsi %select_n3A, %jit3A_32 : i32
    %sign3A_34 = arith.constant 0 : i32
    %sign3A_35 = arith.cmpi sgt, %select_n3A, %sign3A_34 : i32
    %sign3A_36 = arith.extui %sign3A_35 : i1 to i32
    %sign3A_37 = arith.constant 0 : i32
    %sign3A_38 = arith.cmpi slt, %select_n3A, %sign3A_37 : i32
    %sign3A_39 = arith.extui %sign3A_38 : i1 to i32
    %sign3A_40 = arith.subi %sign3A_36, %sign3A_39 : i32
    %sign3A_41 = arith.constant 0 : i32
    %sign3A_42 = arith.cmpi sgt, %jit3A_32, %sign3A_41 : i32
    %sign3A_43 = arith.extui %sign3A_42 : i1 to i32
    %sign3A_44 = arith.constant 0 : i32
    %sign3A_45 = arith.cmpi slt, %jit3A_32, %sign3A_44 : i32
    %sign3A_46 = arith.extui %sign3A_45 : i1 to i32
    %sign3A_47 = arith.subi %sign3A_43, %sign3A_46 : i32
    %ne3A_48 = arith.cmpi ne, %sign3A_40, %sign3A_47 : i32
    %rem3A_49 = arith.remsi %select_n3A, %jit3A_32 : i32
    %ne3A_50 = arith.constant 0 : i32
    %ne3A_51 = arith.cmpi ne, %rem3A_49, %ne3A_50 : i32
    %and3A_52 = arith.andi %ne3A_48, %ne3A_51 : i1
    %sub3A_53 = arith.constant 1 : i32
    %sub3A_54 = arith.subi %div3A_33, %sub3A_53 : i32
    %select_n3A_55 = arith.select %and3A_52, %sub3A_54, %div3A_33 : i32
    %mul3A_56 = arith.constant 2 : i32
    %mul3A_57 = arith.muli %select_n3A_55, %mul3A_56 : i32
    %while3A_58 = arith.constant 0 : i32
    %while3A_59 = arith.subi %select_n3A, %mul3A_57 : i32
    %while3A_60 = arith.addi %mul3A_57, %while3A_59 : i32
    %while3A_61 = arith.constant 1 : i32
    %while3A_62 = arith.divsi %while3A_59, %while3A_61 : i32
    %while3A_63 = arith.muli %while3A_62, %while3A_61 : i32
    %while3A_64 = arith.addi %mul3A_57, %while3A_63 : i32
    %while3A_65 = arith.constant 1 : i32
    %while3A_66 = scf.for %while3A_69 = %mul3A_57 to %while3A_64 step %while3A_65 iter_args(%while3A_70 = %while3A_58) -> (i32)  : i32 {
      %mul3A_71 = arith.constant 32 : i32
      %mul3A_72 = arith.muli %while3A_69, %mul3A_71 : i32
      %add3A_73 = arith.addi %add3A, %mul3A_72 : i32
      %mul3A_74 = arith.constant 128 : i32
      %mul3A_75 = arith.muli %add3A_73, %mul3A_74 : i32
      %multiple_of3A = tpu.assume_multiple %mul3A_75, 8 : i32
      %run_scoped3A = arith.constant 0 : i32
      "tpu.region"() ({
        %run_scoped3A_100 = tpu.sem_alloc : memref<!tpu.dma_semaphore, #tpu.memory_space<semaphore_mem>>
        %dma_start3A_101 = arith.constant 0 : i32
        %dma_start3A_102 = tpu.memref_slice %arg5[%run_scoped3A, %dma_start3A_101] : memref<2x128xi32, #tpu.memory_space<vmem>> -> memref<1x128xi32, #tpu.memory_space<vmem>>
        %dma_start3A_103 = tpu.memref_squeeze %dma_start3A_102 : memref<1x128xi32, #tpu.memory_space<vmem>> -> memref<128xi32, #tpu.memory_space<vmem>>
        %dma_start3A_104 = tpu.memref_slice %arg3[%multiple_of3A] : memref<160000xi32, #tpu.memory_space<hbm>> -> memref<128xi32, #tpu.memory_space<hbm>>
        %dma_start3A_105 = arith.constant 0 : i32
        %dma_start3A_106 = tpu.memref_slice %arg5[%run_scoped3A, %dma_start3A_105] : memref<2x128xi32, #tpu.memory_space<vmem>> -> memref<1x128xi32, #tpu.memory_space<vmem>>
        %dma_start3A_107 = tpu.memref_squeeze %dma_start3A_106 : memref<1x128xi32, #tpu.memory_space<vmem>> -> memref<128xi32, #tpu.memory_space<vmem>>
        %dma_start3A_108 = tpu.memref_slice %arg3[%multiple_of3A] : memref<160000xi32, #tpu.memory_space<hbm>> -> memref<128xi32, #tpu.memory_space<hbm>>
        tpu.enqueue_dma source(%dma_start3A_108 : memref<128xi32, #tpu.memory_space<hbm>>) target(%dma_start3A_107 : memref<128xi32, #tpu.memory_space<vmem>>) target_semaphore(%run_scoped3A_100 : memref<!tpu.dma_semaphore, #tpu.memory_space<semaphore_mem>>)
        %dma_wait3A_109 = arith.constant 0 : i32
        %dma_wait3A_110 = tpu.memref_slice %arg5[%run_scoped3A, %dma_wait3A_109] : memref<2x128xi32, #tpu.memory_space<vmem>> -> memref<1x128xi32, #tpu.memory_space<vmem>>
        %dma_wait3A_111 = tpu.memref_squeeze %dma_wait3A_110 : memref<1x128xi32, #tpu.memory_space<vmem>> -> memref<128xi32, #tpu.memory_space<vmem>>
        %dma_wait3A_112 = tpu.memref_slice %arg3[%multiple_of3A] : memref<160000xi32, #tpu.memory_space<hbm>> -> memref<128xi32, #tpu.memory_space<hbm>>
        %dma_wait3A_113 = arith.constant 0 : i32
        %dma_wait3A_114 = tpu.memref_slice %arg5[%run_scoped3A, %dma_wait3A_113] : memref<2x128xi32, #tpu.memory_space<vmem>> -> memref<1x128xi32, #tpu.memory_space<vmem>>
        %dma_wait3A_115 = tpu.memref_squeeze %dma_wait3A_114 : memref<1x128xi32, #tpu.memory_space<vmem>> -> memref<128xi32, #tpu.memory_space<vmem>>
        %dma_wait3A_116 = tpu.memref_slice %arg3[%multiple_of3A] : memref<160000xi32, #tpu.memory_space<hbm>> -> memref<128xi32, #tpu.memory_space<hbm>>
        tpu.wait_dma2 semaphore(%run_scoped3A_100 : memref<!tpu.dma_semaphore, #tpu.memory_space<semaphore_mem>>) src(%dma_wait3A_116 : memref<128xi32, #tpu.memory_space<hbm>>) dst(%dma_wait3A_115 : memref<128xi32, #tpu.memory_space<vmem>>)
        tpu.yield
      }) : () -> ()
      %dma_start3A = arith.constant 0 : i32
      %dma_start3A_76 = arith.constant 0 : i32
      %dma_start3A_77 = arith.constant 0 : i32
      %dma_start3A_78 = arith.constant 0 : i32
      %dma_start3A_79 = tpu.memref_slice %arg6[%dma_start3A_76, %dma_start3A_77, %dma_start3A_78] : memref<2x128x128xf32, #tpu.memory_space<vmem>> -> memref<1x128x128xf32, #tpu.memory_space<vmem>>
      %dma_start3A_80 = tpu.memref_squeeze %dma_start3A_79 : memref<1x128x128xf32, #tpu.memory_space<vmem>> -> memref<128x128xf32, #tpu.memory_space<vmem>>
      %dma_start3A_81 = arith.constant 0 : i32
      %dma_start3A_82 = tpu.memref_slice %arg5[%dma_start3A, %dma_start3A_81] : memref<2x128xi32, #tpu.memory_space<vmem>> -> memref<1x128xi32, #tpu.memory_space<vmem>>
      %dma_start3A_83 = tpu.memref_squeeze %dma_start3A_82 : memref<1x128xi32, #tpu.memory_space<vmem>> -> memref<128xi32, #tpu.memory_space<vmem>>
      %dma_start3A_84 = arith.constant 0 : i32
      %dma_start3A_85 = arith.constant 0 : i32
      %dma_start3A_86 = tpu.memref_slice %arg2[%dma_start3A_84, %dma_start3A_85] : memref<160000x128xf32, #tpu.memory_space<hbm>> -> memref<160000x128xf32, #tpu.memory_space<hbm>>
      tpu.enqueue_indirect_dma source(%dma_start3A_86 : memref<160000x128xf32, #tpu.memory_space<hbm>>) target(%dma_start3A_80 : memref<128x128xf32, #tpu.memory_space<vmem>>) offsets(%dma_start3A_83 : memref<128xi32, #tpu.memory_space<vmem>>) semaphore(%arg7 : memref<!tpu.dma_semaphore, #tpu.memory_space<semaphore_mem>>)
      %dma_wait3A = arith.constant 0 : i32
      %dma_wait3A_87 = arith.constant 0 : i32
      %dma_wait3A_88 = arith.constant 0 : i32
      %dma_wait3A_89 = arith.constant 0 : i32
      %dma_wait3A_90 = tpu.memref_slice %arg6[%dma_wait3A_87, %dma_wait3A_88, %dma_wait3A_89] : memref<2x128x128xf32, #tpu.memory_space<vmem>> -> memref<1x128x128xf32, #tpu.memory_space<vmem>>
      %dma_wait3A_91 = tpu.memref_squeeze %dma_wait3A_90 : memref<1x128x128xf32, #tpu.memory_space<vmem>> -> memref<128x128xf32, #tpu.memory_space<vmem>>
      %dma_wait3A_92 = arith.constant 0 : i32
      %dma_wait3A_93 = tpu.memref_slice %arg5[%dma_wait3A, %dma_wait3A_92] : memref<2x128xi32, #tpu.memory_space<vmem>> -> memref<1x128xi32, #tpu.memory_space<vmem>>
      %dma_wait3A_94 = tpu.memref_squeeze %dma_wait3A_93 : memref<1x128xi32, #tpu.memory_space<vmem>> -> memref<128xi32, #tpu.memory_space<vmem>>
      %dma_wait3A_95 = arith.constant 0 : i32
      %dma_wait3A_96 = arith.constant 0 : i32
      %dma_wait3A_97 = tpu.memref_slice %arg2[%dma_wait3A_95, %dma_wait3A_96] : memref<160000x128xf32, #tpu.memory_space<hbm>> -> memref<160000x128xf32, #tpu.memory_space<hbm>>
      tpu.wait_indirect_dma semaphore(%arg7 : memref<!tpu.dma_semaphore, #tpu.memory_space<semaphore_mem>>) src(%dma_wait3A_97 : memref<160000x128xf32, #tpu.memory_space<hbm>>) dst(%dma_wait3A_91 : memref<128x128xf32, #tpu.memory_space<vmem>>)
      %run_scoped3A_98 = arith.constant 0 : i32
      "tpu.region"() ({
        %run_scoped3A_100 = tpu.sem_alloc : memref<!tpu.dma_semaphore, #tpu.memory_space<semaphore_mem>>
        %dma_start3A_101 = arith.constant 0 : i32
        %dma_start3A_102 = arith.constant 0 : i32
        %dma_start3A_103 = tpu.memref_slice %arg6[%run_scoped3A_98, %dma_start3A_101, %dma_start3A_102] : memref<2x128x128xf32, #tpu.memory_space<vmem>> -> memref<1x128x128xf32, #tpu.memory_space<vmem>>
        %dma_start3A_104 = tpu.memref_squeeze %dma_start3A_103 : memref<1x128x128xf32, #tpu.memory_space<vmem>> -> memref<128x128xf32, #tpu.memory_space<vmem>>
        %dma_start3A_105 = arith.constant 0 : i32
        %dma_start3A_106 = tpu.memref_slice %arg4[%multiple_of3A, %dma_start3A_105] : memref<160000x128xf32, #tpu.memory_space<hbm>> -> memref<128x128xf32, #tpu.memory_space<hbm>>
        %dma_start3A_107 = arith.constant 0 : i32
        %dma_start3A_108 = tpu.memref_slice %arg4[%multiple_of3A, %dma_start3A_107] : memref<160000x128xf32, #tpu.memory_space<hbm>> -> memref<128x128xf32, #tpu.memory_space<hbm>>
        %dma_start3A_109 = arith.constant 0 : i32
        %dma_start3A_110 = arith.constant 0 : i32
        %dma_start3A_111 = tpu.memref_slice %arg6[%run_scoped3A_98, %dma_start3A_109, %dma_start3A_110] : memref<2x128x128xf32, #tpu.memory_space<vmem>> -> memref<1x128x128xf32, #tpu.memory_space<vmem>>
        %dma_start3A_112 = tpu.memref_squeeze %dma_start3A_111 : memref<1x128x128xf32, #tpu.memory_space<vmem>> -> memref<128x128xf32, #tpu.memory_space<vmem>>
        tpu.enqueue_dma source(%dma_start3A_112 : memref<128x128xf32, #tpu.memory_space<vmem>>) target(%dma_start3A_108 : memref<128x128xf32, #tpu.memory_space<hbm>>) target_semaphore(%run_scoped3A_100 : memref<!tpu.dma_semaphore, #tpu.memory_space<semaphore_mem>>)
        %dma_wait3A_113 = arith.constant 0 : i32
        %dma_wait3A_114 = arith.constant 0 : i32
        %dma_wait3A_115 = tpu.memref_slice %arg6[%run_scoped3A_98, %dma_wait3A_113, %dma_wait3A_114] : memref<2x128x128xf32, #tpu.memory_space<vmem>> -> memref<1x128x128xf32, #tpu.memory_space<vmem>>
        %dma_wait3A_116 = tpu.memref_squeeze %dma_wait3A_115 : memref<1x128x128xf32, #tpu.memory_space<vmem>> -> memref<128x128xf32, #tpu.memory_space<vmem>>
        %dma_wait3A_117 = arith.constant 0 : i32
        %dma_wait3A_118 = tpu.memref_slice %arg4[%multiple_of3A, %dma_wait3A_117] : memref<160000x128xf32, #tpu.memory_space<hbm>> -> memref<128x128xf32, #tpu.memory_space<hbm>>
        %dma_wait3A_119 = arith.constant 0 : i32
        %dma_wait3A_120 = tpu.memref_slice %arg4[%multiple_of3A, %dma_wait3A_119] : memref<160000x128xf32, #tpu.memory_space<hbm>> -> memref<128x128xf32, #tpu.memory_space<hbm>>
        %dma_wait3A_121 = arith.constant 0 : i32
        %dma_wait3A_122 = arith.constant 0 : i32
        %dma_wait3A_123 = tpu.memref_slice %arg6[%run_scoped3A_98, %dma_wait3A_121, %dma_wait3A_122] : memref<2x128x128xf32, #tpu.memory_space<vmem>> -> memref<1x128x128xf32, #tpu.memory_space<vmem>>
        %dma_wait3A_124 = tpu.memref_squeeze %dma_wait3A_123 : memref<1x128x128xf32, #tpu.memory_space<vmem>> -> memref<128x128xf32, #tpu.memory_space<vmem>>
        tpu.wait_dma2 semaphore(%run_scoped3A_100 : memref<!tpu.dma_semaphore, #tpu.memory_space<semaphore_mem>>) src(%dma_wait3A_124 : memref<128x128xf32, #tpu.memory_space<vmem>>) dst(%dma_wait3A_120 : memref<128x128xf32, #tpu.memory_space<hbm>>)
        tpu.yield
      }) : () -> ()
      %while3A_99 = arith.constant 0 : i32
      scf.yield %while3A_99 : i32
    }
    %while3A_67 = arith.constant 1 : i32
    %while3A_68 = scf.for %while3A_69 = %while3A_64 to %while3A_60 step %while3A_67 iter_args(%while3A_70 = %while3A_66) -> (i32)  : i32 {
      %mul3A_71 = arith.constant 32 : i32
      %mul3A_72 = arith.muli %while3A_69, %mul3A_71 : i32
      %add3A_73 = arith.addi %add3A, %mul3A_72 : i32
      %mul3A_74 = arith.constant 128 : i32
      %mul3A_75 = arith.muli %add3A_73, %mul3A_74 : i32
      %multiple_of3A = tpu.assume_multiple %mul3A_75, 8 : i32
      %run_scoped3A = arith.constant 0 : i32
      "tpu.region"() ({
        %run_scoped3A_100 = tpu.sem_alloc : memref<!tpu.dma_semaphore, #tpu.memory_space<semaphore_mem>>
        %dma_start3A_101 = arith.constant 0 : i32
        %dma_start3A_102 = tpu.memref_slice %arg5[%run_scoped3A, %dma_start3A_101] : memref<2x128xi32, #tpu.memory_space<vmem>> -> memref<1x128xi32, #tpu.memory_space<vmem>>
        %dma_start3A_103 = tpu.memref_squeeze %dma_start3A_102 : memref<1x128xi32, #tpu.memory_space<vmem>> -> memref<128xi32, #tpu.memory_space<vmem>>
        %dma_start3A_104 = tpu.memref_slice %arg3[%multiple_of3A] : memref<160000xi32, #tpu.memory_space<hbm>> -> memref<128xi32, #tpu.memory_space<hbm>>
        %dma_start3A_105 = arith.constant 0 : i32
        %dma_start3A_106 = tpu.memref_slice %arg5[%run_scoped3A, %dma_start3A_105] : memref<2x128xi32, #tpu.memory_space<vmem>> -> memref<1x128xi32, #tpu.memory_space<vmem>>
        %dma_start3A_107 = tpu.memref_squeeze %dma_start3A_106 : memref<1x128xi32, #tpu.memory_space<vmem>> -> memref<128xi32, #tpu.memory_space<vmem>>
        %dma_start3A_108 = tpu.memref_slice %arg3[%multiple_of3A] : memref<160000xi32, #tpu.memory_space<hbm>> -> memref<128xi32, #tpu.memory_space<hbm>>
        tpu.enqueue_dma source(%dma_start3A_108 : memref<128xi32, #tpu.memory_space<hbm>>) target(%dma_start3A_107 : memref<128xi32, #tpu.memory_space<vmem>>) target_semaphore(%run_scoped3A_100 : memref<!tpu.dma_semaphore, #tpu.memory_space<semaphore_mem>>)
        %dma_wait3A_109 = arith.constant 0 : i32
        %dma_wait3A_110 = tpu.memref_slice %arg5[%run_scoped3A, %dma_wait3A_109] : memref<2x128xi32, #tpu.memory_space<vmem>> -> memref<1x128xi32, #tpu.memory_space<vmem>>
        %dma_wait3A_111 = tpu.memref_squeeze %dma_wait3A_110 : memref<1x128xi32, #tpu.memory_space<vmem>> -> memref<128xi32, #tpu.memory_space<vmem>>
        %dma_wait3A_112 = tpu.memref_slice %arg3[%multiple_of3A] : memref<160000xi32, #tpu.memory_space<hbm>> -> memref<128xi32, #tpu.memory_space<hbm>>
        %dma_wait3A_113 = arith.constant 0 : i32
        %dma_wait3A_114 = tpu.memref_slice %arg5[%run_scoped3A, %dma_wait3A_113] : memref<2x128xi32, #tpu.memory_space<vmem>> -> memref<1x128xi32, #tpu.memory_space<vmem>>
        %dma_wait3A_115 = tpu.memref_squeeze %dma_wait3A_114 : memref<1x128xi32, #tpu.memory_space<vmem>> -> memref<128xi32, #tpu.memory_space<vmem>>
        %dma_wait3A_116 = tpu.memref_slice %arg3[%multiple_of3A] : memref<160000xi32, #tpu.memory_space<hbm>> -> memref<128xi32, #tpu.memory_space<hbm>>
        tpu.wait_dma2 semaphore(%run_scoped3A_100 : memref<!tpu.dma_semaphore, #tpu.memory_space<semaphore_mem>>) src(%dma_wait3A_116 : memref<128xi32, #tpu.memory_space<hbm>>) dst(%dma_wait3A_115 : memref<128xi32, #tpu.memory_space<vmem>>)
        tpu.yield
      }) : () -> ()
      %dma_start3A = arith.constant 0 : i32
      %dma_start3A_76 = arith.constant 0 : i32
      %dma_start3A_77 = arith.constant 0 : i32
      %dma_start3A_78 = arith.constant 0 : i32
      %dma_start3A_79 = tpu.memref_slice %arg6[%dma_start3A_76, %dma_start3A_77, %dma_start3A_78] : memref<2x128x128xf32, #tpu.memory_space<vmem>> -> memref<1x128x128xf32, #tpu.memory_space<vmem>>
      %dma_start3A_80 = tpu.memref_squeeze %dma_start3A_79 : memref<1x128x128xf32, #tpu.memory_space<vmem>> -> memref<128x128xf32, #tpu.memory_space<vmem>>
      %dma_start3A_81 = arith.constant 0 : i32
      %dma_start3A_82 = tpu.memref_slice %arg5[%dma_start3A, %dma_start3A_81] : memref<2x128xi32, #tpu.memory_space<vmem>> -> memref<1x128xi32, #tpu.memory_space<vmem>>
      %dma_start3A_83 = tpu.memref_squeeze %dma_start3A_82 : memref<1x128xi32, #tpu.memory_space<vmem>> -> memref<128xi32, #tpu.memory_space<vmem>>
      %dma_start3A_84 = arith.constant 0 : i32
      %dma_start3A_85 = arith.constant 0 : i32
      %dma_start3A_86 = tpu.memref_slice %arg2[%dma_start3A_84, %dma_start3A_85] : memref<160000x128xf32, #tpu.memory_space<hbm>> -> memref<160000x128xf32, #tpu.memory_space<hbm>>
      tpu.enqueue_indirect_dma source(%dma_start3A_86 : memref<160000x128xf32, #tpu.memory_space<hbm>>) target(%dma_start3A_80 : memref<128x128xf32, #tpu.memory_space<vmem>>) offsets(%dma_start3A_83 : memref<128xi32, #tpu.memory_space<vmem>>) semaphore(%arg7 : memref<!tpu.dma_semaphore, #tpu.memory_space<semaphore_mem>>)
      %dma_wait3A = arith.constant 0 : i32
      %dma_wait3A_87 = arith.constant 0 : i32
      %dma_wait3A_88 = arith.constant 0 : i32
      %dma_wait3A_89 = arith.constant 0 : i32
      %dma_wait3A_90 = tpu.memref_slice %arg6[%dma_wait3A_87, %dma_wait3A_88, %dma_wait3A_89] : memref<2x128x128xf32, #tpu.memory_space<vmem>> -> memref<1x128x128xf32, #tpu.memory_space<vmem>>
      %dma_wait3A_91 = tpu.memref_squeeze %dma_wait3A_90 : memref<1x128x128xf32, #tpu.memory_space<vmem>> -> memref<128x128xf32, #tpu.memory_space<vmem>>
      %dma_wait3A_92 = arith.constant 0 : i32
      %dma_wait3A_93 = tpu.memref_slice %arg5[%dma_wait3A, %dma_wait3A_92] : memref<2x128xi32, #tpu.memory_space<vmem>> -> memref<1x128xi32, #tpu.memory_space<vmem>>
      %dma_wait3A_94 = tpu.memref_squeeze %dma_wait3A_93 : memref<1x128xi32, #tpu.memory_space<vmem>> -> memref<128xi32, #tpu.memory_space<vmem>>
      %dma_wait3A_95 = arith.constant 0 : i32
      %dma_wait3A_96 = arith.constant 0 : i32
      %dma_wait3A_97 = tpu.memref_slice %arg2[%dma_wait3A_95, %dma_wait3A_96] : memref<160000x128xf32, #tpu.memory_space<hbm>> -> memref<160000x128xf32, #tpu.memory_space<hbm>>
      tpu.wait_indirect_dma semaphore(%arg7 : memref<!tpu.dma_semaphore, #tpu.memory_space<semaphore_mem>>) src(%dma_wait3A_97 : memref<160000x128xf32, #tpu.memory_space<hbm>>) dst(%dma_wait3A_91 : memref<128x128xf32, #tpu.memory_space<vmem>>)
      %run_scoped3A_98 = arith.constant 0 : i32
      "tpu.region"() ({
        %run_scoped3A_100 = tpu.sem_alloc : memref<!tpu.dma_semaphore, #tpu.memory_space<semaphore_mem>>
        %dma_start3A_101 = arith.constant 0 : i32
        %dma_start3A_102 = arith.constant 0 : i32
        %dma_start3A_103 = tpu.memref_slice %arg6[%run_scoped3A_98, %dma_start3A_101, %dma_start3A_102] : memref<2x128x128xf32, #tpu.memory_space<vmem>> -> memref<1x128x128xf32, #tpu.memory_space<vmem>>
        %dma_start3A_104 = tpu.memref_squeeze %dma_start3A_103 : memref<1x128x128xf32, #tpu.memory_space<vmem>> -> memref<128x128xf32, #tpu.memory_space<vmem>>
        %dma_start3A_105 = arith.constant 0 : i32
        %dma_start3A_106 = tpu.memref_slice %arg4[%multiple_of3A, %dma_start3A_105] : memref<160000x128xf32, #tpu.memory_space<hbm>> -> memref<128x128xf32, #tpu.memory_space<hbm>>
        %dma_start3A_107 = arith.constant 0 : i32
        %dma_start3A_108 = tpu.memref_slice %arg4[%multiple_of3A, %dma_start3A_107] : memref<160000x128xf32, #tpu.memory_space<hbm>> -> memref<128x128xf32, #tpu.memory_space<hbm>>
        %dma_start3A_109 = arith.constant 0 : i32
        %dma_start3A_110 = arith.constant 0 : i32
        %dma_start3A_111 = tpu.memref_slice %arg6[%run_scoped3A_98, %dma_start3A_109, %dma_start3A_110] : memref<2x128x128xf32, #tpu.memory_space<vmem>> -> memref<1x128x128xf32, #tpu.memory_space<vmem>>
        %dma_start3A_112 = tpu.memref_squeeze %dma_start3A_111 : memref<1x128x128xf32, #tpu.memory_space<vmem>> -> memref<128x128xf32, #tpu.memory_space<vmem>>
        tpu.enqueue_dma source(%dma_start3A_112 : memref<128x128xf32, #tpu.memory_space<vmem>>) target(%dma_start3A_108 : memref<128x128xf32, #tpu.memory_space<hbm>>) target_semaphore(%run_scoped3A_100 : memref<!tpu.dma_semaphore, #tpu.memory_space<semaphore_mem>>)
        %dma_wait3A_113 = arith.constant 0 : i32
        %dma_wait3A_114 = arith.constant 0 : i32
        %dma_wait3A_115 = tpu.memref_slice %arg6[%run_scoped3A_98, %dma_wait3A_113, %dma_wait3A_114] : memref<2x128x128xf32, #tpu.memory_space<vmem>> -> memref<1x128x128xf32, #tpu.memory_space<vmem>>
        %dma_wait3A_116 = tpu.memref_squeeze %dma_wait3A_115 : memref<1x128x128xf32, #tpu.memory_space<vmem>> -> memref<128x128xf32, #tpu.memory_space<vmem>>
        %dma_wait3A_117 = arith.constant 0 : i32
        %dma_wait3A_118 = tpu.memref_slice %arg4[%multiple_of3A, %dma_wait3A_117] : memref<160000x128xf32, #tpu.memory_space<hbm>> -> memref<128x128xf32, #tpu.memory_space<hbm>>
        %dma_wait3A_119 = arith.constant 0 : i32
        %dma_wait3A_120 = tpu.memref_slice %arg4[%multiple_of3A, %dma_wait3A_119] : memref<160000x128xf32, #tpu.memory_space<hbm>> -> memref<128x128xf32, #tpu.memory_space<hbm>>
        %dma_wait3A_121 = arith.constant 0 : i32
        %dma_wait3A_122 = arith.constant 0 : i32
        %dma_wait3A_123 = tpu.memref_slice %arg6[%run_scoped3A_98, %dma_wait3A_121, %dma_wait3A_122] : memref<2x128x128xf32, #tpu.memory_space<vmem>> -> memref<1x128x128xf32, #tpu.memory_space<vmem>>
        %dma_wait3A_124 = tpu.memref_squeeze %dma_wait3A_123 : memref<1x128x128xf32, #tpu.memory_space<vmem>> -> memref<128x128xf32, #tpu.memory_space<vmem>>
        tpu.wait_dma2 semaphore(%run_scoped3A_100 : memref<!tpu.dma_semaphore, #tpu.memory_space<semaphore_mem>>) src(%dma_wait3A_124 : memref<128x128xf32, #tpu.memory_space<vmem>>) dst(%dma_wait3A_120 : memref<128x128xf32, #tpu.memory_space<hbm>>)
        tpu.yield
      }) : () -> ()
      %while3A_99 = arith.constant 0 : i32
      scf.yield %while3A_99 : i32
    }
    return
  }
}

#map = affine_map<(d0, d1) -> (0, 0)>
module attributes {stable_mosaic.version = 14 : i64} {
  func.func @_sc_scatter(%arg0: i32, %arg1: i32, %arg2: memref<160000x128xf32, #tpu.memory_space<hbm>>, %arg3: memref<16x10000xi32, #tpu.memory_space<hbm>>, %arg4: memref<160000x128xf32, #tpu.memory_space<hbm>>, %arg5: memref<10000xi32, #tpu.memory_space<vmem>>, %arg6: memref<10128xi32, #tpu.memory_space<vmem>>, %arg7: memref<2x128xi32, #tpu.memory_space<vmem>>, %arg8: memref<2x128xi32, #tpu.memory_space<vmem>>, %arg9: memref<2x128x128xf32, #tpu.memory_space<vmem>>, %arg10: memref<64x128xf32, #tpu.memory_space<vmem>>, %arg11: memref<6408x128xf32, #tpu.memory_space<vmem_shared>>, %arg12: memref<!tpu.dma_semaphore, #tpu.memory_space<semaphore_mem>>, %arg13: memref<!tpu.dma_semaphore, #tpu.memory_space<semaphore_mem>>, %arg14: memref<!tpu.dma_semaphore, #tpu.memory_space<semaphore_mem>>) attributes {dimension_semantics = [#tpu.dimension_semantics<core_parallel>, #tpu.dimension_semantics<subcore_parallel>], iteration_bounds = array<i64: 2, 16>, scalar_prefetch = 0 : i64, scratch_operands = 10 : i64, tpu.core_type = #tpu.core_type<sc_vector_subcore>, window_params = [{transform_indices = #map}, {transform_indices = #map}, {transform_indices = #map}]} {
    %mul3A = arith.constant 10000 : i32
    %mul3A_0 = arith.muli %arg1, %mul3A : i32
    "tpu.region"() ({
      %run_scoped3A = tpu.sem_alloc : memref<!tpu.dma_semaphore, #tpu.memory_space<semaphore_mem>>
      %dma_start3A = arith.constant 0 : i32
      %dma_start3A_22 = tpu.memref_slice %arg3[%arg1, %dma_start3A] : memref<16x10000xi32, #tpu.memory_space<hbm>> -> memref<1x10000xi32, #tpu.memory_space<hbm>>
      %dma_start3A_23 = tpu.memref_squeeze %dma_start3A_22 : memref<1x10000xi32, #tpu.memory_space<hbm>> -> memref<10000xi32, #tpu.memory_space<hbm>>
      %dma_start3A_24 = arith.constant 0 : i32
      %dma_start3A_25 = tpu.memref_slice %arg3[%arg1, %dma_start3A_24] : memref<16x10000xi32, #tpu.memory_space<hbm>> -> memref<1x10000xi32, #tpu.memory_space<hbm>>
      %dma_start3A_26 = tpu.memref_squeeze %dma_start3A_25 : memref<1x10000xi32, #tpu.memory_space<hbm>> -> memref<10000xi32, #tpu.memory_space<hbm>>
      tpu.enqueue_dma source(%dma_start3A_26 : memref<10000xi32, #tpu.memory_space<hbm>>) target(%arg5 : memref<10000xi32, #tpu.memory_space<vmem>>) target_semaphore(%run_scoped3A : memref<!tpu.dma_semaphore, #tpu.memory_space<semaphore_mem>>)
      %dma_wait3A_27 = arith.constant 0 : i32
      %dma_wait3A_28 = tpu.memref_slice %arg3[%arg1, %dma_wait3A_27] : memref<16x10000xi32, #tpu.memory_space<hbm>> -> memref<1x10000xi32, #tpu.memory_space<hbm>>
      %dma_wait3A_29 = tpu.memref_squeeze %dma_wait3A_28 : memref<1x10000xi32, #tpu.memory_space<hbm>> -> memref<10000xi32, #tpu.memory_space<hbm>>
      %dma_wait3A_30 = arith.constant 0 : i32
      %dma_wait3A_31 = tpu.memref_slice %arg3[%arg1, %dma_wait3A_30] : memref<16x10000xi32, #tpu.memory_space<hbm>> -> memref<1x10000xi32, #tpu.memory_space<hbm>>
      %dma_wait3A_32 = tpu.memref_squeeze %dma_wait3A_31 : memref<1x10000xi32, #tpu.memory_space<hbm>> -> memref<10000xi32, #tpu.memory_space<hbm>>
      tpu.wait_dma2 semaphore(%run_scoped3A : memref<!tpu.dma_semaphore, #tpu.memory_space<semaphore_mem>>) src(%dma_wait3A_32 : memref<10000xi32, #tpu.memory_space<hbm>>) dst(%arg5 : memref<10000xi32, #tpu.memory_space<vmem>>)
      tpu.yield
    }) : () -> ()
    %broadcast_in_dim3A = arith.constant 0.000000e+00 : f32
    %broadcast_in_dim3A_1 = vector.broadcast %broadcast_in_dim3A : f32 to vector<16xf32>
    %scan3A = arith.constant 0 : i32
    %scan3A_2 = arith.constant 0 : i32
    %scan3A_3 = arith.constant 64 : i32
    %scan3A_4 = arith.addi %scan3A_2, %scan3A_3 : i32
    %scan3A_5 = arith.constant 1 : i32
    %scan3A_6 = scf.for %scan3A_22 = %scan3A_2 to %scan3A_4 step %scan3A_5 iter_args(%scan3A_23 = %scan3A) -> (i32)  : i32 {
      %swap3A = arith.index_cast %scan3A_22 : i32 to index
      %swap3A_24 = arith.constant 0 : index
      %swap3A_25 = tpu.vector_load %arg10[%swap3A, %swap3A_24] {strides = array<i32>} : memref<64x128xf32, #tpu.memory_space<vmem>>, vector<16xf32>,
      tpu.vector_store %arg10[%swap3A, %swap3A_24], %broadcast_in_dim3A_1 {strides = array<i32>} : memref<64x128xf32, #tpu.memory_space<vmem>>, vector<16xf32>,
      %swap3A_26 = arith.index_cast %scan3A_22 : i32 to index
      %swap3A_27 = arith.constant 16 : index
      %swap3A_28 = tpu.vector_load %arg10[%swap3A_26, %swap3A_27] {strides = array<i32>} : memref<64x128xf32, #tpu.memory_space<vmem>>, vector<16xf32>,
      tpu.vector_store %arg10[%swap3A_26, %swap3A_27], %broadcast_in_dim3A_1 {strides = array<i32>} : memref<64x128xf32, #tpu.memory_space<vmem>>, vector<16xf32>,
      %swap3A_29 = arith.index_cast %scan3A_22 : i32 to index
      %swap3A_30 = arith.constant 32 : index
      %swap3A_31 = tpu.vector_load %arg10[%swap3A_29, %swap3A_30] {strides = array<i32>} : memref<64x128xf32, #tpu.memory_space<vmem>>, vector<16xf32>,
      tpu.vector_store %arg10[%swap3A_29, %swap3A_30], %broadcast_in_dim3A_1 {strides = array<i32>} : memref<64x128xf32, #tpu.memory_space<vmem>>, vector<16xf32>,
      %swap3A_32 = arith.index_cast %scan3A_22 : i32 to index
      %swap3A_33 = arith.constant 48 : index
      %swap3A_34 = tpu.vector_load %arg10[%swap3A_32, %swap3A_33] {strides = array<i32>} : memref<64x128xf32, #tpu.memory_space<vmem>>, vector<16xf32>,
      tpu.vector_store %arg10[%swap3A_32, %swap3A_33], %broadcast_in_dim3A_1 {strides = array<i32>} : memref<64x128xf32, #tpu.memory_space<vmem>>, vector<16xf32>,
      %swap3A_35 = arith.index_cast %scan3A_22 : i32 to index
      %swap3A_36 = arith.constant 64 : index
      %swap3A_37 = tpu.vector_load %arg10[%swap3A_35, %swap3A_36] {strides = array<i32>} : memref<64x128xf32, #tpu.memory_space<vmem>>, vector<16xf32>,
      tpu.vector_store %arg10[%swap3A_35, %swap3A_36], %broadcast_in_dim3A_1 {strides = array<i32>} : memref<64x128xf32, #tpu.memory_space<vmem>>, vector<16xf32>,
      %swap3A_38 = arith.index_cast %scan3A_22 : i32 to index
      %swap3A_39 = arith.constant 80 : index
      %swap3A_40 = tpu.vector_load %arg10[%swap3A_38, %swap3A_39] {strides = array<i32>} : memref<64x128xf32, #tpu.memory_space<vmem>>, vector<16xf32>,
      tpu.vector_store %arg10[%swap3A_38, %swap3A_39], %broadcast_in_dim3A_1 {strides = array<i32>} : memref<64x128xf32, #tpu.memory_space<vmem>>, vector<16xf32>,
      %swap3A_41 = arith.index_cast %scan3A_22 : i32 to index
      %swap3A_42 = arith.constant 96 : index
      %swap3A_43 = tpu.vector_load %arg10[%swap3A_41, %swap3A_42] {strides = array<i32>} : memref<64x128xf32, #tpu.memory_space<vmem>>, vector<16xf32>,
      tpu.vector_store %arg10[%swap3A_41, %swap3A_42], %broadcast_in_dim3A_1 {strides = array<i32>} : memref<64x128xf32, #tpu.memory_space<vmem>>, vector<16xf32>,
      %swap3A_44 = arith.index_cast %scan3A_22 : i32 to index
      %swap3A_45 = arith.constant 112 : index
      %swap3A_46 = tpu.vector_load %arg10[%swap3A_44, %swap3A_45] {strides = array<i32>} : memref<64x128xf32, #tpu.memory_space<vmem>>, vector<16xf32>,
      tpu.vector_store %arg10[%swap3A_44, %swap3A_45], %broadcast_in_dim3A_1 {strides = array<i32>} : memref<64x128xf32, #tpu.memory_space<vmem>>, vector<16xf32>,
      %scan3A_47 = arith.constant 0 : i32
      scf.yield %scan3A_47 : i32
    }
    %scan3A_7 = arith.constant 64 : i32
    %iota3A = tpu.iota {dimensions = array<i32: 0>} : vector<16xi32>
    %scan3A_8 = arith.constant 0 : i32
    %scan3A_9 = arith.constant 0 : i32
    %scan3A_10 = arith.constant 13 : i32
    %scan3A_11 = arith.addi %scan3A_9, %scan3A_10 : i32
    %scan3A_12 = arith.constant 1 : i32
    %scan3A_13 = scf.for %scan3A_22 = %scan3A_9 to %scan3A_11 step %scan3A_12 iter_args(%scan3A_23 = %scan3A_8) -> (i32)  : i32 {
      %mul3A_24 = arith.constant 2 : i32
      %mul3A_25 = arith.muli %scan3A_22, %mul3A_24 : i32
      %add3A = arith.addi %mul3A_25, %arg0 : i32
      %mul3A_26 = arith.constant 6400 : i32
      %mul3A_27 = arith.muli %add3A, %mul3A_26 : i32
      %lt3A = arith.constant 25 : i32
      %lt3A_28 = arith.cmpi slt, %add3A, %lt3A : i32
      %broadcast_in_dim3A_29 = arith.constant 0 : i32
      %broadcast_in_dim3A_30 = vector.broadcast %broadcast_in_dim3A_29 : i32 to vector<16xi32>
      %scan3A_31 = arith.constant 0 : i32
      %scan3A_32 = arith.constant 125 : i32
      %scan3A_33 = arith.addi %scan3A_31, %scan3A_32 : i32
      %scan3A_34 = arith.constant 1 : i32
      %scan3A_35 = scf.for %scan3A_382 = %scan3A_31 to %scan3A_33 step %scan3A_34 iter_args(%scan3A_383 = %broadcast_in_dim3A_30) -> (vector<16xi32>)  : i32 {
        %mul3A_384 = arith.constant 5 : i32
        %mul3A_385 = arith.muli %scan3A_382, %mul3A_384 : i32
        %add3A_386 = arith.constant 0 : i32
        %add3A_387 = arith.addi %mul3A_385, %add3A_386 : i32
        %mul3A_388 = arith.constant 16 : i32
        %mul3A_389 = arith.muli %add3A_387, %mul3A_388 : i32
        %get3A_390 = arith.index_cast %mul3A_389 : i32 to index
        %get3A_391 = tpu.vector_load %arg5[%get3A_390] {strides = array<i32>} : memref<10000xi32, #tpu.memory_space<vmem>>, vector<16xi32>,
        %ge3A_392 = vector.broadcast %mul3A_27 : i32 to vector<16xi32>
        %ge3A_393 = arith.cmpi sge, %get3A_391, %ge3A_392 : vector<16xi32>
        %add3A_394 = arith.constant 6400 : i32
        %add3A_395 = arith.addi %mul3A_27, %add3A_394 : i32
        %lt3A_396 = vector.broadcast %add3A_395 : i32 to vector<16xi32>
        %lt3A_397 = arith.cmpi slt, %get3A_391, %lt3A_396 : vector<16xi32>
        %and3A_398 = arith.andi %ge3A_393, %lt3A_397 : vector<16xi1>
        %convert_element_type3A_399 = arith.extui %and3A_398 : vector<16xi1> to vector<16xi32>
        %broadcast_in_dim3A_400 = arith.constant true
        %broadcast_in_dim3A_401 = vector.broadcast %broadcast_in_dim3A_400 : i1 to vector<16xi1>
        %masked_cumsum3A = tpu.scan <sum>, %convert_element_type3A_399 masked %broadcast_in_dim3A_401 : vector<16xi32>, vector<16xi1> -> vector<16xi32>
        %sub3A_402 = arith.constant 1 : i32
        %sub3A_403 = vector.broadcast %sub3A_402 : i32 to vector<16xi32>
        %sub3A_404 = arith.subi %scan3A_383, %sub3A_403 : vector<16xi32>
        %add3A_405 = arith.addi %sub3A_404, %masked_cumsum3A : vector<16xi32>
        %mul3A_406 = arith.constant 16 : i32
        %mul3A_407 = arith.muli %add3A_387, %mul3A_406 : i32
        %add3A_408 = arith.addi %mul3A_0, %mul3A_407 : i32
        %add3A_409 = vector.broadcast %add3A_408 : i32 to vector<16xi32>
        %add3A_410 = arith.addi %add3A_409, %iota3A : vector<16xi32>
        %mul3A_411 = arith.constant 8192 : i32
        %mul3A_412 = vector.broadcast %mul3A_411 : i32 to vector<16xi32>
        %mul3A_413 = arith.muli %add3A_410, %mul3A_412 : vector<16xi32>
        %sub3A_414 = vector.broadcast %mul3A_27 : i32 to vector<16xi32>
        %sub3A_415 = arith.subi %get3A_391, %sub3A_414 : vector<16xi32>
        %add3A_416 = arith.addi %mul3A_413, %sub3A_415 : vector<16xi32>
        tpu.vector_store_idx %arg6[%add3A_405], %add3A_416 masked %and3A_398 : memref<10128xi32, #tpu.memory_space<vmem>>[vector<16xi32>], vector<16xi32>, vector<16xi1>
        %all_reduce_population_count3A = tpu.all_reduce %and3A_398 {dim = 0 : i64, kind = #tpu.reduction_kind<sum>} : vector<16xi1> -> vector<16xi32>
        %add3A_417 = arith.addi %scan3A_383, %all_reduce_population_count3A : vector<16xi32>
        %mul3A_418 = arith.constant 5 : i32
        %mul3A_419 = arith.muli %scan3A_382, %mul3A_418 : i32
        %add3A_420 = arith.constant 1 : i32
        %add3A_421 = arith.addi %mul3A_419, %add3A_420 : i32
        %mul3A_422 = arith.constant 16 : i32
        %mul3A_423 = arith.muli %add3A_421, %mul3A_422 : i32
        %get3A_424 = arith.index_cast %mul3A_423 : i32 to index
        %get3A_425 = tpu.vector_load %arg5[%get3A_424] {strides = array<i32>} : memref<10000xi32, #tpu.memory_space<vmem>>, vector<16xi32>,
        %ge3A_426 = vector.broadcast %mul3A_27 : i32 to vector<16xi32>
        %ge3A_427 = arith.cmpi sge, %get3A_425, %ge3A_426 : vector<16xi32>
        %add3A_428 = arith.constant 6400 : i32
        %add3A_429 = arith.addi %mul3A_27, %add3A_428 : i32
        %lt3A_430 = vector.broadcast %add3A_429 : i32 to vector<16xi32>
        %lt3A_431 = arith.cmpi slt, %get3A_425, %lt3A_430 : vector<16xi32>
        %and3A_432 = arith.andi %ge3A_427, %lt3A_431 : vector<16xi1>
        %convert_element_type3A_433 = arith.extui %and3A_432 : vector<16xi1> to vector<16xi32>
        %broadcast_in_dim3A_434 = arith.constant true
        %broadcast_in_dim3A_435 = vector.broadcast %broadcast_in_dim3A_434 : i1 to vector<16xi1>
        %masked_cumsum3A_436 = tpu.scan <sum>, %convert_element_type3A_433 masked %broadcast_in_dim3A_435 : vector<16xi32>, vector<16xi1> -> vector<16xi32>
        %sub3A_437 = arith.constant 1 : i32
        %sub3A_438 = vector.broadcast %sub3A_437 : i32 to vector<16xi32>
        %sub3A_439 = arith.subi %add3A_417, %sub3A_438 : vector<16xi32>
        %add3A_440 = arith.addi %sub3A_439, %masked_cumsum3A_436 : vector<16xi32>
        %mul3A_441 = arith.constant 16 : i32
        %mul3A_442 = arith.muli %add3A_421, %mul3A_441 : i32
        %add3A_443 = arith.addi %mul3A_0, %mul3A_442 : i32
        %add3A_444 = vector.broadcast %add3A_443 : i32 to vector<16xi32>
        %add3A_445 = arith.addi %add3A_444, %iota3A : vector<16xi32>
        %mul3A_446 = arith.constant 8192 : i32
        %mul3A_447 = vector.broadcast %mul3A_446 : i32 to vector<16xi32>
        %mul3A_448 = arith.muli %add3A_445, %mul3A_447 : vector<16xi32>
        %sub3A_449 = vector.broadcast %mul3A_27 : i32 to vector<16xi32>
        %sub3A_450 = arith.subi %get3A_425, %sub3A_449 : vector<16xi32>
        %add3A_451 = arith.addi %mul3A_448, %sub3A_450 : vector<16xi32>
        tpu.vector_store_idx %arg6[%add3A_440], %add3A_451 masked %and3A_432 : memref<10128xi32, #tpu.memory_space<vmem>>[vector<16xi32>], vector<16xi32>, vector<16xi1>
        %all_reduce_population_count3A_452 = tpu.all_reduce %and3A_432 {dim = 0 : i64, kind = #tpu.reduction_kind<sum>} : vector<16xi1> -> vector<16xi32>
        %add3A_453 = arith.addi %add3A_417, %all_reduce_population_count3A_452 : vector<16xi32>
        %mul3A_454 = arith.constant 5 : i32
        %mul3A_455 = arith.muli %scan3A_382, %mul3A_454 : i32
        %add3A_456 = arith.constant 2 : i32
        %add3A_457 = arith.addi %mul3A_455, %add3A_456 : i32
        %mul3A_458 = arith.constant 16 : i32
        %mul3A_459 = arith.muli %add3A_457, %mul3A_458 : i32
        %get3A_460 = arith.index_cast %mul3A_459 : i32 to index
        %get3A_461 = tpu.vector_load %arg5[%get3A_460] {strides = array<i32>} : memref<10000xi32, #tpu.memory_space<vmem>>, vector<16xi32>,
        %ge3A_462 = vector.broadcast %mul3A_27 : i32 to vector<16xi32>
        %ge3A_463 = arith.cmpi sge, %get3A_461, %ge3A_462 : vector<16xi32>
        %add3A_464 = arith.constant 6400 : i32
        %add3A_465 = arith.addi %mul3A_27, %add3A_464 : i32
        %lt3A_466 = vector.broadcast %add3A_465 : i32 to vector<16xi32>
        %lt3A_467 = arith.cmpi slt, %get3A_461, %lt3A_466 : vector<16xi32>
        %and3A_468 = arith.andi %ge3A_463, %lt3A_467 : vector<16xi1>
        %convert_element_type3A_469 = arith.extui %and3A_468 : vector<16xi1> to vector<16xi32>
        %broadcast_in_dim3A_470 = arith.constant true
        %broadcast_in_dim3A_471 = vector.broadcast %broadcast_in_dim3A_470 : i1 to vector<16xi1>
        %masked_cumsum3A_472 = tpu.scan <sum>, %convert_element_type3A_469 masked %broadcast_in_dim3A_471 : vector<16xi32>, vector<16xi1> -> vector<16xi32>
        %sub3A_473 = arith.constant 1 : i32
        %sub3A_474 = vector.broadcast %sub3A_473 : i32 to vector<16xi32>
        %sub3A_475 = arith.subi %add3A_453, %sub3A_474 : vector<16xi32>
        %add3A_476 = arith.addi %sub3A_475, %masked_cumsum3A_472 : vector<16xi32>
        %mul3A_477 = arith.constant 16 : i32
        %mul3A_478 = arith.muli %add3A_457, %mul3A_477 : i32
        %add3A_479 = arith.addi %mul3A_0, %mul3A_478 : i32
        %add3A_480 = vector.broadcast %add3A_479 : i32 to vector<16xi32>
        %add3A_481 = arith.addi %add3A_480, %iota3A : vector<16xi32>
        %mul3A_482 = arith.constant 8192 : i32
        %mul3A_483 = vector.broadcast %mul3A_482 : i32 to vector<16xi32>
        %mul3A_484 = arith.muli %add3A_481, %mul3A_483 : vector<16xi32>
        %sub3A_485 = vector.broadcast %mul3A_27 : i32 to vector<16xi32>
        %sub3A_486 = arith.subi %get3A_461, %sub3A_485 : vector<16xi32>
        %add3A_487 = arith.addi %mul3A_484, %sub3A_486 : vector<16xi32>
        tpu.vector_store_idx %arg6[%add3A_476], %add3A_487 masked %and3A_468 : memref<10128xi32, #tpu.memory_space<vmem>>[vector<16xi32>], vector<16xi32>, vector<16xi1>
        %all_reduce_population_count3A_488 = tpu.all_reduce %and3A_468 {dim = 0 : i64, kind = #tpu.reduction_kind<sum>} : vector<16xi1> -> vector<16xi32>
        %add3A_489 = arith.addi %add3A_453, %all_reduce_population_count3A_488 : vector<16xi32>
        %mul3A_490 = arith.constant 5 : i32
        %mul3A_491 = arith.muli %scan3A_382, %mul3A_490 : i32
        %add3A_492 = arith.constant 3 : i32
        %add3A_493 = arith.addi %mul3A_491, %add3A_492 : i32
        %mul3A_494 = arith.constant 16 : i32
        %mul3A_495 = arith.muli %add3A_493, %mul3A_494 : i32
        %get3A_496 = arith.index_cast %mul3A_495 : i32 to index
        %get3A_497 = tpu.vector_load %arg5[%get3A_496] {strides = array<i32>} : memref<10000xi32, #tpu.memory_space<vmem>>, vector<16xi32>,
        %ge3A_498 = vector.broadcast %mul3A_27 : i32 to vector<16xi32>
        %ge3A_499 = arith.cmpi sge, %get3A_497, %ge3A_498 : vector<16xi32>
        %add3A_500 = arith.constant 6400 : i32
        %add3A_501 = arith.addi %mul3A_27, %add3A_500 : i32
        %lt3A_502 = vector.broadcast %add3A_501 : i32 to vector<16xi32>
        %lt3A_503 = arith.cmpi slt, %get3A_497, %lt3A_502 : vector<16xi32>
        %and3A_504 = arith.andi %ge3A_499, %lt3A_503 : vector<16xi1>
        %convert_element_type3A_505 = arith.extui %and3A_504 : vector<16xi1> to vector<16xi32>
        %broadcast_in_dim3A_506 = arith.constant true
        %broadcast_in_dim3A_507 = vector.broadcast %broadcast_in_dim3A_506 : i1 to vector<16xi1>
        %masked_cumsum3A_508 = tpu.scan <sum>, %convert_element_type3A_505 masked %broadcast_in_dim3A_507 : vector<16xi32>, vector<16xi1> -> vector<16xi32>
        %sub3A_509 = arith.constant 1 : i32
        %sub3A_510 = vector.broadcast %sub3A_509 : i32 to vector<16xi32>
        %sub3A_511 = arith.subi %add3A_489, %sub3A_510 : vector<16xi32>
        %add3A_512 = arith.addi %sub3A_511, %masked_cumsum3A_508 : vector<16xi32>
        %mul3A_513 = arith.constant 16 : i32
        %mul3A_514 = arith.muli %add3A_493, %mul3A_513 : i32
        %add3A_515 = arith.addi %mul3A_0, %mul3A_514 : i32
        %add3A_516 = vector.broadcast %add3A_515 : i32 to vector<16xi32>
        %add3A_517 = arith.addi %add3A_516, %iota3A : vector<16xi32>
        %mul3A_518 = arith.constant 8192 : i32
        %mul3A_519 = vector.broadcast %mul3A_518 : i32 to vector<16xi32>
        %mul3A_520 = arith.muli %add3A_517, %mul3A_519 : vector<16xi32>
        %sub3A_521 = vector.broadcast %mul3A_27 : i32 to vector<16xi32>
        %sub3A_522 = arith.subi %get3A_497, %sub3A_521 : vector<16xi32>
        %add3A_523 = arith.addi %mul3A_520, %sub3A_522 : vector<16xi32>
        tpu.vector_store_idx %arg6[%add3A_512], %add3A_523 masked %and3A_504 : memref<10128xi32, #tpu.memory_space<vmem>>[vector<16xi32>], vector<16xi32>, vector<16xi1>
        %all_reduce_population_count3A_524 = tpu.all_reduce %and3A_504 {dim = 0 : i64, kind = #tpu.reduction_kind<sum>} : vector<16xi1> -> vector<16xi32>
        %add3A_525 = arith.addi %add3A_489, %all_reduce_population_count3A_524 : vector<16xi32>
        %mul3A_526 = arith.constant 5 : i32
        %mul3A_527 = arith.muli %scan3A_382, %mul3A_526 : i32
        %add3A_528 = arith.constant 4 : i32
        %add3A_529 = arith.addi %mul3A_527, %add3A_528 : i32
        %mul3A_530 = arith.constant 16 : i32
        %mul3A_531 = arith.muli %add3A_529, %mul3A_530 : i32
        %get3A_532 = arith.index_cast %mul3A_531 : i32 to index
        %get3A_533 = tpu.vector_load %arg5[%get3A_532] {strides = array<i32>} : memref<10000xi32, #tpu.memory_space<vmem>>, vector<16xi32>,
        %ge3A_534 = vector.broadcast %mul3A_27 : i32 to vector<16xi32>
        %ge3A_535 = arith.cmpi sge, %get3A_533, %ge3A_534 : vector<16xi32>
        %add3A_536 = arith.constant 6400 : i32
        %add3A_537 = arith.addi %mul3A_27, %add3A_536 : i32
        %lt3A_538 = vector.broadcast %add3A_537 : i32 to vector<16xi32>
        %lt3A_539 = arith.cmpi slt, %get3A_533, %lt3A_538 : vector<16xi32>
        %and3A_540 = arith.andi %ge3A_535, %lt3A_539 : vector<16xi1>
        %convert_element_type3A_541 = arith.extui %and3A_540 : vector<16xi1> to vector<16xi32>
        %broadcast_in_dim3A_542 = arith.constant true
        %broadcast_in_dim3A_543 = vector.broadcast %broadcast_in_dim3A_542 : i1 to vector<16xi1>
        %masked_cumsum3A_544 = tpu.scan <sum>, %convert_element_type3A_541 masked %broadcast_in_dim3A_543 : vector<16xi32>, vector<16xi1> -> vector<16xi32>
        %sub3A_545 = arith.constant 1 : i32
        %sub3A_546 = vector.broadcast %sub3A_545 : i32 to vector<16xi32>
        %sub3A_547 = arith.subi %add3A_525, %sub3A_546 : vector<16xi32>
        %add3A_548 = arith.addi %sub3A_547, %masked_cumsum3A_544 : vector<16xi32>
        %mul3A_549 = arith.constant 16 : i32
        %mul3A_550 = arith.muli %add3A_529, %mul3A_549 : i32
        %add3A_551 = arith.addi %mul3A_0, %mul3A_550 : i32
        %add3A_552 = vector.broadcast %add3A_551 : i32 to vector<16xi32>
        %add3A_553 = arith.addi %add3A_552, %iota3A : vector<16xi32>
        %mul3A_554 = arith.constant 8192 : i32
        %mul3A_555 = vector.broadcast %mul3A_554 : i32 to vector<16xi32>
        %mul3A_556 = arith.muli %add3A_553, %mul3A_555 : vector<16xi32>
        %sub3A_557 = vector.broadcast %mul3A_27 : i32 to vector<16xi32>
        %sub3A_558 = arith.subi %get3A_533, %sub3A_557 : vector<16xi32>
        %add3A_559 = arith.addi %mul3A_556, %sub3A_558 : vector<16xi32>
        tpu.vector_store_idx %arg6[%add3A_548], %add3A_559 masked %and3A_540 : memref<10128xi32, #tpu.memory_space<vmem>>[vector<16xi32>], vector<16xi32>, vector<16xi1>
        %all_reduce_population_count3A_560 = tpu.all_reduce %and3A_540 {dim = 0 : i64, kind = #tpu.reduction_kind<sum>} : vector<16xi1> -> vector<16xi32>
        %add3A_561 = arith.addi %add3A_525, %all_reduce_population_count3A_560 : vector<16xi32>
        scf.yield %add3A_561 : vector<16xi32>
      }
      %scan3A_36 = arith.constant 125 : i32
      %reduce_max3A = arith.constant true
      %reduce_max3A_37 = vector.broadcast %reduce_max3A : i1 to vector<16xi1>
      %reduce_max3A_38 = arith.constant -2147483648 : i32
      %reduce_max3A_39 = vector.broadcast %reduce_max3A_38 : i32 to vector<16xi32>
      %reduce_max3A_40 = arith.xori %scan3A_35, %reduce_max3A_39 : vector<16xi32>
      %reduce_max3A_41 = tpu.scan <max>, %reduce_max3A_40 masked %reduce_max3A_37 : vector<16xi32>, vector<16xi1> -> vector<16xi32>
      %reduce_max3A_42 = arith.xori %reduce_max3A_41, %reduce_max3A_39 : vector<16xi32>
      %reduce_max3A_43 = vector.extract %reduce_max3A_42[15] : i32 from vector<16xi32>
      %add3A_44 = arith.constant 10000 : i32
      %add3A_45 = arith.addi %mul3A_0, %add3A_44 : i32
      %rem3A = arith.constant 160000 : i32
      %rem3A_46 = arith.remsi %add3A_45, %rem3A : i32
      %ge3A = arith.constant 0 : i32
      %ge3A_47 = vector.broadcast %ge3A : i32 to vector<16xi32>
      %ge3A_48 = arith.cmpi sge, %iota3A, %ge3A_47 : vector<16xi32>
      %add3A_49 = arith.constant 0 : i32
      %add3A_50 = vector.broadcast %add3A_49 : i32 to vector<16xi32>
      %add3A_51 = arith.addi %scan3A_35, %add3A_50 : vector<16xi32>
      %add3A_52 = arith.addi %add3A_51, %iota3A : vector<16xi32>
      %add3A_53 = arith.constant 0 : i32
      %add3A_54 = arith.addi %rem3A_46, %add3A_53 : i32
      %add3A_55 = vector.broadcast %add3A_54 : i32 to vector<16xi32>
      %add3A_56 = arith.addi %add3A_55, %iota3A : vector<16xi32>
      %mul3A_57 = arith.constant 8192 : i32
      %mul3A_58 = vector.broadcast %mul3A_57 : i32 to vector<16xi32>
      %mul3A_59 = arith.muli %add3A_56, %mul3A_58 : vector<16xi32>
      %add3A_60 = arith.constant 6400 : i32
      %add3A_61 = vector.broadcast %add3A_60 : i32 to vector<16xi32>
      %add3A_62 = arith.addi %mul3A_59, %add3A_61 : vector<16xi32>
      tpu.vector_store_idx %arg6[%add3A_52], %add3A_62 masked %ge3A_48 : memref<10128xi32, #tpu.memory_space<vmem>>[vector<16xi32>], vector<16xi32>, vector<16xi1>
      %add3A_63 = arith.constant 16 : i32
      %add3A_64 = vector.broadcast %add3A_63 : i32 to vector<16xi32>
      %add3A_65 = arith.addi %scan3A_35, %add3A_64 : vector<16xi32>
      %add3A_66 = arith.addi %add3A_65, %iota3A : vector<16xi32>
      %add3A_67 = arith.constant 16 : i32
      %add3A_68 = arith.addi %rem3A_46, %add3A_67 : i32
      %add3A_69 = vector.broadcast %add3A_68 : i32 to vector<16xi32>
      %add3A_70 = arith.addi %add3A_69, %iota3A : vector<16xi32>
      %mul3A_71 = arith.constant 8192 : i32
      %mul3A_72 = vector.broadcast %mul3A_71 : i32 to vector<16xi32>
      %mul3A_73 = arith.muli %add3A_70, %mul3A_72 : vector<16xi32>
      %add3A_74 = arith.constant 6400 : i32
      %add3A_75 = vector.broadcast %add3A_74 : i32 to vector<16xi32>
      %add3A_76 = arith.addi %mul3A_73, %add3A_75 : vector<16xi32>
      tpu.vector_store_idx %arg6[%add3A_66], %add3A_76 masked %ge3A_48 : memref<10128xi32, #tpu.memory_space<vmem>>[vector<16xi32>], vector<16xi32>, vector<16xi1>
      %add3A_77 = arith.constant 32 : i32
      %add3A_78 = vector.broadcast %add3A_77 : i32 to vector<16xi32>
      %add3A_79 = arith.addi %scan3A_35, %add3A_78 : vector<16xi32>
      %add3A_80 = arith.addi %add3A_79, %iota3A : vector<16xi32>
      %add3A_81 = arith.constant 32 : i32
      %add3A_82 = arith.addi %rem3A_46, %add3A_81 : i32
      %add3A_83 = vector.broadcast %add3A_82 : i32 to vector<16xi32>
      %add3A_84 = arith.addi %add3A_83, %iota3A : vector<16xi32>
      %mul3A_85 = arith.constant 8192 : i32
      %mul3A_86 = vector.broadcast %mul3A_85 : i32 to vector<16xi32>
      %mul3A_87 = arith.muli %add3A_84, %mul3A_86 : vector<16xi32>
      %add3A_88 = arith.constant 6400 : i32
      %add3A_89 = vector.broadcast %add3A_88 : i32 to vector<16xi32>
      %add3A_90 = arith.addi %mul3A_87, %add3A_89 : vector<16xi32>
      tpu.vector_store_idx %arg6[%add3A_80], %add3A_90 masked %ge3A_48 : memref<10128xi32, #tpu.memory_space<vmem>>[vector<16xi32>], vector<16xi32>, vector<16xi1>
      %add3A_91 = arith.constant 48 : i32
      %add3A_92 = vector.broadcast %add3A_91 : i32 to vector<16xi32>
      %add3A_93 = arith.addi %scan3A_35, %add3A_92 : vector<16xi32>
      %add3A_94 = arith.addi %add3A_93, %iota3A : vector<16xi32>
      %add3A_95 = arith.constant 48 : i32
      %add3A_96 = arith.addi %rem3A_46, %add3A_95 : i32
      %add3A_97 = vector.broadcast %add3A_96 : i32 to vector<16xi32>
      %add3A_98 = arith.addi %add3A_97, %iota3A : vector<16xi32>
      %mul3A_99 = arith.constant 8192 : i32
      %mul3A_100 = vector.broadcast %mul3A_99 : i32 to vector<16xi32>
      %mul3A_101 = arith.muli %add3A_98, %mul3A_100 : vector<16xi32>
      %add3A_102 = arith.constant 6400 : i32
      %add3A_103 = vector.broadcast %add3A_102 : i32 to vector<16xi32>
      %add3A_104 = arith.addi %mul3A_101, %add3A_103 : vector<16xi32>
      tpu.vector_store_idx %arg6[%add3A_94], %add3A_104 masked %ge3A_48 : memref<10128xi32, #tpu.memory_space<vmem>>[vector<16xi32>], vector<16xi32>, vector<16xi1>
      %add3A_105 = arith.constant 64 : i32
      %add3A_106 = vector.broadcast %add3A_105 : i32 to vector<16xi32>
      %add3A_107 = arith.addi %scan3A_35, %add3A_106 : vector<16xi32>
      %add3A_108 = arith.addi %add3A_107, %iota3A : vector<16xi32>
      %add3A_109 = arith.constant 64 : i32
      %add3A_110 = arith.addi %rem3A_46, %add3A_109 : i32
      %add3A_111 = vector.broadcast %add3A_110 : i32 to vector<16xi32>
      %add3A_112 = arith.addi %add3A_111, %iota3A : vector<16xi32>
      %mul3A_113 = arith.constant 8192 : i32
      %mul3A_114 = vector.broadcast %mul3A_113 : i32 to vector<16xi32>
      %mul3A_115 = arith.muli %add3A_112, %mul3A_114 : vector<16xi32>
      %add3A_116 = arith.constant 6400 : i32
      %add3A_117 = vector.broadcast %add3A_116 : i32 to vector<16xi32>
      %add3A_118 = arith.addi %mul3A_115, %add3A_117 : vector<16xi32>
      tpu.vector_store_idx %arg6[%add3A_108], %add3A_118 masked %ge3A_48 : memref<10128xi32, #tpu.memory_space<vmem>>[vector<16xi32>], vector<16xi32>, vector<16xi1>
      %add3A_119 = arith.constant 80 : i32
      %add3A_120 = vector.broadcast %add3A_119 : i32 to vector<16xi32>
      %add3A_121 = arith.addi %scan3A_35, %add3A_120 : vector<16xi32>
      %add3A_122 = arith.addi %add3A_121, %iota3A : vector<16xi32>
      %add3A_123 = arith.constant 80 : i32
      %add3A_124 = arith.addi %rem3A_46, %add3A_123 : i32
      %add3A_125 = vector.broadcast %add3A_124 : i32 to vector<16xi32>
      %add3A_126 = arith.addi %add3A_125, %iota3A : vector<16xi32>
      %mul3A_127 = arith.constant 8192 : i32
      %mul3A_128 = vector.broadcast %mul3A_127 : i32 to vector<16xi32>
      %mul3A_129 = arith.muli %add3A_126, %mul3A_128 : vector<16xi32>
      %add3A_130 = arith.constant 6400 : i32
      %add3A_131 = vector.broadcast %add3A_130 : i32 to vector<16xi32>
      %add3A_132 = arith.addi %mul3A_129, %add3A_131 : vector<16xi32>
      tpu.vector_store_idx %arg6[%add3A_122], %add3A_132 masked %ge3A_48 : memref<10128xi32, #tpu.memory_space<vmem>>[vector<16xi32>], vector<16xi32>, vector<16xi1>
      %add3A_133 = arith.constant 96 : i32
      %add3A_134 = vector.broadcast %add3A_133 : i32 to vector<16xi32>
      %add3A_135 = arith.addi %scan3A_35, %add3A_134 : vector<16xi32>
      %add3A_136 = arith.addi %add3A_135, %iota3A : vector<16xi32>
      %add3A_137 = arith.constant 96 : i32
      %add3A_138 = arith.addi %rem3A_46, %add3A_137 : i32
      %add3A_139 = vector.broadcast %add3A_138 : i32 to vector<16xi32>
      %add3A_140 = arith.addi %add3A_139, %iota3A : vector<16xi32>
      %mul3A_141 = arith.constant 8192 : i32
      %mul3A_142 = vector.broadcast %mul3A_141 : i32 to vector<16xi32>
      %mul3A_143 = arith.muli %add3A_140, %mul3A_142 : vector<16xi32>
      %add3A_144 = arith.constant 6400 : i32
      %add3A_145 = vector.broadcast %add3A_144 : i32 to vector<16xi32>
      %add3A_146 = arith.addi %mul3A_143, %add3A_145 : vector<16xi32>
      tpu.vector_store_idx %arg6[%add3A_136], %add3A_146 masked %ge3A_48 : memref<10128xi32, #tpu.memory_space<vmem>>[vector<16xi32>], vector<16xi32>, vector<16xi1>
      %add3A_147 = arith.constant 112 : i32
      %add3A_148 = vector.broadcast %add3A_147 : i32 to vector<16xi32>
      %add3A_149 = arith.addi %scan3A_35, %add3A_148 : vector<16xi32>
      %add3A_150 = arith.addi %add3A_149, %iota3A : vector<16xi32>
      %add3A_151 = arith.constant 112 : i32
      %add3A_152 = arith.addi %rem3A_46, %add3A_151 : i32
      %add3A_153 = vector.broadcast %add3A_152 : i32 to vector<16xi32>
      %add3A_154 = arith.addi %add3A_153, %iota3A : vector<16xi32>
      %mul3A_155 = arith.constant 8192 : i32
      %mul3A_156 = vector.broadcast %mul3A_155 : i32 to vector<16xi32>
      %mul3A_157 = arith.muli %add3A_154, %mul3A_156 : vector<16xi32>
      %add3A_158 = arith.constant 6400 : i32
      %add3A_159 = vector.broadcast %add3A_158 : i32 to vector<16xi32>
      %add3A_160 = arith.addi %mul3A_157, %add3A_159 : vector<16xi32>
      tpu.vector_store_idx %arg6[%add3A_150], %add3A_160 masked %ge3A_48 : memref<10128xi32, #tpu.memory_space<vmem>>[vector<16xi32>], vector<16xi32>, vector<16xi1>
      %convert_element_type3A = arith.extui %lt3A_28 : i1 to i32
      %cond3A = arith.constant 0 : i32
      %cond3A_161 = arith.cmpi ne, %convert_element_type3A, %cond3A : i32
      scf.if %cond3A_161 {
        %gt3A = arith.constant 0 : i32
        %gt3A_382 = arith.cmpi sgt, %scan3A_22, %gt3A : i32
        %convert_element_type3A_383 = arith.extui %gt3A_382 : i1 to i32
        %cond3A_384 = arith.constant 0 : i32
        %cond3A_385 = arith.cmpi ne, %convert_element_type3A_383, %cond3A_384 : i32
        scf.if %cond3A_385 {
          %mul3A_482 = arith.constant 400 : i32
          %mul3A_483 = arith.muli %arg1, %mul3A_482 : i32
          %mul3A_484 = arith.constant 400 : i32
          %mul3A_485 = arith.muli %arg1, %mul3A_484 : i32
          %multiple_of3A_486 = tpu.assume_multiple %mul3A_485, 8 : i32
          %dma_wait3A_487 = arith.constant 0 : i32
          %dma_wait3A_488 = tpu.memref_slice %arg4[%multiple_of3A_486, %dma_wait3A_487] : memref<160000x128xf32, #tpu.memory_space<hbm>> -> memref<400x128xf32, #tpu.memory_space<hbm>>
          %dma_wait3A_489 = arith.constant 0 : i32
          %dma_wait3A_490 = tpu.memref_slice %arg11[%mul3A_483, %dma_wait3A_489] : memref<6408x128xf32, #tpu.memory_space<vmem_shared>> -> memref<400x128xf32, #tpu.memory_space<vmem_shared>>
          tpu.wait_dma2 semaphore(%arg14 : memref<!tpu.dma_semaphore, #tpu.memory_space<semaphore_mem>>) src(%dma_wait3A_490 : memref<400x128xf32, #tpu.memory_space<vmem_shared>>) dst(%dma_wait3A_488 : memref<400x128xf32, #tpu.memory_space<hbm>>)
        } else {
        }
        %mul3A_386 = arith.constant 400 : i32
        %mul3A_387 = arith.muli %arg1, %mul3A_386 : i32
        %add3A_388 = arith.constant 0 : i32
        %add3A_389 = arith.addi %mul3A_387, %add3A_388 : i32
        %dma_start3A_390 = arith.constant 0 : i32
        %dma_start3A_391 = tpu.memref_slice %arg11[%add3A_389, %dma_start3A_390] : memref<6408x128xf32, #tpu.memory_space<vmem_shared>> -> memref<64x128xf32, #tpu.memory_space<vmem_shared>>
        %dma_start3A_392 = arith.constant 0 : i32
        %dma_start3A_393 = tpu.memref_slice %arg11[%add3A_389, %dma_start3A_392] : memref<6408x128xf32, #tpu.memory_space<vmem_shared>> -> memref<64x128xf32, #tpu.memory_space<vmem_shared>>
        tpu.enqueue_dma source(%arg10 : memref<64x128xf32, #tpu.memory_space<vmem>>) target(%dma_start3A_393 : memref<64x128xf32, #tpu.memory_space<vmem_shared>>) target_semaphore(%arg12 : memref<!tpu.dma_semaphore, #tpu.memory_space<semaphore_mem>>)
        %mul3A_394 = arith.constant 400 : i32
        %mul3A_395 = arith.muli %arg1, %mul3A_394 : i32
        %add3A_396 = arith.constant 64 : i32
        %add3A_397 = arith.addi %mul3A_395, %add3A_396 : i32
        %dma_start3A_398 = arith.constant 0 : i32
        %dma_start3A_399 = tpu.memref_slice %arg11[%add3A_397, %dma_start3A_398] : memref<6408x128xf32, #tpu.memory_space<vmem_shared>> -> memref<64x128xf32, #tpu.memory_space<vmem_shared>>
        %dma_start3A_400 = arith.constant 0 : i32
        %dma_start3A_401 = tpu.memref_slice %arg11[%add3A_397, %dma_start3A_400] : memref<6408x128xf32, #tpu.memory_space<vmem_shared>> -> memref<64x128xf32, #tpu.memory_space<vmem_shared>>
        tpu.enqueue_dma source(%arg10 : memref<64x128xf32, #tpu.memory_space<vmem>>) target(%dma_start3A_401 : memref<64x128xf32, #tpu.memory_space<vmem_shared>>) target_semaphore(%arg12 : memref<!tpu.dma_semaphore, #tpu.memory_space<semaphore_mem>>)
        %mul3A_402 = arith.constant 400 : i32
        %mul3A_403 = arith.muli %arg1, %mul3A_402 : i32
        %add3A_404 = arith.constant 128 : i32
        %add3A_405 = arith.addi %mul3A_403, %add3A_404 : i32
        %dma_start3A_406 = arith.constant 0 : i32
        %dma_start3A_407 = tpu.memref_slice %arg11[%add3A_405, %dma_start3A_406] : memref<6408x128xf32, #tpu.memory_space<vmem_shared>> -> memref<64x128xf32, #tpu.memory_space<vmem_shared>>
        %dma_start3A_408 = arith.constant 0 : i32
        %dma_start3A_409 = tpu.memref_slice %arg11[%add3A_405, %dma_start3A_408] : memref<6408x128xf32, #tpu.memory_space<vmem_shared>> -> memref<64x128xf32, #tpu.memory_space<vmem_shared>>
        tpu.enqueue_dma source(%arg10 : memref<64x128xf32, #tpu.memory_space<vmem>>) target(%dma_start3A_409 : memref<64x128xf32, #tpu.memory_space<vmem_shared>>) target_semaphore(%arg12 : memref<!tpu.dma_semaphore, #tpu.memory_space<semaphore_mem>>)
        %mul3A_410 = arith.constant 400 : i32
        %mul3A_411 = arith.muli %arg1, %mul3A_410 : i32
        %add3A_412 = arith.constant 192 : i32
        %add3A_413 = arith.addi %mul3A_411, %add3A_412 : i32
        %dma_start3A_414 = arith.constant 0 : i32
        %dma_start3A_415 = tpu.memref_slice %arg11[%add3A_413, %dma_start3A_414] : memref<6408x128xf32, #tpu.memory_space<vmem_shared>> -> memref<64x128xf32, #tpu.memory_space<vmem_shared>>
        %dma_start3A_416 = arith.constant 0 : i32
        %dma_start3A_417 = tpu.memref_slice %arg11[%add3A_413, %dma_start3A_416] : memref<6408x128xf32, #tpu.memory_space<vmem_shared>> -> memref<64x128xf32, #tpu.memory_space<vmem_shared>>
        tpu.enqueue_dma source(%arg10 : memref<64x128xf32, #tpu.memory_space<vmem>>) target(%dma_start3A_417 : memref<64x128xf32, #tpu.memory_space<vmem_shared>>) target_semaphore(%arg12 : memref<!tpu.dma_semaphore, #tpu.memory_space<semaphore_mem>>)
        %mul3A_418 = arith.constant 400 : i32
        %mul3A_419 = arith.muli %arg1, %mul3A_418 : i32
        %add3A_420 = arith.constant 256 : i32
        %add3A_421 = arith.addi %mul3A_419, %add3A_420 : i32
        %dma_start3A_422 = arith.constant 0 : i32
        %dma_start3A_423 = tpu.memref_slice %arg11[%add3A_421, %dma_start3A_422] : memref<6408x128xf32, #tpu.memory_space<vmem_shared>> -> memref<64x128xf32, #tpu.memory_space<vmem_shared>>
        %dma_start3A_424 = arith.constant 0 : i32
        %dma_start3A_425 = tpu.memref_slice %arg11[%add3A_421, %dma_start3A_424] : memref<6408x128xf32, #tpu.memory_space<vmem_shared>> -> memref<64x128xf32, #tpu.memory_space<vmem_shared>>
        tpu.enqueue_dma source(%arg10 : memref<64x128xf32, #tpu.memory_space<vmem>>) target(%dma_start3A_425 : memref<64x128xf32, #tpu.memory_space<vmem_shared>>) target_semaphore(%arg12 : memref<!tpu.dma_semaphore, #tpu.memory_space<semaphore_mem>>)
        %mul3A_426 = arith.constant 400 : i32
        %mul3A_427 = arith.muli %arg1, %mul3A_426 : i32
        %add3A_428 = arith.constant 320 : i32
        %add3A_429 = arith.addi %mul3A_427, %add3A_428 : i32
        %dma_start3A_430 = arith.constant 0 : i32
        %dma_start3A_431 = tpu.memref_slice %arg11[%add3A_429, %dma_start3A_430] : memref<6408x128xf32, #tpu.memory_space<vmem_shared>> -> memref<64x128xf32, #tpu.memory_space<vmem_shared>>
        %dma_start3A_432 = arith.constant 0 : i32
        %dma_start3A_433 = tpu.memref_slice %arg11[%add3A_429, %dma_start3A_432] : memref<6408x128xf32, #tpu.memory_space<vmem_shared>> -> memref<64x128xf32, #tpu.memory_space<vmem_shared>>
        tpu.enqueue_dma source(%arg10 : memref<64x128xf32, #tpu.memory_space<vmem>>) target(%dma_start3A_433 : memref<64x128xf32, #tpu.memory_space<vmem_shared>>) target_semaphore(%arg12 : memref<!tpu.dma_semaphore, #tpu.memory_space<semaphore_mem>>)
        %mul3A_434 = arith.constant 400 : i32
        %mul3A_435 = arith.muli %arg1, %mul3A_434 : i32
        %add3A_436 = arith.constant 384 : i32
        %add3A_437 = arith.addi %mul3A_435, %add3A_436 : i32
        %dma_start3A_438 = arith.constant 0 : i32
        %dma_start3A_439 = arith.constant 0 : i32
        %dma_start3A_440 = tpu.memref_slice %arg10[%dma_start3A_438, %dma_start3A_439] : memref<64x128xf32, #tpu.memory_space<vmem>> -> memref<16x128xf32, #tpu.memory_space<vmem>>
        %dma_start3A_441 = arith.constant 0 : i32
        %dma_start3A_442 = tpu.memref_slice %arg11[%add3A_437, %dma_start3A_441] : memref<6408x128xf32, #tpu.memory_space<vmem_shared>> -> memref<16x128xf32, #tpu.memory_space<vmem_shared>>
        %dma_start3A_443 = arith.constant 0 : i32
        %dma_start3A_444 = tpu.memref_slice %arg11[%add3A_437, %dma_start3A_443] : memref<6408x128xf32, #tpu.memory_space<vmem_shared>> -> memref<16x128xf32, #tpu.memory_space<vmem_shared>>
        %dma_start3A_445 = arith.constant 0 : i32
        %dma_start3A_446 = arith.constant 0 : i32
        %dma_start3A_447 = tpu.memref_slice %arg10[%dma_start3A_445, %dma_start3A_446] : memref<64x128xf32, #tpu.memory_space<vmem>> -> memref<16x128xf32, #tpu.memory_space<vmem>>
        tpu.enqueue_dma source(%dma_start3A_447 : memref<16x128xf32, #tpu.memory_space<vmem>>) target(%dma_start3A_444 : memref<16x128xf32, #tpu.memory_space<vmem_shared>>) target_semaphore(%arg12 : memref<!tpu.dma_semaphore, #tpu.memory_space<semaphore_mem>>)
        %dma_wait3A_448 = arith.constant 0 : i32
        %dma_wait3A_449 = tpu.memref_slice %arg11[%add3A_389, %dma_wait3A_448] : memref<6408x128xf32, #tpu.memory_space<vmem_shared>> -> memref<64x128xf32, #tpu.memory_space<vmem_shared>>
        %dma_wait3A_450 = arith.constant 0 : i32
        %dma_wait3A_451 = tpu.memref_slice %arg11[%add3A_389, %dma_wait3A_450] : memref<6408x128xf32, #tpu.memory_space<vmem_shared>> -> memref<64x128xf32, #tpu.memory_space<vmem_shared>>
        tpu.wait_dma2 semaphore(%arg12 : memref<!tpu.dma_semaphore, #tpu.memory_space<semaphore_mem>>) src(%arg10 : memref<64x128xf32, #tpu.memory_space<vmem>>) dst(%dma_wait3A_451 : memref<64x128xf32, #tpu.memory_space<vmem_shared>>)
        %dma_wait3A_452 = arith.constant 0 : i32
        %dma_wait3A_453 = tpu.memref_slice %arg11[%add3A_397, %dma_wait3A_452] : memref<6408x128xf32, #tpu.memory_space<vmem_shared>> -> memref<64x128xf32, #tpu.memory_space<vmem_shared>>
        %dma_wait3A_454 = arith.constant 0 : i32
        %dma_wait3A_455 = tpu.memref_slice %arg11[%add3A_397, %dma_wait3A_454] : memref<6408x128xf32, #tpu.memory_space<vmem_shared>> -> memref<64x128xf32, #tpu.memory_space<vmem_shared>>
        tpu.wait_dma2 semaphore(%arg12 : memref<!tpu.dma_semaphore, #tpu.memory_space<semaphore_mem>>) src(%arg10 : memref<64x128xf32, #tpu.memory_space<vmem>>) dst(%dma_wait3A_455 : memref<64x128xf32, #tpu.memory_space<vmem_shared>>)
        %dma_wait3A_456 = arith.constant 0 : i32
        %dma_wait3A_457 = tpu.memref_slice %arg11[%add3A_405, %dma_wait3A_456] : memref<6408x128xf32, #tpu.memory_space<vmem_shared>> -> memref<64x128xf32, #tpu.memory_space<vmem_shared>>
        %dma_wait3A_458 = arith.constant 0 : i32
        %dma_wait3A_459 = tpu.memref_slice %arg11[%add3A_405, %dma_wait3A_458] : memref<6408x128xf32, #tpu.memory_space<vmem_shared>> -> memref<64x128xf32, #tpu.memory_space<vmem_shared>>
        tpu.wait_dma2 semaphore(%arg12 : memref<!tpu.dma_semaphore, #tpu.memory_space<semaphore_mem>>) src(%arg10 : memref<64x128xf32, #tpu.memory_space<vmem>>) dst(%dma_wait3A_459 : memref<64x128xf32, #tpu.memory_space<vmem_shared>>)
        %dma_wait3A_460 = arith.constant 0 : i32
        %dma_wait3A_461 = tpu.memref_slice %arg11[%add3A_413, %dma_wait3A_460] : memref<6408x128xf32, #tpu.memory_space<vmem_shared>> -> memref<64x128xf32, #tpu.memory_space<vmem_shared>>
        %dma_wait3A_462 = arith.constant 0 : i32
        %dma_wait3A_463 = tpu.memref_slice %arg11[%add3A_413, %dma_wait3A_462] : memref<6408x128xf32, #tpu.memory_space<vmem_shared>> -> memref<64x128xf32, #tpu.memory_space<vmem_shared>>
        tpu.wait_dma2 semaphore(%arg12 : memref<!tpu.dma_semaphore, #tpu.memory_space<semaphore_mem>>) src(%arg10 : memref<64x128xf32, #tpu.memory_space<vmem>>) dst(%dma_wait3A_463 : memref<64x128xf32, #tpu.memory_space<vmem_shared>>)
        %dma_wait3A_464 = arith.constant 0 : i32
        %dma_wait3A_465 = tpu.memref_slice %arg11[%add3A_421, %dma_wait3A_464] : memref<6408x128xf32, #tpu.memory_space<vmem_shared>> -> memref<64x128xf32, #tpu.memory_space<vmem_shared>>
        %dma_wait3A_466 = arith.constant 0 : i32
        %dma_wait3A_467 = tpu.memref_slice %arg11[%add3A_421, %dma_wait3A_466] : memref<6408x128xf32, #tpu.memory_space<vmem_shared>> -> memref<64x128xf32, #tpu.memory_space<vmem_shared>>
        tpu.wait_dma2 semaphore(%arg12 : memref<!tpu.dma_semaphore, #tpu.memory_space<semaphore_mem>>) src(%arg10 : memref<64x128xf32, #tpu.memory_space<vmem>>) dst(%dma_wait3A_467 : memref<64x128xf32, #tpu.memory_space<vmem_shared>>)
        %dma_wait3A_468 = arith.constant 0 : i32
        %dma_wait3A_469 = tpu.memref_slice %arg11[%add3A_429, %dma_wait3A_468] : memref<6408x128xf32, #tpu.memory_space<vmem_shared>> -> memref<64x128xf32, #tpu.memory_space<vmem_shared>>
        %dma_wait3A_470 = arith.constant 0 : i32
        %dma_wait3A_471 = tpu.memref_slice %arg11[%add3A_429, %dma_wait3A_470] : memref<6408x128xf32, #tpu.memory_space<vmem_shared>> -> memref<64x128xf32, #tpu.memory_space<vmem_shared>>
        tpu.wait_dma2 semaphore(%arg12 : memref<!tpu.dma_semaphore, #tpu.memory_space<semaphore_mem>>) src(%arg10 : memref<64x128xf32, #tpu.memory_space<vmem>>) dst(%dma_wait3A_471 : memref<64x128xf32, #tpu.memory_space<vmem_shared>>)
        %dma_wait3A_472 = arith.constant 0 : i32
        %dma_wait3A_473 = arith.constant 0 : i32
        %dma_wait3A_474 = tpu.memref_slice %arg10[%dma_wait3A_472, %dma_wait3A_473] : memref<64x128xf32, #tpu.memory_space<vmem>> -> memref<16x128xf32, #tpu.memory_space<vmem>>
        %dma_wait3A_475 = arith.constant 0 : i32
        %dma_wait3A_476 = tpu.memref_slice %arg11[%add3A_437, %dma_wait3A_475] : memref<6408x128xf32, #tpu.memory_space<vmem_shared>> -> memref<16x128xf32, #tpu.memory_space<vmem_shared>>
        %dma_wait3A_477 = arith.constant 0 : i32
        %dma_wait3A_478 = tpu.memref_slice %arg11[%add3A_437, %dma_wait3A_477] : memref<6408x128xf32, #tpu.memory_space<vmem_shared>> -> memref<16x128xf32, #tpu.memory_space<vmem_shared>>
        %dma_wait3A_479 = arith.constant 0 : i32
        %dma_wait3A_480 = arith.constant 0 : i32
        %dma_wait3A_481 = tpu.memref_slice %arg10[%dma_wait3A_479, %dma_wait3A_480] : memref<64x128xf32, #tpu.memory_space<vmem>> -> memref<16x128xf32, #tpu.memory_space<vmem>>
        tpu.wait_dma2 semaphore(%arg12 : memref<!tpu.dma_semaphore, #tpu.memory_space<semaphore_mem>>) src(%dma_wait3A_481 : memref<16x128xf32, #tpu.memory_space<vmem>>) dst(%dma_wait3A_478 : memref<16x128xf32, #tpu.memory_space<vmem_shared>>)
      } else {
      }
      %barrier3A = arith.constant 0 : index
      tpu.barrier barrier_id(%barrier3A)
      %add3A_162 = arith.constant 128 : i32
      %add3A_163 = arith.addi %reduce_max3A_43, %add3A_162 : i32
      %sub3A = arith.constant 1 : i32
      %sub3A_164 = arith.subi %add3A_163, %sub3A : i32
      %jit3A = arith.constant 128 : i32
      %div3A = arith.divsi %sub3A_164, %jit3A : i32
      %sign3A = arith.constant 0 : i32
      %sign3A_165 = arith.cmpi sgt, %sub3A_164, %sign3A : i32
      %sign3A_166 = arith.extui %sign3A_165 : i1 to i32
      %sign3A_167 = arith.constant 0 : i32
      %sign3A_168 = arith.cmpi slt, %sub3A_164, %sign3A_167 : i32
      %sign3A_169 = arith.extui %sign3A_168 : i1 to i32
      %sign3A_170 = arith.subi %sign3A_166, %sign3A_169 : i32
      %sign3A_171 = arith.constant 0 : i32
      %sign3A_172 = arith.cmpi sgt, %jit3A, %sign3A_171 : i32
      %sign3A_173 = arith.extui %sign3A_172 : i1 to i32
      %sign3A_174 = arith.constant 0 : i32
      %sign3A_175 = arith.cmpi slt, %jit3A, %sign3A_174 : i32
      %sign3A_176 = arith.extui %sign3A_175 : i1 to i32
      %sign3A_177 = arith.subi %sign3A_173, %sign3A_176 : i32
      %ne3A = arith.cmpi ne, %sign3A_170, %sign3A_177 : i32
      %rem3A_178 = arith.remsi %sub3A_164, %jit3A : i32
      %ne3A_179 = arith.constant 0 : i32
      %ne3A_180 = arith.cmpi ne, %rem3A_178, %ne3A_179 : i32
      %and3A = arith.andi %ne3A, %ne3A_180 : i1
      %sub3A_181 = arith.constant 1 : i32
      %sub3A_182 = arith.subi %div3A, %sub3A_181 : i32
      %select_n3A = arith.select %and3A, %sub3A_182, %div3A : i32
      %max3A = arith.constant 1 : i32
      %max3A_183 = arith.maxsi %select_n3A, %max3A : i32
      %mul3A_184 = arith.constant 0 : i32
      %mul3A_185 = arith.constant 128 : i32
      %mul3A_186 = arith.muli %mul3A_184, %mul3A_185 : i32
      %multiple_of3A_187 = tpu.assume_multiple %mul3A_186, 8 : i32
      %add3A_188 = arith.constant 0 : i32
      %add3A_189 = arith.addi %multiple_of3A_187, %add3A_188 : i32
      %get3A = arith.index_cast %add3A_189 : i32 to index
      %get3A_190 = tpu.vector_load %arg6[%get3A] {strides = array<i32>} : memref<10128xi32, #tpu.memory_space<vmem>>, vector<16xi32>,
      %shift_right_arithmetic3A = arith.constant 13 : i32
      %shift_right_arithmetic3A_191 = vector.broadcast %shift_right_arithmetic3A : i32 to vector<16xi32>
      %shift_right_arithmetic3A_192 = arith.shrsi %get3A_190, %shift_right_arithmetic3A_191 : vector<16xi32>
      %swap3A = arith.constant 0 : i32
      %swap3A_193 = arith.index_cast %swap3A : i32 to index
      %swap3A_194 = arith.constant 0 : index
      %swap3A_195 = tpu.vector_load %arg7[%swap3A_193, %swap3A_194] {strides = array<i32>} : memref<2x128xi32, #tpu.memory_space<vmem>>, vector<16xi32>,
      tpu.vector_store %arg7[%swap3A_193, %swap3A_194], %shift_right_arithmetic3A_192 {strides = array<i32>} : memref<2x128xi32, #tpu.memory_space<vmem>>, vector<16xi32>,
      %and3A_196 = arith.constant 8191 : i32
      %and3A_197 = vector.broadcast %and3A_196 : i32 to vector<16xi32>
      %and3A_198 = arith.andi %get3A_190, %and3A_197 : vector<16xi32>
      %swap3A_199 = arith.constant 0 : i32
      %swap3A_200 = arith.index_cast %swap3A_199 : i32 to index
      %swap3A_201 = arith.constant 0 : index
      %swap3A_202 = tpu.vector_load %arg8[%swap3A_200, %swap3A_201] {strides = array<i32>} : memref<2x128xi32, #tpu.memory_space<vmem>>, vector<16xi32>,
      tpu.vector_store %arg8[%swap3A_200, %swap3A_201], %and3A_198 {strides = array<i32>} : memref<2x128xi32, #tpu.memory_space<vmem>>, vector<16xi32>,
      %add3A_203 = arith.constant 16 : i32
      %add3A_204 = arith.addi %multiple_of3A_187, %add3A_203 : i32
      %get3A_205 = arith.index_cast %add3A_204 : i32 to index
      %get3A_206 = tpu.vector_load %arg6[%get3A_205] {strides = array<i32>} : memref<10128xi32, #tpu.memory_space<vmem>>, vector<16xi32>,
      %shift_right_arithmetic3A_207 = arith.constant 13 : i32
      %shift_right_arithmetic3A_208 = vector.broadcast %shift_right_arithmetic3A_207 : i32 to vector<16xi32>
      %shift_right_arithmetic3A_209 = arith.shrsi %get3A_206, %shift_right_arithmetic3A_208 : vector<16xi32>
      %swap3A_210 = arith.constant 0 : i32
      %swap3A_211 = arith.index_cast %swap3A_210 : i32 to index
      %swap3A_212 = arith.constant 16 : index
      %swap3A_213 = tpu.vector_load %arg7[%swap3A_211, %swap3A_212] {strides = array<i32>} : memref<2x128xi32, #tpu.memory_space<vmem>>, vector<16xi32>,
      tpu.vector_store %arg7[%swap3A_211, %swap3A_212], %shift_right_arithmetic3A_209 {strides = array<i32>} : memref<2x128xi32, #tpu.memory_space<vmem>>, vector<16xi32>,
      %and3A_214 = arith.constant 8191 : i32
      %and3A_215 = vector.broadcast %and3A_214 : i32 to vector<16xi32>
      %and3A_216 = arith.andi %get3A_206, %and3A_215 : vector<16xi32>
      %swap3A_217 = arith.constant 0 : i32
      %swap3A_218 = arith.index_cast %swap3A_217 : i32 to index
      %swap3A_219 = arith.constant 16 : index
      %swap3A_220 = tpu.vector_load %arg8[%swap3A_218, %swap3A_219] {strides = array<i32>} : memref<2x128xi32, #tpu.memory_space<vmem>>, vector<16xi32>,
      tpu.vector_store %arg8[%swap3A_218, %swap3A_219], %and3A_216 {strides = array<i32>} : memref<2x128xi32, #tpu.memory_space<vmem>>, vector<16xi32>,
      %add3A_221 = arith.constant 32 : i32
      %add3A_222 = arith.addi %multiple_of3A_187, %add3A_221 : i32
      %get3A_223 = arith.index_cast %add3A_222 : i32 to index
      %get3A_224 = tpu.vector_load %arg6[%get3A_223] {strides = array<i32>} : memref<10128xi32, #tpu.memory_space<vmem>>, vector<16xi32>,
      %shift_right_arithmetic3A_225 = arith.constant 13 : i32
      %shift_right_arithmetic3A_226 = vector.broadcast %shift_right_arithmetic3A_225 : i32 to vector<16xi32>
      %shift_right_arithmetic3A_227 = arith.shrsi %get3A_224, %shift_right_arithmetic3A_226 : vector<16xi32>
      %swap3A_228 = arith.constant 0 : i32
      %swap3A_229 = arith.index_cast %swap3A_228 : i32 to index
      %swap3A_230 = arith.constant 32 : index
      %swap3A_231 = tpu.vector_load %arg7[%swap3A_229, %swap3A_230] {strides = array<i32>} : memref<2x128xi32, #tpu.memory_space<vmem>>, vector<16xi32>,
      tpu.vector_store %arg7[%swap3A_229, %swap3A_230], %shift_right_arithmetic3A_227 {strides = array<i32>} : memref<2x128xi32, #tpu.memory_space<vmem>>, vector<16xi32>,
      %and3A_232 = arith.constant 8191 : i32
      %and3A_233 = vector.broadcast %and3A_232 : i32 to vector<16xi32>
      %and3A_234 = arith.andi %get3A_224, %and3A_233 : vector<16xi32>
      %swap3A_235 = arith.constant 0 : i32
      %swap3A_236 = arith.index_cast %swap3A_235 : i32 to index
      %swap3A_237 = arith.constant 32 : index
      %swap3A_238 = tpu.vector_load %arg8[%swap3A_236, %swap3A_237] {strides = array<i32>} : memref<2x128xi32, #tpu.memory_space<vmem>>, vector<16xi32>,
      tpu.vector_store %arg8[%swap3A_236, %swap3A_237], %and3A_234 {strides = array<i32>} : memref<2x128xi32, #tpu.memory_space<vmem>>, vector<16xi32>,
      %add3A_239 = arith.constant 48 : i32
      %add3A_240 = arith.addi %multiple_of3A_187, %add3A_239 : i32
      %get3A_241 = arith.index_cast %add3A_240 : i32 to index
      %get3A_242 = tpu.vector_load %arg6[%get3A_241] {strides = array<i32>} : memref<10128xi32, #tpu.memory_space<vmem>>, vector<16xi32>,
      %shift_right_arithmetic3A_243 = arith.constant 13 : i32
      %shift_right_arithmetic3A_244 = vector.broadcast %shift_right_arithmetic3A_243 : i32 to vector<16xi32>
      %shift_right_arithmetic3A_245 = arith.shrsi %get3A_242, %shift_right_arithmetic3A_244 : vector<16xi32>
      %swap3A_246 = arith.constant 0 : i32
      %swap3A_247 = arith.index_cast %swap3A_246 : i32 to index
      %swap3A_248 = arith.constant 48 : index
      %swap3A_249 = tpu.vector_load %arg7[%swap3A_247, %swap3A_248] {strides = array<i32>} : memref<2x128xi32, #tpu.memory_space<vmem>>, vector<16xi32>,
      tpu.vector_store %arg7[%swap3A_247, %swap3A_248], %shift_right_arithmetic3A_245 {strides = array<i32>} : memref<2x128xi32, #tpu.memory_space<vmem>>, vector<16xi32>,
      %and3A_250 = arith.constant 8191 : i32
      %and3A_251 = vector.broadcast %and3A_250 : i32 to vector<16xi32>
      %and3A_252 = arith.andi %get3A_242, %and3A_251 : vector<16xi32>
      %swap3A_253 = arith.constant 0 : i32
      %swap3A_254 = arith.index_cast %swap3A_253 : i32 to index
      %swap3A_255 = arith.constant 48 : index
      %swap3A_256 = tpu.vector_load %arg8[%swap3A_254, %swap3A_255] {strides = array<i32>} : memref<2x128xi32, #tpu.memory_space<vmem>>, vector<16xi32>,
      tpu.vector_store %arg8[%swap3A_254, %swap3A_255], %and3A_252 {strides = array<i32>} : memref<2x128xi32, #tpu.memory_space<vmem>>, vector<16xi32>,
      %add3A_257 = arith.constant 64 : i32
      %add3A_258 = arith.addi %multiple_of3A_187, %add3A_257 : i32
      %get3A_259 = arith.index_cast %add3A_258 : i32 to index
      %get3A_260 = tpu.vector_load %arg6[%get3A_259] {strides = array<i32>} : memref<10128xi32, #tpu.memory_space<vmem>>, vector<16xi32>,
      %shift_right_arithmetic3A_261 = arith.constant 13 : i32
      %shift_right_arithmetic3A_262 = vector.broadcast %shift_right_arithmetic3A_261 : i32 to vector<16xi32>
      %shift_right_arithmetic3A_263 = arith.shrsi %get3A_260, %shift_right_arithmetic3A_262 : vector<16xi32>
      %swap3A_264 = arith.constant 0 : i32
      %swap3A_265 = arith.index_cast %swap3A_264 : i32 to index
      %swap3A_266 = arith.constant 64 : index
      %swap3A_267 = tpu.vector_load %arg7[%swap3A_265, %swap3A_266] {strides = array<i32>} : memref<2x128xi32, #tpu.memory_space<vmem>>, vector<16xi32>,
      tpu.vector_store %arg7[%swap3A_265, %swap3A_266], %shift_right_arithmetic3A_263 {strides = array<i32>} : memref<2x128xi32, #tpu.memory_space<vmem>>, vector<16xi32>,
      %and3A_268 = arith.constant 8191 : i32
      %and3A_269 = vector.broadcast %and3A_268 : i32 to vector<16xi32>
      %and3A_270 = arith.andi %get3A_260, %and3A_269 : vector<16xi32>
      %swap3A_271 = arith.constant 0 : i32
      %swap3A_272 = arith.index_cast %swap3A_271 : i32 to index
      %swap3A_273 = arith.constant 64 : index
      %swap3A_274 = tpu.vector_load %arg8[%swap3A_272, %swap3A_273] {strides = array<i32>} : memref<2x128xi32, #tpu.memory_space<vmem>>, vector<16xi32>,
      tpu.vector_store %arg8[%swap3A_272, %swap3A_273], %and3A_270 {strides = array<i32>} : memref<2x128xi32, #tpu.memory_space<vmem>>, vector<16xi32>,
      %add3A_275 = arith.constant 80 : i32
      %add3A_276 = arith.addi %multiple_of3A_187, %add3A_275 : i32
      %get3A_277 = arith.index_cast %add3A_276 : i32 to index
      %get3A_278 = tpu.vector_load %arg6[%get3A_277] {strides = array<i32>} : memref<10128xi32, #tpu.memory_space<vmem>>, vector<16xi32>,
      %shift_right_arithmetic3A_279 = arith.constant 13 : i32
      %shift_right_arithmetic3A_280 = vector.broadcast %shift_right_arithmetic3A_279 : i32 to vector<16xi32>
      %shift_right_arithmetic3A_281 = arith.shrsi %get3A_278, %shift_right_arithmetic3A_280 : vector<16xi32>
      %swap3A_282 = arith.constant 0 : i32
      %swap3A_283 = arith.index_cast %swap3A_282 : i32 to index
      %swap3A_284 = arith.constant 80 : index
      %swap3A_285 = tpu.vector_load %arg7[%swap3A_283, %swap3A_284] {strides = array<i32>} : memref<2x128xi32, #tpu.memory_space<vmem>>, vector<16xi32>,
      tpu.vector_store %arg7[%swap3A_283, %swap3A_284], %shift_right_arithmetic3A_281 {strides = array<i32>} : memref<2x128xi32, #tpu.memory_space<vmem>>, vector<16xi32>,
      %and3A_286 = arith.constant 8191 : i32
      %and3A_287 = vector.broadcast %and3A_286 : i32 to vector<16xi32>
      %and3A_288 = arith.andi %get3A_278, %and3A_287 : vector<16xi32>
      %swap3A_289 = arith.constant 0 : i32
      %swap3A_290 = arith.index_cast %swap3A_289 : i32 to index
      %swap3A_291 = arith.constant 80 : index
      %swap3A_292 = tpu.vector_load %arg8[%swap3A_290, %swap3A_291] {strides = array<i32>} : memref<2x128xi32, #tpu.memory_space<vmem>>, vector<16xi32>,
      tpu.vector_store %arg8[%swap3A_290, %swap3A_291], %and3A_288 {strides = array<i32>} : memref<2x128xi32, #tpu.memory_space<vmem>>, vector<16xi32>,
      %add3A_293 = arith.constant 96 : i32
      %add3A_294 = arith.addi %multiple_of3A_187, %add3A_293 : i32
      %get3A_295 = arith.index_cast %add3A_294 : i32 to index
      %get3A_296 = tpu.vector_load %arg6[%get3A_295] {strides = array<i32>} : memref<10128xi32, #tpu.memory_space<vmem>>, vector<16xi32>,
      %shift_right_arithmetic3A_297 = arith.constant 13 : i32
      %shift_right_arithmetic3A_298 = vector.broadcast %shift_right_arithmetic3A_297 : i32 to vector<16xi32>
      %shift_right_arithmetic3A_299 = arith.shrsi %get3A_296, %shift_right_arithmetic3A_298 : vector<16xi32>
      %swap3A_300 = arith.constant 0 : i32
      %swap3A_301 = arith.index_cast %swap3A_300 : i32 to index
      %swap3A_302 = arith.constant 96 : index
      %swap3A_303 = tpu.vector_load %arg7[%swap3A_301, %swap3A_302] {strides = array<i32>} : memref<2x128xi32, #tpu.memory_space<vmem>>, vector<16xi32>,
      tpu.vector_store %arg7[%swap3A_301, %swap3A_302], %shift_right_arithmetic3A_299 {strides = array<i32>} : memref<2x128xi32, #tpu.memory_space<vmem>>, vector<16xi32>,
      %and3A_304 = arith.constant 8191 : i32
      %and3A_305 = vector.broadcast %and3A_304 : i32 to vector<16xi32>
      %and3A_306 = arith.andi %get3A_296, %and3A_305 : vector<16xi32>
      %swap3A_307 = arith.constant 0 : i32
      %swap3A_308 = arith.index_cast %swap3A_307 : i32 to index
      %swap3A_309 = arith.constant 96 : index
      %swap3A_310 = tpu.vector_load %arg8[%swap3A_308, %swap3A_309] {strides = array<i32>} : memref<2x128xi32, #tpu.memory_space<vmem>>, vector<16xi32>,
      tpu.vector_store %arg8[%swap3A_308, %swap3A_309], %and3A_306 {strides = array<i32>} : memref<2x128xi32, #tpu.memory_space<vmem>>, vector<16xi32>,
      %add3A_311 = arith.constant 112 : i32
      %add3A_312 = arith.addi %multiple_of3A_187, %add3A_311 : i32
      %get3A_313 = arith.index_cast %add3A_312 : i32 to index
      %get3A_314 = tpu.vector_load %arg6[%get3A_313] {strides = array<i32>} : memref<10128xi32, #tpu.memory_space<vmem>>, vector<16xi32>,
      %shift_right_arithmetic3A_315 = arith.constant 13 : i32
      %shift_right_arithmetic3A_316 = vector.broadcast %shift_right_arithmetic3A_315 : i32 to vector<16xi32>
      %shift_right_arithmetic3A_317 = arith.shrsi %get3A_314, %shift_right_arithmetic3A_316 : vector<16xi32>
      %swap3A_318 = arith.constant 0 : i32
      %swap3A_319 = arith.index_cast %swap3A_318 : i32 to index
      %swap3A_320 = arith.constant 112 : index
      %swap3A_321 = tpu.vector_load %arg7[%swap3A_319, %swap3A_320] {strides = array<i32>} : memref<2x128xi32, #tpu.memory_space<vmem>>, vector<16xi32>,
      tpu.vector_store %arg7[%swap3A_319, %swap3A_320], %shift_right_arithmetic3A_317 {strides = array<i32>} : memref<2x128xi32, #tpu.memory_space<vmem>>, vector<16xi32>,
      %and3A_322 = arith.constant 8191 : i32
      %and3A_323 = vector.broadcast %and3A_322 : i32 to vector<16xi32>
      %and3A_324 = arith.andi %get3A_314, %and3A_323 : vector<16xi32>
      %swap3A_325 = arith.constant 0 : i32
      %swap3A_326 = arith.index_cast %swap3A_325 : i32 to index
      %swap3A_327 = arith.constant 112 : index
      %swap3A_328 = tpu.vector_load %arg8[%swap3A_326, %swap3A_327] {strides = array<i32>} : memref<2x128xi32, #tpu.memory_space<vmem>>, vector<16xi32>,
      tpu.vector_store %arg8[%swap3A_326, %swap3A_327], %and3A_324 {strides = array<i32>} : memref<2x128xi32, #tpu.memory_space<vmem>>, vector<16xi32>,
      %dma_start3A = arith.constant 0 : i32
      %dma_start3A_329 = arith.constant 0 : i32
      %dma_start3A_330 = arith.constant 0 : i32
      %dma_start3A_331 = arith.constant 0 : i32
      %dma_start3A_332 = tpu.memref_slice %arg9[%dma_start3A_329, %dma_start3A_330, %dma_start3A_331] : memref<2x128x128xf32, #tpu.memory_space<vmem>> -> memref<1x128x128xf32, #tpu.memory_space<vmem>>
      %dma_start3A_333 = tpu.memref_squeeze %dma_start3A_332 : memref<1x128x128xf32, #tpu.memory_space<vmem>> -> memref<128x128xf32, #tpu.memory_space<vmem>>
      %dma_start3A_334 = arith.constant 0 : i32
      %dma_start3A_335 = tpu.memref_slice %arg7[%dma_start3A, %dma_start3A_334] : memref<2x128xi32, #tpu.memory_space<vmem>> -> memref<1x128xi32, #tpu.memory_space<vmem>>
      %dma_start3A_336 = tpu.memref_squeeze %dma_start3A_335 : memref<1x128xi32, #tpu.memory_space<vmem>> -> memref<128xi32, #tpu.memory_space<vmem>>
      %dma_start3A_337 = arith.constant 0 : i32
      %dma_start3A_338 = arith.constant 0 : i32
      %dma_start3A_339 = tpu.memref_slice %arg2[%dma_start3A_337, %dma_start3A_338] : memref<160000x128xf32, #tpu.memory_space<hbm>> -> memref<160000x128xf32, #tpu.memory_space<hbm>>
      tpu.enqueue_indirect_dma source(%dma_start3A_339 : memref<160000x128xf32, #tpu.memory_space<hbm>>) target(%dma_start3A_333 : memref<128x128xf32, #tpu.memory_space<vmem>>) offsets(%dma_start3A_336 : memref<128xi32, #tpu.memory_space<vmem>>) semaphore(%arg12 : memref<!tpu.dma_semaphore, #tpu.memory_space<semaphore_mem>>)
      %add3A_340 = arith.constant 1 : i32
      %add3A_341 = arith.addi %max3A_183, %add3A_340 : i32
      %jit3A_342 = arith.constant 2 : i32
      %div3A_343 = arith.divsi %add3A_341, %jit3A_342 : i32
      %sign3A_344 = arith.constant 0 : i32
      %sign3A_345 = arith.cmpi sgt, %add3A_341, %sign3A_344 : i32
      %sign3A_346 = arith.extui %sign3A_345 : i1 to i32
      %sign3A_347 = arith.constant 0 : i32
      %sign3A_348 = arith.cmpi slt, %add3A_341, %sign3A_347 : i32
      %sign3A_349 = arith.extui %sign3A_348 : i1 to i32
      %sign3A_350 = arith.subi %sign3A_346, %sign3A_349 : i32
      %sign3A_351 = arith.constant 0 : i32
      %sign3A_352 = arith.cmpi sgt, %jit3A_342, %sign3A_351 : i32
      %sign3A_353 = arith.extui %sign3A_352 : i1 to i32
      %sign3A_354 = arith.constant 0 : i32
      %sign3A_355 = arith.cmpi slt, %jit3A_342, %sign3A_354 : i32
      %sign3A_356 = arith.extui %sign3A_355 : i1 to i32
      %sign3A_357 = arith.subi %sign3A_353, %sign3A_356 : i32
      %ne3A_358 = arith.cmpi ne, %sign3A_350, %sign3A_357 : i32
      %rem3A_359 = arith.remsi %add3A_341, %jit3A_342 : i32
      %ne3A_360 = arith.constant 0 : i32
      %ne3A_361 = arith.cmpi ne, %rem3A_359, %ne3A_360 : i32
      %and3A_362 = arith.andi %ne3A_358, %ne3A_361 : i1
      %sub3A_363 = arith.constant 1 : i32
      %sub3A_364 = arith.subi %div3A_343, %sub3A_363 : i32
      %select_n3A_365 = arith.select %and3A_362, %sub3A_364, %div3A_343 : i32
      %while3A = arith.constant 0 : i32
      %while3A_366 = arith.constant 0 : i32
      %while3A_367 = arith.subi %select_n3A_365, %while3A : i32
      %while3A_368 = arith.addi %while3A, %while3A_367 : i32
      %while3A_369 = arith.constant 1 : i32
      %while3A_370 = arith.divsi %while3A_367, %while3A_369 : i32
      %while3A_371 = arith.muli %while3A_370, %while3A_369 : i32
      %while3A_372 = arith.addi %while3A, %while3A_371 : i32
      %while3A_373 = arith.constant 1 : i32
      %while3A_374 = scf.for %while3A_382 = %while3A to %while3A_372 step %while3A_373 iter_args(%while3A_383 = %while3A_366) -> (i32)  : i32 {
        %mul3A_384 = arith.constant 2 : i32
        %mul3A_385 = arith.muli %while3A_382, %mul3A_384 : i32
        %add3A_386 = arith.constant 1 : i32
        %add3A_387 = arith.addi %mul3A_385, %add3A_386 : i32
        %lt3A_388 = arith.cmpi slt, %add3A_387, %max3A_183 : i32
        %convert_element_type3A_389 = arith.extui %lt3A_388 : i1 to i32
        %cond3A_390 = arith.constant 0 : i32
        %cond3A_391 = arith.cmpi ne, %convert_element_type3A_389, %cond3A_390 : i32
        scf.if %cond3A_391 {
          %mul3A_419 = arith.constant 128 : i32
          %mul3A_420 = arith.muli %add3A_387, %mul3A_419 : i32
          %multiple_of3A_421 = tpu.assume_multiple %mul3A_420, 8 : i32
          %add3A_422 = arith.constant 0 : i32
          %add3A_423 = arith.addi %multiple_of3A_421, %add3A_422 : i32
          %get3A_424 = arith.index_cast %add3A_423 : i32 to index
          %get3A_425 = tpu.vector_load %arg6[%get3A_424] {strides = array<i32>} : memref<10128xi32, #tpu.memory_space<vmem>>, vector<16xi32>,
          %shift_right_arithmetic3A_426 = arith.constant 13 : i32
          %shift_right_arithmetic3A_427 = vector.broadcast %shift_right_arithmetic3A_426 : i32 to vector<16xi32>
          %shift_right_arithmetic3A_428 = arith.shrsi %get3A_425, %shift_right_arithmetic3A_427 : vector<16xi32>
          %swap3A_429 = arith.constant 1 : i32
          %swap3A_430 = arith.index_cast %swap3A_429 : i32 to index
          %swap3A_431 = arith.constant 0 : index
          %swap3A_432 = tpu.vector_load %arg7[%swap3A_430, %swap3A_431] {strides = array<i32>} : memref<2x128xi32, #tpu.memory_space<vmem>>, vector<16xi32>,
          tpu.vector_store %arg7[%swap3A_430, %swap3A_431], %shift_right_arithmetic3A_428 {strides = array<i32>} : memref<2x128xi32, #tpu.memory_space<vmem>>, vector<16xi32>,
          %and3A_433 = arith.constant 8191 : i32
          %and3A_434 = vector.broadcast %and3A_433 : i32 to vector<16xi32>
          %and3A_435 = arith.andi %get3A_425, %and3A_434 : vector<16xi32>
          %swap3A_436 = arith.constant 1 : i32
          %swap3A_437 = arith.index_cast %swap3A_436 : i32 to index
          %swap3A_438 = arith.constant 0 : index
          %swap3A_439 = tpu.vector_load %arg8[%swap3A_437, %swap3A_438] {strides = array<i32>} : memref<2x128xi32, #tpu.memory_space<vmem>>, vector<16xi32>,
          tpu.vector_store %arg8[%swap3A_437, %swap3A_438], %and3A_435 {strides = array<i32>} : memref<2x128xi32, #tpu.memory_space<vmem>>, vector<16xi32>,
          %add3A_440 = arith.constant 16 : i32
          %add3A_441 = arith.addi %multiple_of3A_421, %add3A_440 : i32
          %get3A_442 = arith.index_cast %add3A_441 : i32 to index
          %get3A_443 = tpu.vector_load %arg6[%get3A_442] {strides = array<i32>} : memref<10128xi32, #tpu.memory_space<vmem>>, vector<16xi32>,
          %shift_right_arithmetic3A_444 = arith.constant 13 : i32
          %shift_right_arithmetic3A_445 = vector.broadcast %shift_right_arithmetic3A_444 : i32 to vector<16xi32>
          %shift_right_arithmetic3A_446 = arith.shrsi %get3A_443, %shift_right_arithmetic3A_445 : vector<16xi32>
          %swap3A_447 = arith.constant 1 : i32
          %swap3A_448 = arith.index_cast %swap3A_447 : i32 to index
          %swap3A_449 = arith.constant 16 : index
          %swap3A_450 = tpu.vector_load %arg7[%swap3A_448, %swap3A_449] {strides = array<i32>} : memref<2x128xi32, #tpu.memory_space<vmem>>, vector<16xi32>,
          tpu.vector_store %arg7[%swap3A_448, %swap3A_449], %shift_right_arithmetic3A_446 {strides = array<i32>} : memref<2x128xi32, #tpu.memory_space<vmem>>, vector<16xi32>,
          %and3A_451 = arith.constant 8191 : i32
          %and3A_452 = vector.broadcast %and3A_451 : i32 to vector<16xi32>
          %and3A_453 = arith.andi %get3A_443, %and3A_452 : vector<16xi32>
          %swap3A_454 = arith.constant 1 : i32
          %swap3A_455 = arith.index_cast %swap3A_454 : i32 to index
          %swap3A_456 = arith.constant 16 : index
          %swap3A_457 = tpu.vector_load %arg8[%swap3A_455, %swap3A_456] {strides = array<i32>} : memref<2x128xi32, #tpu.memory_space<vmem>>, vector<16xi32>,
          tpu.vector_store %arg8[%swap3A_455, %swap3A_456], %and3A_453 {strides = array<i32>} : memref<2x128xi32, #tpu.memory_space<vmem>>, vector<16xi32>,
          %add3A_458 = arith.constant 32 : i32
          %add3A_459 = arith.addi %multiple_of3A_421, %add3A_458 : i32
          %get3A_460 = arith.index_cast %add3A_459 : i32 to index
          %get3A_461 = tpu.vector_load %arg6[%get3A_460] {strides = array<i32>} : memref<10128xi32, #tpu.memory_space<vmem>>, vector<16xi32>,
          %shift_right_arithmetic3A_462 = arith.constant 13 : i32
          %shift_right_arithmetic3A_463 = vector.broadcast %shift_right_arithmetic3A_462 : i32 to vector<16xi32>
          %shift_right_arithmetic3A_464 = arith.shrsi %get3A_461, %shift_right_arithmetic3A_463 : vector<16xi32>
          %swap3A_465 = arith.constant 1 : i32
          %swap3A_466 = arith.index_cast %swap3A_465 : i32 to index
          %swap3A_467 = arith.constant 32 : index
          %swap3A_468 = tpu.vector_load %arg7[%swap3A_466, %swap3A_467] {strides = array<i32>} : memref<2x128xi32, #tpu.memory_space<vmem>>, vector<16xi32>,
          tpu.vector_store %arg7[%swap3A_466, %swap3A_467], %shift_right_arithmetic3A_464 {strides = array<i32>} : memref<2x128xi32, #tpu.memory_space<vmem>>, vector<16xi32>,
          %and3A_469 = arith.constant 8191 : i32
          %and3A_470 = vector.broadcast %and3A_469 : i32 to vector<16xi32>
          %and3A_471 = arith.andi %get3A_461, %and3A_470 : vector<16xi32>
          %swap3A_472 = arith.constant 1 : i32
          %swap3A_473 = arith.index_cast %swap3A_472 : i32 to index
          %swap3A_474 = arith.constant 32 : index
          %swap3A_475 = tpu.vector_load %arg8[%swap3A_473, %swap3A_474] {strides = array<i32>} : memref<2x128xi32, #tpu.memory_space<vmem>>, vector<16xi32>,
          tpu.vector_store %arg8[%swap3A_473, %swap3A_474], %and3A_471 {strides = array<i32>} : memref<2x128xi32, #tpu.memory_space<vmem>>, vector<16xi32>,
          %add3A_476 = arith.constant 48 : i32
          %add3A_477 = arith.addi %multiple_of3A_421, %add3A_476 : i32
          %get3A_478 = arith.index_cast %add3A_477 : i32 to index
          %get3A_479 = tpu.vector_load %arg6[%get3A_478] {strides = array<i32>} : memref<10128xi32, #tpu.memory_space<vmem>>, vector<16xi32>,
          %shift_right_arithmetic3A_480 = arith.constant 13 : i32
          %shift_right_arithmetic3A_481 = vector.broadcast %shift_right_arithmetic3A_480 : i32 to vector<16xi32>
          %shift_right_arithmetic3A_482 = arith.shrsi %get3A_479, %shift_right_arithmetic3A_481 : vector<16xi32>
          %swap3A_483 = arith.constant 1 : i32
          %swap3A_484 = arith.index_cast %swap3A_483 : i32 to index
          %swap3A_485 = arith.constant 48 : index
          %swap3A_486 = tpu.vector_load %arg7[%swap3A_484, %swap3A_485] {strides = array<i32>} : memref<2x128xi32, #tpu.memory_space<vmem>>, vector<16xi32>,
          tpu.vector_store %arg7[%swap3A_484, %swap3A_485], %shift_right_arithmetic3A_482 {strides = array<i32>} : memref<2x128xi32, #tpu.memory_space<vmem>>, vector<16xi32>,
          %and3A_487 = arith.constant 8191 : i32
          %and3A_488 = vector.broadcast %and3A_487 : i32 to vector<16xi32>
          %and3A_489 = arith.andi %get3A_479, %and3A_488 : vector<16xi32>
          %swap3A_490 = arith.constant 1 : i32
          %swap3A_491 = arith.index_cast %swap3A_490 : i32 to index
          %swap3A_492 = arith.constant 48 : index
          %swap3A_493 = tpu.vector_load %arg8[%swap3A_491, %swap3A_492] {strides = array<i32>} : memref<2x128xi32, #tpu.memory_space<vmem>>, vector<16xi32>,
          tpu.vector_store %arg8[%swap3A_491, %swap3A_492], %and3A_489 {strides = array<i32>} : memref<2x128xi32, #tpu.memory_space<vmem>>, vector<16xi32>,
          %add3A_494 = arith.constant 64 : i32
          %add3A_495 = arith.addi %multiple_of3A_421, %add3A_494 : i32
          %get3A_496 = arith.index_cast %add3A_495 : i32 to index
          %get3A_497 = tpu.vector_load %arg6[%get3A_496] {strides = array<i32>} : memref<10128xi32, #tpu.memory_space<vmem>>, vector<16xi32>,
          %shift_right_arithmetic3A_498 = arith.constant 13 : i32
          %shift_right_arithmetic3A_499 = vector.broadcast %shift_right_arithmetic3A_498 : i32 to vector<16xi32>
          %shift_right_arithmetic3A_500 = arith.shrsi %get3A_497, %shift_right_arithmetic3A_499 : vector<16xi32>
          %swap3A_501 = arith.constant 1 : i32
          %swap3A_502 = arith.index_cast %swap3A_501 : i32 to index
          %swap3A_503 = arith.constant 64 : index
          %swap3A_504 = tpu.vector_load %arg7[%swap3A_502, %swap3A_503] {strides = array<i32>} : memref<2x128xi32, #tpu.memory_space<vmem>>, vector<16xi32>,
          tpu.vector_store %arg7[%swap3A_502, %swap3A_503], %shift_right_arithmetic3A_500 {strides = array<i32>} : memref<2x128xi32, #tpu.memory_space<vmem>>, vector<16xi32>,
          %and3A_505 = arith.constant 8191 : i32
          %and3A_506 = vector.broadcast %and3A_505 : i32 to vector<16xi32>
          %and3A_507 = arith.andi %get3A_497, %and3A_506 : vector<16xi32>
          %swap3A_508 = arith.constant 1 : i32
          %swap3A_509 = arith.index_cast %swap3A_508 : i32 to index
          %swap3A_510 = arith.constant 64 : index
          %swap3A_511 = tpu.vector_load %arg8[%swap3A_509, %swap3A_510] {strides = array<i32>} : memref<2x128xi32, #tpu.memory_space<vmem>>, vector<16xi32>,
          tpu.vector_store %arg8[%swap3A_509, %swap3A_510], %and3A_507 {strides = array<i32>} : memref<2x128xi32, #tpu.memory_space<vmem>>, vector<16xi32>,
          %add3A_512 = arith.constant 80 : i32
          %add3A_513 = arith.addi %multiple_of3A_421, %add3A_512 : i32
          %get3A_514 = arith.index_cast %add3A_513 : i32 to index
          %get3A_515 = tpu.vector_load %arg6[%get3A_514] {strides = array<i32>} : memref<10128xi32, #tpu.memory_space<vmem>>, vector<16xi32>,
          %shift_right_arithmetic3A_516 = arith.constant 13 : i32
          %shift_right_arithmetic3A_517 = vector.broadcast %shift_right_arithmetic3A_516 : i32 to vector<16xi32>
          %shift_right_arithmetic3A_518 = arith.shrsi %get3A_515, %shift_right_arithmetic3A_517 : vector<16xi32>
          %swap3A_519 = arith.constant 1 : i32
          %swap3A_520 = arith.index_cast %swap3A_519 : i32 to index
          %swap3A_521 = arith.constant 80 : index
          %swap3A_522 = tpu.vector_load %arg7[%swap3A_520, %swap3A_521] {strides = array<i32>} : memref<2x128xi32, #tpu.memory_space<vmem>>, vector<16xi32>,
          tpu.vector_store %arg7[%swap3A_520, %swap3A_521], %shift_right_arithmetic3A_518 {strides = array<i32>} : memref<2x128xi32, #tpu.memory_space<vmem>>, vector<16xi32>,
          %and3A_523 = arith.constant 8191 : i32
          %and3A_524 = vector.broadcast %and3A_523 : i32 to vector<16xi32>
          %and3A_525 = arith.andi %get3A_515, %and3A_524 : vector<16xi32>
          %swap3A_526 = arith.constant 1 : i32
          %swap3A_527 = arith.index_cast %swap3A_526 : i32 to index
          %swap3A_528 = arith.constant 80 : index
          %swap3A_529 = tpu.vector_load %arg8[%swap3A_527, %swap3A_528] {strides = array<i32>} : memref<2x128xi32, #tpu.memory_space<vmem>>, vector<16xi32>,
          tpu.vector_store %arg8[%swap3A_527, %swap3A_528], %and3A_525 {strides = array<i32>} : memref<2x128xi32, #tpu.memory_space<vmem>>, vector<16xi32>,
          %add3A_530 = arith.constant 96 : i32
          %add3A_531 = arith.addi %multiple_of3A_421, %add3A_530 : i32
          %get3A_532 = arith.index_cast %add3A_531 : i32 to index
          %get3A_533 = tpu.vector_load %arg6[%get3A_532] {strides = array<i32>} : memref<10128xi32, #tpu.memory_space<vmem>>, vector<16xi32>,
          %shift_right_arithmetic3A_534 = arith.constant 13 : i32
          %shift_right_arithmetic3A_535 = vector.broadcast %shift_right_arithmetic3A_534 : i32 to vector<16xi32>
          %shift_right_arithmetic3A_536 = arith.shrsi %get3A_533, %shift_right_arithmetic3A_535 : vector<16xi32>
          %swap3A_537 = arith.constant 1 : i32
          %swap3A_538 = arith.index_cast %swap3A_537 : i32 to index
          %swap3A_539 = arith.constant 96 : index
          %swap3A_540 = tpu.vector_load %arg7[%swap3A_538, %swap3A_539] {strides = array<i32>} : memref<2x128xi32, #tpu.memory_space<vmem>>, vector<16xi32>,
          tpu.vector_store %arg7[%swap3A_538, %swap3A_539], %shift_right_arithmetic3A_536 {strides = array<i32>} : memref<2x128xi32, #tpu.memory_space<vmem>>, vector<16xi32>,
          %and3A_541 = arith.constant 8191 : i32
          %and3A_542 = vector.broadcast %and3A_541 : i32 to vector<16xi32>
          %and3A_543 = arith.andi %get3A_533, %and3A_542 : vector<16xi32>
          %swap3A_544 = arith.constant 1 : i32
          %swap3A_545 = arith.index_cast %swap3A_544 : i32 to index
          %swap3A_546 = arith.constant 96 : index
          %swap3A_547 = tpu.vector_load %arg8[%swap3A_545, %swap3A_546] {strides = array<i32>} : memref<2x128xi32, #tpu.memory_space<vmem>>, vector<16xi32>,
          tpu.vector_store %arg8[%swap3A_545, %swap3A_546], %and3A_543 {strides = array<i32>} : memref<2x128xi32, #tpu.memory_space<vmem>>, vector<16xi32>,
          %add3A_548 = arith.constant 112 : i32
          %add3A_549 = arith.addi %multiple_of3A_421, %add3A_548 : i32
          %get3A_550 = arith.index_cast %add3A_549 : i32 to index
          %get3A_551 = tpu.vector_load %arg6[%get3A_550] {strides = array<i32>} : memref<10128xi32, #tpu.memory_space<vmem>>, vector<16xi32>,
          %shift_right_arithmetic3A_552 = arith.constant 13 : i32
          %shift_right_arithmetic3A_553 = vector.broadcast %shift_right_arithmetic3A_552 : i32 to vector<16xi32>
          %shift_right_arithmetic3A_554 = arith.shrsi %get3A_551, %shift_right_arithmetic3A_553 : vector<16xi32>
          %swap3A_555 = arith.constant 1 : i32
          %swap3A_556 = arith.index_cast %swap3A_555 : i32 to index
          %swap3A_557 = arith.constant 112 : index
          %swap3A_558 = tpu.vector_load %arg7[%swap3A_556, %swap3A_557] {strides = array<i32>} : memref<2x128xi32, #tpu.memory_space<vmem>>, vector<16xi32>,
          tpu.vector_store %arg7[%swap3A_556, %swap3A_557], %shift_right_arithmetic3A_554 {strides = array<i32>} : memref<2x128xi32, #tpu.memory_space<vmem>>, vector<16xi32>,
          %and3A_559 = arith.constant 8191 : i32
          %and3A_560 = vector.broadcast %and3A_559 : i32 to vector<16xi32>
          %and3A_561 = arith.andi %get3A_551, %and3A_560 : vector<16xi32>
          %swap3A_562 = arith.constant 1 : i32
          %swap3A_563 = arith.index_cast %swap3A_562 : i32 to index
          %swap3A_564 = arith.constant 112 : index
          %swap3A_565 = tpu.vector_load %arg8[%swap3A_563, %swap3A_564] {strides = array<i32>} : memref<2x128xi32, #tpu.memory_space<vmem>>, vector<16xi32>,
          tpu.vector_store %arg8[%swap3A_563, %swap3A_564], %and3A_561 {strides = array<i32>} : memref<2x128xi32, #tpu.memory_space<vmem>>, vector<16xi32>,
          %dma_start3A_566 = arith.constant 1 : i32
          %dma_start3A_567 = arith.constant 1 : i32
          %dma_start3A_568 = arith.constant 0 : i32
          %dma_start3A_569 = arith.constant 0 : i32
          %dma_start3A_570 = tpu.memref_slice %arg9[%dma_start3A_567, %dma_start3A_568, %dma_start3A_569] : memref<2x128x128xf32, #tpu.memory_space<vmem>> -> memref<1x128x128xf32, #tpu.memory_space<vmem>>
          %dma_start3A_571 = tpu.memref_squeeze %dma_start3A_570 : memref<1x128x128xf32, #tpu.memory_space<vmem>> -> memref<128x128xf32, #tpu.memory_space<vmem>>
          %dma_start3A_572 = arith.constant 0 : i32
          %dma_start3A_573 = tpu.memref_slice %arg7[%dma_start3A_566, %dma_start3A_572] : memref<2x128xi32, #tpu.memory_space<vmem>> -> memref<1x128xi32, #tpu.memory_space<vmem>>
          %dma_start3A_574 = tpu.memref_squeeze %dma_start3A_573 : memref<1x128xi32, #tpu.memory_space<vmem>> -> memref<128xi32, #tpu.memory_space<vmem>>
          %dma_start3A_575 = arith.constant 0 : i32
          %dma_start3A_576 = arith.constant 0 : i32
          %dma_start3A_577 = tpu.memref_slice %arg2[%dma_start3A_575, %dma_start3A_576] : memref<160000x128xf32, #tpu.memory_space<hbm>> -> memref<160000x128xf32, #tpu.memory_space<hbm>>
          tpu.enqueue_indirect_dma source(%dma_start3A_577 : memref<160000x128xf32, #tpu.memory_space<hbm>>) target(%dma_start3A_571 : memref<128x128xf32, #tpu.memory_space<vmem>>) offsets(%dma_start3A_574 : memref<128xi32, #tpu.memory_space<vmem>>) semaphore(%arg13 : memref<!tpu.dma_semaphore, #tpu.memory_space<semaphore_mem>>)
        } else {
        }
        %dma_wait3A_392 = arith.constant 0 : i32
        %dma_wait3A_393 = arith.constant 0 : i32
        %dma_wait3A_394 = arith.constant 0 : i32
        %dma_wait3A_395 = tpu.memref_slice %arg9[%dma_wait3A_392, %dma_wait3A_393, %dma_wait3A_394] : memref<2x128x128xf32, #tpu.memory_space<vmem>> -> memref<1x128x128xf32, #tpu.memory_space<vmem>>
        %dma_wait3A_396 = tpu.memref_squeeze %dma_wait3A_395 : memref<1x128x128xf32, #tpu.memory_space<vmem>> -> memref<128x128xf32, #tpu.memory_space<vmem>>
        %dma_wait3A_397 = arith.constant 0 : i32
        %dma_wait3A_398 = arith.constant 0 : i32
        %dma_wait3A_399 = tpu.memref_slice %arg2[%dma_wait3A_397, %dma_wait3A_398] : memref<160000x128xf32, #tpu.memory_space<hbm>> -> memref<128x128xf32, #tpu.memory_space<hbm>>
        %dma_wait3A_400 = arith.constant 0 : i32
        %dma_wait3A_401 = arith.constant 0 : i32
        %dma_wait3A_402 = tpu.memref_slice %arg9[%dma_wait3A_392, %dma_wait3A_400, %dma_wait3A_401] : memref<2x128x128xf32, #tpu.memory_space<vmem>> -> memref<1x128x128xf32, #tpu.memory_space<vmem>>
        %dma_wait3A_403 = tpu.memref_squeeze %dma_wait3A_402 : memref<1x128x128xf32, #tpu.memory_space<vmem>> -> memref<128x128xf32, #tpu.memory_space<vmem>>
        %dma_wait3A_404 = arith.constant 0 : i32
        %dma_wait3A_405 = arith.constant 0 : i32
        %dma_wait3A_406 = tpu.memref_slice %arg2[%dma_wait3A_404, %dma_wait3A_405] : memref<160000x128xf32, #tpu.memory_space<hbm>> -> memref<128x128xf32, #tpu.memory_space<hbm>>
        tpu.wait_dma2 semaphore(%arg12 : memref<!tpu.dma_semaphore, #tpu.memory_space<semaphore_mem>>) src(%dma_wait3A_406 : memref<128x128xf32, #tpu.memory_space<hbm>>) dst(%dma_wait3A_403 : memref<128x128xf32, #tpu.memory_space<vmem>>)
        %run_scoped3A = arith.constant 0 : i32
        %run_scoped3A_407 = arith.constant 0 : i32
        "tpu.region"() ({
          %run_scoped3A_419 = tpu.sem_alloc : memref<!tpu.dma_semaphore, #tpu.memory_space<semaphore_mem>>
          %dma_start3A_420 = arith.constant 0 : i32
          %dma_start3A_421 = arith.constant 0 : i32
          %dma_start3A_422 = tpu.memref_slice %arg9[%run_scoped3A, %dma_start3A_420, %dma_start3A_421] : memref<2x128x128xf32, #tpu.memory_space<vmem>> -> memref<1x128x128xf32, #tpu.memory_space<vmem>>
          %dma_start3A_423 = tpu.memref_squeeze %dma_start3A_422 : memref<1x128x128xf32, #tpu.memory_space<vmem>> -> memref<128x128xf32, #tpu.memory_space<vmem>>
          %dma_start3A_424 = arith.constant 0 : i32
          %dma_start3A_425 = tpu.memref_slice %arg8[%run_scoped3A_407, %dma_start3A_424] : memref<2x128xi32, #tpu.memory_space<vmem>> -> memref<1x128xi32, #tpu.memory_space<vmem>>
          %dma_start3A_426 = tpu.memref_squeeze %dma_start3A_425 : memref<1x128xi32, #tpu.memory_space<vmem>> -> memref<128xi32, #tpu.memory_space<vmem>>
          %dma_start3A_427 = arith.constant 0 : i32
          %dma_start3A_428 = arith.constant 0 : i32
          %dma_start3A_429 = tpu.memref_slice %arg11[%dma_start3A_427, %dma_start3A_428] : memref<6408x128xf32, #tpu.memory_space<vmem_shared>> -> memref<6408x128xf32, #tpu.memory_space<vmem_shared>>
          tpu.enqueue_indirect_dma source(%dma_start3A_423 : memref<128x128xf32, #tpu.memory_space<vmem>>) target(%dma_start3A_429 : memref<6408x128xf32, #tpu.memory_space<vmem_shared>>) offsets(%dma_start3A_426 : memref<128xi32, #tpu.memory_space<vmem>>) semaphore(%run_scoped3A_419 : memref<!tpu.dma_semaphore, #tpu.memory_space<semaphore_mem>>) {add = true}
          %dma_wait3A_430 = arith.constant 0 : i32
          %dma_wait3A_431 = arith.constant 0 : i32
          %dma_wait3A_432 = tpu.memref_slice %arg9[%run_scoped3A, %dma_wait3A_430, %dma_wait3A_431] : memref<2x128x128xf32, #tpu.memory_space<vmem>> -> memref<1x128x128xf32, #tpu.memory_space<vmem>>
          %dma_wait3A_433 = tpu.memref_squeeze %dma_wait3A_432 : memref<1x128x128xf32, #tpu.memory_space<vmem>> -> memref<128x128xf32, #tpu.memory_space<vmem>>
          %dma_wait3A_434 = arith.constant 0 : i32
          %dma_wait3A_435 = tpu.memref_slice %arg8[%run_scoped3A_407, %dma_wait3A_434] : memref<2x128xi32, #tpu.memory_space<vmem>> -> memref<1x128xi32, #tpu.memory_space<vmem>>
          %dma_wait3A_436 = tpu.memref_squeeze %dma_wait3A_435 : memref<1x128xi32, #tpu.memory_space<vmem>> -> memref<128xi32, #tpu.memory_space<vmem>>
          %dma_wait3A_437 = arith.constant 0 : i32
          %dma_wait3A_438 = arith.constant 0 : i32
          %dma_wait3A_439 = tpu.memref_slice %arg11[%dma_wait3A_437, %dma_wait3A_438] : memref<6408x128xf32, #tpu.memory_space<vmem_shared>> -> memref<6408x128xf32, #tpu.memory_space<vmem_shared>>
          tpu.wait_indirect_dma semaphore(%run_scoped3A_419 : memref<!tpu.dma_semaphore, #tpu.memory_space<semaphore_mem>>) src(%dma_wait3A_433 : memref<128x128xf32, #tpu.memory_space<vmem>>) dst(%dma_wait3A_439 : memref<6408x128xf32, #tpu.memory_space<vmem_shared>>)
          tpu.yield
        }) : () -> ()
        %add3A_408 = arith.constant 1 : i32
        %add3A_409 = arith.addi %add3A_387, %add3A_408 : i32
        %lt3A_410 = arith.cmpi slt, %add3A_409, %max3A_183 : i32
        %convert_element_type3A_411 = arith.extui %lt3A_410 : i1 to i32
        %cond3A_412 = arith.constant 0 : i32
        %cond3A_413 = arith.cmpi ne, %convert_element_type3A_411, %cond3A_412 : i32
        scf.if %cond3A_413 {
          %add3A_419 = arith.constant 1 : i32
          %add3A_420 = arith.addi %add3A_387, %add3A_419 : i32
          %mul3A_421 = arith.constant 128 : i32
          %mul3A_422 = arith.muli %add3A_420, %mul3A_421 : i32
          %multiple_of3A_423 = tpu.assume_multiple %mul3A_422, 8 : i32
          %add3A_424 = arith.constant 0 : i32
          %add3A_425 = arith.addi %multiple_of3A_423, %add3A_424 : i32
          %get3A_426 = arith.index_cast %add3A_425 : i32 to index
          %get3A_427 = tpu.vector_load %arg6[%get3A_426] {strides = array<i32>} : memref<10128xi32, #tpu.memory_space<vmem>>, vector<16xi32>,
          %shift_right_arithmetic3A_428 = arith.constant 13 : i32
          %shift_right_arithmetic3A_429 = vector.broadcast %shift_right_arithmetic3A_428 : i32 to vector<16xi32>
          %shift_right_arithmetic3A_430 = arith.shrsi %get3A_427, %shift_right_arithmetic3A_429 : vector<16xi32>
          %swap3A_431 = arith.constant 0 : i32
          %swap3A_432 = arith.index_cast %swap3A_431 : i32 to index
          %swap3A_433 = arith.constant 0 : index
          %swap3A_434 = tpu.vector_load %arg7[%swap3A_432, %swap3A_433] {strides = array<i32>} : memref<2x128xi32, #tpu.memory_space<vmem>>, vector<16xi32>,
          tpu.vector_store %arg7[%swap3A_432, %swap3A_433], %shift_right_arithmetic3A_430 {strides = array<i32>} : memref<2x128xi32, #tpu.memory_space<vmem>>, vector<16xi32>,
          %and3A_435 = arith.constant 8191 : i32
          %and3A_436 = vector.broadcast %and3A_435 : i32 to vector<16xi32>
          %and3A_437 = arith.andi %get3A_427, %and3A_436 : vector<16xi32>
          %swap3A_438 = arith.constant 0 : i32
          %swap3A_439 = arith.index_cast %swap3A_438 : i32 to index
          %swap3A_440 = arith.constant 0 : index
          %swap3A_441 = tpu.vector_load %arg8[%swap3A_439, %swap3A_440] {strides = array<i32>} : memref<2x128xi32, #tpu.memory_space<vmem>>, vector<16xi32>,
          tpu.vector_store %arg8[%swap3A_439, %swap3A_440], %and3A_437 {strides = array<i32>} : memref<2x128xi32, #tpu.memory_space<vmem>>, vector<16xi32>,
          %add3A_442 = arith.constant 16 : i32
          %add3A_443 = arith.addi %multiple_of3A_423, %add3A_442 : i32
          %get3A_444 = arith.index_cast %add3A_443 : i32 to index
          %get3A_445 = tpu.vector_load %arg6[%get3A_444] {strides = array<i32>} : memref<10128xi32, #tpu.memory_space<vmem>>, vector<16xi32>,
          %shift_right_arithmetic3A_446 = arith.constant 13 : i32
          %shift_right_arithmetic3A_447 = vector.broadcast %shift_right_arithmetic3A_446 : i32 to vector<16xi32>
          %shift_right_arithmetic3A_448 = arith.shrsi %get3A_445, %shift_right_arithmetic3A_447 : vector<16xi32>
          %swap3A_449 = arith.constant 0 : i32
          %swap3A_450 = arith.index_cast %swap3A_449 : i32 to index
          %swap3A_451 = arith.constant 16 : index
          %swap3A_452 = tpu.vector_load %arg7[%swap3A_450, %swap3A_451] {strides = array<i32>} : memref<2x128xi32, #tpu.memory_space<vmem>>, vector<16xi32>,
          tpu.vector_store %arg7[%swap3A_450, %swap3A_451], %shift_right_arithmetic3A_448 {strides = array<i32>} : memref<2x128xi32, #tpu.memory_space<vmem>>, vector<16xi32>,
          %and3A_453 = arith.constant 8191 : i32
          %and3A_454 = vector.broadcast %and3A_453 : i32 to vector<16xi32>
          %and3A_455 = arith.andi %get3A_445, %and3A_454 : vector<16xi32>
          %swap3A_456 = arith.constant 0 : i32
          %swap3A_457 = arith.index_cast %swap3A_456 : i32 to index
          %swap3A_458 = arith.constant 16 : index
          %swap3A_459 = tpu.vector_load %arg8[%swap3A_457, %swap3A_458] {strides = array<i32>} : memref<2x128xi32, #tpu.memory_space<vmem>>, vector<16xi32>,
          tpu.vector_store %arg8[%swap3A_457, %swap3A_458], %and3A_455 {strides = array<i32>} : memref<2x128xi32, #tpu.memory_space<vmem>>, vector<16xi32>,
          %add3A_460 = arith.constant 32 : i32
          %add3A_461 = arith.addi %multiple_of3A_423, %add3A_460 : i32
          %get3A_462 = arith.index_cast %add3A_461 : i32 to index
          %get3A_463 = tpu.vector_load %arg6[%get3A_462] {strides = array<i32>} : memref<10128xi32, #tpu.memory_space<vmem>>, vector<16xi32>,
          %shift_right_arithmetic3A_464 = arith.constant 13 : i32
          %shift_right_arithmetic3A_465 = vector.broadcast %shift_right_arithmetic3A_464 : i32 to vector<16xi32>
          %shift_right_arithmetic3A_466 = arith.shrsi %get3A_463, %shift_right_arithmetic3A_465 : vector<16xi32>
          %swap3A_467 = arith.constant 0 : i32
          %swap3A_468 = arith.index_cast %swap3A_467 : i32 to index
          %swap3A_469 = arith.constant 32 : index
          %swap3A_470 = tpu.vector_load %arg7[%swap3A_468, %swap3A_469] {strides = array<i32>} : memref<2x128xi32, #tpu.memory_space<vmem>>, vector<16xi32>,
          tpu.vector_store %arg7[%swap3A_468, %swap3A_469], %shift_right_arithmetic3A_466 {strides = array<i32>} : memref<2x128xi32, #tpu.memory_space<vmem>>, vector<16xi32>,
          %and3A_471 = arith.constant 8191 : i32
          %and3A_472 = vector.broadcast %and3A_471 : i32 to vector<16xi32>
          %and3A_473 = arith.andi %get3A_463, %and3A_472 : vector<16xi32>
          %swap3A_474 = arith.constant 0 : i32
          %swap3A_475 = arith.index_cast %swap3A_474 : i32 to index
          %swap3A_476 = arith.constant 32 : index
          %swap3A_477 = tpu.vector_load %arg8[%swap3A_475, %swap3A_476] {strides = array<i32>} : memref<2x128xi32, #tpu.memory_space<vmem>>, vector<16xi32>,
          tpu.vector_store %arg8[%swap3A_475, %swap3A_476], %and3A_473 {strides = array<i32>} : memref<2x128xi32, #tpu.memory_space<vmem>>, vector<16xi32>,
          %add3A_478 = arith.constant 48 : i32
          %add3A_479 = arith.addi %multiple_of3A_423, %add3A_478 : i32
          %get3A_480 = arith.index_cast %add3A_479 : i32 to index
          %get3A_481 = tpu.vector_load %arg6[%get3A_480] {strides = array<i32>} : memref<10128xi32, #tpu.memory_space<vmem>>, vector<16xi32>,
          %shift_right_arithmetic3A_482 = arith.constant 13 : i32
          %shift_right_arithmetic3A_483 = vector.broadcast %shift_right_arithmetic3A_482 : i32 to vector<16xi32>
          %shift_right_arithmetic3A_484 = arith.shrsi %get3A_481, %shift_right_arithmetic3A_483 : vector<16xi32>
          %swap3A_485 = arith.constant 0 : i32
          %swap3A_486 = arith.index_cast %swap3A_485 : i32 to index
          %swap3A_487 = arith.constant 48 : index
          %swap3A_488 = tpu.vector_load %arg7[%swap3A_486, %swap3A_487] {strides = array<i32>} : memref<2x128xi32, #tpu.memory_space<vmem>>, vector<16xi32>,
          tpu.vector_store %arg7[%swap3A_486, %swap3A_487], %shift_right_arithmetic3A_484 {strides = array<i32>} : memref<2x128xi32, #tpu.memory_space<vmem>>, vector<16xi32>,
          %and3A_489 = arith.constant 8191 : i32
          %and3A_490 = vector.broadcast %and3A_489 : i32 to vector<16xi32>
          %and3A_491 = arith.andi %get3A_481, %and3A_490 : vector<16xi32>
          %swap3A_492 = arith.constant 0 : i32
          %swap3A_493 = arith.index_cast %swap3A_492 : i32 to index
          %swap3A_494 = arith.constant 48 : index
          %swap3A_495 = tpu.vector_load %arg8[%swap3A_493, %swap3A_494] {strides = array<i32>} : memref<2x128xi32, #tpu.memory_space<vmem>>, vector<16xi32>,
          tpu.vector_store %arg8[%swap3A_493, %swap3A_494], %and3A_491 {strides = array<i32>} : memref<2x128xi32, #tpu.memory_space<vmem>>, vector<16xi32>,
          %add3A_496 = arith.constant 64 : i32
          %add3A_497 = arith.addi %multiple_of3A_423, %add3A_496 : i32
          %get3A_498 = arith.index_cast %add3A_497 : i32 to index
          %get3A_499 = tpu.vector_load %arg6[%get3A_498] {strides = array<i32>} : memref<10128xi32, #tpu.memory_space<vmem>>, vector<16xi32>,
          %shift_right_arithmetic3A_500 = arith.constant 13 : i32
          %shift_right_arithmetic3A_501 = vector.broadcast %shift_right_arithmetic3A_500 : i32 to vector<16xi32>
          %shift_right_arithmetic3A_502 = arith.shrsi %get3A_499, %shift_right_arithmetic3A_501 : vector<16xi32>
          %swap3A_503 = arith.constant 0 : i32
          %swap3A_504 = arith.index_cast %swap3A_503 : i32 to index
          %swap3A_505 = arith.constant 64 : index
          %swap3A_506 = tpu.vector_load %arg7[%swap3A_504, %swap3A_505] {strides = array<i32>} : memref<2x128xi32, #tpu.memory_space<vmem>>, vector<16xi32>,
          tpu.vector_store %arg7[%swap3A_504, %swap3A_505], %shift_right_arithmetic3A_502 {strides = array<i32>} : memref<2x128xi32, #tpu.memory_space<vmem>>, vector<16xi32>,
          %and3A_507 = arith.constant 8191 : i32
          %and3A_508 = vector.broadcast %and3A_507 : i32 to vector<16xi32>
          %and3A_509 = arith.andi %get3A_499, %and3A_508 : vector<16xi32>
          %swap3A_510 = arith.constant 0 : i32
          %swap3A_511 = arith.index_cast %swap3A_510 : i32 to index
          %swap3A_512 = arith.constant 64 : index
          %swap3A_513 = tpu.vector_load %arg8[%swap3A_511, %swap3A_512] {strides = array<i32>} : memref<2x128xi32, #tpu.memory_space<vmem>>, vector<16xi32>,
          tpu.vector_store %arg8[%swap3A_511, %swap3A_512], %and3A_509 {strides = array<i32>} : memref<2x128xi32, #tpu.memory_space<vmem>>, vector<16xi32>,
          %add3A_514 = arith.constant 80 : i32
          %add3A_515 = arith.addi %multiple_of3A_423, %add3A_514 : i32
          %get3A_516 = arith.index_cast %add3A_515 : i32 to index
          %get3A_517 = tpu.vector_load %arg6[%get3A_516] {strides = array<i32>} : memref<10128xi32, #tpu.memory_space<vmem>>, vector<16xi32>,
          %shift_right_arithmetic3A_518 = arith.constant 13 : i32
          %shift_right_arithmetic3A_519 = vector.broadcast %shift_right_arithmetic3A_518 : i32 to vector<16xi32>
          %shift_right_arithmetic3A_520 = arith.shrsi %get3A_517, %shift_right_arithmetic3A_519 : vector<16xi32>
          %swap3A_521 = arith.constant 0 : i32
          %swap3A_522 = arith.index_cast %swap3A_521 : i32 to index
          %swap3A_523 = arith.constant 80 : index
          %swap3A_524 = tpu.vector_load %arg7[%swap3A_522, %swap3A_523] {strides = array<i32>} : memref<2x128xi32, #tpu.memory_space<vmem>>, vector<16xi32>,
          tpu.vector_store %arg7[%swap3A_522, %swap3A_523], %shift_right_arithmetic3A_520 {strides = array<i32>} : memref<2x128xi32, #tpu.memory_space<vmem>>, vector<16xi32>,
          %and3A_525 = arith.constant 8191 : i32
          %and3A_526 = vector.broadcast %and3A_525 : i32 to vector<16xi32>
          %and3A_527 = arith.andi %get3A_517, %and3A_526 : vector<16xi32>
          %swap3A_528 = arith.constant 0 : i32
          %swap3A_529 = arith.index_cast %swap3A_528 : i32 to index
          %swap3A_530 = arith.constant 80 : index
          %swap3A_531 = tpu.vector_load %arg8[%swap3A_529, %swap3A_530] {strides = array<i32>} : memref<2x128xi32, #tpu.memory_space<vmem>>, vector<16xi32>,
          tpu.vector_store %arg8[%swap3A_529, %swap3A_530], %and3A_527 {strides = array<i32>} : memref<2x128xi32, #tpu.memory_space<vmem>>, vector<16xi32>,
          %add3A_532 = arith.constant 96 : i32
          %add3A_533 = arith.addi %multiple_of3A_423, %add3A_532 : i32
          %get3A_534 = arith.index_cast %add3A_533 : i32 to index
          %get3A_535 = tpu.vector_load %arg6[%get3A_534] {strides = array<i32>} : memref<10128xi32, #tpu.memory_space<vmem>>, vector<16xi32>,
          %shift_right_arithmetic3A_536 = arith.constant 13 : i32
          %shift_right_arithmetic3A_537 = vector.broadcast %shift_right_arithmetic3A_536 : i32 to vector<16xi32>
          %shift_right_arithmetic3A_538 = arith.shrsi %get3A_535, %shift_right_arithmetic3A_537 : vector<16xi32>
          %swap3A_539 = arith.constant 0 : i32
          %swap3A_540 = arith.index_cast %swap3A_539 : i32 to index
          %swap3A_541 = arith.constant 96 : index
          %swap3A_542 = tpu.vector_load %arg7[%swap3A_540, %swap3A_541] {strides = array<i32>} : memref<2x128xi32, #tpu.memory_space<vmem>>, vector<16xi32>,
          tpu.vector_store %arg7[%swap3A_540, %swap3A_541], %shift_right_arithmetic3A_538 {strides = array<i32>} : memref<2x128xi32, #tpu.memory_space<vmem>>, vector<16xi32>,
          %and3A_543 = arith.constant 8191 : i32
          %and3A_544 = vector.broadcast %and3A_543 : i32 to vector<16xi32>
          %and3A_545 = arith.andi %get3A_535, %and3A_544 : vector<16xi32>
          %swap3A_546 = arith.constant 0 : i32
          %swap3A_547 = arith.index_cast %swap3A_546 : i32 to index
          %swap3A_548 = arith.constant 96 : index
          %swap3A_549 = tpu.vector_load %arg8[%swap3A_547, %swap3A_548] {strides = array<i32>} : memref<2x128xi32, #tpu.memory_space<vmem>>, vector<16xi32>,
          tpu.vector_store %arg8[%swap3A_547, %swap3A_548], %and3A_545 {strides = array<i32>} : memref<2x128xi32, #tpu.memory_space<vmem>>, vector<16xi32>,
          %add3A_550 = arith.constant 112 : i32
          %add3A_551 = arith.addi %multiple_of3A_423, %add3A_550 : i32
          %get3A_552 = arith.index_cast %add3A_551 : i32 to index
          %get3A_553 = tpu.vector_load %arg6[%get3A_552] {strides = array<i32>} : memref<10128xi32, #tpu.memory_space<vmem>>, vector<16xi32>,
          %shift_right_arithmetic3A_554 = arith.constant 13 : i32
          %shift_right_arithmetic3A_555 = vector.broadcast %shift_right_arithmetic3A_554 : i32 to vector<16xi32>
          %shift_right_arithmetic3A_556 = arith.shrsi %get3A_553, %shift_right_arithmetic3A_555 : vector<16xi32>
          %swap3A_557 = arith.constant 0 : i32
          %swap3A_558 = arith.index_cast %swap3A_557 : i32 to index
          %swap3A_559 = arith.constant 112 : index
          %swap3A_560 = tpu.vector_load %arg7[%swap3A_558, %swap3A_559] {strides = array<i32>} : memref<2x128xi32, #tpu.memory_space<vmem>>, vector<16xi32>,
          tpu.vector_store %arg7[%swap3A_558, %swap3A_559], %shift_right_arithmetic3A_556 {strides = array<i32>} : memref<2x128xi32, #tpu.memory_space<vmem>>, vector<16xi32>,
          %and3A_561 = arith.constant 8191 : i32
          %and3A_562 = vector.broadcast %and3A_561 : i32 to vector<16xi32>
          %and3A_563 = arith.andi %get3A_553, %and3A_562 : vector<16xi32>
          %swap3A_564 = arith.constant 0 : i32
          %swap3A_565 = arith.index_cast %swap3A_564 : i32 to index
          %swap3A_566 = arith.constant 112 : index
          %swap3A_567 = tpu.vector_load %arg8[%swap3A_565, %swap3A_566] {strides = array<i32>} : memref<2x128xi32, #tpu.memory_space<vmem>>, vector<16xi32>,
          tpu.vector_store %arg8[%swap3A_565, %swap3A_566], %and3A_563 {strides = array<i32>} : memref<2x128xi32, #tpu.memory_space<vmem>>, vector<16xi32>,
          %dma_start3A_568 = arith.constant 0 : i32
          %dma_start3A_569 = arith.constant 0 : i32
          %dma_start3A_570 = arith.constant 0 : i32
          %dma_start3A_571 = arith.constant 0 : i32
          %dma_start3A_572 = tpu.memref_slice %arg9[%dma_start3A_569, %dma_start3A_570, %dma_start3A_571] : memref<2x128x128xf32, #tpu.memory_space<vmem>> -> memref<1x128x128xf32, #tpu.memory_space<vmem>>
          %dma_start3A_573 = tpu.memref_squeeze %dma_start3A_572 : memref<1x128x128xf32, #tpu.memory_space<vmem>> -> memref<128x128xf32, #tpu.memory_space<vmem>>
          %dma_start3A_574 = arith.constant 0 : i32
          %dma_start3A_575 = tpu.memref_slice %arg7[%dma_start3A_568, %dma_start3A_574] : memref<2x128xi32, #tpu.memory_space<vmem>> -> memref<1x128xi32, #tpu.memory_space<vmem>>
          %dma_start3A_576 = tpu.memref_squeeze %dma_start3A_575 : memref<1x128xi32, #tpu.memory_space<vmem>> -> memref<128xi32, #tpu.memory_space<vmem>>
          %dma_start3A_577 = arith.constant 0 : i32
          %dma_start3A_578 = arith.constant 0 : i32
          %dma_start3A_579 = tpu.memref_slice %arg2[%dma_start3A_577, %dma_start3A_578] : memref<160000x128xf32, #tpu.memory_space<hbm>> -> memref<160000x128xf32, #tpu.memory_space<hbm>>
          tpu.enqueue_indirect_dma source(%dma_start3A_579 : memref<160000x128xf32, #tpu.memory_space<hbm>>) target(%dma_start3A_573 : memref<128x128xf32, #tpu.memory_space<vmem>>) offsets(%dma_start3A_576 : memref<128xi32, #tpu.memory_space<vmem>>) semaphore(%arg12 : memref<!tpu.dma_semaphore, #tpu.memory_space<semaphore_mem>>)
        } else {
        }
        %lt3A_414 = arith.cmpi slt, %add3A_387, %max3A_183 : i32
        %convert_element_type3A_415 = arith.extui %lt3A_414 : i1 to i32
        %cond3A_416 = arith.constant 0 : i32
        %cond3A_417 = arith.cmpi ne, %convert_element_type3A_415, %cond3A_416 : i32
        scf.if %cond3A_417 {
          %dma_wait3A_419 = arith.constant 1 : i32
          %dma_wait3A_420 = arith.constant 0 : i32
          %dma_wait3A_421 = arith.constant 0 : i32
          %dma_wait3A_422 = tpu.memref_slice %arg9[%dma_wait3A_419, %dma_wait3A_420, %dma_wait3A_421] : memref<2x128x128xf32, #tpu.memory_space<vmem>> -> memref<1x128x128xf32, #tpu.memory_space<vmem>>
          %dma_wait3A_423 = tpu.memref_squeeze %dma_wait3A_422 : memref<1x128x128xf32, #tpu.memory_space<vmem>> -> memref<128x128xf32, #tpu.memory_space<vmem>>
          %dma_wait3A_424 = arith.constant 0 : i32
          %dma_wait3A_425 = arith.constant 0 : i32
          %dma_wait3A_426 = tpu.memref_slice %arg2[%dma_wait3A_424, %dma_wait3A_425] : memref<160000x128xf32, #tpu.memory_space<hbm>> -> memref<128x128xf32, #tpu.memory_space<hbm>>
          %dma_wait3A_427 = arith.constant 0 : i32
          %dma_wait3A_428 = arith.constant 0 : i32
          %dma_wait3A_429 = tpu.memref_slice %arg9[%dma_wait3A_419, %dma_wait3A_427, %dma_wait3A_428] : memref<2x128x128xf32, #tpu.memory_space<vmem>> -> memref<1x128x128xf32, #tpu.memory_space<vmem>>
          %dma_wait3A_430 = tpu.memref_squeeze %dma_wait3A_429 : memref<1x128x128xf32, #tpu.memory_space<vmem>> -> memref<128x128xf32, #tpu.memory_space<vmem>>
          %dma_wait3A_431 = arith.constant 0 : i32
          %dma_wait3A_432 = arith.constant 0 : i32
          %dma_wait3A_433 = tpu.memref_slice %arg2[%dma_wait3A_431, %dma_wait3A_432] : memref<160000x128xf32, #tpu.memory_space<hbm>> -> memref<128x128xf32, #tpu.memory_space<hbm>>
          tpu.wait_dma2 semaphore(%arg13 : memref<!tpu.dma_semaphore, #tpu.memory_space<semaphore_mem>>) src(%dma_wait3A_433 : memref<128x128xf32, #tpu.memory_space<hbm>>) dst(%dma_wait3A_430 : memref<128x128xf32, #tpu.memory_space<vmem>>)
          %run_scoped3A_434 = arith.constant 1 : i32
          %run_scoped3A_435 = arith.constant 1 : i32
          "tpu.region"() ({
            %run_scoped3A_436 = tpu.sem_alloc : memref<!tpu.dma_semaphore, #tpu.memory_space<semaphore_mem>>
            %dma_start3A_437 = arith.constant 0 : i32
            %dma_start3A_438 = arith.constant 0 : i32
            %dma_start3A_439 = tpu.memref_slice %arg9[%run_scoped3A_434, %dma_start3A_437, %dma_start3A_438] : memref<2x128x128xf32, #tpu.memory_space<vmem>> -> memref<1x128x128xf32, #tpu.memory_space<vmem>>
            %dma_start3A_440 = tpu.memref_squeeze %dma_start3A_439 : memref<1x128x128xf32, #tpu.memory_space<vmem>> -> memref<128x128xf32, #tpu.memory_space<vmem>>
            %dma_start3A_441 = arith.constant 0 : i32
            %dma_start3A_442 = tpu.memref_slice %arg8[%run_scoped3A_435, %dma_start3A_441] : memref<2x128xi32, #tpu.memory_space<vmem>> -> memref<1x128xi32, #tpu.memory_space<vmem>>
            %dma_start3A_443 = tpu.memref_squeeze %dma_start3A_442 : memref<1x128xi32, #tpu.memory_space<vmem>> -> memref<128xi32, #tpu.memory_space<vmem>>
            %dma_start3A_444 = arith.constant 0 : i32
            %dma_start3A_445 = arith.constant 0 : i32
            %dma_start3A_446 = tpu.memref_slice %arg11[%dma_start3A_444, %dma_start3A_445] : memref<6408x128xf32, #tpu.memory_space<vmem_shared>> -> memref<6408x128xf32, #tpu.memory_space<vmem_shared>>
            tpu.enqueue_indirect_dma source(%dma_start3A_440 : memref<128x128xf32, #tpu.memory_space<vmem>>) target(%dma_start3A_446 : memref<6408x128xf32, #tpu.memory_space<vmem_shared>>) offsets(%dma_start3A_443 : memref<128xi32, #tpu.memory_space<vmem>>) semaphore(%run_scoped3A_436 : memref<!tpu.dma_semaphore, #tpu.memory_space<semaphore_mem>>) {add = true}
            %dma_wait3A_447 = arith.constant 0 : i32
            %dma_wait3A_448 = arith.constant 0 : i32
            %dma_wait3A_449 = tpu.memref_slice %arg9[%run_scoped3A_434, %dma_wait3A_447, %dma_wait3A_448] : memref<2x128x128xf32, #tpu.memory_space<vmem>> -> memref<1x128x128xf32, #tpu.memory_space<vmem>>
            %dma_wait3A_450 = tpu.memref_squeeze %dma_wait3A_449 : memref<1x128x128xf32, #tpu.memory_space<vmem>> -> memref<128x128xf32, #tpu.memory_space<vmem>>
            %dma_wait3A_451 = arith.constant 0 : i32
            %dma_wait3A_452 = tpu.memref_slice %arg8[%run_scoped3A_435, %dma_wait3A_451] : memref<2x128xi32, #tpu.memory_space<vmem>> -> memref<1x128xi32, #tpu.memory_space<vmem>>
            %dma_wait3A_453 = tpu.memref_squeeze %dma_wait3A_452 : memref<1x128xi32, #tpu.memory_space<vmem>> -> memref<128xi32, #tpu.memory_space<vmem>>
            %dma_wait3A_454 = arith.constant 0 : i32
            %dma_wait3A_455 = arith.constant 0 : i32
            %dma_wait3A_456 = tpu.memref_slice %arg11[%dma_wait3A_454, %dma_wait3A_455] : memref<6408x128xf32, #tpu.memory_space<vmem_shared>> -> memref<6408x128xf32, #tpu.memory_space<vmem_shared>>
            tpu.wait_indirect_dma semaphore(%run_scoped3A_436 : memref<!tpu.dma_semaphore, #tpu.memory_space<semaphore_mem>>) src(%dma_wait3A_450 : memref<128x128xf32, #tpu.memory_space<vmem>>) dst(%dma_wait3A_456 : memref<6408x128xf32, #tpu.memory_space<vmem_shared>>)
            tpu.yield
          }) : () -> ()
        } else {
        }
        %while3A_418 = arith.constant 0 : i32
        scf.yield %while3A_418 : i32
      }
      %while3A_375 = arith.constant 1 : i32
      %while3A_376 = scf.for %while3A_382 = %while3A_372 to %while3A_368 step %while3A_375 iter_args(%while3A_383 = %while3A_374) -> (i32)  : i32 {
        %mul3A_384 = arith.constant 2 : i32
        %mul3A_385 = arith.muli %while3A_382, %mul3A_384 : i32
        %add3A_386 = arith.constant 1 : i32
        %add3A_387 = arith.addi %mul3A_385, %add3A_386 : i32
        %lt3A_388 = arith.cmpi slt, %add3A_387, %max3A_183 : i32
        %convert_element_type3A_389 = arith.extui %lt3A_388 : i1 to i32
        %cond3A_390 = arith.constant 0 : i32
        %cond3A_391 = arith.cmpi ne, %convert_element_type3A_389, %cond3A_390 : i32
        scf.if %cond3A_391 {
          %mul3A_419 = arith.constant 128 : i32
          %mul3A_420 = arith.muli %add3A_387, %mul3A_419 : i32
          %multiple_of3A_421 = tpu.assume_multiple %mul3A_420, 8 : i32
          %add3A_422 = arith.constant 0 : i32
          %add3A_423 = arith.addi %multiple_of3A_421, %add3A_422 : i32
          %get3A_424 = arith.index_cast %add3A_423 : i32 to index
          %get3A_425 = tpu.vector_load %arg6[%get3A_424] {strides = array<i32>} : memref<10128xi32, #tpu.memory_space<vmem>>, vector<16xi32>,
          %shift_right_arithmetic3A_426 = arith.constant 13 : i32
          %shift_right_arithmetic3A_427 = vector.broadcast %shift_right_arithmetic3A_426 : i32 to vector<16xi32>
          %shift_right_arithmetic3A_428 = arith.shrsi %get3A_425, %shift_right_arithmetic3A_427 : vector<16xi32>
          %swap3A_429 = arith.constant 1 : i32
          %swap3A_430 = arith.index_cast %swap3A_429 : i32 to index
          %swap3A_431 = arith.constant 0 : index
          %swap3A_432 = tpu.vector_load %arg7[%swap3A_430, %swap3A_431] {strides = array<i32>} : memref<2x128xi32, #tpu.memory_space<vmem>>, vector<16xi32>,
          tpu.vector_store %arg7[%swap3A_430, %swap3A_431], %shift_right_arithmetic3A_428 {strides = array<i32>} : memref<2x128xi32, #tpu.memory_space<vmem>>, vector<16xi32>,
          %and3A_433 = arith.constant 8191 : i32
          %and3A_434 = vector.broadcast %and3A_433 : i32 to vector<16xi32>
          %and3A_435 = arith.andi %get3A_425, %and3A_434 : vector<16xi32>
          %swap3A_436 = arith.constant 1 : i32
          %swap3A_437 = arith.index_cast %swap3A_436 : i32 to index
          %swap3A_438 = arith.constant 0 : index
          %swap3A_439 = tpu.vector_load %arg8[%swap3A_437, %swap3A_438] {strides = array<i32>} : memref<2x128xi32, #tpu.memory_space<vmem>>, vector<16xi32>,
          tpu.vector_store %arg8[%swap3A_437, %swap3A_438], %and3A_435 {strides = array<i32>} : memref<2x128xi32, #tpu.memory_space<vmem>>, vector<16xi32>,
          %add3A_440 = arith.constant 16 : i32
          %add3A_441 = arith.addi %multiple_of3A_421, %add3A_440 : i32
          %get3A_442 = arith.index_cast %add3A_441 : i32 to index
          %get3A_443 = tpu.vector_load %arg6[%get3A_442] {strides = array<i32>} : memref<10128xi32, #tpu.memory_space<vmem>>, vector<16xi32>,
          %shift_right_arithmetic3A_444 = arith.constant 13 : i32
          %shift_right_arithmetic3A_445 = vector.broadcast %shift_right_arithmetic3A_444 : i32 to vector<16xi32>
          %shift_right_arithmetic3A_446 = arith.shrsi %get3A_443, %shift_right_arithmetic3A_445 : vector<16xi32>
          %swap3A_447 = arith.constant 1 : i32
          %swap3A_448 = arith.index_cast %swap3A_447 : i32 to index
          %swap3A_449 = arith.constant 16 : index
          %swap3A_450 = tpu.vector_load %arg7[%swap3A_448, %swap3A_449] {strides = array<i32>} : memref<2x128xi32, #tpu.memory_space<vmem>>, vector<16xi32>,
          tpu.vector_store %arg7[%swap3A_448, %swap3A_449], %shift_right_arithmetic3A_446 {strides = array<i32>} : memref<2x128xi32, #tpu.memory_space<vmem>>, vector<16xi32>,
          %and3A_451 = arith.constant 8191 : i32
          %and3A_452 = vector.broadcast %and3A_451 : i32 to vector<16xi32>
          %and3A_453 = arith.andi %get3A_443, %and3A_452 : vector<16xi32>
          %swap3A_454 = arith.constant 1 : i32
          %swap3A_455 = arith.index_cast %swap3A_454 : i32 to index
          %swap3A_456 = arith.constant 16 : index
          %swap3A_457 = tpu.vector_load %arg8[%swap3A_455, %swap3A_456] {strides = array<i32>} : memref<2x128xi32, #tpu.memory_space<vmem>>, vector<16xi32>,
          tpu.vector_store %arg8[%swap3A_455, %swap3A_456], %and3A_453 {strides = array<i32>} : memref<2x128xi32, #tpu.memory_space<vmem>>, vector<16xi32>,
          %add3A_458 = arith.constant 32 : i32
          %add3A_459 = arith.addi %multiple_of3A_421, %add3A_458 : i32
          %get3A_460 = arith.index_cast %add3A_459 : i32 to index
          %get3A_461 = tpu.vector_load %arg6[%get3A_460] {strides = array<i32>} : memref<10128xi32, #tpu.memory_space<vmem>>, vector<16xi32>,
          %shift_right_arithmetic3A_462 = arith.constant 13 : i32
          %shift_right_arithmetic3A_463 = vector.broadcast %shift_right_arithmetic3A_462 : i32 to vector<16xi32>
          %shift_right_arithmetic3A_464 = arith.shrsi %get3A_461, %shift_right_arithmetic3A_463 : vector<16xi32>
          %swap3A_465 = arith.constant 1 : i32
          %swap3A_466 = arith.index_cast %swap3A_465 : i32 to index
          %swap3A_467 = arith.constant 32 : index
          %swap3A_468 = tpu.vector_load %arg7[%swap3A_466, %swap3A_467] {strides = array<i32>} : memref<2x128xi32, #tpu.memory_space<vmem>>, vector<16xi32>,
          tpu.vector_store %arg7[%swap3A_466, %swap3A_467], %shift_right_arithmetic3A_464 {strides = array<i32>} : memref<2x128xi32, #tpu.memory_space<vmem>>, vector<16xi32>,
          %and3A_469 = arith.constant 8191 : i32
          %and3A_470 = vector.broadcast %and3A_469 : i32 to vector<16xi32>
          %and3A_471 = arith.andi %get3A_461, %and3A_470 : vector<16xi32>
          %swap3A_472 = arith.constant 1 : i32
          %swap3A_473 = arith.index_cast %swap3A_472 : i32 to index
          %swap3A_474 = arith.constant 32 : index
          %swap3A_475 = tpu.vector_load %arg8[%swap3A_473, %swap3A_474] {strides = array<i32>} : memref<2x128xi32, #tpu.memory_space<vmem>>, vector<16xi32>,
          tpu.vector_store %arg8[%swap3A_473, %swap3A_474], %and3A_471 {strides = array<i32>} : memref<2x128xi32, #tpu.memory_space<vmem>>, vector<16xi32>,
          %add3A_476 = arith.constant 48 : i32
          %add3A_477 = arith.addi %multiple_of3A_421, %add3A_476 : i32
          %get3A_478 = arith.index_cast %add3A_477 : i32 to index
          %get3A_479 = tpu.vector_load %arg6[%get3A_478] {strides = array<i32>} : memref<10128xi32, #tpu.memory_space<vmem>>, vector<16xi32>,
          %shift_right_arithmetic3A_480 = arith.constant 13 : i32
          %shift_right_arithmetic3A_481 = vector.broadcast %shift_right_arithmetic3A_480 : i32 to vector<16xi32>
          %shift_right_arithmetic3A_482 = arith.shrsi %get3A_479, %shift_right_arithmetic3A_481 : vector<16xi32>
          %swap3A_483 = arith.constant 1 : i32
          %swap3A_484 = arith.index_cast %swap3A_483 : i32 to index
          %swap3A_485 = arith.constant 48 : index
          %swap3A_486 = tpu.vector_load %arg7[%swap3A_484, %swap3A_485] {strides = array<i32>} : memref<2x128xi32, #tpu.memory_space<vmem>>, vector<16xi32>,
          tpu.vector_store %arg7[%swap3A_484, %swap3A_485], %shift_right_arithmetic3A_482 {strides = array<i32>} : memref<2x128xi32, #tpu.memory_space<vmem>>, vector<16xi32>,
          %and3A_487 = arith.constant 8191 : i32
          %and3A_488 = vector.broadcast %and3A_487 : i32 to vector<16xi32>
          %and3A_489 = arith.andi %get3A_479, %and3A_488 : vector<16xi32>
          %swap3A_490 = arith.constant 1 : i32
          %swap3A_491 = arith.index_cast %swap3A_490 : i32 to index
          %swap3A_492 = arith.constant 48 : index
          %swap3A_493 = tpu.vector_load %arg8[%swap3A_491, %swap3A_492] {strides = array<i32>} : memref<2x128xi32, #tpu.memory_space<vmem>>, vector<16xi32>,
          tpu.vector_store %arg8[%swap3A_491, %swap3A_492], %and3A_489 {strides = array<i32>} : memref<2x128xi32, #tpu.memory_space<vmem>>, vector<16xi32>,
          %add3A_494 = arith.constant 64 : i32
          %add3A_495 = arith.addi %multiple_of3A_421, %add3A_494 : i32
          %get3A_496 = arith.index_cast %add3A_495 : i32 to index
          %get3A_497 = tpu.vector_load %arg6[%get3A_496] {strides = array<i32>} : memref<10128xi32, #tpu.memory_space<vmem>>, vector<16xi32>,
          %shift_right_arithmetic3A_498 = arith.constant 13 : i32
          %shift_right_arithmetic3A_499 = vector.broadcast %shift_right_arithmetic3A_498 : i32 to vector<16xi32>
          %shift_right_arithmetic3A_500 = arith.shrsi %get3A_497, %shift_right_arithmetic3A_499 : vector<16xi32>
          %swap3A_501 = arith.constant 1 : i32
          %swap3A_502 = arith.index_cast %swap3A_501 : i32 to index
          %swap3A_503 = arith.constant 64 : index
          %swap3A_504 = tpu.vector_load %arg7[%swap3A_502, %swap3A_503] {strides = array<i32>} : memref<2x128xi32, #tpu.memory_space<vmem>>, vector<16xi32>,
          tpu.vector_store %arg7[%swap3A_502, %swap3A_503], %shift_right_arithmetic3A_500 {strides = array<i32>} : memref<2x128xi32, #tpu.memory_space<vmem>>, vector<16xi32>,
          %and3A_505 = arith.constant 8191 : i32
          %and3A_506 = vector.broadcast %and3A_505 : i32 to vector<16xi32>
          %and3A_507 = arith.andi %get3A_497, %and3A_506 : vector<16xi32>
          %swap3A_508 = arith.constant 1 : i32
          %swap3A_509 = arith.index_cast %swap3A_508 : i32 to index
          %swap3A_510 = arith.constant 64 : index
          %swap3A_511 = tpu.vector_load %arg8[%swap3A_509, %swap3A_510] {strides = array<i32>} : memref<2x128xi32, #tpu.memory_space<vmem>>, vector<16xi32>,
          tpu.vector_store %arg8[%swap3A_509, %swap3A_510], %and3A_507 {strides = array<i32>} : memref<2x128xi32, #tpu.memory_space<vmem>>, vector<16xi32>,
          %add3A_512 = arith.constant 80 : i32
          %add3A_513 = arith.addi %multiple_of3A_421, %add3A_512 : i32
          %get3A_514 = arith.index_cast %add3A_513 : i32 to index
          %get3A_515 = tpu.vector_load %arg6[%get3A_514] {strides = array<i32>} : memref<10128xi32, #tpu.memory_space<vmem>>, vector<16xi32>,
          %shift_right_arithmetic3A_516 = arith.constant 13 : i32
          %shift_right_arithmetic3A_517 = vector.broadcast %shift_right_arithmetic3A_516 : i32 to vector<16xi32>
          %shift_right_arithmetic3A_518 = arith.shrsi %get3A_515, %shift_right_arithmetic3A_517 : vector<16xi32>
          %swap3A_519 = arith.constant 1 : i32
          %swap3A_520 = arith.index_cast %swap3A_519 : i32 to index
          %swap3A_521 = arith.constant 80 : index
          %swap3A_522 = tpu.vector_load %arg7[%swap3A_520, %swap3A_521] {strides = array<i32>} : memref<2x128xi32, #tpu.memory_space<vmem>>, vector<16xi32>,
          tpu.vector_store %arg7[%swap3A_520, %swap3A_521], %shift_right_arithmetic3A_518 {strides = array<i32>} : memref<2x128xi32, #tpu.memory_space<vmem>>, vector<16xi32>,
          %and3A_523 = arith.constant 8191 : i32
          %and3A_524 = vector.broadcast %and3A_523 : i32 to vector<16xi32>
          %and3A_525 = arith.andi %get3A_515, %and3A_524 : vector<16xi32>
          %swap3A_526 = arith.constant 1 : i32
          %swap3A_527 = arith.index_cast %swap3A_526 : i32 to index
          %swap3A_528 = arith.constant 80 : index
          %swap3A_529 = tpu.vector_load %arg8[%swap3A_527, %swap3A_528] {strides = array<i32>} : memref<2x128xi32, #tpu.memory_space<vmem>>, vector<16xi32>,
          tpu.vector_store %arg8[%swap3A_527, %swap3A_528], %and3A_525 {strides = array<i32>} : memref<2x128xi32, #tpu.memory_space<vmem>>, vector<16xi32>,
          %add3A_530 = arith.constant 96 : i32
          %add3A_531 = arith.addi %multiple_of3A_421, %add3A_530 : i32
          %get3A_532 = arith.index_cast %add3A_531 : i32 to index
          %get3A_533 = tpu.vector_load %arg6[%get3A_532] {strides = array<i32>} : memref<10128xi32, #tpu.memory_space<vmem>>, vector<16xi32>,
          %shift_right_arithmetic3A_534 = arith.constant 13 : i32
          %shift_right_arithmetic3A_535 = vector.broadcast %shift_right_arithmetic3A_534 : i32 to vector<16xi32>
          %shift_right_arithmetic3A_536 = arith.shrsi %get3A_533, %shift_right_arithmetic3A_535 : vector<16xi32>
          %swap3A_537 = arith.constant 1 : i32
          %swap3A_538 = arith.index_cast %swap3A_537 : i32 to index
          %swap3A_539 = arith.constant 96 : index
          %swap3A_540 = tpu.vector_load %arg7[%swap3A_538, %swap3A_539] {strides = array<i32>} : memref<2x128xi32, #tpu.memory_space<vmem>>, vector<16xi32>,
          tpu.vector_store %arg7[%swap3A_538, %swap3A_539], %shift_right_arithmetic3A_536 {strides = array<i32>} : memref<2x128xi32, #tpu.memory_space<vmem>>, vector<16xi32>,
          %and3A_541 = arith.constant 8191 : i32
          %and3A_542 = vector.broadcast %and3A_541 : i32 to vector<16xi32>
          %and3A_543 = arith.andi %get3A_533, %and3A_542 : vector<16xi32>
          %swap3A_544 = arith.constant 1 : i32
          %swap3A_545 = arith.index_cast %swap3A_544 : i32 to index
          %swap3A_546 = arith.constant 96 : index
          %swap3A_547 = tpu.vector_load %arg8[%swap3A_545, %swap3A_546] {strides = array<i32>} : memref<2x128xi32, #tpu.memory_space<vmem>>, vector<16xi32>,
          tpu.vector_store %arg8[%swap3A_545, %swap3A_546], %and3A_543 {strides = array<i32>} : memref<2x128xi32, #tpu.memory_space<vmem>>, vector<16xi32>,
          %add3A_548 = arith.constant 112 : i32
          %add3A_549 = arith.addi %multiple_of3A_421, %add3A_548 : i32
          %get3A_550 = arith.index_cast %add3A_549 : i32 to index
          %get3A_551 = tpu.vector_load %arg6[%get3A_550] {strides = array<i32>} : memref<10128xi32, #tpu.memory_space<vmem>>, vector<16xi32>,
          %shift_right_arithmetic3A_552 = arith.constant 13 : i32
          %shift_right_arithmetic3A_553 = vector.broadcast %shift_right_arithmetic3A_552 : i32 to vector<16xi32>
          %shift_right_arithmetic3A_554 = arith.shrsi %get3A_551, %shift_right_arithmetic3A_553 : vector<16xi32>
          %swap3A_555 = arith.constant 1 : i32
          %swap3A_556 = arith.index_cast %swap3A_555 : i32 to index
          %swap3A_557 = arith.constant 112 : index
          %swap3A_558 = tpu.vector_load %arg7[%swap3A_556, %swap3A_557] {strides = array<i32>} : memref<2x128xi32, #tpu.memory_space<vmem>>, vector<16xi32>,
          tpu.vector_store %arg7[%swap3A_556, %swap3A_557], %shift_right_arithmetic3A_554 {strides = array<i32>} : memref<2x128xi32, #tpu.memory_space<vmem>>, vector<16xi32>,
          %and3A_559 = arith.constant 8191 : i32
          %and3A_560 = vector.broadcast %and3A_559 : i32 to vector<16xi32>
          %and3A_561 = arith.andi %get3A_551, %and3A_560 : vector<16xi32>
          %swap3A_562 = arith.constant 1 : i32
          %swap3A_563 = arith.index_cast %swap3A_562 : i32 to index
          %swap3A_564 = arith.constant 112 : index
          %swap3A_565 = tpu.vector_load %arg8[%swap3A_563, %swap3A_564] {strides = array<i32>} : memref<2x128xi32, #tpu.memory_space<vmem>>, vector<16xi32>,
          tpu.vector_store %arg8[%swap3A_563, %swap3A_564], %and3A_561 {strides = array<i32>} : memref<2x128xi32, #tpu.memory_space<vmem>>, vector<16xi32>,
          %dma_start3A_566 = arith.constant 1 : i32
          %dma_start3A_567 = arith.constant 1 : i32
          %dma_start3A_568 = arith.constant 0 : i32
          %dma_start3A_569 = arith.constant 0 : i32
          %dma_start3A_570 = tpu.memref_slice %arg9[%dma_start3A_567, %dma_start3A_568, %dma_start3A_569] : memref<2x128x128xf32, #tpu.memory_space<vmem>> -> memref<1x128x128xf32, #tpu.memory_space<vmem>>
          %dma_start3A_571 = tpu.memref_squeeze %dma_start3A_570 : memref<1x128x128xf32, #tpu.memory_space<vmem>> -> memref<128x128xf32, #tpu.memory_space<vmem>>
          %dma_start3A_572 = arith.constant 0 : i32
          %dma_start3A_573 = tpu.memref_slice %arg7[%dma_start3A_566, %dma_start3A_572] : memref<2x128xi32, #tpu.memory_space<vmem>> -> memref<1x128xi32, #tpu.memory_space<vmem>>
          %dma_start3A_574 = tpu.memref_squeeze %dma_start3A_573 : memref<1x128xi32, #tpu.memory_space<vmem>> -> memref<128xi32, #tpu.memory_space<vmem>>
          %dma_start3A_575 = arith.constant 0 : i32
          %dma_start3A_576 = arith.constant 0 : i32
          %dma_start3A_577 = tpu.memref_slice %arg2[%dma_start3A_575, %dma_start3A_576] : memref<160000x128xf32, #tpu.memory_space<hbm>> -> memref<160000x128xf32, #tpu.memory_space<hbm>>
          tpu.enqueue_indirect_dma source(%dma_start3A_577 : memref<160000x128xf32, #tpu.memory_space<hbm>>) target(%dma_start3A_571 : memref<128x128xf32, #tpu.memory_space<vmem>>) offsets(%dma_start3A_574 : memref<128xi32, #tpu.memory_space<vmem>>) semaphore(%arg13 : memref<!tpu.dma_semaphore, #tpu.memory_space<semaphore_mem>>)
        } else {
        }
        %dma_wait3A_392 = arith.constant 0 : i32
        %dma_wait3A_393 = arith.constant 0 : i32
        %dma_wait3A_394 = arith.constant 0 : i32
        %dma_wait3A_395 = tpu.memref_slice %arg9[%dma_wait3A_392, %dma_wait3A_393, %dma_wait3A_394] : memref<2x128x128xf32, #tpu.memory_space<vmem>> -> memref<1x128x128xf32, #tpu.memory_space<vmem>>
        %dma_wait3A_396 = tpu.memref_squeeze %dma_wait3A_395 : memref<1x128x128xf32, #tpu.memory_space<vmem>> -> memref<128x128xf32, #tpu.memory_space<vmem>>
        %dma_wait3A_397 = arith.constant 0 : i32
        %dma_wait3A_398 = arith.constant 0 : i32
        %dma_wait3A_399 = tpu.memref_slice %arg2[%dma_wait3A_397, %dma_wait3A_398] : memref<160000x128xf32, #tpu.memory_space<hbm>> -> memref<128x128xf32, #tpu.memory_space<hbm>>
        %dma_wait3A_400 = arith.constant 0 : i32
        %dma_wait3A_401 = arith.constant 0 : i32
        %dma_wait3A_402 = tpu.memref_slice %arg9[%dma_wait3A_392, %dma_wait3A_400, %dma_wait3A_401] : memref<2x128x128xf32, #tpu.memory_space<vmem>> -> memref<1x128x128xf32, #tpu.memory_space<vmem>>
        %dma_wait3A_403 = tpu.memref_squeeze %dma_wait3A_402 : memref<1x128x128xf32, #tpu.memory_space<vmem>> -> memref<128x128xf32, #tpu.memory_space<vmem>>
        %dma_wait3A_404 = arith.constant 0 : i32
        %dma_wait3A_405 = arith.constant 0 : i32
        %dma_wait3A_406 = tpu.memref_slice %arg2[%dma_wait3A_404, %dma_wait3A_405] : memref<160000x128xf32, #tpu.memory_space<hbm>> -> memref<128x128xf32, #tpu.memory_space<hbm>>
        tpu.wait_dma2 semaphore(%arg12 : memref<!tpu.dma_semaphore, #tpu.memory_space<semaphore_mem>>) src(%dma_wait3A_406 : memref<128x128xf32, #tpu.memory_space<hbm>>) dst(%dma_wait3A_403 : memref<128x128xf32, #tpu.memory_space<vmem>>)
        %run_scoped3A = arith.constant 0 : i32
        %run_scoped3A_407 = arith.constant 0 : i32
        "tpu.region"() ({
          %run_scoped3A_419 = tpu.sem_alloc : memref<!tpu.dma_semaphore, #tpu.memory_space<semaphore_mem>>
          %dma_start3A_420 = arith.constant 0 : i32
          %dma_start3A_421 = arith.constant 0 : i32
          %dma_start3A_422 = tpu.memref_slice %arg9[%run_scoped3A, %dma_start3A_420, %dma_start3A_421] : memref<2x128x128xf32, #tpu.memory_space<vmem>> -> memref<1x128x128xf32, #tpu.memory_space<vmem>>
          %dma_start3A_423 = tpu.memref_squeeze %dma_start3A_422 : memref<1x128x128xf32, #tpu.memory_space<vmem>> -> memref<128x128xf32, #tpu.memory_space<vmem>>
          %dma_start3A_424 = arith.constant 0 : i32
          %dma_start3A_425 = tpu.memref_slice %arg8[%run_scoped3A_407, %dma_start3A_424] : memref<2x128xi32, #tpu.memory_space<vmem>> -> memref<1x128xi32, #tpu.memory_space<vmem>>
          %dma_start3A_426 = tpu.memref_squeeze %dma_start3A_425 : memref<1x128xi32, #tpu.memory_space<vmem>> -> memref<128xi32, #tpu.memory_space<vmem>>
          %dma_start3A_427 = arith.constant 0 : i32
          %dma_start3A_428 = arith.constant 0 : i32
          %dma_start3A_429 = tpu.memref_slice %arg11[%dma_start3A_427, %dma_start3A_428] : memref<6408x128xf32, #tpu.memory_space<vmem_shared>> -> memref<6408x128xf32, #tpu.memory_space<vmem_shared>>
          tpu.enqueue_indirect_dma source(%dma_start3A_423 : memref<128x128xf32, #tpu.memory_space<vmem>>) target(%dma_start3A_429 : memref<6408x128xf32, #tpu.memory_space<vmem_shared>>) offsets(%dma_start3A_426 : memref<128xi32, #tpu.memory_space<vmem>>) semaphore(%run_scoped3A_419 : memref<!tpu.dma_semaphore, #tpu.memory_space<semaphore_mem>>) {add = true}
          %dma_wait3A_430 = arith.constant 0 : i32
          %dma_wait3A_431 = arith.constant 0 : i32
          %dma_wait3A_432 = tpu.memref_slice %arg9[%run_scoped3A, %dma_wait3A_430, %dma_wait3A_431] : memref<2x128x128xf32, #tpu.memory_space<vmem>> -> memref<1x128x128xf32, #tpu.memory_space<vmem>>
          %dma_wait3A_433 = tpu.memref_squeeze %dma_wait3A_432 : memref<1x128x128xf32, #tpu.memory_space<vmem>> -> memref<128x128xf32, #tpu.memory_space<vmem>>
          %dma_wait3A_434 = arith.constant 0 : i32
          %dma_wait3A_435 = tpu.memref_slice %arg8[%run_scoped3A_407, %dma_wait3A_434] : memref<2x128xi32, #tpu.memory_space<vmem>> -> memref<1x128xi32, #tpu.memory_space<vmem>>
          %dma_wait3A_436 = tpu.memref_squeeze %dma_wait3A_435 : memref<1x128xi32, #tpu.memory_space<vmem>> -> memref<128xi32, #tpu.memory_space<vmem>>
          %dma_wait3A_437 = arith.constant 0 : i32
          %dma_wait3A_438 = arith.constant 0 : i32
          %dma_wait3A_439 = tpu.memref_slice %arg11[%dma_wait3A_437, %dma_wait3A_438] : memref<6408x128xf32, #tpu.memory_space<vmem_shared>> -> memref<6408x128xf32, #tpu.memory_space<vmem_shared>>
          tpu.wait_indirect_dma semaphore(%run_scoped3A_419 : memref<!tpu.dma_semaphore, #tpu.memory_space<semaphore_mem>>) src(%dma_wait3A_433 : memref<128x128xf32, #tpu.memory_space<vmem>>) dst(%dma_wait3A_439 : memref<6408x128xf32, #tpu.memory_space<vmem_shared>>)
          tpu.yield
        }) : () -> ()
        %add3A_408 = arith.constant 1 : i32
        %add3A_409 = arith.addi %add3A_387, %add3A_408 : i32
        %lt3A_410 = arith.cmpi slt, %add3A_409, %max3A_183 : i32
        %convert_element_type3A_411 = arith.extui %lt3A_410 : i1 to i32
        %cond3A_412 = arith.constant 0 : i32
        %cond3A_413 = arith.cmpi ne, %convert_element_type3A_411, %cond3A_412 : i32
        scf.if %cond3A_413 {
          %add3A_419 = arith.constant 1 : i32
          %add3A_420 = arith.addi %add3A_387, %add3A_419 : i32
          %mul3A_421 = arith.constant 128 : i32
          %mul3A_422 = arith.muli %add3A_420, %mul3A_421 : i32
          %multiple_of3A_423 = tpu.assume_multiple %mul3A_422, 8 : i32
          %add3A_424 = arith.constant 0 : i32
          %add3A_425 = arith.addi %multiple_of3A_423, %add3A_424 : i32
          %get3A_426 = arith.index_cast %add3A_425 : i32 to index
          %get3A_427 = tpu.vector_load %arg6[%get3A_426] {strides = array<i32>} : memref<10128xi32, #tpu.memory_space<vmem>>, vector<16xi32>,
          %shift_right_arithmetic3A_428 = arith.constant 13 : i32
          %shift_right_arithmetic3A_429 = vector.broadcast %shift_right_arithmetic3A_428 : i32 to vector<16xi32>
          %shift_right_arithmetic3A_430 = arith.shrsi %get3A_427, %shift_right_arithmetic3A_429 : vector<16xi32>
          %swap3A_431 = arith.constant 0 : i32
          %swap3A_432 = arith.index_cast %swap3A_431 : i32 to index
          %swap3A_433 = arith.constant 0 : index
          %swap3A_434 = tpu.vector_load %arg7[%swap3A_432, %swap3A_433] {strides = array<i32>} : memref<2x128xi32, #tpu.memory_space<vmem>>, vector<16xi32>,
          tpu.vector_store %arg7[%swap3A_432, %swap3A_433], %shift_right_arithmetic3A_430 {strides = array<i32>} : memref<2x128xi32, #tpu.memory_space<vmem>>, vector<16xi32>,
          %and3A_435 = arith.constant 8191 : i32
          %and3A_436 = vector.broadcast %and3A_435 : i32 to vector<16xi32>
          %and3A_437 = arith.andi %get3A_427, %and3A_436 : vector<16xi32>
          %swap3A_438 = arith.constant 0 : i32
          %swap3A_439 = arith.index_cast %swap3A_438 : i32 to index
          %swap3A_440 = arith.constant 0 : index
          %swap3A_441 = tpu.vector_load %arg8[%swap3A_439, %swap3A_440] {strides = array<i32>} : memref<2x128xi32, #tpu.memory_space<vmem>>, vector<16xi32>,
          tpu.vector_store %arg8[%swap3A_439, %swap3A_440], %and3A_437 {strides = array<i32>} : memref<2x128xi32, #tpu.memory_space<vmem>>, vector<16xi32>,
          %add3A_442 = arith.constant 16 : i32
          %add3A_443 = arith.addi %multiple_of3A_423, %add3A_442 : i32
          %get3A_444 = arith.index_cast %add3A_443 : i32 to index
          %get3A_445 = tpu.vector_load %arg6[%get3A_444] {strides = array<i32>} : memref<10128xi32, #tpu.memory_space<vmem>>, vector<16xi32>,
          %shift_right_arithmetic3A_446 = arith.constant 13 : i32
          %shift_right_arithmetic3A_447 = vector.broadcast %shift_right_arithmetic3A_446 : i32 to vector<16xi32>
          %shift_right_arithmetic3A_448 = arith.shrsi %get3A_445, %shift_right_arithmetic3A_447 : vector<16xi32>
          %swap3A_449 = arith.constant 0 : i32
          %swap3A_450 = arith.index_cast %swap3A_449 : i32 to index
          %swap3A_451 = arith.constant 16 : index
          %swap3A_452 = tpu.vector_load %arg7[%swap3A_450, %swap3A_451] {strides = array<i32>} : memref<2x128xi32, #tpu.memory_space<vmem>>, vector<16xi32>,
          tpu.vector_store %arg7[%swap3A_450, %swap3A_451], %shift_right_arithmetic3A_448 {strides = array<i32>} : memref<2x128xi32, #tpu.memory_space<vmem>>, vector<16xi32>,
          %and3A_453 = arith.constant 8191 : i32
          %and3A_454 = vector.broadcast %and3A_453 : i32 to vector<16xi32>
          %and3A_455 = arith.andi %get3A_445, %and3A_454 : vector<16xi32>
          %swap3A_456 = arith.constant 0 : i32
          %swap3A_457 = arith.index_cast %swap3A_456 : i32 to index
          %swap3A_458 = arith.constant 16 : index
          %swap3A_459 = tpu.vector_load %arg8[%swap3A_457, %swap3A_458] {strides = array<i32>} : memref<2x128xi32, #tpu.memory_space<vmem>>, vector<16xi32>,
          tpu.vector_store %arg8[%swap3A_457, %swap3A_458], %and3A_455 {strides = array<i32>} : memref<2x128xi32, #tpu.memory_space<vmem>>, vector<16xi32>,
          %add3A_460 = arith.constant 32 : i32
          %add3A_461 = arith.addi %multiple_of3A_423, %add3A_460 : i32
          %get3A_462 = arith.index_cast %add3A_461 : i32 to index
          %get3A_463 = tpu.vector_load %arg6[%get3A_462] {strides = array<i32>} : memref<10128xi32, #tpu.memory_space<vmem>>, vector<16xi32>,
          %shift_right_arithmetic3A_464 = arith.constant 13 : i32
          %shift_right_arithmetic3A_465 = vector.broadcast %shift_right_arithmetic3A_464 : i32 to vector<16xi32>
          %shift_right_arithmetic3A_466 = arith.shrsi %get3A_463, %shift_right_arithmetic3A_465 : vector<16xi32>
          %swap3A_467 = arith.constant 0 : i32
          %swap3A_468 = arith.index_cast %swap3A_467 : i32 to index
          %swap3A_469 = arith.constant 32 : index
          %swap3A_470 = tpu.vector_load %arg7[%swap3A_468, %swap3A_469] {strides = array<i32>} : memref<2x128xi32, #tpu.memory_space<vmem>>, vector<16xi32>,
          tpu.vector_store %arg7[%swap3A_468, %swap3A_469], %shift_right_arithmetic3A_466 {strides = array<i32>} : memref<2x128xi32, #tpu.memory_space<vmem>>, vector<16xi32>,
          %and3A_471 = arith.constant 8191 : i32
          %and3A_472 = vector.broadcast %and3A_471 : i32 to vector<16xi32>
          %and3A_473 = arith.andi %get3A_463, %and3A_472 : vector<16xi32>
          %swap3A_474 = arith.constant 0 : i32
          %swap3A_475 = arith.index_cast %swap3A_474 : i32 to index
          %swap3A_476 = arith.constant 32 : index
          %swap3A_477 = tpu.vector_load %arg8[%swap3A_475, %swap3A_476] {strides = array<i32>} : memref<2x128xi32, #tpu.memory_space<vmem>>, vector<16xi32>,
          tpu.vector_store %arg8[%swap3A_475, %swap3A_476], %and3A_473 {strides = array<i32>} : memref<2x128xi32, #tpu.memory_space<vmem>>, vector<16xi32>,
          %add3A_478 = arith.constant 48 : i32
          %add3A_479 = arith.addi %multiple_of3A_423, %add3A_478 : i32
          %get3A_480 = arith.index_cast %add3A_479 : i32 to index
          %get3A_481 = tpu.vector_load %arg6[%get3A_480] {strides = array<i32>} : memref<10128xi32, #tpu.memory_space<vmem>>, vector<16xi32>,
          %shift_right_arithmetic3A_482 = arith.constant 13 : i32
          %shift_right_arithmetic3A_483 = vector.broadcast %shift_right_arithmetic3A_482 : i32 to vector<16xi32>
          %shift_right_arithmetic3A_484 = arith.shrsi %get3A_481, %shift_right_arithmetic3A_483 : vector<16xi32>
          %swap3A_485 = arith.constant 0 : i32
          %swap3A_486 = arith.index_cast %swap3A_485 : i32 to index
          %swap3A_487 = arith.constant 48 : index
          %swap3A_488 = tpu.vector_load %arg7[%swap3A_486, %swap3A_487] {strides = array<i32>} : memref<2x128xi32, #tpu.memory_space<vmem>>, vector<16xi32>,
          tpu.vector_store %arg7[%swap3A_486, %swap3A_487], %shift_right_arithmetic3A_484 {strides = array<i32>} : memref<2x128xi32, #tpu.memory_space<vmem>>, vector<16xi32>,
          %and3A_489 = arith.constant 8191 : i32
          %and3A_490 = vector.broadcast %and3A_489 : i32 to vector<16xi32>
          %and3A_491 = arith.andi %get3A_481, %and3A_490 : vector<16xi32>
          %swap3A_492 = arith.constant 0 : i32
          %swap3A_493 = arith.index_cast %swap3A_492 : i32 to index
          %swap3A_494 = arith.constant 48 : index
          %swap3A_495 = tpu.vector_load %arg8[%swap3A_493, %swap3A_494] {strides = array<i32>} : memref<2x128xi32, #tpu.memory_space<vmem>>, vector<16xi32>,
          tpu.vector_store %arg8[%swap3A_493, %swap3A_494], %and3A_491 {strides = array<i32>} : memref<2x128xi32, #tpu.memory_space<vmem>>, vector<16xi32>,
          %add3A_496 = arith.constant 64 : i32
          %add3A_497 = arith.addi %multiple_of3A_423, %add3A_496 : i32
          %get3A_498 = arith.index_cast %add3A_497 : i32 to index
          %get3A_499 = tpu.vector_load %arg6[%get3A_498] {strides = array<i32>} : memref<10128xi32, #tpu.memory_space<vmem>>, vector<16xi32>,
          %shift_right_arithmetic3A_500 = arith.constant 13 : i32
          %shift_right_arithmetic3A_501 = vector.broadcast %shift_right_arithmetic3A_500 : i32 to vector<16xi32>
          %shift_right_arithmetic3A_502 = arith.shrsi %get3A_499, %shift_right_arithmetic3A_501 : vector<16xi32>
          %swap3A_503 = arith.constant 0 : i32
          %swap3A_504 = arith.index_cast %swap3A_503 : i32 to index
          %swap3A_505 = arith.constant 64 : index
          %swap3A_506 = tpu.vector_load %arg7[%swap3A_504, %swap3A_505] {strides = array<i32>} : memref<2x128xi32, #tpu.memory_space<vmem>>, vector<16xi32>,
          tpu.vector_store %arg7[%swap3A_504, %swap3A_505], %shift_right_arithmetic3A_502 {strides = array<i32>} : memref<2x128xi32, #tpu.memory_space<vmem>>, vector<16xi32>,
          %and3A_507 = arith.constant 8191 : i32
          %and3A_508 = vector.broadcast %and3A_507 : i32 to vector<16xi32>
          %and3A_509 = arith.andi %get3A_499, %and3A_508 : vector<16xi32>
          %swap3A_510 = arith.constant 0 : i32
          %swap3A_511 = arith.index_cast %swap3A_510 : i32 to index
          %swap3A_512 = arith.constant 64 : index
          %swap3A_513 = tpu.vector_load %arg8[%swap3A_511, %swap3A_512] {strides = array<i32>} : memref<2x128xi32, #tpu.memory_space<vmem>>, vector<16xi32>,
          tpu.vector_store %arg8[%swap3A_511, %swap3A_512], %and3A_509 {strides = array<i32>} : memref<2x128xi32, #tpu.memory_space<vmem>>, vector<16xi32>,
          %add3A_514 = arith.constant 80 : i32
          %add3A_515 = arith.addi %multiple_of3A_423, %add3A_514 : i32
          %get3A_516 = arith.index_cast %add3A_515 : i32 to index
          %get3A_517 = tpu.vector_load %arg6[%get3A_516] {strides = array<i32>} : memref<10128xi32, #tpu.memory_space<vmem>>, vector<16xi32>,
          %shift_right_arithmetic3A_518 = arith.constant 13 : i32
          %shift_right_arithmetic3A_519 = vector.broadcast %shift_right_arithmetic3A_518 : i32 to vector<16xi32>
          %shift_right_arithmetic3A_520 = arith.shrsi %get3A_517, %shift_right_arithmetic3A_519 : vector<16xi32>
          %swap3A_521 = arith.constant 0 : i32
          %swap3A_522 = arith.index_cast %swap3A_521 : i32 to index
          %swap3A_523 = arith.constant 80 : index
          %swap3A_524 = tpu.vector_load %arg7[%swap3A_522, %swap3A_523] {strides = array<i32>} : memref<2x128xi32, #tpu.memory_space<vmem>>, vector<16xi32>,
          tpu.vector_store %arg7[%swap3A_522, %swap3A_523], %shift_right_arithmetic3A_520 {strides = array<i32>} : memref<2x128xi32, #tpu.memory_space<vmem>>, vector<16xi32>,
          %and3A_525 = arith.constant 8191 : i32
          %and3A_526 = vector.broadcast %and3A_525 : i32 to vector<16xi32>
          %and3A_527 = arith.andi %get3A_517, %and3A_526 : vector<16xi32>
          %swap3A_528 = arith.constant 0 : i32
          %swap3A_529 = arith.index_cast %swap3A_528 : i32 to index
          %swap3A_530 = arith.constant 80 : index
          %swap3A_531 = tpu.vector_load %arg8[%swap3A_529, %swap3A_530] {strides = array<i32>} : memref<2x128xi32, #tpu.memory_space<vmem>>, vector<16xi32>,
          tpu.vector_store %arg8[%swap3A_529, %swap3A_530], %and3A_527 {strides = array<i32>} : memref<2x128xi32, #tpu.memory_space<vmem>>, vector<16xi32>,
          %add3A_532 = arith.constant 96 : i32
          %add3A_533 = arith.addi %multiple_of3A_423, %add3A_532 : i32
          %get3A_534 = arith.index_cast %add3A_533 : i32 to index
          %get3A_535 = tpu.vector_load %arg6[%get3A_534] {strides = array<i32>} : memref<10128xi32, #tpu.memory_space<vmem>>, vector<16xi32>,
          %shift_right_arithmetic3A_536 = arith.constant 13 : i32
          %shift_right_arithmetic3A_537 = vector.broadcast %shift_right_arithmetic3A_536 : i32 to vector<16xi32>
          %shift_right_arithmetic3A_538 = arith.shrsi %get3A_535, %shift_right_arithmetic3A_537 : vector<16xi32>
          %swap3A_539 = arith.constant 0 : i32
          %swap3A_540 = arith.index_cast %swap3A_539 : i32 to index
          %swap3A_541 = arith.constant 96 : index
          %swap3A_542 = tpu.vector_load %arg7[%swap3A_540, %swap3A_541] {strides = array<i32>} : memref<2x128xi32, #tpu.memory_space<vmem>>, vector<16xi32>,
          tpu.vector_store %arg7[%swap3A_540, %swap3A_541], %shift_right_arithmetic3A_538 {strides = array<i32>} : memref<2x128xi32, #tpu.memory_space<vmem>>, vector<16xi32>,
          %and3A_543 = arith.constant 8191 : i32
          %and3A_544 = vector.broadcast %and3A_543 : i32 to vector<16xi32>
          %and3A_545 = arith.andi %get3A_535, %and3A_544 : vector<16xi32>
          %swap3A_546 = arith.constant 0 : i32
          %swap3A_547 = arith.index_cast %swap3A_546 : i32 to index
          %swap3A_548 = arith.constant 96 : index
          %swap3A_549 = tpu.vector_load %arg8[%swap3A_547, %swap3A_548] {strides = array<i32>} : memref<2x128xi32, #tpu.memory_space<vmem>>, vector<16xi32>,
          tpu.vector_store %arg8[%swap3A_547, %swap3A_548], %and3A_545 {strides = array<i32>} : memref<2x128xi32, #tpu.memory_space<vmem>>, vector<16xi32>,
          %add3A_550 = arith.constant 112 : i32
          %add3A_551 = arith.addi %multiple_of3A_423, %add3A_550 : i32
          %get3A_552 = arith.index_cast %add3A_551 : i32 to index
          %get3A_553 = tpu.vector_load %arg6[%get3A_552] {strides = array<i32>} : memref<10128xi32, #tpu.memory_space<vmem>>, vector<16xi32>,
          %shift_right_arithmetic3A_554 = arith.constant 13 : i32
          %shift_right_arithmetic3A_555 = vector.broadcast %shift_right_arithmetic3A_554 : i32 to vector<16xi32>
          %shift_right_arithmetic3A_556 = arith.shrsi %get3A_553, %shift_right_arithmetic3A_555 : vector<16xi32>
          %swap3A_557 = arith.constant 0 : i32
          %swap3A_558 = arith.index_cast %swap3A_557 : i32 to index
          %swap3A_559 = arith.constant 112 : index
          %swap3A_560 = tpu.vector_load %arg7[%swap3A_558, %swap3A_559] {strides = array<i32>} : memref<2x128xi32, #tpu.memory_space<vmem>>, vector<16xi32>,
          tpu.vector_store %arg7[%swap3A_558, %swap3A_559], %shift_right_arithmetic3A_556 {strides = array<i32>} : memref<2x128xi32, #tpu.memory_space<vmem>>, vector<16xi32>,
          %and3A_561 = arith.constant 8191 : i32
          %and3A_562 = vector.broadcast %and3A_561 : i32 to vector<16xi32>
          %and3A_563 = arith.andi %get3A_553, %and3A_562 : vector<16xi32>
          %swap3A_564 = arith.constant 0 : i32
          %swap3A_565 = arith.index_cast %swap3A_564 : i32 to index
          %swap3A_566 = arith.constant 112 : index
          %swap3A_567 = tpu.vector_load %arg8[%swap3A_565, %swap3A_566] {strides = array<i32>} : memref<2x128xi32, #tpu.memory_space<vmem>>, vector<16xi32>,
          tpu.vector_store %arg8[%swap3A_565, %swap3A_566], %and3A_563 {strides = array<i32>} : memref<2x128xi32, #tpu.memory_space<vmem>>, vector<16xi32>,
          %dma_start3A_568 = arith.constant 0 : i32
          %dma_start3A_569 = arith.constant 0 : i32
          %dma_start3A_570 = arith.constant 0 : i32
          %dma_start3A_571 = arith.constant 0 : i32
          %dma_start3A_572 = tpu.memref_slice %arg9[%dma_start3A_569, %dma_start3A_570, %dma_start3A_571] : memref<2x128x128xf32, #tpu.memory_space<vmem>> -> memref<1x128x128xf32, #tpu.memory_space<vmem>>
          %dma_start3A_573 = tpu.memref_squeeze %dma_start3A_572 : memref<1x128x128xf32, #tpu.memory_space<vmem>> -> memref<128x128xf32, #tpu.memory_space<vmem>>
          %dma_start3A_574 = arith.constant 0 : i32
          %dma_start3A_575 = tpu.memref_slice %arg7[%dma_start3A_568, %dma_start3A_574] : memref<2x128xi32, #tpu.memory_space<vmem>> -> memref<1x128xi32, #tpu.memory_space<vmem>>
          %dma_start3A_576 = tpu.memref_squeeze %dma_start3A_575 : memref<1x128xi32, #tpu.memory_space<vmem>> -> memref<128xi32, #tpu.memory_space<vmem>>
          %dma_start3A_577 = arith.constant 0 : i32
          %dma_start3A_578 = arith.constant 0 : i32
          %dma_start3A_579 = tpu.memref_slice %arg2[%dma_start3A_577, %dma_start3A_578] : memref<160000x128xf32, #tpu.memory_space<hbm>> -> memref<160000x128xf32, #tpu.memory_space<hbm>>
          tpu.enqueue_indirect_dma source(%dma_start3A_579 : memref<160000x128xf32, #tpu.memory_space<hbm>>) target(%dma_start3A_573 : memref<128x128xf32, #tpu.memory_space<vmem>>) offsets(%dma_start3A_576 : memref<128xi32, #tpu.memory_space<vmem>>) semaphore(%arg12 : memref<!tpu.dma_semaphore, #tpu.memory_space<semaphore_mem>>)
        } else {
        }
        %lt3A_414 = arith.cmpi slt, %add3A_387, %max3A_183 : i32
        %convert_element_type3A_415 = arith.extui %lt3A_414 : i1 to i32
        %cond3A_416 = arith.constant 0 : i32
        %cond3A_417 = arith.cmpi ne, %convert_element_type3A_415, %cond3A_416 : i32
        scf.if %cond3A_417 {
          %dma_wait3A_419 = arith.constant 1 : i32
          %dma_wait3A_420 = arith.constant 0 : i32
          %dma_wait3A_421 = arith.constant 0 : i32
          %dma_wait3A_422 = tpu.memref_slice %arg9[%dma_wait3A_419, %dma_wait3A_420, %dma_wait3A_421] : memref<2x128x128xf32, #tpu.memory_space<vmem>> -> memref<1x128x128xf32, #tpu.memory_space<vmem>>
          %dma_wait3A_423 = tpu.memref_squeeze %dma_wait3A_422 : memref<1x128x128xf32, #tpu.memory_space<vmem>> -> memref<128x128xf32, #tpu.memory_space<vmem>>
          %dma_wait3A_424 = arith.constant 0 : i32
          %dma_wait3A_425 = arith.constant 0 : i32
          %dma_wait3A_426 = tpu.memref_slice %arg2[%dma_wait3A_424, %dma_wait3A_425] : memref<160000x128xf32, #tpu.memory_space<hbm>> -> memref<128x128xf32, #tpu.memory_space<hbm>>
          %dma_wait3A_427 = arith.constant 0 : i32
          %dma_wait3A_428 = arith.constant 0 : i32
          %dma_wait3A_429 = tpu.memref_slice %arg9[%dma_wait3A_419, %dma_wait3A_427, %dma_wait3A_428] : memref<2x128x128xf32, #tpu.memory_space<vmem>> -> memref<1x128x128xf32, #tpu.memory_space<vmem>>
          %dma_wait3A_430 = tpu.memref_squeeze %dma_wait3A_429 : memref<1x128x128xf32, #tpu.memory_space<vmem>> -> memref<128x128xf32, #tpu.memory_space<vmem>>
          %dma_wait3A_431 = arith.constant 0 : i32
          %dma_wait3A_432 = arith.constant 0 : i32
          %dma_wait3A_433 = tpu.memref_slice %arg2[%dma_wait3A_431, %dma_wait3A_432] : memref<160000x128xf32, #tpu.memory_space<hbm>> -> memref<128x128xf32, #tpu.memory_space<hbm>>
          tpu.wait_dma2 semaphore(%arg13 : memref<!tpu.dma_semaphore, #tpu.memory_space<semaphore_mem>>) src(%dma_wait3A_433 : memref<128x128xf32, #tpu.memory_space<hbm>>) dst(%dma_wait3A_430 : memref<128x128xf32, #tpu.memory_space<vmem>>)
          %run_scoped3A_434 = arith.constant 1 : i32
          %run_scoped3A_435 = arith.constant 1 : i32
          "tpu.region"() ({
            %run_scoped3A_436 = tpu.sem_alloc : memref<!tpu.dma_semaphore, #tpu.memory_space<semaphore_mem>>
            %dma_start3A_437 = arith.constant 0 : i32
            %dma_start3A_438 = arith.constant 0 : i32
            %dma_start3A_439 = tpu.memref_slice %arg9[%run_scoped3A_434, %dma_start3A_437, %dma_start3A_438] : memref<2x128x128xf32, #tpu.memory_space<vmem>> -> memref<1x128x128xf32, #tpu.memory_space<vmem>>
            %dma_start3A_440 = tpu.memref_squeeze %dma_start3A_439 : memref<1x128x128xf32, #tpu.memory_space<vmem>> -> memref<128x128xf32, #tpu.memory_space<vmem>>
            %dma_start3A_441 = arith.constant 0 : i32
            %dma_start3A_442 = tpu.memref_slice %arg8[%run_scoped3A_435, %dma_start3A_441] : memref<2x128xi32, #tpu.memory_space<vmem>> -> memref<1x128xi32, #tpu.memory_space<vmem>>
            %dma_start3A_443 = tpu.memref_squeeze %dma_start3A_442 : memref<1x128xi32, #tpu.memory_space<vmem>> -> memref<128xi32, #tpu.memory_space<vmem>>
            %dma_start3A_444 = arith.constant 0 : i32
            %dma_start3A_445 = arith.constant 0 : i32
            %dma_start3A_446 = tpu.memref_slice %arg11[%dma_start3A_444, %dma_start3A_445] : memref<6408x128xf32, #tpu.memory_space<vmem_shared>> -> memref<6408x128xf32, #tpu.memory_space<vmem_shared>>
            tpu.enqueue_indirect_dma source(%dma_start3A_440 : memref<128x128xf32, #tpu.memory_space<vmem>>) target(%dma_start3A_446 : memref<6408x128xf32, #tpu.memory_space<vmem_shared>>) offsets(%dma_start3A_443 : memref<128xi32, #tpu.memory_space<vmem>>) semaphore(%run_scoped3A_436 : memref<!tpu.dma_semaphore, #tpu.memory_space<semaphore_mem>>) {add = true}
            %dma_wait3A_447 = arith.constant 0 : i32
            %dma_wait3A_448 = arith.constant 0 : i32
            %dma_wait3A_449 = tpu.memref_slice %arg9[%run_scoped3A_434, %dma_wait3A_447, %dma_wait3A_448] : memref<2x128x128xf32, #tpu.memory_space<vmem>> -> memref<1x128x128xf32, #tpu.memory_space<vmem>>
            %dma_wait3A_450 = tpu.memref_squeeze %dma_wait3A_449 : memref<1x128x128xf32, #tpu.memory_space<vmem>> -> memref<128x128xf32, #tpu.memory_space<vmem>>
            %dma_wait3A_451 = arith.constant 0 : i32
            %dma_wait3A_452 = tpu.memref_slice %arg8[%run_scoped3A_435, %dma_wait3A_451] : memref<2x128xi32, #tpu.memory_space<vmem>> -> memref<1x128xi32, #tpu.memory_space<vmem>>
            %dma_wait3A_453 = tpu.memref_squeeze %dma_wait3A_452 : memref<1x128xi32, #tpu.memory_space<vmem>> -> memref<128xi32, #tpu.memory_space<vmem>>
            %dma_wait3A_454 = arith.constant 0 : i32
            %dma_wait3A_455 = arith.constant 0 : i32
            %dma_wait3A_456 = tpu.memref_slice %arg11[%dma_wait3A_454, %dma_wait3A_455] : memref<6408x128xf32, #tpu.memory_space<vmem_shared>> -> memref<6408x128xf32, #tpu.memory_space<vmem_shared>>
            tpu.wait_indirect_dma semaphore(%run_scoped3A_436 : memref<!tpu.dma_semaphore, #tpu.memory_space<semaphore_mem>>) src(%dma_wait3A_450 : memref<128x128xf32, #tpu.memory_space<vmem>>) dst(%dma_wait3A_456 : memref<6408x128xf32, #tpu.memory_space<vmem_shared>>)
            tpu.yield
          }) : () -> ()
        } else {
        }
        %while3A_418 = arith.constant 0 : i32
        scf.yield %while3A_418 : i32
      }
      %barrier3A_377 = arith.constant 0 : index
      tpu.barrier barrier_id(%barrier3A_377)
      %convert_element_type3A_378 = arith.extui %lt3A_28 : i1 to i32
      %cond3A_379 = arith.constant 0 : i32
      %cond3A_380 = arith.cmpi ne, %convert_element_type3A_378, %cond3A_379 : i32
      scf.if %cond3A_380 {
        %mul3A_382 = arith.constant 400 : i32
        %mul3A_383 = arith.muli %arg1, %mul3A_382 : i32
        %mul3A_384 = arith.constant 400 : i32
        %mul3A_385 = arith.muli %arg1, %mul3A_384 : i32
        %add3A_386 = arith.addi %mul3A_27, %mul3A_385 : i32
        %multiple_of3A_387 = tpu.assume_multiple %add3A_386, 8 : i32
        %dma_start3A_388 = arith.constant 0 : i32
        %dma_start3A_389 = tpu.memref_slice %arg4[%multiple_of3A_387, %dma_start3A_388] : memref<160000x128xf32, #tpu.memory_space<hbm>> -> memref<400x128xf32, #tpu.memory_space<hbm>>
        %dma_start3A_390 = arith.constant 0 : i32
        %dma_start3A_391 = tpu.memref_slice %arg11[%mul3A_383, %dma_start3A_390] : memref<6408x128xf32, #tpu.memory_space<vmem_shared>> -> memref<400x128xf32, #tpu.memory_space<vmem_shared>>
        tpu.enqueue_dma source(%dma_start3A_391 : memref<400x128xf32, #tpu.memory_space<vmem_shared>>) target(%dma_start3A_389 : memref<400x128xf32, #tpu.memory_space<hbm>>) target_semaphore(%arg14 : memref<!tpu.dma_semaphore, #tpu.memory_space<semaphore_mem>>)
      } else {
      }
      %scan3A_381 = arith.constant 0 : i32
      scf.yield %scan3A_381 : i32
    }
    %scan3A_14 = arith.constant 13 : i32
    %mul3A_15 = arith.constant 400 : i32
    %mul3A_16 = arith.muli %arg1, %mul3A_15 : i32
    %mul3A_17 = arith.constant 400 : i32
    %mul3A_18 = arith.muli %arg1, %mul3A_17 : i32
    %multiple_of3A = tpu.assume_multiple %mul3A_18, 8 : i32
    %dma_wait3A = arith.constant 0 : i32
    %dma_wait3A_19 = tpu.memref_slice %arg4[%multiple_of3A, %dma_wait3A] : memref<160000x128xf32, #tpu.memory_space<hbm>> -> memref<400x128xf32, #tpu.memory_space<hbm>>
    %dma_wait3A_20 = arith.constant 0 : i32
    %dma_wait3A_21 = tpu.memref_slice %arg11[%mul3A_16, %dma_wait3A_20] : memref<6408x128xf32, #tpu.memory_space<vmem_shared>> -> memref<400x128xf32, #tpu.memory_space<vmem_shared>>
    tpu.wait_dma2 semaphore(%arg14 : memref<!tpu.dma_semaphore, #tpu.memory_space<semaphore_mem>>) src(%dma_wait3A_21 : memref<400x128xf32, #tpu.memory_space<vmem_shared>>) dst(%dma_wait3A_19 : memref<400x128xf32, #tpu.memory_space<hbm>>)
    return
  }
}

module attributes {stable_mosaic.version = 14 : i64} {
  func.func @_tc_pre_body(%arg0: i32, %arg1: memref<6400x128xf32, #tpu.memory_space<vmem>>, %arg2: memref<6x6400xf32, #tpu.memory_space<vmem>>, %arg3: memref<128x128xbf16, #tpu.memory_space<vmem>>, %arg4: memref<1x128xf32, #tpu.memory_space<vmem>>, %arg5: memref<6x128xf32, #tpu.memory_space<vmem>>, %arg6: memref<6400x128xf32, #tpu.memory_space<vmem>>) attributes {dimension_semantics = [#tpu.dimension_semantics<arbitrary>], iteration_bounds = array<i64: 25>, scalar_prefetch = 0 : i64, scratch_operands = 0 : i64, tpu.core_type = #tpu.core_type<tc>, window_params = [{transform_indices = @transform_0, window_bounds = array<i64: 6400, 128>}, {transform_indices = @transform_1, window_bounds = array<i64: 6, 6400>}, {pipeline_mode = #tpu.pipeline_mode<synchronous>, transform_indices = @transform_2, window_bounds = array<i64: 128, 128>}, {pipeline_mode = #tpu.pipeline_mode<synchronous>, transform_indices = @transform_3, window_bounds = array<i64: 1, 128>}, {pipeline_mode = #tpu.pipeline_mode<synchronous>, transform_indices = @transform_4, window_bounds = array<i64: 6, 128>}, {transform_indices = @transform_5, window_bounds = array<i64: 6400, 128>}]} {
    %get3A = arith.constant 0 : index
    %get3A_0 = arith.constant 0 : index
    %get3A_1 = vector.load %arg1[%get3A, %get3A_0] : memref<6400x128xf32, #tpu.memory_space<vmem>>, vector<6400x128xf32>
    %convert_element_type3A = arith.truncf %get3A_1 : vector<6400x128xf32> to vector<6400x128xbf16>
    %get3A_2 = arith.constant 0 : index
    %get3A_3 = arith.constant 0 : index
    %get3A_4 = vector.load %arg3[%get3A_2, %get3A_3] : memref<128x128xbf16, #tpu.memory_space<vmem>>, vector<128x128xbf16>
    %dot_general3A = arith.constant dense<0.000000e+00> : vector<6400x128xf32>
    %dot_general3A_5 = tpu.matmul %convert_element_type3A, %get3A_4, %dot_general3A {dimension_numbers = #tpu.dot_dimension_numbers<[1], [0], [0], [1], [0, 0, 1, 1], [], []>, transpose_lhs_hint = false} : vector<6400x128xbf16>, vector<128x128xbf16>, vector<6400x128xf32> -> vector<6400x128xf32>
    %get3A_6 = arith.constant 0 : index
    %get3A_7 = arith.constant 0 : index
    %get3A_8 = vector.load %arg4[%get3A_6, %get3A_7] : memref<1x128xf32, #tpu.memory_space<vmem>>, vector<1x128xf32>
    %add3A = vector.broadcast %get3A_8 : vector<1x128xf32> to vector<6400x128xf32>
    %add3A_9 = arith.addf %dot_general3A_5, %add3A : vector<6400x128xf32>
    %neg3A = arith.constant 0.000000e+00 : f32
    %neg3A_10 = vector.broadcast %neg3A : f32 to vector<6400x128xf32>
    %neg3A_11 = arith.subf %neg3A_10, %add3A_9 : vector<6400x128xf32>
    %exp3A = math.exp %neg3A_11 : vector<6400x128xf32>
    %add3A_12 = arith.constant 1.000000e+00 : f32
    %add3A_13 = vector.broadcast %add3A_12 : f32 to vector<6400x128xf32>
    %add3A_14 = arith.addf %add3A_13, %exp3A : vector<6400x128xf32>
    %div3A = arith.constant 1.000000e+00 : f32
    %div3A_15 = vector.broadcast %div3A : f32 to vector<6400x128xf32>
    %div3A_16 = arith.divf %div3A_15, %add3A_14 : vector<6400x128xf32>
    %mul3A = arith.mulf %add3A_9, %div3A_16 : vector<6400x128xf32>
    %get3A_17 = arith.constant 0 : index
    %get3A_18 = arith.constant 0 : index
    %get3A_19 = vector.load %arg2[%get3A_17, %get3A_18] : memref<6x6400xf32, #tpu.memory_space<vmem>>, vector<6x6400xf32>
    %get3A_20 = arith.constant 0 : index
    %get3A_21 = arith.constant 0 : index
    %get3A_22 = vector.load %arg5[%get3A_20, %get3A_21] : memref<6x128xf32, #tpu.memory_space<vmem>>, vector<6x128xf32>
    %dot_general3A_23 = arith.constant dense<0.000000e+00> : vector<6400x128xf32>
    %dot_general3A_24 = tpu.matmul %get3A_19, %get3A_22, %dot_general3A_23 {dimension_numbers = #tpu.dot_dimension_numbers<[0], [0], [1], [1], [0, 1, 1, 1], [], []>, transpose_lhs_hint = false} : vector<6x6400xf32>, vector<6x128xf32>, vector<6400x128xf32> -> vector<6400x128xf32>
    %mul3A_25 = arith.mulf %mul3A, %dot_general3A_24 : vector<6400x128xf32>
    %swap3A = arith.constant 0 : index
    %swap3A_26 = arith.constant 0 : index
    %swap3A_27 = vector.load %arg6[%swap3A, %swap3A_26] : memref<6400x128xf32, #tpu.memory_space<vmem>>, vector<6400x128xf32>
    tpu.vector_store %arg6[%swap3A, %swap3A_26], %mul3A_25 {strides = array<i32>} : memref<6400x128xf32, #tpu.memory_space<vmem>>, vector<6400x128xf32>,
    return
  }
  func.func @transform_0(%arg0: i32) -> (i32, i32) {
    %c0_i32 = arith.constant 0 : i32
    %c0_i32_0 = arith.constant 0 : i32
    return %arg0, %c0_i32 : i32, i32
  }
  func.func @transform_1(%arg0: i32) -> (i32, i32) {
    %c0_i32 = arith.constant 0 : i32
    %c0_i32_0 = arith.constant 0 : i32
    return %c0_i32, %arg0 : i32, i32
  }
  func.func @transform_2(%arg0: i32) -> (i32, i32) {
    %c0_i32 = arith.constant 0 : i32
    %c0_i32_0 = arith.constant 0 : i32
    %c0_i32_1 = arith.constant 0 : i32
    return %c0_i32, %c0_i32_0 : i32, i32
  }
  func.func @transform_3(%arg0: i32) -> (i32, i32) {
    %c0_i32 = arith.constant 0 : i32
    %c0_i32_0 = arith.constant 0 : i32
    %c0_i32_1 = arith.constant 0 : i32
    return %c0_i32, %c0_i32_0 : i32, i32
  }
  func.func @transform_4(%arg0: i32) -> (i32, i32) {
    %c0_i32 = arith.constant 0 : i32
    %c0_i32_0 = arith.constant 0 : i32
    %c0_i32_1 = arith.constant 0 : i32
    return %c0_i32, %c0_i32_0 : i32, i32
  }
  func.func @transform_5(%arg0: i32) -> (i32, i32) {
    %c0_i32 = arith.constant 0 : i32
    %c0_i32_0 = arith.constant 0 : i32
    return %arg0, %c0_i32 : i32, i32
  }
}

module attributes {stable_mosaic.version = 14 : i64} {
  func.func @_tc_triplet_body(%arg0: i32, %arg1: memref<6400x128xf32, #tpu.memory_space<vmem>>, %arg2: memref<42x6400xf32, #tpu.memory_space<vmem>>, %arg3: memref<42x8xf32, #tpu.memory_space<vmem>>, %arg4: memref<8x128x128xbf16, #tpu.memory_space<vmem>>, %arg5: memref<6400x128xf32, #tpu.memory_space<vmem>>) attributes {dimension_semantics = [#tpu.dimension_semantics<arbitrary>], iteration_bounds = array<i64: 25>, scalar_prefetch = 0 : i64, scratch_operands = 0 : i64, tpu.core_type = #tpu.core_type<tc>, window_params = [{transform_indices = @transform_0, window_bounds = array<i64: 6400, 128>}, {transform_indices = @transform_1, window_bounds = array<i64: 42, 6400>}, {pipeline_mode = #tpu.pipeline_mode<synchronous>, transform_indices = @transform_2, window_bounds = array<i64: 42, 8>}, {pipeline_mode = #tpu.pipeline_mode<synchronous>, transform_indices = @transform_3, window_bounds = array<i64: 8, 128, 128>}, {transform_indices = @transform_4, window_bounds = array<i64: 6400, 128>}]} {
    %get3A = arith.constant 0 : index
    %get3A_0 = arith.constant 0 : index
    %get3A_1 = vector.load %arg2[%get3A, %get3A_0] : memref<42x6400xf32, #tpu.memory_space<vmem>>, vector<42x6400xf32>
    %get3A_2 = arith.constant 0 : index
    %get3A_3 = arith.constant 0 : index
    %get3A_4 = vector.load %arg3[%get3A_2, %get3A_3] : memref<42x8xf32, #tpu.memory_space<vmem>>, vector<42x8xf32>
    %dot_general3A = arith.constant dense<0.000000e+00> : vector<6400x8xf32>
    %dot_general3A_5 = tpu.matmul %get3A_1, %get3A_4, %dot_general3A {dimension_numbers = #tpu.dot_dimension_numbers<[0], [0], [1], [1], [0, 1, 1, 1], [], []>, transpose_lhs_hint = false} : vector<42x6400xf32>, vector<42x8xf32>, vector<6400x8xf32> -> vector<6400x8xf32>
    %get3A_6 = arith.constant 0 : index
    %get3A_7 = arith.constant 0 : index
    %get3A_8 = vector.load %arg1[%get3A_6, %get3A_7] : memref<6400x128xf32, #tpu.memory_space<vmem>>, vector<6400x128xf32>
    %convert_element_type3A = arith.truncf %get3A_8 : vector<6400x128xf32> to vector<6400x128xbf16>
    %broadcast_in_dim3A = arith.constant 0.000000e+00 : f32
    %broadcast_in_dim3A_9 = vector.broadcast %broadcast_in_dim3A : f32 to vector<6400x128xf32>
    %get3A_10 = arith.constant 0 : index
    %get3A_11 = arith.constant 0 : index
    %get3A_12 = arith.constant 0 : index
    %get3A_13 = vector.load %arg4[%get3A_10, %get3A_11, %get3A_12] : memref<8x128x128xbf16, #tpu.memory_space<vmem>>, vector<1x128x128xbf16>
    %get3A_14 = vector.shape_cast %get3A_13 : vector<1x128x128xbf16> to vector<128x128xbf16>
    %dot_general3A_15 = arith.constant dense<0.000000e+00> : vector<6400x128xf32>
    %dot_general3A_16 = tpu.matmul %convert_element_type3A, %get3A_14, %dot_general3A_15 {dimension_numbers = #tpu.dot_dimension_numbers<[1], [0], [0], [1], [0, 0, 1, 1], [], []>, transpose_lhs_hint = false} : vector<6400x128xbf16>, vector<128x128xbf16>, vector<6400x128xf32> -> vector<6400x128xf32>
    %slice3A = vector.extract_strided_slice %dot_general3A_5 {offsets = [0, 0], sizes = [6400, 1], strides = [1, 1]} : vector<6400x8xf32> to vector<6400x1xf32>
    %mul3A = vector.broadcast %slice3A : vector<6400x1xf32> to vector<6400x128xf32>
    %mul3A_17 = arith.mulf %dot_general3A_16, %mul3A : vector<6400x128xf32>
    %add3A = arith.addf %broadcast_in_dim3A_9, %mul3A_17 : vector<6400x128xf32>
    %get3A_18 = arith.constant 1 : index
    %get3A_19 = arith.constant 0 : index
    %get3A_20 = arith.constant 0 : index
    %get3A_21 = vector.load %arg4[%get3A_18, %get3A_19, %get3A_20] : memref<8x128x128xbf16, #tpu.memory_space<vmem>>, vector<1x128x128xbf16>
    %get3A_22 = vector.shape_cast %get3A_21 : vector<1x128x128xbf16> to vector<128x128xbf16>
    %dot_general3A_23 = arith.constant dense<0.000000e+00> : vector<6400x128xf32>
    %dot_general3A_24 = tpu.matmul %convert_element_type3A, %get3A_22, %dot_general3A_23 {dimension_numbers = #tpu.dot_dimension_numbers<[1], [0], [0], [1], [0, 0, 1, 1], [], []>, transpose_lhs_hint = false} : vector<6400x128xbf16>, vector<128x128xbf16>, vector<6400x128xf32> -> vector<6400x128xf32>
    %slice3A_25 = vector.extract_strided_slice %dot_general3A_5 {offsets = [0, 1], sizes = [6400, 1], strides = [1, 1]} : vector<6400x8xf32> to vector<6400x1xf32>
    %mul3A_26 = vector.broadcast %slice3A_25 : vector<6400x1xf32> to vector<6400x128xf32>
    %mul3A_27 = arith.mulf %dot_general3A_24, %mul3A_26 : vector<6400x128xf32>
    %add3A_28 = arith.addf %add3A, %mul3A_27 : vector<6400x128xf32>
    %get3A_29 = arith.constant 2 : index
    %get3A_30 = arith.constant 0 : index
    %get3A_31 = arith.constant 0 : index
    %get3A_32 = vector.load %arg4[%get3A_29, %get3A_30, %get3A_31] : memref<8x128x128xbf16, #tpu.memory_space<vmem>>, vector<1x128x128xbf16>
    %get3A_33 = vector.shape_cast %get3A_32 : vector<1x128x128xbf16> to vector<128x128xbf16>
    %dot_general3A_34 = arith.constant dense<0.000000e+00> : vector<6400x128xf32>
    %dot_general3A_35 = tpu.matmul %convert_element_type3A, %get3A_33, %dot_general3A_34 {dimension_numbers = #tpu.dot_dimension_numbers<[1], [0], [0], [1], [0, 0, 1, 1], [], []>, transpose_lhs_hint = false} : vector<6400x128xbf16>, vector<128x128xbf16>, vector<6400x128xf32> -> vector<6400x128xf32>
    %slice3A_36 = vector.extract_strided_slice %dot_general3A_5 {offsets = [0, 2], sizes = [6400, 1], strides = [1, 1]} : vector<6400x8xf32> to vector<6400x1xf32>
    %mul3A_37 = vector.broadcast %slice3A_36 : vector<6400x1xf32> to vector<6400x128xf32>
    %mul3A_38 = arith.mulf %dot_general3A_35, %mul3A_37 : vector<6400x128xf32>
    %add3A_39 = arith.addf %add3A_28, %mul3A_38 : vector<6400x128xf32>
    %get3A_40 = arith.constant 3 : index
    %get3A_41 = arith.constant 0 : index
    %get3A_42 = arith.constant 0 : index
    %get3A_43 = vector.load %arg4[%get3A_40, %get3A_41, %get3A_42] : memref<8x128x128xbf16, #tpu.memory_space<vmem>>, vector<1x128x128xbf16>
    %get3A_44 = vector.shape_cast %get3A_43 : vector<1x128x128xbf16> to vector<128x128xbf16>
    %dot_general3A_45 = arith.constant dense<0.000000e+00> : vector<6400x128xf32>
    %dot_general3A_46 = tpu.matmul %convert_element_type3A, %get3A_44, %dot_general3A_45 {dimension_numbers = #tpu.dot_dimension_numbers<[1], [0], [0], [1], [0, 0, 1, 1], [], []>, transpose_lhs_hint = false} : vector<6400x128xbf16>, vector<128x128xbf16>, vector<6400x128xf32> -> vector<6400x128xf32>
    %slice3A_47 = vector.extract_strided_slice %dot_general3A_5 {offsets = [0, 3], sizes = [6400, 1], strides = [1, 1]} : vector<6400x8xf32> to vector<6400x1xf32>
    %mul3A_48 = vector.broadcast %slice3A_47 : vector<6400x1xf32> to vector<6400x128xf32>
    %mul3A_49 = arith.mulf %dot_general3A_46, %mul3A_48 : vector<6400x128xf32>
    %add3A_50 = arith.addf %add3A_39, %mul3A_49 : vector<6400x128xf32>
    %get3A_51 = arith.constant 4 : index
    %get3A_52 = arith.constant 0 : index
    %get3A_53 = arith.constant 0 : index
    %get3A_54 = vector.load %arg4[%get3A_51, %get3A_52, %get3A_53] : memref<8x128x128xbf16, #tpu.memory_space<vmem>>, vector<1x128x128xbf16>
    %get3A_55 = vector.shape_cast %get3A_54 : vector<1x128x128xbf16> to vector<128x128xbf16>
    %dot_general3A_56 = arith.constant dense<0.000000e+00> : vector<6400x128xf32>
    %dot_general3A_57 = tpu.matmul %convert_element_type3A, %get3A_55, %dot_general3A_56 {dimension_numbers = #tpu.dot_dimension_numbers<[1], [0], [0], [1], [0, 0, 1, 1], [], []>, transpose_lhs_hint = false} : vector<6400x128xbf16>, vector<128x128xbf16>, vector<6400x128xf32> -> vector<6400x128xf32>
    %slice3A_58 = vector.extract_strided_slice %dot_general3A_5 {offsets = [0, 4], sizes = [6400, 1], strides = [1, 1]} : vector<6400x8xf32> to vector<6400x1xf32>
    %mul3A_59 = vector.broadcast %slice3A_58 : vector<6400x1xf32> to vector<6400x128xf32>
    %mul3A_60 = arith.mulf %dot_general3A_57, %mul3A_59 : vector<6400x128xf32>
    %add3A_61 = arith.addf %add3A_50, %mul3A_60 : vector<6400x128xf32>
    %get3A_62 = arith.constant 5 : index
    %get3A_63 = arith.constant 0 : index
    %get3A_64 = arith.constant 0 : index
    %get3A_65 = vector.load %arg4[%get3A_62, %get3A_63, %get3A_64] : memref<8x128x128xbf16, #tpu.memory_space<vmem>>, vector<1x128x128xbf16>
    %get3A_66 = vector.shape_cast %get3A_65 : vector<1x128x128xbf16> to vector<128x128xbf16>
    %dot_general3A_67 = arith.constant dense<0.000000e+00> : vector<6400x128xf32>
    %dot_general3A_68 = tpu.matmul %convert_element_type3A, %get3A_66, %dot_general3A_67 {dimension_numbers = #tpu.dot_dimension_numbers<[1], [0], [0], [1], [0, 0, 1, 1], [], []>, transpose_lhs_hint = false} : vector<6400x128xbf16>, vector<128x128xbf16>, vector<6400x128xf32> -> vector<6400x128xf32>
    %slice3A_69 = vector.extract_strided_slice %dot_general3A_5 {offsets = [0, 5], sizes = [6400, 1], strides = [1, 1]} : vector<6400x8xf32> to vector<6400x1xf32>
    %mul3A_70 = vector.broadcast %slice3A_69 : vector<6400x1xf32> to vector<6400x128xf32>
    %mul3A_71 = arith.mulf %dot_general3A_68, %mul3A_70 : vector<6400x128xf32>
    %add3A_72 = arith.addf %add3A_61, %mul3A_71 : vector<6400x128xf32>
    %get3A_73 = arith.constant 6 : index
    %get3A_74 = arith.constant 0 : index
    %get3A_75 = arith.constant 0 : index
    %get3A_76 = vector.load %arg4[%get3A_73, %get3A_74, %get3A_75] : memref<8x128x128xbf16, #tpu.memory_space<vmem>>, vector<1x128x128xbf16>
    %get3A_77 = vector.shape_cast %get3A_76 : vector<1x128x128xbf16> to vector<128x128xbf16>
    %dot_general3A_78 = arith.constant dense<0.000000e+00> : vector<6400x128xf32>
    %dot_general3A_79 = tpu.matmul %convert_element_type3A, %get3A_77, %dot_general3A_78 {dimension_numbers = #tpu.dot_dimension_numbers<[1], [0], [0], [1], [0, 0, 1, 1], [], []>, transpose_lhs_hint = false} : vector<6400x128xbf16>, vector<128x128xbf16>, vector<6400x128xf32> -> vector<6400x128xf32>
    %slice3A_80 = vector.extract_strided_slice %dot_general3A_5 {offsets = [0, 6], sizes = [6400, 1], strides = [1, 1]} : vector<6400x8xf32> to vector<6400x1xf32>
    %mul3A_81 = vector.broadcast %slice3A_80 : vector<6400x1xf32> to vector<6400x128xf32>
    %mul3A_82 = arith.mulf %dot_general3A_79, %mul3A_81 : vector<6400x128xf32>
    %add3A_83 = arith.addf %add3A_72, %mul3A_82 : vector<6400x128xf32>
    %get3A_84 = arith.constant 7 : index
    %get3A_85 = arith.constant 0 : index
    %get3A_86 = arith.constant 0 : index
    %get3A_87 = vector.load %arg4[%get3A_84, %get3A_85, %get3A_86] : memref<8x128x128xbf16, #tpu.memory_space<vmem>>, vector<1x128x128xbf16>
    %get3A_88 = vector.shape_cast %get3A_87 : vector<1x128x128xbf16> to vector<128x128xbf16>
    %dot_general3A_89 = arith.constant dense<0.000000e+00> : vector<6400x128xf32>
    %dot_general3A_90 = tpu.matmul %convert_element_type3A, %get3A_88, %dot_general3A_89 {dimension_numbers = #tpu.dot_dimension_numbers<[1], [0], [0], [1], [0, 0, 1, 1], [], []>, transpose_lhs_hint = false} : vector<6400x128xbf16>, vector<128x128xbf16>, vector<6400x128xf32> -> vector<6400x128xf32>
    %slice3A_91 = vector.extract_strided_slice %dot_general3A_5 {offsets = [0, 7], sizes = [6400, 1], strides = [1, 1]} : vector<6400x8xf32> to vector<6400x1xf32>
    %mul3A_92 = vector.broadcast %slice3A_91 : vector<6400x1xf32> to vector<6400x128xf32>
    %mul3A_93 = arith.mulf %dot_general3A_90, %mul3A_92 : vector<6400x128xf32>
    %add3A_94 = arith.addf %add3A_83, %mul3A_93 : vector<6400x128xf32>
    %swap3A = arith.constant 0 : index
    %swap3A_95 = arith.constant 0 : index
    %swap3A_96 = vector.load %arg5[%swap3A, %swap3A_95] : memref<6400x128xf32, #tpu.memory_space<vmem>>, vector<6400x128xf32>
    tpu.vector_store %arg5[%swap3A, %swap3A_95], %add3A_94 {strides = array<i32>} : memref<6400x128xf32, #tpu.memory_space<vmem>>, vector<6400x128xf32>,
    return
  }
  func.func @transform_0(%arg0: i32) -> (i32, i32) {
    %c0_i32 = arith.constant 0 : i32
    %c0_i32_0 = arith.constant 0 : i32
    return %arg0, %c0_i32 : i32, i32
  }
  func.func @transform_1(%arg0: i32) -> (i32, i32) {
    %c0_i32 = arith.constant 0 : i32
    %c0_i32_0 = arith.constant 0 : i32
    return %c0_i32, %arg0 : i32, i32
  }
  func.func @transform_2(%arg0: i32) -> (i32, i32) {
    %c0_i32 = arith.constant 0 : i32
    %c0_i32_0 = arith.constant 0 : i32
    %c0_i32_1 = arith.constant 0 : i32
    return %c0_i32, %c0_i32_0 : i32, i32
  }
  func.func @transform_3(%arg0: i32) -> (i32, i32, i32) {
    %c0_i32 = arith.constant 0 : i32
    %c0_i32_0 = arith.constant 0 : i32
    %c0_i32_1 = arith.constant 0 : i32
    %c0_i32_2 = arith.constant 0 : i32
    return %c0_i32, %c0_i32_0, %c0_i32_1 : i32, i32, i32
  }
  func.func @transform_4(%arg0: i32) -> (i32, i32) {
    %c0_i32 = arith.constant 0 : i32
    %c0_i32_0 = arith.constant 0 : i32
    return %arg0, %c0_i32 : i32, i32
  }
}

module attributes {stable_mosaic.version = 14 : i64} {
  func.func @_tc_post_body(%arg0: i32, %arg1: memref<6400x128xf32, #tpu.memory_space<vmem>>, %arg2: memref<6400x128xf32, #tpu.memory_space<vmem>>, %arg3: memref<128x128xbf16, #tpu.memory_space<vmem>>, %arg4: memref<1x128xf32, #tpu.memory_space<vmem>>, %arg5: memref<128x128xbf16, #tpu.memory_space<vmem>>, %arg6: memref<1x128xf32, #tpu.memory_space<vmem>>, %arg7: memref<128x128xbf16, #tpu.memory_space<vmem>>, %arg8: memref<1x128xf32, #tpu.memory_space<vmem>>, %arg9: memref<128x128xbf16, #tpu.memory_space<vmem>>, %arg10: memref<1x128xf32, #tpu.memory_space<vmem>>, %arg11: memref<128x128xbf16, #tpu.memory_space<vmem>>, %arg12: memref<1x128xf32, #tpu.memory_space<vmem>>, %arg13: memref<128x128xbf16, #tpu.memory_space<vmem>>, %arg14: memref<1x128xf32, #tpu.memory_space<vmem>>, %arg15: memref<6400x128xf32, #tpu.memory_space<vmem>>) attributes {dimension_semantics = [#tpu.dimension_semantics<arbitrary>], iteration_bounds = array<i64: 25>, scalar_prefetch = 0 : i64, scratch_operands = 0 : i64, tpu.core_type = #tpu.core_type<tc>, window_params = [{transform_indices = @transform_0, window_bounds = array<i64: 6400, 128>}, {transform_indices = @transform_1, window_bounds = array<i64: 6400, 128>}, {pipeline_mode = #tpu.pipeline_mode<synchronous>, transform_indices = @transform_2, window_bounds = array<i64: 128, 128>}, {pipeline_mode = #tpu.pipeline_mode<synchronous>, transform_indices = @transform_3, window_bounds = array<i64: 1, 128>}, {pipeline_mode = #tpu.pipeline_mode<synchronous>, transform_indices = @transform_4, window_bounds = array<i64: 128, 128>}, {pipeline_mode = #tpu.pipeline_mode<synchronous>, transform_indices = @transform_5, window_bounds = array<i64: 1, 128>}, {pipeline_mode = #tpu.pipeline_mode<synchronous>, transform_indices = @transform_6, window_bounds = array<i64: 128, 128>}, {pipeline_mode = #tpu.pipeline_mode<synchronous>, transform_indices = @transform_7, window_bounds = array<i64: 1, 128>}, {pipeline_mode = #tpu.pipeline_mode<synchronous>, transform_indices = @transform_8, window_bounds = array<i64: 128, 128>}, {pipeline_mode = #tpu.pipeline_mode<synchronous>, transform_indices = @transform_9, window_bounds = array<i64: 1, 128>}, {pipeline_mode = #tpu.pipeline_mode<synchronous>, transform_indices = @transform_10, window_bounds = array<i64: 128, 128>}, {pipeline_mode = #tpu.pipeline_mode<synchronous>, transform_indices = @transform_11, window_bounds = array<i64: 1, 128>}, {pipeline_mode = #tpu.pipeline_mode<synchronous>, transform_indices = @transform_12, window_bounds = array<i64: 128, 128>}, {pipeline_mode = #tpu.pipeline_mode<synchronous>, transform_indices = @transform_13, window_bounds = array<i64: 1, 128>}, {transform_indices = @transform_14, window_bounds = array<i64: 6400, 128>}]} {
    %get3A = arith.constant 0 : index
    %get3A_0 = arith.constant 0 : index
    %get3A_1 = vector.load %arg1[%get3A, %get3A_0] : memref<6400x128xf32, #tpu.memory_space<vmem>>, vector<6400x128xf32>
    %get3A_2 = arith.constant 0 : index
    %get3A_3 = arith.constant 0 : index
    %get3A_4 = vector.load %arg3[%get3A_2, %get3A_3] : memref<128x128xbf16, #tpu.memory_space<vmem>>, vector<128x128xbf16>
    %convert_element_type3A = arith.truncf %get3A_1 : vector<6400x128xf32> to vector<6400x128xbf16>
    %dot_general3A = arith.constant dense<0.000000e+00> : vector<6400x128xf32>
    %dot_general3A_5 = tpu.matmul %convert_element_type3A, %get3A_4, %dot_general3A {dimension_numbers = #tpu.dot_dimension_numbers<[1], [0], [0], [1], [0, 0, 1, 1], [], []>, transpose_lhs_hint = false} : vector<6400x128xbf16>, vector<128x128xbf16>, vector<6400x128xf32> -> vector<6400x128xf32>
    %get3A_6 = arith.constant 0 : index
    %get3A_7 = arith.constant 0 : index
    %get3A_8 = vector.load %arg4[%get3A_6, %get3A_7] : memref<1x128xf32, #tpu.memory_space<vmem>>, vector<1x128xf32>
    %add3A = vector.broadcast %get3A_8 : vector<1x128xf32> to vector<6400x128xf32>
    %add3A_9 = arith.addf %dot_general3A_5, %add3A : vector<6400x128xf32>
    %neg3A = arith.constant 0.000000e+00 : f32
    %neg3A_10 = vector.broadcast %neg3A : f32 to vector<6400x128xf32>
    %neg3A_11 = arith.subf %neg3A_10, %add3A_9 : vector<6400x128xf32>
    %exp3A = math.exp %neg3A_11 : vector<6400x128xf32>
    %add3A_12 = arith.constant 1.000000e+00 : f32
    %add3A_13 = vector.broadcast %add3A_12 : f32 to vector<6400x128xf32>
    %add3A_14 = arith.addf %add3A_13, %exp3A : vector<6400x128xf32>
    %div3A = arith.constant 1.000000e+00 : f32
    %div3A_15 = vector.broadcast %div3A : f32 to vector<6400x128xf32>
    %div3A_16 = arith.divf %div3A_15, %add3A_14 : vector<6400x128xf32>
    %mul3A = arith.mulf %add3A_9, %div3A_16 : vector<6400x128xf32>
    %get3A_17 = arith.constant 0 : index
    %get3A_18 = arith.constant 0 : index
    %get3A_19 = vector.load %arg2[%get3A_17, %get3A_18] : memref<6400x128xf32, #tpu.memory_space<vmem>>, vector<6400x128xf32>
    %add3A_20 = arith.addf %mul3A, %get3A_19 : vector<6400x128xf32>
    %neg3A_21 = arith.constant 0.000000e+00 : f32
    %neg3A_22 = vector.broadcast %neg3A_21 : f32 to vector<6400x128xf32>
    %neg3A_23 = arith.subf %neg3A_22, %add3A_20 : vector<6400x128xf32>
    %exp3A_24 = math.exp %neg3A_23 : vector<6400x128xf32>
    %add3A_25 = arith.constant 1.000000e+00 : f32
    %add3A_26 = vector.broadcast %add3A_25 : f32 to vector<6400x128xf32>
    %add3A_27 = arith.addf %add3A_26, %exp3A_24 : vector<6400x128xf32>
    %div3A_28 = arith.constant 1.000000e+00 : f32
    %div3A_29 = vector.broadcast %div3A_28 : f32 to vector<6400x128xf32>
    %div3A_30 = arith.divf %div3A_29, %add3A_27 : vector<6400x128xf32>
    %mul3A_31 = arith.mulf %add3A_20, %div3A_30 : vector<6400x128xf32>
    %get3A_32 = arith.constant 0 : index
    %get3A_33 = arith.constant 0 : index
    %get3A_34 = vector.load %arg5[%get3A_32, %get3A_33] : memref<128x128xbf16, #tpu.memory_space<vmem>>, vector<128x128xbf16>
    %convert_element_type3A_35 = arith.truncf %mul3A_31 : vector<6400x128xf32> to vector<6400x128xbf16>
    %dot_general3A_36 = arith.constant dense<0.000000e+00> : vector<6400x128xf32>
    %dot_general3A_37 = tpu.matmul %convert_element_type3A_35, %get3A_34, %dot_general3A_36 {dimension_numbers = #tpu.dot_dimension_numbers<[1], [0], [0], [1], [0, 0, 1, 1], [], []>, transpose_lhs_hint = false} : vector<6400x128xbf16>, vector<128x128xbf16>, vector<6400x128xf32> -> vector<6400x128xf32>
    %get3A_38 = arith.constant 0 : index
    %get3A_39 = arith.constant 0 : index
    %get3A_40 = vector.load %arg6[%get3A_38, %get3A_39] : memref<1x128xf32, #tpu.memory_space<vmem>>, vector<1x128xf32>
    %add3A_41 = vector.broadcast %get3A_40 : vector<1x128xf32> to vector<6400x128xf32>
    %add3A_42 = arith.addf %dot_general3A_37, %add3A_41 : vector<6400x128xf32>
    %neg3A_43 = arith.constant 0.000000e+00 : f32
    %neg3A_44 = vector.broadcast %neg3A_43 : f32 to vector<6400x128xf32>
    %neg3A_45 = arith.subf %neg3A_44, %add3A_42 : vector<6400x128xf32>
    %exp3A_46 = math.exp %neg3A_45 : vector<6400x128xf32>
    %add3A_47 = arith.constant 1.000000e+00 : f32
    %add3A_48 = vector.broadcast %add3A_47 : f32 to vector<6400x128xf32>
    %add3A_49 = arith.addf %add3A_48, %exp3A_46 : vector<6400x128xf32>
    %div3A_50 = arith.constant 1.000000e+00 : f32
    %div3A_51 = vector.broadcast %div3A_50 : f32 to vector<6400x128xf32>
    %div3A_52 = arith.divf %div3A_51, %add3A_49 : vector<6400x128xf32>
    %mul3A_53 = arith.mulf %add3A_42, %div3A_52 : vector<6400x128xf32>
    %get3A_54 = arith.constant 0 : index
    %get3A_55 = arith.constant 0 : index
    %get3A_56 = vector.load %arg7[%get3A_54, %get3A_55] : memref<128x128xbf16, #tpu.memory_space<vmem>>, vector<128x128xbf16>
    %convert_element_type3A_57 = arith.truncf %mul3A_53 : vector<6400x128xf32> to vector<6400x128xbf16>
    %dot_general3A_58 = arith.constant dense<0.000000e+00> : vector<6400x128xf32>
    %dot_general3A_59 = tpu.matmul %convert_element_type3A_57, %get3A_56, %dot_general3A_58 {dimension_numbers = #tpu.dot_dimension_numbers<[1], [0], [0], [1], [0, 0, 1, 1], [], []>, transpose_lhs_hint = false} : vector<6400x128xbf16>, vector<128x128xbf16>, vector<6400x128xf32> -> vector<6400x128xf32>
    %get3A_60 = arith.constant 0 : index
    %get3A_61 = arith.constant 0 : index
    %get3A_62 = vector.load %arg8[%get3A_60, %get3A_61] : memref<1x128xf32, #tpu.memory_space<vmem>>, vector<1x128xf32>
    %add3A_63 = vector.broadcast %get3A_62 : vector<1x128xf32> to vector<6400x128xf32>
    %add3A_64 = arith.addf %dot_general3A_59, %add3A_63 : vector<6400x128xf32>
    %add3A_65 = arith.addf %add3A_20, %add3A_64 : vector<6400x128xf32>
    %neg3A_66 = arith.constant 0.000000e+00 : f32
    %neg3A_67 = vector.broadcast %neg3A_66 : f32 to vector<6400x128xf32>
    %neg3A_68 = arith.subf %neg3A_67, %add3A_65 : vector<6400x128xf32>
    %exp3A_69 = math.exp %neg3A_68 : vector<6400x128xf32>
    %add3A_70 = arith.constant 1.000000e+00 : f32
    %add3A_71 = vector.broadcast %add3A_70 : f32 to vector<6400x128xf32>
    %add3A_72 = arith.addf %add3A_71, %exp3A_69 : vector<6400x128xf32>
    %div3A_73 = arith.constant 1.000000e+00 : f32
    %div3A_74 = vector.broadcast %div3A_73 : f32 to vector<6400x128xf32>
    %div3A_75 = arith.divf %div3A_74, %add3A_72 : vector<6400x128xf32>
    %mul3A_76 = arith.mulf %add3A_65, %div3A_75 : vector<6400x128xf32>
    %get3A_77 = arith.constant 0 : index
    %get3A_78 = arith.constant 0 : index
    %get3A_79 = vector.load %arg9[%get3A_77, %get3A_78] : memref<128x128xbf16, #tpu.memory_space<vmem>>, vector<128x128xbf16>
    %convert_element_type3A_80 = arith.truncf %mul3A_76 : vector<6400x128xf32> to vector<6400x128xbf16>
    %dot_general3A_81 = arith.constant dense<0.000000e+00> : vector<6400x128xf32>
    %dot_general3A_82 = tpu.matmul %convert_element_type3A_80, %get3A_79, %dot_general3A_81 {dimension_numbers = #tpu.dot_dimension_numbers<[1], [0], [0], [1], [0, 0, 1, 1], [], []>, transpose_lhs_hint = false} : vector<6400x128xbf16>, vector<128x128xbf16>, vector<6400x128xf32> -> vector<6400x128xf32>
    %get3A_83 = arith.constant 0 : index
    %get3A_84 = arith.constant 0 : index
    %get3A_85 = vector.load %arg10[%get3A_83, %get3A_84] : memref<1x128xf32, #tpu.memory_space<vmem>>, vector<1x128xf32>
    %add3A_86 = vector.broadcast %get3A_85 : vector<1x128xf32> to vector<6400x128xf32>
    %add3A_87 = arith.addf %dot_general3A_82, %add3A_86 : vector<6400x128xf32>
    %neg3A_88 = arith.constant 0.000000e+00 : f32
    %neg3A_89 = vector.broadcast %neg3A_88 : f32 to vector<6400x128xf32>
    %neg3A_90 = arith.subf %neg3A_89, %add3A_87 : vector<6400x128xf32>
    %exp3A_91 = math.exp %neg3A_90 : vector<6400x128xf32>
    %add3A_92 = arith.constant 1.000000e+00 : f32
    %add3A_93 = vector.broadcast %add3A_92 : f32 to vector<6400x128xf32>
    %add3A_94 = arith.addf %add3A_93, %exp3A_91 : vector<6400x128xf32>
    %div3A_95 = arith.constant 1.000000e+00 : f32
    %div3A_96 = vector.broadcast %div3A_95 : f32 to vector<6400x128xf32>
    %div3A_97 = arith.divf %div3A_96, %add3A_94 : vector<6400x128xf32>
    %mul3A_98 = arith.mulf %add3A_87, %div3A_97 : vector<6400x128xf32>
    %get3A_99 = arith.constant 0 : index
    %get3A_100 = arith.constant 0 : index
    %get3A_101 = vector.load %arg11[%get3A_99, %get3A_100] : memref<128x128xbf16, #tpu.memory_space<vmem>>, vector<128x128xbf16>
    %convert_element_type3A_102 = arith.truncf %mul3A_98 : vector<6400x128xf32> to vector<6400x128xbf16>
    %dot_general3A_103 = arith.constant dense<0.000000e+00> : vector<6400x128xf32>
    %dot_general3A_104 = tpu.matmul %convert_element_type3A_102, %get3A_101, %dot_general3A_103 {dimension_numbers = #tpu.dot_dimension_numbers<[1], [0], [0], [1], [0, 0, 1, 1], [], []>, transpose_lhs_hint = false} : vector<6400x128xbf16>, vector<128x128xbf16>, vector<6400x128xf32> -> vector<6400x128xf32>
    %get3A_105 = arith.constant 0 : index
    %get3A_106 = arith.constant 0 : index
    %get3A_107 = vector.load %arg12[%get3A_105, %get3A_106] : memref<1x128xf32, #tpu.memory_space<vmem>>, vector<1x128xf32>
    %add3A_108 = vector.broadcast %get3A_107 : vector<1x128xf32> to vector<6400x128xf32>
    %add3A_109 = arith.addf %dot_general3A_104, %add3A_108 : vector<6400x128xf32>
    %add3A_110 = arith.addf %add3A_65, %add3A_109 : vector<6400x128xf32>
    %get3A_111 = arith.constant 0 : index
    %get3A_112 = arith.constant 0 : index
    %get3A_113 = vector.load %arg13[%get3A_111, %get3A_112] : memref<128x128xbf16, #tpu.memory_space<vmem>>, vector<128x128xbf16>
    %convert_element_type3A_114 = arith.truncf %add3A_110 : vector<6400x128xf32> to vector<6400x128xbf16>
    %dot_general3A_115 = arith.constant dense<0.000000e+00> : vector<6400x128xf32>
    %dot_general3A_116 = tpu.matmul %convert_element_type3A_114, %get3A_113, %dot_general3A_115 {dimension_numbers = #tpu.dot_dimension_numbers<[1], [0], [0], [1], [0, 0, 1, 1], [], []>, transpose_lhs_hint = false} : vector<6400x128xbf16>, vector<128x128xbf16>, vector<6400x128xf32> -> vector<6400x128xf32>
    %get3A_117 = arith.constant 0 : index
    %get3A_118 = arith.constant 0 : index
    %get3A_119 = vector.load %arg14[%get3A_117, %get3A_118] : memref<1x128xf32, #tpu.memory_space<vmem>>, vector<1x128xf32>
    %add3A_120 = vector.broadcast %get3A_119 : vector<1x128xf32> to vector<6400x128xf32>
    %add3A_121 = arith.addf %dot_general3A_116, %add3A_120 : vector<6400x128xf32>
    %neg3A_122 = arith.constant 0.000000e+00 : f32
    %neg3A_123 = vector.broadcast %neg3A_122 : f32 to vector<6400x128xf32>
    %neg3A_124 = arith.subf %neg3A_123, %add3A_121 : vector<6400x128xf32>
    %exp3A_125 = math.exp %neg3A_124 : vector<6400x128xf32>
    %add3A_126 = arith.constant 1.000000e+00 : f32
    %add3A_127 = vector.broadcast %add3A_126 : f32 to vector<6400x128xf32>
    %add3A_128 = arith.addf %add3A_127, %exp3A_125 : vector<6400x128xf32>
    %div3A_129 = arith.constant 1.000000e+00 : f32
    %div3A_130 = vector.broadcast %div3A_129 : f32 to vector<6400x128xf32>
    %div3A_131 = arith.divf %div3A_130, %add3A_128 : vector<6400x128xf32>
    %mul3A_132 = arith.mulf %add3A_121, %div3A_131 : vector<6400x128xf32>
    %add3A_133 = arith.addf %get3A_1, %mul3A_132 : vector<6400x128xf32>
    %swap3A = arith.constant 0 : index
    %swap3A_134 = arith.constant 0 : index
    %swap3A_135 = vector.load %arg15[%swap3A, %swap3A_134] : memref<6400x128xf32, #tpu.memory_space<vmem>>, vector<6400x128xf32>
    tpu.vector_store %arg15[%swap3A, %swap3A_134], %add3A_133 {strides = array<i32>} : memref<6400x128xf32, #tpu.memory_space<vmem>>, vector<6400x128xf32>,
    return
  }
  func.func @transform_0(%arg0: i32) -> (i32, i32) {
    %c0_i32 = arith.constant 0 : i32
    %c0_i32_0 = arith.constant 0 : i32
    return %arg0, %c0_i32 : i32, i32
  }
  func.func @transform_1(%arg0: i32) -> (i32, i32) {
    %c0_i32 = arith.constant 0 : i32
    %c0_i32_0 = arith.constant 0 : i32
    return %arg0, %c0_i32 : i32, i32
  }
  func.func @transform_2(%arg0: i32) -> (i32, i32) {
    %c0_i32 = arith.constant 0 : i32
    %c0_i32_0 = arith.constant 0 : i32
    %c0_i32_1 = arith.constant 0 : i32
    return %c0_i32, %c0_i32_0 : i32, i32
  }
  func.func @transform_3(%arg0: i32) -> (i32, i32) {
    %c0_i32 = arith.constant 0 : i32
    %c0_i32_0 = arith.constant 0 : i32
    %c0_i32_1 = arith.constant 0 : i32
    return %c0_i32, %c0_i32_0 : i32, i32
  }
  func.func @transform_4(%arg0: i32) -> (i32, i32) {
    %c0_i32 = arith.constant 0 : i32
    %c0_i32_0 = arith.constant 0 : i32
    %c0_i32_1 = arith.constant 0 : i32
    return %c0_i32, %c0_i32_0 : i32, i32
  }
  func.func @transform_5(%arg0: i32) -> (i32, i32) {
    %c0_i32 = arith.constant 0 : i32
    %c0_i32_0 = arith.constant 0 : i32
    %c0_i32_1 = arith.constant 0 : i32
    return %c0_i32, %c0_i32_0 : i32, i32
  }
  func.func @transform_6(%arg0: i32) -> (i32, i32) {
    %c0_i32 = arith.constant 0 : i32
    %c0_i32_0 = arith.constant 0 : i32
    %c0_i32_1 = arith.constant 0 : i32
    return %c0_i32, %c0_i32_0 : i32, i32
  }
  func.func @transform_7(%arg0: i32) -> (i32, i32) {
    %c0_i32 = arith.constant 0 : i32
    %c0_i32_0 = arith.constant 0 : i32
    %c0_i32_1 = arith.constant 0 : i32
    return %c0_i32, %c0_i32_0 : i32, i32
  }
  func.func @transform_8(%arg0: i32) -> (i32, i32) {
    %c0_i32 = arith.constant 0 : i32
    %c0_i32_0 = arith.constant 0 : i32
    %c0_i32_1 = arith.constant 0 : i32
    return %c0_i32, %c0_i32_0 : i32, i32
  }
  func.func @transform_9(%arg0: i32) -> (i32, i32) {
    %c0_i32 = arith.constant 0 : i32
    %c0_i32_0 = arith.constant 0 : i32
    %c0_i32_1 = arith.constant 0 : i32
    return %c0_i32, %c0_i32_0 : i32, i32
  }
  func.func @transform_10(%arg0: i32) -> (i32, i32) {
    %c0_i32 = arith.constant 0 : i32
    %c0_i32_0 = arith.constant 0 : i32
    %c0_i32_1 = arith.constant 0 : i32
    return %c0_i32, %c0_i32_0 : i32, i32
  }
  func.func @transform_11(%arg0: i32) -> (i32, i32) {
    %c0_i32 = arith.constant 0 : i32
    %c0_i32_0 = arith.constant 0 : i32
    %c0_i32_1 = arith.constant 0 : i32
    return %c0_i32, %c0_i32_0 : i32, i32
  }
  func.func @transform_12(%arg0: i32) -> (i32, i32) {
    %c0_i32 = arith.constant 0 : i32
    %c0_i32_0 = arith.constant 0 : i32
    %c0_i32_1 = arith.constant 0 : i32
    return %c0_i32, %c0_i32_0 : i32, i32
  }
  func.func @transform_13(%arg0: i32) -> (i32, i32) {
    %c0_i32 = arith.constant 0 : i32
    %c0_i32_0 = arith.constant 0 : i32
    %c0_i32_1 = arith.constant 0 : i32
    return %c0_i32, %c0_i32_0 : i32, i32
  }
  func.func @transform_14(%arg0: i32) -> (i32, i32) {
    %c0_i32 = arith.constant 0 : i32
    %c0_i32_0 = arith.constant 0 : i32
    return %arg0, %c0_i32 : i32, i32
  }
}

</mosaic_0001>

<sc_bundles>
// kernel: kernel.10.cloned.1.call-start
scs
__scs_entry_jumppad:
0x0: {  	(pc) =	sbr.rel $0x88, $3  }
0x1: {  	(tag) =	ssettag $0x0;
	lr =	simm.s32 $0x1  }
0x2: {  	[smem:$0x3F8C] =	sst lr;
	_ =	strace $0xD0000000  }
0x3: {  	_ = 	snop  }
0x4: {  	_ = 	snop  }
0x5: {  	_ = 	snop  }
0x6: {  	_ = 	snop  }
0x7: {  	_ = 	snop  }
__scs_overlays_trampoline_lowered:
0x8: {  	[smem:$0x3F9B] =	sst s0  }
0x9: {  	[smem:$0x3F9C] =	sst s1  }
0xa: {  	[smem:$0x3F9D] =	sst s2  }
0xb: {  	[smem:$0x3F9E] =	sst s3  }
0xc: {  	[smem:$0x3F9F] =	sst s4  }
0xd: {  	[smem:$0x3FA0] =	sst s5  }
0xe: {  	[smem:$0x3FA1] =	sst s6  }
0xf: {  	[smem:$0x3FA2] =	sst s7  }
0x10: {  	[smem:$0x3FA3] =	sst s8  }
0x11: {  	[smem:$0x3FA4] =	sst s9;
	s0 =	simm.s32 @!p0 $0x0  }
0x12: {  	s1 =	sld [smem:$0x3F8A];
	s0 =	simm.s32 @p0 $0x1  }
0x13: {  	[smem:$0x3FA5] =	sst s0;
	s0 =	simm.s32 @!p1 $0x0  }
0x14: {  	s2 =	sld [smem:$0x3F89];
	s0 =	simm.s32 @p1 $0x1  }
0x15: {  	[smem:$0x3FA6] =	sst s0;
	s0 =	simm.s32 @!p2 $0x0  }
0x16: {  	s3 =	sld [smem:$0x3FDB];
	s0 =	simm.s32 @p2 $0x1  }
0x17: {  	s4 =	simm.s32 $0x1BF5;
	[smem:$0x3FA8] =	sst s0  }
0x18: {  	s0 =	sld [smem:$0x3F8B];
	_ =	swait.ge [sflag:s4], $0x0  }
0x19: {  	s7 =	sld [smem:$0x3F8C]  }
0x1a: {  	s8 =	sadd.s32 $0xFFFFE003, lr  }
0x1b: {  	s9 =	sadd.s32 $0xFFFFFEF7, lr;
	s5 =	simm.s32 $0xFFFFFFFF;
	p2 =	slt.u32 s8, $0xFFFFF086  }
0x1c: {  	p1 =	slt.u32 s9, $0xF7A;
	s5 =	simm.s32 @!p2 $0x0  }
0x1d: {  	s5 =	simm.s32 @p1 $0x1;
	p0 =	seq.s32 s7, s2  }
0x1e: {  	s7 =	smul.u32 @!p0 $0xF7A, s2;
	p2 =	seq.s32 @!p0 s5, $0x0  }
0x1f: {  	s9 =	smul.u32 $0xF7A, s1;
	s8 =	simm.s32 @!p0 $0x1BF5;
	p2 =	por !p2, p0  }
0x20: {  	[sflag:s8] =	ssyncset.s32 @!p0 $0xFFFFF086;
	s6 =	sadd.s32 @!p0 s3, s7;
	s7 =	simm.s32 @!p0 $0x108  }
0x21: {  	s3 =	sadd.s32 s3, s9;
	s6 =	sadd.s32 @!p0 $0x88, s6;
	s7 =	simm.s32 @p2 $0x1082  }
0x22: {  	[simem:s7], [sflag:s8] =	dma.local @!p0 [hbm:s6], $0xF7A  }
0x23: {  	s9 =	sor.u32 $0xD0000000, s2;
	s6 =	simm.s32 $0x108;
	_ =	swait.ge @!p0 [sflag:s8], $0x0  }
0x24: {  	s3 =	sadd.s32 $0x88, s3;
	s6 =	simm.s32 @!p1 $0x1082;
	[sflag:s4] =	ssyncset.s32 $0xFFFFF086  }
0x25: {  	[simem:s6], [sflag:s4] =	dma.local [hbm:s3], $0xF7A  }
0x26: {  	[smem:$0x3F8C] =	sst s1;
	(tag) =	ssettag s2;
	_ =	strace s9  }
0x27: {  	s1 =	sld [smem:$0x3F9C]  }
0x28: {  	s2 =	sld [smem:$0x3F9D]  }
0x29: {  	s4 =	sld [smem:$0x3F9F]  }
0x2a: {  	p0 =	seq.s32 s5, $0x0;
	s5 =	sld [smem:$0x3FA0]  }
0x2b: {  	s6 =	sld [smem:$0x3FA1]  }
0x2c: {  	s7 =	sld [smem:$0x3FA2]  }
0x2d: {  	s3 =	simm.s32 $0x108;
	s8 =	sld [smem:$0x3FA3]  }
0x2e: {  	s3 =	simm.s32 @!p0 $0x1082;
	s9 =	sld [smem:$0x3FA4]  }
0x2f: {  	lr =	sadd.s32 s0, s3;
	s0 =	sld [smem:$0x3F9B]  }
0x30: {  	s3 =	sld [smem:$0x3F9E]  }
0x31: {  	[smem:$0x3FA7] =	sst s10  }
0x32: {  	s10 =	sld [smem:$0x3FA5];
	_ =	sdelay $0x3  }
0x33: {  	p0 =	seq.s32 s10, $0x1;
	s10 =	sld [smem:$0x3FA7];
	_ =	sdelay $0x3  }
0x34: {  	[smem:$0x3FA7] =	sst s10  }
0x35: {  	s10 =	sld [smem:$0x3FA6];
	_ =	sdelay $0x3  }
0x36: {  	p1 =	seq.s32 s10, $0x1;
	s10 =	sld [smem:$0x3FA7];
	_ =	sdelay $0x3  }
0x37: {  	[smem:$0x3FA7] =	sst s10  }
0x38: {  	s10 =	sld [smem:$0x3FA8]  }
0x39: {  	_ = 	snop;
	(pc) =	sbr.ind lr, $3  }
0x3a: {  	_ = 	snop  }
0x3b: {  	_ = 	snop  }
0x3c: {  	p2 =	seq.s32 s10, $0x1;
	s10 =	sld [smem:$0x3FA7]  }
0x3d: {  	_ =	shalt  }
0x3e: {  	_ =	shalt  }
0x3f: {  	_ =	shalt  }
0x40: {  	_ =	shalt  }
0x41: {  	_ =	shalt  }
0x42: {  	_ =	shalt  }
0x43: {  	_ =	shalt  }
0x44: {  	_ =	shalt  }
0x45: {  	_ =	shalt  }
0x46: {  	_ =	shalt  }
0x47: {  	_ =	shalt  }
0x48: {  	_ =	shalt  }
0x49: {  	_ =	shalt  }
0x4a: {  	_ =	shalt  }
0x4b: {  	_ =	shalt  }
0x4c: {  	_ =	shalt  }
0x4d: {  	_ =	shalt  }
0x4e: {  	_ =	shalt  }
0x4f: {  	_ =	shalt  }
0x50: {  	_ =	shalt  }
0x51: {  	_ =	shalt  }
0x52: {  	_ =	shalt  }
0x53: {  	_ =	shalt  }
0x54: {  	_ =	shalt  }
0x55: {  	_ =	shalt  }
0x56: {  	_ =	shalt  }
0x57: {  	_ =	shalt  }
0x58: {  	_ =	shalt  }
0x59: {  	_ =	shalt  }
0x5a: {  	_ =	shalt  }
0x5b: {  	_ =	shalt  }
0x5c: {  	_ =	shalt  }
0x5d: {  	_ =	shalt  }
0x5e: {  	_ =	shalt  }
0x5f: {  	_ =	shalt  }
0x60: {  	_ =	shalt  }
0x61: {  	_ =	shalt  }
0x62: {  	_ =	shalt  }
0x63: {  	_ =	shalt  }
0x64: {  	_ =	shalt  }
0x65: {  	_ =	shalt  }
0x66: {  	_ =	shalt  }
0x67: {  	_ =	shalt  }
0x68: {  	_ =	shalt  }
0x69: {  	_ =	shalt  }
0x6a: {  	_ =	shalt  }
0x6b: {  	_ =	shalt  }
0x6c: {  	_ =	shalt  }
0x6d: {  	_ =	shalt  }
0x6e: {  	_ =	shalt  }
0x6f: {  	_ =	shalt  }
0x70: {  	_ =	shalt  }
0x71: {  	_ =	shalt  }
0x72: {  	_ =	shalt  }
0x73: {  	_ =	shalt  }
0x74: {  	_ =	shalt  }
0x75: {  	_ =	shalt  }
0x76: {  	_ =	shalt  }
0x77: {  	_ =	shalt  }
0x78: {  	_ =	shalt  }
0x79: {  	_ =	shalt  }
0x7a: {  	_ =	shalt  }
0x7b: {  	_ =	shalt  }
0x7c: {  	_ =	shalt  }
0x7d: {  	_ =	shalt  }
0x7e: {  	_ =	shalt  }
0x7f: {  	_ =	shalt  }
0x80: {  	_ =	shalt  }
0x81: {  	_ =	shalt  }
0x82: {  	_ =	shalt  }
0x83: {  	_ =	shalt  }
0x84: {  	_ =	shalt  }
0x85: {  	_ =	shalt  }
0x86: {  	_ =	shalt  }
0x87: {  	_ =	shalt  }
.Lfunc_end0:
.L_simem_size_0:
called_computation.1_lowered:
.L_overlay_start_0:
0x88: {  	s2 =	sld [smem:$0x3FD9]  }
0x89: {  	s3 =	sld [smem:$0x3FFE];
	_ =	sdelay $0x1  }
0x8a: {  	s1 =	srdreg.scid  }
0x8b: {  	s0 =	sand.u32 $0x1, s1  }
0x8c: {  	s17 =	sshll.u32 s0, $0xA;
	s2 =	sadd.s32 s3, s2  }
0x8d: {  	s2 =	sadd.s32 s2, s17  }
0x8e: {  	[smem:$0x3FB3] =	sst s2  }
0x8f: {  	_ = 	snop  }
0x90: {  	s2 =	sld [smem:$0x3FD0];
	(tm) =	ssettm $0x1  }
0x91: {  	s18 =	sld [smem:$0x3FFB];
	_ =	sdelay $0x3  }
0x92: {  	_ =	strace s18  }
0x93: {  	s3 =	sld [smem:$0x3FFC];
	_ =	sdelay $0x3  }
0x94: {  	_ =	strace s3  }
0x95: {  	s3 =	sld [smem:$0x3FFD];
	_ =	sdelay $0x3  }
0x96: {  	_ =	strace s3  }
0x97: {  	_ =	strace $0x8FFFFFFF  }
0x98: {  	s19 =	sld [smem:$0x3FDB];
	_ =	sdelay $0x1  }
0x99: {  	s4 =	simm.s32 $_scs_section_size  }
0x9a: {  	s5 =	simm.s32 $_size__tile_overlayer_lowered;
	s6 =	simm.s32 $_tile_overlayer_lowered  }
0x9b: {  	s22 =	simm.s32 $0x1BFF;
	s21 =	sshll.u32 s6, $0x1;
	s3 =	sadd.s32 s4, s19  }
0x9c: {  	s7 =	simm.s32 $0x0;
	s20 =	sshll.u32 s5, $0x1;
	s5 =	sadd.s32 s21, s3  }
0x9d: {  	[timem:s7], [sflag:s22] =	dma.local [hbm:s5], s20  }
0x9e: {  	_ =	swait.ge [sflag:s22], s20  }
0x9f: {  	s4 =	ssub.s32 $0x0, s20;
	[sflag:s22] =	ssyncset.done $0x0  }
0xa0: {  	[sflag:s22] =	ssyncadd.s32 s4;
	_ =	sdelay $0x1  }
0xa1: {  	s23 =	simm.s32 $0x1B8B  }
0xa2: {  	_ =	swait.ge [sflag:s23], $0x1  }
0xa3: {  	[sflag:s23] =	ssyncset.done $0x0  }
0xa4: {  	s25 =	simm.s32 $0x1B8E;
	s24 =	sld [smem:$0x3FFE];
	[sflag:s23] =	ssyncadd.s32 $0xFFFFFFFF  }
0xa5: {  	s26 =	simm.s32 $execute0_lowered;
	[smem:$0x3FD2] =	sst s25  }
0xa6: {  	s5 =	sshll.u32 s26, $0x1;
	_ =	strace $0x80000049;
	[dreg:$0x1] =	wrdreg $0xFFFFFFFF  }
0xa7: {  	s28 =	simm.s32 $_size_execute0_lowered;
	s3 =	sadd.s32 s3, s5;
	[dreg:$0x0] =	wrdreg $0x0  }
0xa8: {  	s5 =	sshll.u32 s28, $0x1;
	[dreg:$0x2] =	wrdreg s3  }
0xa9: {  	[dreg:$0x3] =	wrdreg s5  }
0xaa: {  	[dreg:$0x4] =	wrdreg $0xC0  }
0xab: {  	_ =	task [dreg:s7], $0x5FFFF  }
0xac: {  	[dreg:$0x1] =	wrdreg $0xFFFFFFFF  }
0xad: {  	[dreg:$0x0] =	wrdreg $0x60  }
0xae: {  	[dreg:$0x2] =	wrdreg s2  }
0xaf: {  	[dreg:$0x3] =	wrdreg s24  }
0xb0: {  	[dreg:$0x4] =	wrdreg $0xF1800  }
0xb1: {  	[dreg:$0x5] =	wrdreg $0x9  }
0xb2: {  	_ =	task.clear_ibuf [dreg:s7], $0x6FFFF;
	_ =	strace $0x90000049  }
0xb3: {  	s29 =	simm.s32 $0x9;
	_ =	strace $0x8000004B  }
0xb4: {  	_ =	swait.ge [sflag:s29], $0x1  }
0xb5: {  	[sflag:s29] =	ssyncadd.s32 $0xFFFFFFFF  }
0xb6: {  	_ =	strace $0x9000004B  }
0xb7: {  	_ =	sfence  }
0xb8: {  	s30 =	sld [smem:$0x0];
	_ =	sdelay $0x2  }
0xb9: {  	s31 =	sshll.u32 s1, $0xD;
	s1 =	sshrl.u32 s1, $0x2  }
0xba: {  	s3 =	sand.u32 $0x4000, s31;
	s1 =	sadd.s32 s1, s30  }
0xbb: {  	s0 =	sor.u32 s3, s0;
	s1 =	sshll.u32 s1, $0x11  }
0xbc: {  	s0 =	sor.u32 s1, s0  }
0xbd: {  	s0 =	sadd.s32 $0x8F2B, s0  }
0xbe: {  	[sflag:s0] =	ssyncadd.remote.s32 $0x1  }
0xbf: {  	_ =	sfence.sel $0xFFFF  }
0xc0: {  	[dreg:$0x0] =	wrdreg $0xFFFFFFFF;
	(pc) =	sbr.abs _section_cstart, $3  }
0xc1: {  	[dreg:$0x1] =	wrdreg $0xFFFFFFFF  }
0xc2: {  	_ =	task.clear_ibuf [dreg:s7], $0x2FFFF;
	_ =	strace $0x9FFFFFFF  }
0xc3: {  	(tm) =	ssettm $0x7FFFFFFF  }
tec
execute0_lowered:
.L_overlay_start_1:
0x0: {  	(tag) =	ssettag $0x1  }
0x1: {  	s2 =	rddreg [dreg:$0x0]  }
0x2: {  	s11 =	stileid.u32;
	s3 =	rddreg [dreg:$0x1]  }
0x3: {  	s4 =	rddreg [dreg:$0x2];
	s8 =	simm.s32 $0x0;
	s20 =	srdreg.scid  }
0x4: {  	s1 =	smul.u32 $0x2710, s11;
	s18 =	sshrl.u32 s11, $0x3;
	s7 =	sshll.u32 s11, $0x7  }
0x5: {  	[smem:$0x7FF] =	sst s8;
	s10 =	sand.u32 $0x1, s20;
	s23 =	smul.u32 $0x32000, s11  }
0x6: {  	v0 =	vlaneseq.u32;
	s16 =	smul.u32 $0x190, s11;
	s19 =	sand.u32 $0x380, s7;
	s0 =	sadd.s32 $0x2710, s1  }
0x7: {  	v10 =	vimm.f32 $0.0e+00;
	v11 =	vimm.s32 $0x0;
	v1 =	vmul.u32 $0x2000, v0;
	_ =	strace $0x8000004A;
	s5 =	sadd.s32 $0xFFFDB610, s1;
	p0 =	slt.u32 s0, $0x27100  }
0x8: {  	v12 =	vor.u32 $0x10, v0;
	v13 =	vor.u32 $0x20, v0;
	v14 =	vor.u32 $0x30, v0;
	[dreg:$0x4] =	wrdreg s10;
	s24 =	ssub.s32 $0x2, s10;
	s5 =	smov.u32 @p0 s0  }
0x9: {  	v15 =	vor.u32 $0x40, v0;
	v16 =	vor.u32 $0x50, v0;
	v17 =	vor.u32 $0x60, v0;
	s25 =	sshrl.u32 s24, $0x1;
	s0 =	smul.u32 $0x13C00, s18;
	s6 =	sadd.s32 $0x10, s5  }
0xa: {  	v18 =	vor.u32 $0x70, v0;
	s18 =	simm.s32 $0x80;
	v2 =	vmov s5;
	s21 =	sadd.s32 $0x20, s5;
	s22 =	sadd.s32 $0x30, s5;
	v3 =	vmov s6  }
0xb: {  	s9 =	sadd.s32 $0x40, s5;
	s26 =	sadd.s32 $0x50, s5;
	s28 =	sadd.s32 $0x60, s5;
	v2 =	vshll.u32 v2, $0xD;
	v4 =	vmov s21;
	v5 =	vmov s22  }
0xc: {  	s5 =	sadd.s32 $0x70, s5;
	s0 =	sor.u32 s19, s0;
	v6 =	vmov s9;
	s6 =	sshra.s32 s23, $0x2;
	v7 =	vmov s26;
	v8 =	vmov s28  }
0xd: {  	v9 =	vmov s5;
	s21 =	simm.s32 $0x2780;
	s22 =	simm.s32 $0x1;
	s26 =	simm.s32 $0x5;
	v3 =	vshll.u32 v3, $0xD;
	v2 =	vor.u32 v1, v2  }
0xe: {  	s5 =	simm.s32 $0x0;
	s0 =	sshrl.u32 s0, $0x3;
	v4 =	vshll.u32 v4, $0xD;
	v5 =	vshll.u32 v5, $0xD;
	v6 =	vshll.u32 v6, $0xD;
	s8 =	sadd.s32 s6, s4  }
0xf: {  	v7 =	vshll.u32 v7, $0xD;
	v8 =	vshll.u32 v8, $0xD;
	v9 =	vshll.u32 v9, $0xD;
	s0 =	sadd.s32 s0, s3;
	s3 =	sadd.s32 $0x2400, s3;
	s29 =	sadd.s32 $0x2000, s8  }
0x10: {  	v3 =	vor.u32 v1, v3;
	v2 =	vor.u32 $0x1900, v2;
	v4 =	vor.u32 v1, v4;
	s30 =	sadd.s32 $0x4000, s8;
	s12 =	sadd.s32 $0x6000, s8;
	[dreg:$0x5] =	wrdreg s3  }
0x11: {  	v5 =	vor.u32 v1, v5;
	v6 =	vor.u32 v1, v6;
	s13 =	sadd.s32 $0x8000, s8;
	v7 =	vor.u32 v1, v7;
	s14 =	sadd.s32 $0xA000, s8;
	[dreg:$0x7] =	wrdreg s29  }
0x12: {  	v8 =	vor.u32 v1, v8;
	v9 =	vor.u32 v1, v9;
	v3 =	vor.u32 $0x1900, v3;
	s3 =	ssub.s32 s24, s25;
	s0 =	sadd.s32 $0x27D400, s0;
	[dreg:$0x8] =	wrdreg s30  }
0x13: {  	s15 =	sadd.s32 $0xC000, s8;
	v4 =	vor.u32 $0x1900, v4;
	v5 =	vor.u32 $0x1900, v5;
	v6 =	vor.u32 $0x1900, v6;
	[dreg:$0x6] =	wrdreg s0;
	s31 =	smax.u32 s3, $0x1  }
0x14: {  	v7 =	vor.u32 $0x1900, v7;
	v8 =	vor.u32 $0x1900, v8;
	v9 =	vor.u32 $0x1900, v9;
	s24 =	simm.s32 $0x5180;
	s25 =	simm.s32 $0x5080;
	[dreg:$0x9] =	wrdreg s31  }
.LBB2_1:
0x15: {  	[dreg:$0xa] =	wrdreg s5;
	s0 =	simm.s32 $0x0  }
0x16: {  	s3 =	rddreg [dreg:$0x6];
	s30 =	simm.s32 $0x400;
	s31 =	simm.s32 $0x4  }
0x17: {  	[tilespmem:s0], [sflag:$0x4] =	stream.strided.gather [hbm4b:s3+s18], $0x2780, s30, s18, $0x38;
	[tilespmem:$0x1B9C0] =	vst v63  }
0x18: {  	_ =	swait.ge [sflag:s31], $0x2780  }
0x19: {  	[sflag:s31] =	ssyncset.done $0x0  }
0x1a: {  	s0 =	simm.s32 $0x0;
	s3 =	simm.s32 $0x200;
	[sflag:s31] =	ssyncadd.s32 $0xFFFFD880  }
.LBB2_2:
0x1b: {  	p0 =	sne.s32 s3, $0x7E00;
	[tilespmem:s0+$0xD1F0] =	vst v10  }
0x1c: {  	[tilespmem:s0+$0xD180] =	vst v10  }
0x1d: {  	[tilespmem:s0+$0xD190] =	vst v10  }
.Ltmp0:
0x1e: {  	[tilespmem:s0+$0xD1A0] =	vst v10;
	(pc) =	sbr.rel @p0 .LBB2_2-.Ltmp0, $4  }
0x1f: {  	[tilespmem:s0+$0xD1B0] =	vst v10  }
0x20: {  	[tilespmem:s0+$0xD1C0] =	vst v10  }
0x21: {  	[tilespmem:s0+$0xD1D0] =	vst v10  }
0x22: {  	[tilespmem:s0+$0xD1E0] =	vst v10;
	s0 =	sshra.s32 s3, $0x2;
	s3 =	sadd.s32 $0x200, s3  }
0x23: {  	[tilespmem:s0+$0xD1F0] =	vst v10  }
0x24: {  	[tilespmem:s0+$0xD180] =	vst v10  }
0x25: {  	[tilespmem:s0+$0xD190] =	vst v10  }
0x26: {  	[tilespmem:s0+$0xD1A0] =	vst v10  }
0x27: {  	[tilespmem:s0+$0xD1B0] =	vst v10  }
0x28: {  	[tilespmem:s0+$0xD1C0] =	vst v10  }
0x29: {  	[tilespmem:s0+$0xD1D0] =	vst v10  }
0x2a: {  	s30 =	simm.s32 $0x0;
	[tilespmem:s0+$0xD1E0] =	vst v10  }
.LBB2_4:
0x2b: {  	s0 =	sshll.u32 s30, $0x1;
	s3 =	rddreg [dreg:$0x4]  }
0x2c: {  	s3 =	sor.u32 s3, s0  }
0x2d: {  	s31 =	smul.u32 $0x1900, s3;
	_ =	sdelay $0x1  }
0x2e: {  	s29 =	sadd.s32 $0x1900, s31  }
0x2f: {  	v21 =	vimm.s32 $0x0;
	s5 =	simm.s32 $0x20;
	s9 =	simm.s32 $0x0;
	v19 =	vmov s31;
	v20 =	vmov s29  }
.LBB2_5:
0x30: {  	v22 =	vld [tilespmem:s5+$0xFFFFFFE0];
	_ =	sdelay $0x4  }
0x31: {  	vm0 =	vge.s32 v22, v19;
	vm1 =	vlt.s32 v22, v20  }
0x32: {  	vm0 =	vmand vm0, vm1  }
0x33: {  	v23 =	vsel vm0, $0x1, v11  }
0x34: {  	(xrf0) =	vadd.scan.msk.s32 $0xffff, v23;
	_ =	sdelay $0x5  }
0x35: {  	v23, _, _ =	vpop (xrf0)  }
0x36: {  	s17 =	sadd.s32 s9, s1;
	v23 =	vadd.s32 v23, v21  }
0x37: {  	v24 =	vmov s17;
	v23 =	vadd.s32 $0xFFFFFFFF, v23  }
0x38: {  	v24 =	vshll.u32 v24, $0xD  }
0x39: {  	v24 =	vor.u32 v1, v24  }
0x3a: {  	v24 =	vsub.s32 v24, v19  }
0x3b: {  	v22 =	vadd.s32 v22, v24  }
0x3c: {  	[tilespmem:v23+s21+$0x0] =	vst.idx.msk vm0, v22  }
0x3d: {  	v22 =	vld [tilespmem:s5+$0xFFFFFFF0];
	_ =	sdelay $0x4  }
0x3e: {  	vm9 =	vge.s32 v22, v19;
	vm2 =	vlt.s32 v22, v20  }
0x3f: {  	vm1 =	vmand vm9, vm2  }
0x40: {  	v23 =	vsel vm1, $0x1, v11  }
0x41: {  	(xrf0) =	vadd.scan.msk.s32 $0xffff, v23;
	_ =	sdelay $0x1  }
0x42: {  	v23 =	vmpcnt.ones.xlane vm0;
	_ =	sdelay $0x3  }
0x43: {  	v21 =	vadd.s32 v21, v23;
	v23, _, _ =	vpop (xrf0)  }
0x44: {  	s0 =	sadd.s32 $0x10, s17;
	v23 =	vadd.s32 v23, v21  }
0x45: {  	v60 =	vmov s0;
	v23 =	vadd.s32 $0xFFFFFFFF, v23  }
0x46: {  	v24 =	vshll.u32 v60, $0xD  }
0x47: {  	v24 =	vor.u32 v1, v24  }
0x48: {  	v24 =	vsub.s32 v24, v19  }
0x49: {  	v22 =	vadd.s32 v22, v24  }
0x4a: {  	[tilespmem:v23+s21+$0x0] =	vst.idx.msk vm1, v22  }
0x4b: {  	v22 =	vld [tilespmem:s5+$0x0];
	_ =	sdelay $0x4  }
0x4c: {  	vm10 =	vge.s32 v22, v19;
	vm11 =	vlt.s32 v22, v20  }
0x4d: {  	vm0 =	vmand vm10, vm11  }
0x4e: {  	v23 =	vsel vm0, $0x1, v11  }
0x4f: {  	(xrf0) =	vadd.scan.msk.s32 $0xffff, v23;
	_ =	sdelay $0x1  }
0x50: {  	v23 =	vmpcnt.ones.xlane vm1;
	_ =	sdelay $0x3  }
0x51: {  	v21 =	vadd.s32 v21, v23;
	v23, _, _ =	vpop (xrf0)  }
0x52: {  	s23 =	sadd.s32 $0x20, s17;
	v23 =	vadd.s32 v23, v21  }
0x53: {  	v61 =	vmov s23;
	v23 =	vadd.s32 $0xFFFFFFFF, v23  }
0x54: {  	v24 =	vshll.u32 v61, $0xD  }
0x55: {  	v24 =	vor.u32 v1, v24  }
0x56: {  	v24 =	vsub.s32 v24, v19  }
0x57: {  	v22 =	vadd.s32 v22, v24  }
0x58: {  	[tilespmem:v23+s21+$0x0] =	vst.idx.msk vm0, v22  }
0x59: {  	v22 =	vld [tilespmem:s5+$0x10];
	_ =	sdelay $0x4  }
0x5a: {  	vm12 =	vge.s32 v22, v19;
	vm13 =	vlt.s32 v22, v20  }
0x5b: {  	vm1 =	vmand vm12, vm13  }
0x5c: {  	v23 =	vsel vm1, $0x1, v11  }
0x5d: {  	(xrf0) =	vadd.scan.msk.s32 $0xffff, v23;
	_ =	sdelay $0x1  }
0x5e: {  	v23 =	vmpcnt.ones.xlane vm0;
	_ =	sdelay $0x3  }
0x5f: {  	v21 =	vadd.s32 v21, v23;
	v23, _, _ =	vpop (xrf0)  }
0x60: {  	s28 =	sadd.s32 $0x30, s17;
	v23 =	vadd.s32 v23, v21  }
0x61: {  	v62 =	vmov s28;
	v23 =	vadd.s32 $0xFFFFFFFF, v23  }
0x62: {  	v24 =	vshll.u32 v62, $0xD  }
0x63: {  	v24 =	vor.u32 v1, v24  }
0x64: {  	v24 =	vsub.s32 v24, v19  }
0x65: {  	v22 =	vadd.s32 v22, v24  }
0x66: {  	[tilespmem:v23+s21+$0x0] =	vst.idx.msk vm1, v22  }
0x67: {  	v22 =	vld [tilespmem:s5+$0x20];
	_ =	sdelay $0x4  }
0x68: {  	vm14 =	vge.s32 v22, v19;
	vm15 =	vlt.s32 v22, v20  }
0x69: {  	vm0 =	vmand vm14, vm15  }
0x6a: {  	v23 =	vsel vm0, $0x1, v11  }
0x6b: {  	(xrf0) =	vadd.scan.msk.s32 $0xffff, v23;
	_ =	sdelay $0x1  }
0x6c: {  	v23 =	vmpcnt.ones.xlane vm1;
	_ =	sdelay $0x3  }
0x6d: {  	v21 =	vadd.s32 v21, v23;
	v23, _, _ =	vpop (xrf0)  }
0x6e: {  	s29 =	sadd.s32 $0x40, s17;
	v23 =	vadd.s32 v23, v21  }
0x6f: {  	p0 =	sne.s32 s9, $0x26C0;
	v63 =	vmov s29;
	v23 =	vadd.s32 $0xFFFFFFFF, v23  }
.Ltmp1:
0x70: {  	v24 =	vshll.u32 v63, $0xD;
	(pc) =	sbr.rel @p0 .LBB2_5-.Ltmp1, $4  }
0x71: {  	v24 =	vor.u32 v1, v24  }
0x72: {  	v24 =	vsub.s32 v24, v19;
	v25 =	vmpcnt.ones.xlane vm0  }
0x73: {  	v22 =	vadd.s32 v22, v24  }
0x74: {  	s9 =	sadd.s32 $0x50, s9;
	s5 =	sadd.s32 $0x50, s5;
	v21 =	vadd.s32 v21, v25;
	[tilespmem:v23+s21+$0x0] =	vst.idx.msk vm0, v22  }
0x75: {  	v19 =	vxor.u32 $0x80000000, v21  }
0x76: {  	(xrf0) =	vmax.scan.msk.u32 $0xffff, v19;
	_ =	sdelay $0x5  }
0x77: {  	v19, _, _ =	vpop (xrf0)  }
0x78: {  	(v2sf) =	vpush v19, $0xF;
	_ =	sdelay $0x2  }
0x79: {  	v19 =	vadd.s32 v0, v21  }
0x7a: {  	v20 =	vadd.s32 v12, v21  }
0x7b: {  	v22 =	vadd.s32 v13, v21  }
0x7c: {  	v23 =	vadd.s32 v14, v21  }
0x7d: {  	v24 =	vadd.s32 v15, v21  }
0x7e: {  	[tilespmem:v19+s21+$0x0] =	vst.idx.msk $0xffff, v2;
	v19 =	vadd.s32 v16, v21  }
0x7f: {  	[tilespmem:v20+s21+$0x0] =	vst.idx.msk $0xffff, v3;
	v20 =	vadd.s32 v17, v21  }
0x80: {  	v58 =	vadd.s32 v18, v21;
	[tilespmem:v22+s21+$0x0] =	vst.idx.msk $0xffff, v4  }
0x81: {  	[tilespmem:v23+s21+$0x0] =	vst.idx.msk $0xffff, v5  }
0x82: {  	p0 =	sgt.u32 s3, $0x18;
	[tilespmem:v24+s21+$0x0] =	vst.idx.msk $0xffff, v6  }
0x83: {  	p1 =	seq.s32 @!p0 s30, $0x0;
	[tilespmem:v19+s21+$0x0] =	vst.idx.msk $0xffff, v7  }
0x84: {  	p1 =	por p1, p0;
	[tilespmem:v20+s21+$0x0] =	vst.idx.msk $0xffff, v8  }
0x85: {  	s3 =	simm.s32 @!p1 $0x3;
	[tilespmem:v58+s21+$0x0] =	vst.idx.msk $0xffff, v9;
	s0 =	spop (v2sf)  }
0x86: {  	_ =	swait.ge @!p1 [sflag:s3], $0x1900  }
0x87: {  	[sflag:s3] =	ssyncset.done @!p1 $0x0  }
0x88: {  	[sflag:s3] =	ssyncadd.s32 @!p1 $0xFFFFE700;
	s3 =	simm.s32 @!p0 $0xD180  }
0x89: {  	[spmem:s8] =	stream.linear.scatter @!p0 [tilespmem:s3], [sflag:$0x1], $0x2000, $0x38;
	[tilespmem:$0x1B9C0] =	vst v63  }
0x8a: {  	s5 =	rddreg [dreg:$0x7]  }
0x8b: {  	[spmem:s5] =	stream.linear.scatter @!p0 [tilespmem:s3], [sflag:$0x1], $0x2000, $0x38;
	[tilespmem:$0x1B9C0] =	vst v63  }
0x8c: {  	s5 =	rddreg [dreg:$0x8]  }
0x8d: {  	[spmem:s5] =	stream.linear.scatter @!p0 [tilespmem:s3], [sflag:$0x1], $0x2000, $0x38;
	[tilespmem:$0x1B9C0] =	vst v63  }
0x8e: {  	_ = 	snop  }
0x8f: {  	[spmem:s12] =	stream.linear.scatter @!p0 [tilespmem:s3], [sflag:$0x1], $0x2000, $0x38;
	[tilespmem:$0x1B9C0] =	vst v63  }
0x90: {  	_ = 	snop  }
0x91: {  	[spmem:s13] =	stream.linear.scatter @!p0 [tilespmem:s3], [sflag:$0x1], $0x2000, $0x38;
	[tilespmem:$0x1B9C0] =	vst v63  }
0x92: {  	_ = 	snop  }
0x93: {  	[spmem:s14] =	stream.linear.scatter @!p0 [tilespmem:s3], [sflag:$0x1], $0x2000, $0x38;
	[tilespmem:$0x1B9C0] =	vst v63  }
0x94: {  	_ = 	snop  }
0x95: {  	[spmem:s15] =	stream.linear.scatter @!p0 [tilespmem:s3], [sflag:$0x1], $0x800, $0x38;
	[tilespmem:$0x1B9C0] =	vst v63  }
0x96: {  	s3 =	simm.s32 @!p0 $0x1  }
0x97: {  	_ =	swait.ge @!p0 [sflag:s3], $0x2000  }
0x98: {  	[sflag:s3] =	ssyncset.done @!p0 $0x0  }
0x99: {  	[sflag:s3] =	ssyncadd.s32 @!p0 $0xFFFFE000  }
0x9a: {  	_ =	swait.ge @!p0 [sflag:s3], $0x2000  }
0x9b: {  	[sflag:s3] =	ssyncset.done @!p0 $0x0  }
0x9c: {  	[sflag:s3] =	ssyncadd.s32 @!p0 $0xFFFFE000  }
0x9d: {  	_ =	swait.ge @!p0 [sflag:s3], $0x2000  }
0x9e: {  	[sflag:s3] =	ssyncset.done @!p0 $0x0  }
0x9f: {  	[sflag:s3] =	ssyncadd.s32 @!p0 $0xFFFFE000  }
0xa0: {  	_ =	swait.ge @!p0 [sflag:s3], $0x2000  }
0xa1: {  	[sflag:s3] =	ssyncset.done @!p0 $0x0  }
0xa2: {  	[sflag:s3] =	ssyncadd.s32 @!p0 $0xFFFFE000  }
0xa3: {  	_ =	swait.ge @!p0 [sflag:s3], $0x2000  }
0xa4: {  	[sflag:s3] =	ssyncset.done @!p0 $0x0  }
0xa5: {  	[sflag:s3] =	ssyncadd.s32 @!p0 $0xFFFFE000  }
0xa6: {  	_ =	swait.ge @!p0 [sflag:s3], $0x2000  }
0xa7: {  	[sflag:s3] =	ssyncset.done @!p0 $0x0  }
0xa8: {  	[sflag:s3] =	ssyncadd.s32 @!p0 $0xFFFFE000  }
0xa9: {  	_ =	swait.ge @!p0 [sflag:s3], $0x800  }
0xaa: {  	[sflag:s3] =	ssyncset.done @!p0 $0x0  }
0xab: {  	[sflag:s3] =	ssyncadd.s32 @!p0 $0xFFFFF800  }
0xac: {  	[bflag:$0x0] =	sbarrier.arrive $0xFFFF  }
0xad: {  	v19 =	vld [tilespmem:$0x2780];
	_ =	sdelay $0x1  }
0xae: {  	v20 =	vld [tilespmem:$0x2790];
	_ =	sdelay $0x1  }
0xaf: {  	v59 =	vld [tilespmem:$0x27A0]  }
0xb0: {  	v60 =	vshra.s32 v19, $0xD  }
0xb1: {  	v61 =	vld [tilespmem:$0x27B0];
	v19 =	vand.u32 $0x1FFF, v19;
	[tilespmem:$0x4F80] =	vst v60  }
0xb2: {  	[tilespmem:$0x5080] =	vst v19;
	v19 =	vshra.s32 v20, $0xD  }
0xb3: {  	[tilespmem:$0x4F90] =	vst v19;
	v19 =	vand.u32 $0x1FFF, v20;
	v20 =	vld [tilespmem:$0x27C0]  }
0xb4: {  	[tilespmem:$0x5090] =	vst v19;
	v19 =	vshra.s32 v59, $0xD  }
0xb5: {  	v62 =	vld [tilespmem:$0x27D0];
	[tilespmem:$0x4FA0] =	vst v19;
	v19 =	vand.u32 $0x1FFF, v59  }
0xb6: {  	[tilespmem:$0x50A0] =	vst v19;
	v19 =	vshra.s32 v61, $0xD  }
0xb7: {  	s0 =	sadd.s32 $0x8000007F, s0;
	v63 =	vld [tilespmem:$0x27E0];
	[tilespmem:$0x4FB0] =	vst v19;
	v19 =	vand.u32 $0x1FFF, v61  }
0xb8: {  	s11 =	sand.u32 $0x7F, s0;
	[tilespmem:$0x50B0] =	vst v19;
	v19 =	vshra.s32 v20, $0xD  }
0xb9: {  	s17 =	sshra.s32 s0, $0x1F;
	p6 =	slt.s32 s0, $0x1;
	p2 =	sne.s32 s11, $0x0;
	[tilespmem:$0x4FC0] =	vst v19;
	v19 =	vand.u32 $0x1FFF, v20;
	v20 =	vld [tilespmem:$0x27F0]  }
0xba: {  	s19 =	sshrl.u32 s17, $0x19;
	p1 =	por !p6, !p2;
	[tilespmem:$0x50C0] =	vst v19;
	v19 =	vshra.s32 v62, $0xD  }
0xbb: {  	s0 =	sadd.s32 s19, s0;
	p1 =	por !p1, !p1;
	s3 =	simm.s32 $0x1;
	[tilespmem:$0x4FD0] =	vst v19;
	v19 =	vand.u32 $0x1FFF, v62  }
0xbc: {  	s0 =	sshra.s32 s0, $0x7;
	s3 =	simm.s32 @!p1 $0x0;
	[tilespmem:$0x50D0] =	vst v19;
	v19 =	vshra.s32 v63, $0xD  }
0xbd: {  	s3 =	ssub.s32 s0, s3;
	[tilespmem:$0x4FE0] =	vst v19;
	v19 =	vand.u32 $0x1FFF, v63  }
0xbe: {  	p1 =	sgt.s32 s3, $0x1;
	[tilespmem:$0x50E0] =	vst v19;
	v19 =	vshra.s32 v20, $0xD  }
0xbf: {  	s3 =	simm.s32 @!p1 $0x1;
	[tilespmem:$0x4FF0] =	vst v19;
	v19 =	vand.u32 $0x1FFF, v20  }
0xc0: {  	s20 =	simm.s32 $0x4F80;
	s5 =	simm.s32 $0x2840;
	p1 =	sle.u32 s3, $0x1;
	[tilespmem:$0x50F0] =	vst v19  }
0xc1: {  	[tilespmem:s24], [sflag:$0x1] =	stream.indirect.gather [hbm4b:s2+s18], $0x80, s20, s18, $0xb8;
	[tilespmem:$0x1B9C0] =	vst v63  }
0xc2: {  	v19 =	vld @!p1 [tilespmem:s5+$0xFFFFFFC0];
	_ =	sdelay $0x4  }
0xc3: {  	v20 =	vshra.s32 @!p1 v19, $0xD  }
0xc4: {  	v19 =	vand.u32 @!p1 $0x1FFF, v19;
	[tilespmem:$0x5000] =	vst @!p1 v20  }
0xc5: {  	[tilespmem:$0x5100] =	vst @!p1 v19  }
0xc6: {  	v19 =	vld @!p1 [tilespmem:s5+$0xFFFFFFD0];
	_ =	sdelay $0x4  }
0xc7: {  	v20 =	vshra.s32 @!p1 v19, $0xD  }
0xc8: {  	v19 =	vand.u32 @!p1 $0x1FFF, v19;
	[tilespmem:$0x5010] =	vst @!p1 v20  }
0xc9: {  	[tilespmem:$0x5110] =	vst @!p1 v19  }
0xca: {  	v19 =	vld @!p1 [tilespmem:s5+$0xFFFFFFE0];
	_ =	sdelay $0x4  }
0xcb: {  	v20 =	vshra.s32 @!p1 v19, $0xD  }
0xcc: {  	v19 =	vand.u32 @!p1 $0x1FFF, v19;
	[tilespmem:$0x5020] =	vst @!p1 v20  }
0xcd: {  	[tilespmem:$0x5120] =	vst @!p1 v19  }
0xce: {  	v19 =	vld @!p1 [tilespmem:s5+$0xFFFFFFF0];
	_ =	sdelay $0x4  }
0xcf: {  	v20 =	vshra.s32 @!p1 v19, $0xD  }
0xd0: {  	v19 =	vand.u32 @!p1 $0x1FFF, v19;
	[tilespmem:$0x5030] =	vst @!p1 v20  }
0xd1: {  	[tilespmem:$0x5130] =	vst @!p1 v19  }
0xd2: {  	v19 =	vld @!p1 [tilespmem:s5+$0x0];
	_ =	sdelay $0x4  }
0xd3: {  	v20 =	vshra.s32 @!p1 v19, $0xD  }
0xd4: {  	v19 =	vand.u32 @!p1 $0x1FFF, v19;
	[tilespmem:$0x5040] =	vst @!p1 v20  }
0xd5: {  	[tilespmem:$0x5140] =	vst @!p1 v19  }
0xd6: {  	v19 =	vld @!p1 [tilespmem:s5+$0x10];
	_ =	sdelay $0x4  }
0xd7: {  	v20 =	vshra.s32 @!p1 v19, $0xD  }
0xd8: {  	v19 =	vand.u32 @!p1 $0x1FFF, v19;
	[tilespmem:$0x5050] =	vst @!p1 v20  }
0xd9: {  	[tilespmem:$0x5150] =	vst @!p1 v19  }
0xda: {  	v19 =	vld @!p1 [tilespmem:s5+$0x20];
	_ =	sdelay $0x4  }
0xdb: {  	v20 =	vshra.s32 @!p1 v19, $0xD  }
0xdc: {  	v19 =	vand.u32 @!p1 $0x1FFF, v19;
	[tilespmem:$0x5060] =	vst @!p1 v20  }
0xdd: {  	[tilespmem:$0x5160] =	vst @!p1 v19  }
0xde: {  	v19 =	vld @!p1 [tilespmem:s5+$0x30];
	_ =	sdelay $0x4  }
0xdf: {  	v20 =	vshra.s32 @!p1 v19, $0xD  }
0xe0: {  	v19 =	vand.u32 @!p1 $0x1FFF, v19;
	[tilespmem:$0x5070] =	vst @!p1 v20  }
0xe1: {  	s0 =	simm.s32 @!p1 $0x5000;
	s28 =	simm.s32 @!p1 $0x9180;
	s20 =	simm.s32 @!p1 $0x80;
	[tilespmem:$0x5170] =	vst @!p1 v19  }
0xe2: {  	[tilespmem:s28], [sflag:$0x2] =	stream.indirect.gather @!p1 [hbm4b:s2+s20], $0x80, s0, s20, $0xb8;
	[tilespmem:$0x1B9C0] =	vst v63  }
0xe3: {  	_ =	swait.ge [sflag:s22], $0x4000  }
0xe4: {  	[sflag:s22] =	ssyncset.done $0x0  }
0xe5: {  	[sflag:s22] =	ssyncadd.s32 $0xFFFFC000  }
0xe6: {  	[spmem:s4] =	stream.indirect.scatter.add.f32 [tilespmem:s24], [sflag:$0x5], $0x80, s25, s18, $0xb8;
	[tilespmem:$0x1B9C0] =	vst v63  }
0xe7: {  	_ =	swait.ge [sflag:s26], $0x4000  }
0xe8: {  	[sflag:s26] =	ssyncset.done $0x0  }
0xe9: {  	p3 =	sle.u32 s3, $0x2;
	[sflag:s26] =	ssyncadd.s32 $0xFFFFC000  }
0xea: {  	v19 =	vld @!p3 [tilespmem:s5+$0x40];
	_ =	sdelay $0x4  }
0xeb: {  	v20 =	vshra.s32 @!p3 v19, $0xD  }
0xec: {  	v19 =	vand.u32 @!p3 $0x1FFF, v19;
	[tilespmem:$0x4F80] =	vst @!p3 v20  }
0xed: {  	[tilespmem:$0x5080] =	vst @!p3 v19  }
0xee: {  	v19 =	vld @!p3 [tilespmem:s5+$0x50];
	_ =	sdelay $0x4  }
0xef: {  	v20 =	vshra.s32 @!p3 v19, $0xD  }
0xf0: {  	v19 =	vand.u32 @!p3 $0x1FFF, v19;
	[tilespmem:$0x4F90] =	vst @!p3 v20  }
0xf1: {  	[tilespmem:$0x5090] =	vst @!p3 v19  }
0xf2: {  	v19 =	vld @!p3 [tilespmem:s5+$0x60];
	_ =	sdelay $0x4  }
0xf3: {  	v20 =	vshra.s32 @!p3 v19, $0xD  }
0xf4: {  	v19 =	vand.u32 @!p3 $0x1FFF, v19;
	[tilespmem:$0x4FA0] =	vst @!p3 v20  }
0xf5: {  	[tilespmem:$0x50A0] =	vst @!p3 v19  }
0xf6: {  	v19 =	vld @!p3 [tilespmem:s5+$0x70];
	_ =	sdelay $0x4  }
0xf7: {  	v20 =	vshra.s32 @!p3 v19, $0xD  }
0xf8: {  	v19 =	vand.u32 @!p3 $0x1FFF, v19;
	[tilespmem:$0x4FB0] =	vst @!p3 v20  }
0xf9: {  	[tilespmem:$0x50B0] =	vst @!p3 v19  }
0xfa: {  	v19 =	vld @!p3 [tilespmem:s5+$0x80];
	_ =	sdelay $0x4  }
0xfb: {  	v20 =	vshra.s32 @!p3 v19, $0xD  }
0xfc: {  	v19 =	vand.u32 @!p3 $0x1FFF, v19;
	[tilespmem:$0x4FC0] =	vst @!p3 v20  }
0xfd: {  	[tilespmem:$0x50C0] =	vst @!p3 v19  }
0xfe: {  	v19 =	vld @!p3 [tilespmem:s5+$0x90];
	_ =	sdelay $0x4  }
0xff: {  	v20 =	vshra.s32 @!p3 v19, $0xD  }
0x100: {  	v19 =	vand.u32 @!p3 $0x1FFF, v19;
	[tilespmem:$0x4FD0] =	vst @!p3 v20  }
0x101: {  	s23 =	sadd.s32 $0x1, s3;
	[tilespmem:$0x50D0] =	vst @!p3 v19  }
0x102: {  	s19 =	sand.u32 $0x7FFFFFFE, s23;
	v19 =	vld @!p3 [tilespmem:s5+$0xA0]  }
0x103: {  	p2 =	sne.s32 s19, $0x2  }
.Ltmp2:
0x104: {  	_ = 	snop;
	(pc) =	sbr.rel @!p2 .LBB2_8-.Ltmp2, $4  }
0x105: {  	_ = 	snop  }
0x106: {  	s9 =	simm.s32 $0x2;
	s17 =	simm.s32 $0x2840  }
0x107: {  	s23 =	simm.s32 @!p3 $0x80;
	s6 =	simm.s32 @!p3 $0x4F80;
	s10 =	simm.s32 @!p3 $0x5180;
	v20 =	vshra.s32 @!p3 v19, $0xD  }
0x108: {  	s7 =	simm.s32 @!p1 $0x5100;
	s29 =	simm.s32 @!p1 $0x4;
	s0 =	simm.s32 @!p1 $0x2;
	v19 =	vand.u32 @!p3 $0x1FFF, v19;
	[tilespmem:$0x4FE0] =	vst @!p3 v20  }
.LBB2_7:
0x109: {  	[tilespmem:$0x50E0] =	vst @!p3 v19;
	s17 =	sadd.s32 $0x100, s17;
	s11 =	smov.u32 s9;
	s9 =	sadd.s32 $0x2, s9  }
0x10a: {  	p2 =	sne.s32 s19, s9;
	v19 =	vld @!p3 [tilespmem:s5+$0xB0];
	s5 =	smov.u32 s17;
	_ =	sdelay $0x4  }
0x10b: {  	v20 =	vshra.s32 @!p3 v19, $0xD;
	v19 =	vand.u32 @!p3 $0x1FFF, v19  }
0x10c: {  	[tilespmem:$0x4FF0] =	vst @!p3 v20  }
0x10d: {  	[tilespmem:$0x50F0] =	vst @!p3 v19  }
0x10e: {  	[tilespmem:s10], [sflag:$0x1] =	stream.indirect.gather @!p3 [hbm4b:s2+s23], $0x80, s6, s23, $0xb8;
	[tilespmem:$0x1B9C0] =	vst v63  }
0x10f: {  	_ =	swait.ge @!p1 [sflag:s0], $0x4000  }
0x110: {  	[sflag:s0] =	ssyncset.done @!p1 $0x0  }
0x111: {  	[sflag:s0] =	ssyncadd.s32 @!p1 $0xFFFFC000  }
0x112: {  	[spmem:s4] =	stream.indirect.scatter.add.f32 @!p1 [tilespmem:s28], [sflag:$0x4], $0x80, s7, s20, $0xb8;
	[tilespmem:$0x1B9C0] =	vst v63  }
0x113: {  	_ =	swait.ge @!p1 [sflag:s29], $0x4000  }
0x114: {  	s0 =	sadd.s32 $0x1, s11;
	[sflag:s29] =	ssyncset.done @!p1 $0x0  }
0x115: {  	[sflag:s29] =	ssyncadd.s32 @!p1 $0xFFFFC000;
	p1 =	sge.u32 s0, s3  }
0x116: {  	v19 =	vld @!p1 [tilespmem:s17+$0xFFFFFFC0];
	_ =	sdelay $0x4  }
0x117: {  	v20 =	vshra.s32 @!p1 v19, $0xD;
	v19 =	vand.u32 @!p1 $0x1FFF, v19  }
0x118: {  	[tilespmem:$0x5000] =	vst @!p1 v20  }
0x119: {  	[tilespmem:$0x5100] =	vst @!p1 v19  }
0x11a: {  	v19 =	vld @!p1 [tilespmem:s17+$0xFFFFFFD0];
	_ =	sdelay $0x4  }
0x11b: {  	v20 =	vshra.s32 @!p1 v19, $0xD;
	v19 =	vand.u32 @!p1 $0x1FFF, v19  }
0x11c: {  	[tilespmem:$0x5010] =	vst @!p1 v20  }
0x11d: {  	[tilespmem:$0x5110] =	vst @!p1 v19  }
0x11e: {  	v19 =	vld @!p1 [tilespmem:s17+$0xFFFFFFE0];
	_ =	sdelay $0x4  }
0x11f: {  	v20 =	vshra.s32 @!p1 v19, $0xD;
	v19 =	vand.u32 @!p1 $0x1FFF, v19  }
0x120: {  	[tilespmem:$0x5020] =	vst @!p1 v20  }
0x121: {  	[tilespmem:$0x5120] =	vst @!p1 v19  }
0x122: {  	v19 =	vld @!p1 [tilespmem:s17+$0xFFFFFFF0];
	_ =	sdelay $0x4  }
0x123: {  	v20 =	vshra.s32 @!p1 v19, $0xD;
	v19 =	vand.u32 @!p1 $0x1FFF, v19  }
0x124: {  	[tilespmem:$0x5030] =	vst @!p1 v20  }
0x125: {  	[tilespmem:$0x5130] =	vst @!p1 v19  }
0x126: {  	v19 =	vld @!p1 [tilespmem:s17+$0x0];
	_ =	sdelay $0x4  }
0x127: {  	v20 =	vshra.s32 @!p1 v19, $0xD;
	v19 =	vand.u32 @!p1 $0x1FFF, v19  }
0x128: {  	[tilespmem:$0x5040] =	vst @!p1 v20  }
0x129: {  	[tilespmem:$0x5140] =	vst @!p1 v19  }
0x12a: {  	v19 =	vld @!p1 [tilespmem:s17+$0x10];
	_ =	sdelay $0x4  }
0x12b: {  	v20 =	vshra.s32 @!p1 v19, $0xD;
	v19 =	vand.u32 @!p1 $0x1FFF, v19  }
0x12c: {  	[tilespmem:$0x5050] =	vst @!p1 v20  }
0x12d: {  	[tilespmem:$0x5150] =	vst @!p1 v19  }
0x12e: {  	v19 =	vld @!p1 [tilespmem:s17+$0x20];
	_ =	sdelay $0x4  }
0x12f: {  	v20 =	vshra.s32 @!p1 v19, $0xD;
	v19 =	vand.u32 @!p1 $0x1FFF, v19  }
0x130: {  	[tilespmem:$0x5060] =	vst @!p1 v20  }
0x131: {  	s20 =	simm.s32 @!p1 $0x80;
	s0 =	simm.s32 @!p1 $0x5000;
	s28 =	simm.s32 @!p1 $0x9180;
	[tilespmem:$0x5160] =	vst @!p1 v19  }
0x132: {  	v19 =	vld @!p1 [tilespmem:s17+$0x30];
	_ =	sdelay $0x4  }
0x133: {  	v20 =	vshra.s32 @!p1 v19, $0xD;
	v19 =	vand.u32 @!p1 $0x1FFF, v19  }
0x134: {  	[tilespmem:$0x5070] =	vst @!p1 v20  }
0x135: {  	[tilespmem:$0x5170] =	vst @!p1 v19  }
0x136: {  	[tilespmem:s28], [sflag:$0x2] =	stream.indirect.gather @!p1 [hbm4b:s2+s20], $0x80, s0, s20, $0xb8;
	[tilespmem:$0x1B9C0] =	vst v63  }
0x137: {  	_ =	swait.ge [sflag:s22], $0x4000  }
0x138: {  	[sflag:s22] =	ssyncset.done $0x0  }
0x139: {  	[sflag:s22] =	ssyncadd.s32 $0xFFFFC000  }
0x13a: {  	[spmem:s4] =	stream.indirect.scatter.add.f32 [tilespmem:s24], [sflag:$0x5], $0x80, s25, s18, $0xb8;
	[tilespmem:$0x1B9C0] =	vst v63  }
0x13b: {  	_ =	swait.ge [sflag:s26], $0x4000  }
0x13c: {  	[sflag:s26] =	ssyncset.done $0x0  }
0x13d: {  	p3 =	sge.u32 s9, s3;
	[sflag:s26] =	ssyncadd.s32 $0xFFFFC000  }
0x13e: {  	v19 =	vld @!p3 [tilespmem:s17+$0x40];
	_ =	sdelay $0x4  }
0x13f: {  	v20 =	vshra.s32 @!p3 v19, $0xD;
	v19 =	vand.u32 @!p3 $0x1FFF, v19  }
0x140: {  	[tilespmem:$0x4F80] =	vst @!p3 v20  }
0x141: {  	[tilespmem:$0x5080] =	vst @!p3 v19  }
0x142: {  	v19 =	vld @!p3 [tilespmem:s17+$0x50];
	_ =	sdelay $0x4  }
0x143: {  	v20 =	vshra.s32 @!p3 v19, $0xD;
	v19 =	vand.u32 @!p3 $0x1FFF, v19  }
0x144: {  	[tilespmem:$0x4F90] =	vst @!p3 v20  }
0x145: {  	[tilespmem:$0x5090] =	vst @!p3 v19  }
0x146: {  	v19 =	vld @!p3 [tilespmem:s17+$0x60];
	_ =	sdelay $0x4  }
0x147: {  	v20 =	vshra.s32 @!p3 v19, $0xD;
	v19 =	vand.u32 @!p3 $0x1FFF, v19  }
0x148: {  	[tilespmem:$0x4FA0] =	vst @!p3 v20  }
0x149: {  	[tilespmem:$0x50A0] =	vst @!p3 v19  }
0x14a: {  	v19 =	vld @!p3 [tilespmem:s17+$0x70];
	_ =	sdelay $0x4  }
0x14b: {  	v20 =	vshra.s32 @!p3 v19, $0xD;
	v19 =	vand.u32 @!p3 $0x1FFF, v19  }
0x14c: {  	[tilespmem:$0x4FB0] =	vst @!p3 v20  }
0x14d: {  	[tilespmem:$0x50B0] =	vst @!p3 v19  }
0x14e: {  	v19 =	vld @!p3 [tilespmem:s17+$0x80];
	_ =	sdelay $0x4  }
0x14f: {  	v20 =	vshra.s32 @!p3 v19, $0xD;
	v19 =	vand.u32 @!p3 $0x1FFF, v19  }
0x150: {  	[tilespmem:$0x4FC0] =	vst @!p3 v20  }
0x151: {  	[tilespmem:$0x50C0] =	vst @!p3 v19  }
0x152: {  	v19 =	vld @!p3 [tilespmem:s17+$0x90];
	_ =	sdelay $0x4  }
0x153: {  	v20 =	vshra.s32 @!p3 v19, $0xD;
	v19 =	vand.u32 @!p3 $0x1FFF, v19  }
0x154: {  	[tilespmem:$0x4FD0] =	vst @!p3 v20  }
0x155: {  	s23 =	simm.s32 @!p3 $0x80;
	s6 =	simm.s32 @!p3 $0x4F80;
	s10 =	simm.s32 @!p3 $0x5180;
	[tilespmem:$0x50D0] =	vst @!p3 v19  }
0x156: {  	s0 =	simm.s32 @!p1 $0x2;
	v19 =	vld @!p3 [tilespmem:s17+$0xA0];
	_ =	sdelay $0x1  }
.Ltmp3:
0x157: {  	(pc) =	sbr.rel @p2 .LBB2_7-.Ltmp3, $4  }
0x158: {  	s7 =	simm.s32 @!p1 $0x5100  }
0x159: {  	s29 =	simm.s32 @!p1 $0x4  }
0x15a: {  	v20 =	vshra.s32 @!p3 v19, $0xD;
	v19 =	vand.u32 @!p3 $0x1FFF, v19  }
0x15b: {  	[tilespmem:$0x4FE0] =	vst @!p3 v20  }
.LBB2_8:
0x15c: {  	[tilespmem:$0x50E0] =	vst @!p3 v19  }
0x15d: {  	v19 =	vld @!p3 [tilespmem:s5+$0xB0];
	_ =	sdelay $0x4  }
0x15e: {  	v20 =	vshra.s32 @!p3 v19, $0xD  }
0x15f: {  	v19 =	vand.u32 @!p3 $0x1FFF, v19;
	[tilespmem:$0x4FF0] =	vst @!p3 v20  }
0x160: {  	[tilespmem:$0x50F0] =	vst @!p3 v19  }
0x161: {  	[tilespmem:s10], [sflag:$0x1] =	stream.indirect.gather @!p3 [hbm4b:s2+s23], $0x80, s6, s23, $0xb8;
	[tilespmem:$0x1B9C0] =	vst v63  }
0x162: {  	_ =	swait.ge @!p1 [sflag:s0], $0x4000  }
0x163: {  	[sflag:s0] =	ssyncset.done @!p1 $0x0  }
0x164: {  	[sflag:s0] =	ssyncadd.s32 @!p1 $0xFFFFC000  }
0x165: {  	[spmem:s4] =	stream.indirect.scatter.add.f32 @!p1 [tilespmem:s28], [sflag:$0x4], $0x80, s7, s20, $0xb8;
	[tilespmem:$0x1B9C0] =	vst v63  }
0x166: {  	_ =	swait.ge @!p1 [sflag:s29], $0x4000  }
0x167: {  	[sflag:s29] =	ssyncset.done @!p1 $0x0  }
0x168: {  	s3 =	stileid.u32;
	[sflag:s29] =	ssyncadd.s32 @!p1 $0xFFFFC000  }
0x169: {  	s30 =	sadd.s32 $0x1, s30;
	s0 =	sadd.s32 @!p0 s16, s31;
	[bflag:$0x0] =	sbarrier.arrive $0xFFFF  }
0x16a: {  	s3 =	sshll.u32 @!p0 s3, $0x6;
	s0 =	sshll.u32 @!p0 s0, $0x4;
	s5 =	rddreg [dreg:$0x5]  }
0x16b: {  	s3 =	sadd.s32 @!p0 $0x1C03, s3;
	s0 =	sadd.s32 @!p0 s5, s0;
	s5 =	sshrl.u32 @!p0 s8, $0x3  }
0x16c: {  	[hbm:s0], [sflag:s3] =	dma.local @!p0 [spmem:s5], $0x1900  }
0x16d: {  	p0 =	sne.s32 s30, $0xD  }
.Ltmp4:
0x16e: {  	_ = 	snop;
	(pc) =	sbr.rel @p0 .LBB2_4-.Ltmp4, $1  }
0x16f: {  	_ =	sdelay $0x3  }
0x170: {  	s3 =	simm.s32 $0x3  }
0x171: {  	_ =	swait.ge [sflag:s3], $0x1900  }
0x172: {  	s5 =	rddreg [dreg:$0xa]  }
0x173: {  	s0 =	rddreg [dreg:$0x9];
	s5 =	sadd.s32 $0x1, s5  }
0x174: {  	p0 =	sne.s32 s5, s0  }
.Ltmp5:
0x175: {  	_ = 	snop;
	(pc) =	sbr.rel @p0 .LBB2_1-.Ltmp5, $3  }
0x176: {  	_ =	sdelay $0x1  }
0x177: {  	[sflag:s3] =	ssyncset.done $0x0  }
0x178: {  	[sflag:s3] =	ssyncadd.s32 $0xFFFFE700  }
0x179: {  	_ =	sfence.sel $0x180000  }
0x17a: {  	[bflag:$0x0] =	sbarrier.arrive $0xFFFF  }
0x17b: {  	_ =	strace $0x9000004A  }
0x17c: {  	s0 =	stileid.u32;
	[bflag:$0x2] =	sbarrier.arrive $0xFFFF  }
0x17d: {  	p0 =	sne.s32 s0, $0x0;
	s0 =	rddreg [dreg:$0x3]  }
0x17e: {  	s0 =	sadd.s32 @!p0 $0x100000, s0  }
0x17f: {  	[sflag:s0] =	ssyncadd.tile.s32 @!p0 $0x1;
	_ =	shalt  }
.Lfunc_end2:
_tile_overlayer_lowered:
.L_overlay_start_2:
0x180: {  	(tag) =	ssettag $0x2  }
0x181: {  	s0 =	rddreg [dreg:$0x0];
	s2 =	stileid.u32  }
0x182: {  	s1 =	rddreg [dreg:$0x1];
	p0 =	sne.s32 s2, $0x0  }
0x183: {  	s3 =	rddreg [dreg:$0x2];
	[bflag:$0x3] =	sbarrier.arrive $0xFFFF;
	s2 =	simm.s32 @!p0 $0x1C04  }
0x184: {  	[timem:s3], [sflag:s2] =	dma.local @!p0 [hbm:s0], s1  }
0x185: {  	s0 =	simm.s32 @!p0 $0x4  }
0x186: {  	_ =	swait.ge @!p0 [sflag:s0], s1  }
0x187: {  	s1 =	ssub.s32 @!p0 $0x0, s1;
	[sflag:s0] =	ssyncset.done @!p0 $0x0  }
0x188: {  	[sflag:s0] =	ssyncadd.s32 @!p0 s1  }
0x189: {  	[bflag:$0x3] =	sbarrier.arrive $0xFFFF  }
0x18a: {  	_ =	shalt  }

// kernel: kernel.7.cloned.1.call-start
scs
__scs_entry_jumppad:
0x0: {  	(pc) =	sbr.rel $0x88, $3  }
0x1: {  	(tag) =	ssettag $0x0;
	lr =	simm.s32 $0x1  }
0x2: {  	[smem:$0x3F8C] =	sst lr;
	_ =	strace $0xD0000000  }
0x3: {  	_ = 	snop  }
0x4: {  	_ = 	snop  }
0x5: {  	_ = 	snop  }
0x6: {  	_ = 	snop  }
0x7: {  	_ = 	snop  }
__scs_overlays_trampoline_lowered:
0x8: {  	[smem:$0x3F9B] =	sst s0  }
0x9: {  	[smem:$0x3F9C] =	sst s1  }
0xa: {  	[smem:$0x3F9D] =	sst s2  }
0xb: {  	[smem:$0x3F9E] =	sst s3  }
0xc: {  	[smem:$0x3F9F] =	sst s4  }
0xd: {  	[smem:$0x3FA0] =	sst s5  }
0xe: {  	[smem:$0x3FA1] =	sst s6  }
0xf: {  	[smem:$0x3FA2] =	sst s7  }
0x10: {  	[smem:$0x3FA3] =	sst s8  }
0x11: {  	[smem:$0x3FA4] =	sst s9;
	s0 =	simm.s32 @!p0 $0x0  }
0x12: {  	s1 =	sld [smem:$0x3F8A];
	s0 =	simm.s32 @p0 $0x1  }
0x13: {  	[smem:$0x3FA5] =	sst s0;
	s0 =	simm.s32 @!p1 $0x0  }
0x14: {  	s2 =	sld [smem:$0x3F89];
	s0 =	simm.s32 @p1 $0x1  }
0x15: {  	[smem:$0x3FA6] =	sst s0;
	s0 =	simm.s32 @!p2 $0x0  }
0x16: {  	s3 =	sld [smem:$0x3FDB];
	s0 =	simm.s32 @p2 $0x1  }
0x17: {  	s4 =	simm.s32 $0x1BF5;
	[smem:$0x3FA8] =	sst s0  }
0x18: {  	s0 =	sld [smem:$0x3F8B];
	_ =	swait.ge [sflag:s4], $0x0  }
0x19: {  	s7 =	sld [smem:$0x3F8C]  }
0x1a: {  	s8 =	sadd.s32 $0xFFFFE003, lr  }
0x1b: {  	s9 =	sadd.s32 $0xFFFFFEF7, lr;
	s5 =	simm.s32 $0xFFFFFFFF;
	p2 =	slt.u32 s8, $0xFFFFF086  }
0x1c: {  	p1 =	slt.u32 s9, $0xF7A;
	s5 =	simm.s32 @!p2 $0x0  }
0x1d: {  	s5 =	simm.s32 @p1 $0x1;
	p0 =	seq.s32 s7, s2  }
0x1e: {  	s7 =	smul.u32 @!p0 $0xF7A, s2;
	p2 =	seq.s32 @!p0 s5, $0x0  }
0x1f: {  	s9 =	smul.u32 $0xF7A, s1;
	s8 =	simm.s32 @!p0 $0x1BF5;
	p2 =	por !p2, p0  }
0x20: {  	[sflag:s8] =	ssyncset.s32 @!p0 $0xFFFFF086;
	s6 =	sadd.s32 @!p0 s3, s7;
	s7 =	simm.s32 @!p0 $0x108  }
0x21: {  	s3 =	sadd.s32 s3, s9;
	s6 =	sadd.s32 @!p0 $0x88, s6;
	s7 =	simm.s32 @p2 $0x1082  }
0x22: {  	[simem:s7], [sflag:s8] =	dma.local @!p0 [hbm:s6], $0xF7A  }
0x23: {  	s9 =	sor.u32 $0xD0000000, s2;
	s6 =	simm.s32 $0x108;
	_ =	swait.ge @!p0 [sflag:s8], $0x0  }
0x24: {  	s3 =	sadd.s32 $0x88, s3;
	s6 =	simm.s32 @!p1 $0x1082;
	[sflag:s4] =	ssyncset.s32 $0xFFFFF086  }
0x25: {  	[simem:s6], [sflag:s4] =	dma.local [hbm:s3], $0xF7A  }
0x26: {  	[smem:$0x3F8C] =	sst s1;
	(tag) =	ssettag s2;
	_ =	strace s9  }
0x27: {  	s1 =	sld [smem:$0x3F9C]  }
0x28: {  	s2 =	sld [smem:$0x3F9D]  }
0x29: {  	s4 =	sld [smem:$0x3F9F]  }
0x2a: {  	p0 =	seq.s32 s5, $0x0;
	s5 =	sld [smem:$0x3FA0]  }
0x2b: {  	s6 =	sld [smem:$0x3FA1]  }
0x2c: {  	s7 =	sld [smem:$0x3FA2]  }
0x2d: {  	s3 =	simm.s32 $0x108;
	s8 =	sld [smem:$0x3FA3]  }
0x2e: {  	s3 =	simm.s32 @!p0 $0x1082;
	s9 =	sld [smem:$0x3FA4]  }
0x2f: {  	lr =	sadd.s32 s0, s3;
	s0 =	sld [smem:$0x3F9B]  }
0x30: {  	s3 =	sld [smem:$0x3F9E]  }
0x31: {  	[smem:$0x3FA7] =	sst s10  }
0x32: {  	s10 =	sld [smem:$0x3FA5];
	_ =	sdelay $0x3  }
0x33: {  	p0 =	seq.s32 s10, $0x1;
	s10 =	sld [smem:$0x3FA7];
	_ =	sdelay $0x3  }
0x34: {  	[smem:$0x3FA7] =	sst s10  }
0x35: {  	s10 =	sld [smem:$0x3FA6];
	_ =	sdelay $0x3  }
0x36: {  	p1 =	seq.s32 s10, $0x1;
	s10 =	sld [smem:$0x3FA7];
	_ =	sdelay $0x3  }
0x37: {  	[smem:$0x3FA7] =	sst s10  }
0x38: {  	s10 =	sld [smem:$0x3FA8]  }
0x39: {  	_ = 	snop;
	(pc) =	sbr.ind lr, $3  }
0x3a: {  	_ = 	snop  }
0x3b: {  	_ = 	snop  }
0x3c: {  	p2 =	seq.s32 s10, $0x1;
	s10 =	sld [smem:$0x3FA7]  }
0x3d: {  	_ =	shalt  }
0x3e: {  	_ =	shalt  }
0x3f: {  	_ =	shalt  }
0x40: {  	_ =	shalt  }
0x41: {  	_ =	shalt  }
0x42: {  	_ =	shalt  }
0x43: {  	_ =	shalt  }
0x44: {  	_ =	shalt  }
0x45: {  	_ =	shalt  }
0x46: {  	_ =	shalt  }
0x47: {  	_ =	shalt  }
0x48: {  	_ =	shalt  }
0x49: {  	_ =	shalt  }
0x4a: {  	_ =	shalt  }
0x4b: {  	_ =	shalt  }
0x4c: {  	_ =	shalt  }
0x4d: {  	_ =	shalt  }
0x4e: {  	_ =	shalt  }
0x4f: {  	_ =	shalt  }
0x50: {  	_ =	shalt  }
0x51: {  	_ =	shalt  }
0x52: {  	_ =	shalt  }
0x53: {  	_ =	shalt  }
0x54: {  	_ =	shalt  }
0x55: {  	_ =	shalt  }
0x56: {  	_ =	shalt  }
0x57: {  	_ =	shalt  }
0x58: {  	_ =	shalt  }
0x59: {  	_ =	shalt  }
0x5a: {  	_ =	shalt  }
0x5b: {  	_ =	shalt  }
0x5c: {  	_ =	shalt  }
0x5d: {  	_ =	shalt  }
0x5e: {  	_ =	shalt  }
0x5f: {  	_ =	shalt  }
0x60: {  	_ =	shalt  }
0x61: {  	_ =	shalt  }
0x62: {  	_ =	shalt  }
0x63: {  	_ =	shalt  }
0x64: {  	_ =	shalt  }
0x65: {  	_ =	shalt  }
0x66: {  	_ =	shalt  }
0x67: {  	_ =	shalt  }
0x68: {  	_ =	shalt  }
0x69: {  	_ =	shalt  }
0x6a: {  	_ =	shalt  }
0x6b: {  	_ =	shalt  }
0x6c: {  	_ =	shalt  }
0x6d: {  	_ =	shalt  }
0x6e: {  	_ =	shalt  }
0x6f: {  	_ =	shalt  }
0x70: {  	_ =	shalt  }
0x71: {  	_ =	shalt  }
0x72: {  	_ =	shalt  }
0x73: {  	_ =	shalt  }
0x74: {  	_ =	shalt  }
0x75: {  	_ =	shalt  }
0x76: {  	_ =	shalt  }
0x77: {  	_ =	shalt  }
0x78: {  	_ =	shalt  }
0x79: {  	_ =	shalt  }
0x7a: {  	_ =	shalt  }
0x7b: {  	_ =	shalt  }
0x7c: {  	_ =	shalt  }
0x7d: {  	_ =	shalt  }
0x7e: {  	_ =	shalt  }
0x7f: {  	_ =	shalt  }
0x80: {  	_ =	shalt  }
0x81: {  	_ =	shalt  }
0x82: {  	_ =	shalt  }
0x83: {  	_ =	shalt  }
0x84: {  	_ =	shalt  }
0x85: {  	_ =	shalt  }
0x86: {  	_ =	shalt  }
0x87: {  	_ =	shalt  }
.Lfunc_end0:
.L_simem_size_0:
called_computation_lowered:
.L_overlay_start_0:
0x88: {  	s2 =	sld [smem:$0x3FD9]  }
0x89: {  	s3 =	sld [smem:$0x3FFE];
	_ =	sdelay $0x1  }
0x8a: {  	s1 =	srdreg.scid  }
0x8b: {  	s0 =	sand.u32 $0x1, s1  }
0x8c: {  	s17 =	sshll.u32 s0, $0xA;
	s2 =	sadd.s32 s3, s2  }
0x8d: {  	s2 =	sadd.s32 s2, s17  }
0x8e: {  	[smem:$0x3FB3] =	sst s2  }
0x8f: {  	_ = 	snop  }
0x90: {  	s2 =	sld [smem:$0x3FD0];
	(tm) =	ssettm $0x1  }
0x91: {  	s18 =	sld [smem:$0x3FFB];
	_ =	sdelay $0x3  }
0x92: {  	_ =	strace s18  }
0x93: {  	s3 =	sld [smem:$0x3FFC];
	_ =	sdelay $0x3  }
0x94: {  	_ =	strace s3  }
0x95: {  	s3 =	sld [smem:$0x3FFD];
	_ =	sdelay $0x3  }
0x96: {  	_ =	strace s3  }
0x97: {  	_ =	strace $0x8FFFFFFF  }
0x98: {  	s19 =	sld [smem:$0x3FDB];
	_ =	sdelay $0x1  }
0x99: {  	s4 =	simm.s32 $_scs_section_size  }
0x9a: {  	s5 =	simm.s32 $_size__tile_overlayer_lowered;
	s6 =	simm.s32 $_tile_overlayer_lowered  }
0x9b: {  	s22 =	simm.s32 $0x1BFF;
	s21 =	sshll.u32 s6, $0x1;
	s3 =	sadd.s32 s4, s19  }
0x9c: {  	s7 =	simm.s32 $0x0;
	s20 =	sshll.u32 s5, $0x1;
	s5 =	sadd.s32 s21, s3  }
0x9d: {  	[timem:s7], [sflag:s22] =	dma.local [hbm:s5], s20  }
0x9e: {  	_ =	swait.ge [sflag:s22], s20  }
0x9f: {  	s4 =	ssub.s32 $0x0, s20;
	[sflag:s22] =	ssyncset.done $0x0  }
0xa0: {  	[sflag:s22] =	ssyncadd.s32 s4;
	_ =	sdelay $0x1  }
0xa1: {  	s23 =	simm.s32 $0x1B8B  }
0xa2: {  	_ =	swait.ge [sflag:s23], $0x1  }
0xa3: {  	[sflag:s23] =	ssyncset.done $0x0  }
0xa4: {  	s25 =	simm.s32 $0x1B8E;
	s24 =	sld [smem:$0x3FFE];
	[sflag:s23] =	ssyncadd.s32 $0xFFFFFFFF  }
0xa5: {  	s26 =	simm.s32 $execute0_lowered;
	[smem:$0x3FD2] =	sst s25  }
0xa6: {  	s5 =	sshll.u32 s26, $0x1;
	_ =	strace $0x80000046;
	[dreg:$0x1] =	wrdreg $0xFFFFFFFF  }
0xa7: {  	s28 =	simm.s32 $_size_execute0_lowered;
	s3 =	sadd.s32 s3, s5;
	[dreg:$0x0] =	wrdreg $0x0  }
0xa8: {  	s5 =	sshll.u32 s28, $0x1;
	[dreg:$0x2] =	wrdreg s3  }
0xa9: {  	[dreg:$0x3] =	wrdreg s5  }
0xaa: {  	[dreg:$0x4] =	wrdreg $0xC0  }
0xab: {  	_ =	task [dreg:s7], $0x5FFFF  }
0xac: {  	[dreg:$0x1] =	wrdreg $0xFFFFFFFF  }
0xad: {  	[dreg:$0x0] =	wrdreg $0x60  }
0xae: {  	[dreg:$0x2] =	wrdreg s2  }
0xaf: {  	[dreg:$0x3] =	wrdreg s24  }
0xb0: {  	[dreg:$0x4] =	wrdreg $0x9  }
0xb1: {  	_ =	task.clear_ibuf [dreg:s7], $0x5FFFF;
	_ =	strace $0x90000046  }
0xb2: {  	s29 =	simm.s32 $0x9;
	_ =	strace $0x80000048  }
0xb3: {  	_ =	swait.ge [sflag:s29], $0x1  }
0xb4: {  	[sflag:s29] =	ssyncadd.s32 $0xFFFFFFFF  }
0xb5: {  	_ =	strace $0x90000048  }
0xb6: {  	_ =	sfence  }
0xb7: {  	s30 =	sld [smem:$0x0];
	_ =	sdelay $0x2  }
0xb8: {  	s31 =	sshll.u32 s1, $0xD;
	s1 =	sshrl.u32 s1, $0x2  }
0xb9: {  	s3 =	sand.u32 $0x4000, s31;
	s1 =	sadd.s32 s1, s30  }
0xba: {  	s0 =	sor.u32 s3, s0;
	s1 =	sshll.u32 s1, $0x11  }
0xbb: {  	s0 =	sor.u32 s1, s0  }
0xbc: {  	s0 =	sadd.s32 $0x8F2B, s0  }
0xbd: {  	[sflag:s0] =	ssyncadd.remote.s32 $0x1  }
0xbe: {  	_ =	sfence.sel $0xFFFF  }
0xbf: {  	[dreg:$0x0] =	wrdreg $0xFFFFFFFF;
	(pc) =	sbr.abs _section_cstart, $3  }
0xc0: {  	[dreg:$0x1] =	wrdreg $0xFFFFFFFF  }
0xc1: {  	_ =	task.clear_ibuf [dreg:s7], $0x2FFFF;
	_ =	strace $0x9FFFFFFF  }
0xc2: {  	(tm) =	ssettm $0x7FFFFFFF  }
0xc3: {  	_ =	shalt  }
tec
execute0_lowered:
.L_overlay_start_1:
0x0: {  	(tag) =	ssettag $0x1  }
0x1: {  	s1 =	rddreg [dreg:$0x0]  }
0x2: {  	s3 =	rddreg [dreg:$0x1]  }
0x3: {  	s0 =	rddreg [dreg:$0x2];
	s2 =	simm.s32 $0x0  }
0x4: {  	s4 =	srdreg.scid;
	s17 =	simm.s32 $0x4100;
	s18 =	simm.s32 $0x1  }
0x5: {  	s19 =	simm.s32 $0x2;
	s20 =	simm.s32 $0x0;
	[smem:$0x7FF] =	sst s2  }
0x6: {  	s13 =	sadd.s32 $0x7400, s3;
	s9 =	sand.u32 $0x1, s4;
	s12 =	sadd.s32 $0xC400, s3  }
0x7: {  	s3 =	stileid.u32;
	s4 =	simm.s32 $0x28;
	_ =	strace $0x80000047  }
0x8: {  	s5 =	ssub.s32 $0x2, s9;
	p0 =	seq.s32 s3, $0x0;
	s10 =	sshll.u32 s3, $0xC  }
0x9: {  	s11 =	sshll.u32 s9, $0xB;
	s14 =	sshll.u32 s3, $0x5;
	s15 =	sshll.u32 s9, $0x4  }
0xa: {  	s28 =	sshll.u32 s3, $0x8;
	s9 =	sshll.u32 s9, $0x7;
	s6 =	sshrl.u32 s5, $0x1  }
0xb: {  	s4 =	simm.s32 @!p0 $0x27;
	s8 =	sor.u32 s11, s10;
	s14 =	sor.u32 s15, s14  }
0xc: {  	s15 =	sor.u32 s9, s28;
	s10 =	sadd.s32 s10, s12;
	s7 =	ssub.s32 s5, s6  }
0xd: {  	s5 =	sshrl.u32 s4, $0x1;
	s6 =	sand.u32 $0x2E, s4;
	s8 =	sadd.s32 s8, s12  }
0xe: {  	s14 =	sadd.s32 s14, s13;
	s10 =	sadd.s32 s11, s10;
	s30 =	sshrl.u32 s15, $0x3  }
.Ltmp0:
0xf: {  	s7 =	smax.u32 s7, $0x1;
	s8 =	sadd.s32 $0x10000, s8;
	(pc) =	sbr.rel .LBB2_1-.Ltmp0, $4  }
0x10: {  	s16 =	sshll.u32 s5, $0xD;
	s9 =	sadd.s32 $0x200, s14;
	s11 =	sadd.s32 s30, s13  }
0x11: {  	p0 =	seq.s32 s6, s4;
	s29 =	sor.u32 s16, s15;
	s15 =	simm.s32 $0x80  }
0x12: {  	s16 =	simm.s32 $0x100;
	s31 =	sshll.u32 s29, $0x4;
	s14 =	sshrl.u32 s29, $0x3  }
0x13: {  	s12 =	sadd.s32 s31, s12;
	s13 =	sadd.s32 s14, s13;
	s14 =	simm.s32 $0x3  }
.LBB2_6:
0x14: {  	[sflag:s14] =	ssyncadd.s32 $0xFFFFC000  }
.LBB2_7:
0x15: {  	s20 =	sadd.s32 $0x1, s20  }
0x16: {  	p1 =	sne.s32 s20, s7  }
.Ltmp1:
0x17: {  	_ = 	snop;
	(pc) =	sbr.rel @!p1 .LBB2_8-.Ltmp1, $1  }
0x18: {  	_ =	sdelay $0x3  }
.LBB2_1:
0x19: {  	[tilespmem:s2], [sflag:$0x3] =	stream.linear.gather [hbm4b:s11+s2], $0x80, $0x38;
	[tilespmem:$0x8100] =	vst v63  }
0x1a: {  	_ =	swait.ge [sflag:s14], $0x80  }
0x1b: {  	[sflag:s14] =	ssyncset.done $0x0  }
0x1c: {  	[sflag:s14] =	ssyncadd.s32 $0xFFFFFF80  }
0x1d: {  	[tilespmem:s16], [sflag:$0x1] =	stream.indirect.gather [hbm4b:s1+s15], $0x80, s2, s15, $0xb8;
	[tilespmem:$0x8100] =	vst v63  }
0x1e: {  	_ = 	snop  }
0x1f: {  	[tilespmem:s15], [sflag:$0x3] =	stream.linear.gather [hbm4b:s9+s2], $0x80, $0x38;
	[tilespmem:$0x8100] =	vst v63  }
0x20: {  	_ =	swait.ge [sflag:s14], $0x80  }
0x21: {  	[sflag:s14] =	ssyncset.done $0x0  }
0x22: {  	[sflag:s14] =	ssyncadd.s32 $0xFFFFFF80  }
0x23: {  	[tilespmem:s17], [sflag:$0x1] =	stream.indirect.gather [hbm4b:s1+s15], $0x80, s15, s15, $0xb8;
	[tilespmem:$0x8100] =	vst v63  }
0x24: {  	_ =	swait.ge [sflag:s18], $0x4000  }
0x25: {  	[sflag:s18] =	ssyncset.done $0x0  }
0x26: {  	[sflag:s18] =	ssyncadd.s32 $0xFFFFC000  }
0x27: {  	[hbm4b:s10+s2] =	stream.linear.scatter [tilespmem:s16], [sflag:$0x2], $0x4000, $0x38;
	[tilespmem:$0x8100] =	vst v63  }
0x28: {  	_ =	swait.ge [sflag:s18], $0x4000  }
0x29: {  	[sflag:s18] =	ssyncset.done $0x0  }
0x2a: {  	p1 =	sne.s32 s5, $0x1;
	[sflag:s18] =	ssyncadd.s32 $0xFFFFC000  }
0x2b: {  	[hbm4b:s8+s2] =	stream.linear.scatter [tilespmem:s17], [sflag:$0x2], $0x4000, $0x38;
	[tilespmem:$0x8100] =	vst v63  }
.Ltmp2:
0x2c: {  	_ =	swait.ge [sflag:s19], $0x4000;
	(pc) =	sbr.rel @!p1 .LBB2_3-.Ltmp2, $4  }
0x2d: {  	[sflag:s19] =	ssyncset.done $0x0  }
0x2e: {  	s21 =	sadd.s32 $0xFFFFFFFF, s5;
	[sflag:s19] =	ssyncadd.s32 $0xFFFFC000  }
0x2f: {  	s22 =	sadd.s32 $0x20000, s10;
	s23 =	sadd.s32 $0x400, s11;
	_ =	swait.ge [sflag:s19], $0x4000  }
0x30: {  	s24 =	smov.u32 s8;
	s25 =	smov.u32 s9;
	[sflag:s19] =	ssyncset.done $0x0  }
.LBB2_2:
0x31: {  	[sflag:s19] =	ssyncadd.s32 $0xFFFFC000;
	s24 =	sadd.s32 $0x20000, s24;
	s25 =	sadd.s32 $0x400, s25  }
0x32: {  	[tilespmem:s2], [sflag:$0x3] =	stream.linear.gather [hbm4b:s23+s2], $0x80, $0x38;
	[tilespmem:$0x8100] =	vst v63  }
0x33: {  	p1 =	sne.s32 s21, $0x1;
	s21 =	sadd.s32 $0xFFFFFFFF, s21;
	_ =	swait.ge [sflag:s14], $0x80  }
0x34: {  	[sflag:s14] =	ssyncset.done $0x0  }
0x35: {  	[sflag:s14] =	ssyncadd.s32 $0xFFFFFF80  }
0x36: {  	[tilespmem:s16], [sflag:$0x1] =	stream.indirect.gather [hbm4b:s1+s15], $0x80, s2, s15, $0xb8;
	[tilespmem:$0x8100] =	vst v63  }
0x37: {  	_ = 	snop  }
0x38: {  	[tilespmem:s15], [sflag:$0x3] =	stream.linear.gather [hbm4b:s25+s2], $0x80, $0x38;
	[tilespmem:$0x8100] =	vst v63  }
0x39: {  	_ =	swait.ge [sflag:s14], $0x80  }
0x3a: {  	[sflag:s14] =	ssyncset.done $0x0  }
0x3b: {  	[sflag:s14] =	ssyncadd.s32 $0xFFFFFF80  }
0x3c: {  	[tilespmem:s17], [sflag:$0x1] =	stream.indirect.gather [hbm4b:s1+s15], $0x80, s15, s15, $0xb8;
	[tilespmem:$0x8100] =	vst v63  }
0x3d: {  	_ =	swait.ge [sflag:s18], $0x4000  }
0x3e: {  	[sflag:s18] =	ssyncset.done $0x0  }
0x3f: {  	[sflag:s18] =	ssyncadd.s32 $0xFFFFC000  }
0x40: {  	[hbm4b:s22+s2] =	stream.linear.scatter [tilespmem:s16], [sflag:$0x2], $0x4000, $0x38;
	[tilespmem:$0x8100] =	vst v63  }
0x41: {  	_ =	swait.ge [sflag:s18], $0x4000  }
0x42: {  	[sflag:s18] =	ssyncset.done $0x0  }
0x43: {  	[sflag:s18] =	ssyncadd.s32 $0xFFFFC000  }
0x44: {  	[hbm4b:s24+s2] =	stream.linear.scatter [tilespmem:s17], [sflag:$0x2], $0x4000, $0x38;
	[tilespmem:$0x8100] =	vst v63  }
.Ltmp3:
0x45: {  	_ =	swait.ge [sflag:s19], $0x4000;
	(pc) =	sbr.rel @p1 .LBB2_2-.Ltmp3, $4  }
0x46: {  	[sflag:s19] =	ssyncset.done $0x0  }
0x47: {  	[sflag:s19] =	ssyncadd.s32 $0xFFFFC000  }
0x48: {  	_ =	swait.ge [sflag:s19], $0x4000  }
0x49: {  	s23 =	sadd.s32 $0x400, s23;
	s22 =	sadd.s32 $0x20000, s22;
	[sflag:s19] =	ssyncset.done $0x0  }
.LBB2_3:
.Ltmp4:
0x4a: {  	(pc) =	sbr.rel @p0 .LBB2_7-.Ltmp4, $2  }
0x4b: {  	_ =	sdelay $0x2  }
0x4c: {  	[sflag:s19] =	ssyncadd.s32 $0xFFFFC000  }
0x4d: {  	[tilespmem:s2], [sflag:$0x3] =	stream.linear.gather [hbm4b:s13+s2], $0x80, $0x38;
	[tilespmem:$0x8100] =	vst v63  }
0x4e: {  	_ =	swait.ge [sflag:s14], $0x80  }
0x4f: {  	[sflag:s14] =	ssyncset.done $0x0  }
0x50: {  	s21 =	sadd.s32 $0x1, s6;
	[sflag:s14] =	ssyncadd.s32 $0xFFFFFF80  }
0x51: {  	[tilespmem:s16], [sflag:$0x1] =	stream.indirect.gather [hbm4b:s1+s15], $0x80, s2, s15, $0xb8;
	[tilespmem:$0x8100] =	vst v63  }
0x52: {  	p1 =	slt.u32 s21, s4;
	_ =	swait.ge [sflag:s18], $0x4000  }
.Ltmp5:
0x53: {  	[sflag:s18] =	ssyncset.done $0x0;
	(pc) =	sbr.rel @!p1 .LBB2_6-.Ltmp5, $4  }
0x54: {  	[sflag:s18] =	ssyncadd.s32 $0xFFFFC000  }
0x55: {  	[hbm4b:s12+s2] =	stream.linear.scatter [tilespmem:s16], [sflag:$0x3], $0x4000, $0x38;
	[tilespmem:$0x8100] =	vst v63  }
0x56: {  	_ =	swait.ge [sflag:s14], $0x4000  }
0x57: {  	s22 =	sadd.s32 $0x200, s13;
	s23 =	smov.u32 s12;
	[sflag:s14] =	ssyncset.done $0x0  }
.LBB2_5:
0x58: {  	s21 =	sadd.s32 $0x1, s21;
	[sflag:s14] =	ssyncadd.s32 $0xFFFFC000;
	s23 =	sadd.s32 $0x10000, s23  }
0x59: {  	[tilespmem:s2], [sflag:$0x3] =	stream.linear.gather [hbm4b:s22+s2], $0x80, $0x38;
	[tilespmem:$0x8100] =	vst v63  }
0x5a: {  	p1 =	slt.u32 s21, s4;
	_ =	swait.ge [sflag:s14], $0x80  }
0x5b: {  	[sflag:s14] =	ssyncset.done $0x0  }
0x5c: {  	[sflag:s14] =	ssyncadd.s32 $0xFFFFFF80  }
0x5d: {  	[tilespmem:s16], [sflag:$0x1] =	stream.indirect.gather [hbm4b:s1+s15], $0x80, s2, s15, $0xb8;
	[tilespmem:$0x8100] =	vst v63  }
0x5e: {  	_ =	swait.ge [sflag:s18], $0x4000  }
.Ltmp6:
0x5f: {  	[sflag:s18] =	ssyncset.done $0x0;
	(pc) =	sbr.rel @p1 .LBB2_5-.Ltmp6, $4  }
0x60: {  	[sflag:s18] =	ssyncadd.s32 $0xFFFFC000  }
0x61: {  	[hbm4b:s23+s2] =	stream.linear.scatter [tilespmem:s16], [sflag:$0x3], $0x4000, $0x38;
	[tilespmem:$0x8100] =	vst v63  }
0x62: {  	_ =	swait.ge [sflag:s14], $0x4000  }
0x63: {  	s22 =	sadd.s32 $0x200, s22;
	[sflag:s14] =	ssyncset.done $0x0  }
.Ltmp7:
0x64: {  	_ = 	snop;
	(pc) =	sbr.rel .LBB2_6-.Ltmp7, $1  }
0x65: {  	_ =	sdelay $0x3  }
.LBB2_8:
0x66: {  	_ =	sfence.sel $0x180000  }
0x67: {  	[bflag:$0x0] =	sbarrier.arrive $0xFFFF  }
0x68: {  	p0 =	sne.s32 s3, $0x0;
	_ =	strace $0x90000047  }
0x69: {  	s0 =	sadd.s32 @!p0 $0x100000, s0;
	[bflag:$0x2] =	sbarrier.arrive $0xFFFF  }
0x6a: {  	[sflag:s0] =	ssyncadd.tile.s32 @!p0 $0x1;
	_ =	shalt  }
.Lfunc_end2:
_tile_overlayer_lowered:
.L_overlay_start_2:
0x6b: {  	(tag) =	ssettag $0x2  }
0x6c: {  	s0 =	rddreg [dreg:$0x0];
	s2 =	stileid.u32  }
0x6d: {  	s1 =	rddreg [dreg:$0x1];
	p0 =	sne.s32 s2, $0x0  }
0x6e: {  	s3 =	rddreg [dreg:$0x2];
	[bflag:$0x3] =	sbarrier.arrive $0xFFFF;
	s2 =	simm.s32 @!p0 $0x1C03  }
0x6f: {  	[timem:s3], [sflag:s2] =	dma.local @!p0 [hbm:s0], s1  }
0x70: {  	s0 =	simm.s32 @!p0 $0x3  }
0x71: {  	_ =	swait.ge @!p0 [sflag:s0], s1  }
0x72: {  	s1 =	ssub.s32 @!p0 $0x0, s1;
	[sflag:s0] =	ssyncset.done @!p0 $0x0  }
0x73: {  	[sflag:s0] =	ssyncadd.s32 @!p0 s1  }
0x74: {  	[bflag:$0x3] =	sbarrier.arrive $0xFFFF  }
0x75: {  	_ =	shalt  }

</sc_bundles>
